<compile_context>
chip_gen: v7x
topology: tpu7x:2x2x1
jax: 0.10.2.dev20260603
libtpu: 0.0.44.dev20260713+nightly
codegen_flags: <defaults>
</compile_context>

<pallas_src>
import functools

import jax
import jax.numpy as jnp
from jax import lax
from jax.experimental import pallas as pl
from jax.experimental.pallas import tpu as pltpu
from jax.experimental.pallas import tpu_sc as plsc

B, S, H = 128, 512, 768
EPS = 1e-12

_info = plsc.get_sparse_core_info()
NC, NS, L = _info.num_cores, _info.num_subcores, _info.num_lanes
NW = NC * NS
SP = S // NW
CB = 2
NTOK = CB * SP
NCH = B // CB
NJB = 4
JB = (H // L) // NJB


def _rsqrt(v):
    i = plsc.bitcast(v, jnp.int32)
    i = jnp.int32(0x5F3759DF) - lax.shift_right_logical(i, 1)
    y = plsc.bitcast(i, jnp.float32)
    half = jnp.float32(0.5) * v
    for _ in range(3):
        y = y * (jnp.float32(1.5) - half * y * y)
    return y


_mesh = plsc.VectorSubcoreMesh(core_axis_name="c", subcore_axis_name="s")


@functools.partial(
    pl.kernel,
    out_type=jax.ShapeDtypeStruct((B, S, H), jnp.float32),
    scratch_types=[
        pltpu.VMEM((NTOK,), jnp.int32),
        pltpu.VMEM((NTOK,), jnp.int32),
        pltpu.VMEM((NTOK, H), jnp.float32),
        pltpu.VMEM((NTOK, H), jnp.float32),
        pltpu.VMEM((NTOK, H), jnp.float32),
        pltpu.VMEM((NTOK, H), jnp.float32),
        pltpu.VMEM((NTOK, L), jnp.float32),
        pltpu.VMEM((NTOK, L), jnp.float32),
        pltpu.VMEM((SP, H), jnp.float32),
        pltpu.VMEM((H,), jnp.float32),
        pltpu.VMEM((H,), jnp.float32),
        pltpu.SemaphoreType.DMA,
        pltpu.SemaphoreType.DMA,
        pltpu.SemaphoreType.DMA,
        pltpu.SemaphoreType.DMA,
        pltpu.SemaphoreType.DMA,
        pltpu.SemaphoreType.DMA,
    ],
    mesh=_mesh,
    compiler_params=pltpu.CompilerParams(needs_layout_passes=False),
)
def _emb_ln(ids_hbm, words_hbm, comb_hbm, w_hbm, b_hbm, out_hbm,
            idx_0, idx_1, rows_0, rows_1, y_0, y_1, stat_m, stat_r,
            comb_v, w_v, b_v, gsem_0, gsem_1, osem_0, osem_1,
            isem_0, isem_1):
    wid = lax.axis_index("s") * NC + lax.axis_index("c")
    s0 = wid * SP

    pltpu.sync_copy(comb_hbm.at[pl.ds(s0, SP)], comb_v)
    pltpu.sync_copy(w_hbm, w_v)
    pltpu.sync_copy(b_hbm, b_v)

    inv_h = jnp.float32(1.0 / H)
    zero = jnp.zeros((L,), jnp.float32)
    bufs = ((idx_0, rows_0, y_0, gsem_0, osem_0, isem_0),
            (idx_1, rows_1, y_1, gsem_1, osem_1, isem_1))

    def id_copies(k, idx):
        return [(ids_hbm.at[k * CB + g, pl.ds(s0, SP)],
                 idx.at[pl.ds(g * SP, SP)]) for g in range(CB)]

    def out_copies(k, y):
        return [(y.at[pl.ds(g * SP, SP)],
                 out_hbm.at[k * CB + g, pl.ds(s0, SP)]) for g in range(CB)]

    def compute(rows_v, y_v):
        @plsc.parallel_loop(0, SP, unroll=2)
        def p1(p):
            @plsc.parallel_loop(0, H // L, carry=(zero,) * (2 * CB),
                                unroll=4)
            def jloop(j, accs):
                sl = pl.ds(j * L, L)
                c = comb_v[p, sl]
                out = list(accs)
                for g in range(CB):
                    y = rows_v[g * SP + p, sl] + c
                    y_v[g * SP + p, sl] = y
                    out[2 * g] = out[2 * g] + y
                    out[2 * g + 1] = out[2 * g + 1] + y * y
                return tuple(out)

            sums = jloop
            for g in range(CB):
                stat_m[g * SP + p] = sums[2 * g]
                stat_r[g * SP + p] = sums[2 * g + 1]

        for jb in range(NJB):
            base = jb * (JB * L)
            wr = [w_v[pl.ds(base + j * L, L)] for j in range(JB)]
            br = [b_v[pl.ds(base + j * L, L)] for j in range(JB)]

            @plsc.parallel_loop(0, NTOK)
            def p2t(t, jb=jb, base=base, wr=wr, br=br):
                if jb == 0:
                    sv = jnp.full((L,), jnp.sum(stat_m[t]))
                    qv = jnp.full((L,), jnp.sum(stat_r[t]))
                    mv = sv * inv_h
                    var = qv * inv_h - mv * mv
                    rv = _rsqrt(var + jnp.float32(EPS))
                    stat_m[t] = mv
                    stat_r[t] = rv
                else:
                    mv = stat_m[t]
                    rv = stat_r[t]
                for j in range(JB):
                    sl = pl.ds(base + j * L, L)
                    y_v[t, sl] = (y_v[t, sl] - mv) * rv * wr[j] + br[j]

    def do_chunk(k, cur, nxt, has_next, has_old_out):
        idx_c, rows_c, y_c, gs_c, os_c, is_c = cur
        idx_n, rows_n, y_n, gs_n, os_n, is_n = nxt

        @pl.when(has_next)
        def _():
            for src, dst in id_copies(k + 1, idx_n):
                pltpu.make_async_copy(src, dst, is_n).wait()
            pltpu.async_copy(words_hbm.at[idx_n], rows_n, gs_n)

        pltpu.make_async_copy(words_hbm.at[idx_c], rows_c, gs_c).wait()

        @pl.when(k < NCH - 2)
        def _():
            for src, dst in id_copies(k + 2, idx_c):
                pltpu.async_copy(src, dst, is_c)

        @pl.when(has_old_out)
        def _():
            for src, dst in out_copies(k, y_c):
                pltpu.make_async_copy(src, dst, os_c).wait()

        compute(rows_c, y_c)
        for src, dst in out_copies(k, y_c):
            pltpu.async_copy(src, dst, os_c)

    for src, dst in id_copies(0, bufs[0][0]):
        pltpu.sync_copy(src, dst)
    pltpu.async_copy(words_hbm.at[bufs[0][0]], bufs[0][1], bufs[0][3])
    for src, dst in id_copies(1, bufs[1][0]):
        pltpu.async_copy(src, dst, bufs[1][5])

    def pair_body(i, carry):
        k0 = i * 2
        do_chunk(k0, bufs[0], bufs[1], k0 < NCH - 1, k0 >= 2)
        do_chunk(k0 + 1, bufs[1], bufs[0], k0 + 1 < NCH - 1, k0 + 1 >= 2)
        return carry

    lax.fori_loop(0, NCH // 2, pair_body, jnp.int32(0))

    for k, (_, _, y_c, _, os_c, _) in ((NCH - 2, bufs[0]), (NCH - 1, bufs[1])):
        for src, dst in out_copies(k, y_c):
            pltpu.make_async_copy(src, dst, os_c).wait()


def kernel(input_ids, word_embeddings, position_embeddings,
           token_type_embeddings, ln_weight, ln_bias):
    comb = position_embeddings + token_type_embeddings[0]
    return _emb_ln(input_ids, word_embeddings, comb, ln_weight, ln_bias)

# --- scband reference (transcript-rebuilt; emitter-appended) ---
"""Pipeline reference for scband-m2-bert-embeddings-81389630259273 (READ-ONLY COPY).

The authoritative reference and input builder live on the scoring server;
editing this copy changes nothing except your own understanding.
"""

import jax, jax.numpy as jnp
import numpy as np

B, S = 128, 512
VOCAB, HIDDEN, MAXPOS, NTYPES = 30522, 768, 512, 2
EPS = 1e-12


def setup_inputs(seed: int = 0) -> dict:
    key = jax.random.key(seed)
    k1, k2, k3, k4 = jax.random.split(key, 4)
    input_ids = jax.random.randint(k1, (B, S), 0, VOCAB, dtype=jnp.int32)
    word_embeddings = jax.random.normal(k2, (VOCAB, HIDDEN), dtype=jnp.float32) * 0.02
    position_embeddings = jax.random.normal(k3, (MAXPOS, HIDDEN), dtype=jnp.float32) * 0.02
    token_type_embeddings = jax.random.normal(k4, (NTYPES, HIDDEN), dtype=jnp.float32) * 0.02
    ln_weight = jnp.ones((HIDDEN,), dtype=jnp.float32)
    ln_bias = jnp.zeros((HIDDEN,), dtype=jnp.float32)
    return {
        "input_ids": input_ids,
        "word_embeddings": word_embeddings,
        "position_embeddings": position_embeddings,
        "token_type_embeddings": token_type_embeddings,
        "ln_weight": ln_weight,
        "ln_bias": ln_bias,
    }


def reference(input_ids, word_embeddings, position_embeddings, token_type_embeddings, ln_weight, ln_bias):
    b, s = input_ids.shape
    # default position_ids = arange(seq_len) broadcast over batch
    position_ids = jnp.broadcast_to(jnp.arange(s, dtype=jnp.int32)[None, :], (b, s))
    # default token_type_ids = zeros_like(input_ids)
    token_type_ids = jnp.zeros_like(input_ids)
    inputs_embeds = jnp.take(word_embeddings, input_ids, axis=0)
    pos_embeds = jnp.take(position_embeddings, position_ids, axis=0)
    type_embeds = jnp.take(token_type_embeddings, token_type_ids, axis=0)
    embeddings = inputs_embeds + pos_embeds + type_embeds
    # LayerNorm over last dim, eps=1e-12
    mean = jnp.mean(embeddings, axis=-1, keepdims=True)
    var = jnp.mean(jnp.square(embeddings - mean), axis=-1, keepdims=True)
    normed = (embeddings - mean) / jnp.sqrt(var + EPS)
    out = normed * ln_weight + ln_bias
    # dropout is identity in eval mode
    return out

if __name__ == "__main__":
    import jax
    _d = setup_inputs()
    print(jax.jit(kernel)(*tuple(_d.values())))

</pallas_src>

<mosaic_0001>
#map = affine_map<(d0, d1) -> (0, 0)>
#map1 = affine_map<(d0, d1) -> (0)>
#map2 = affine_map<(d0, d1) -> (0, 0, 0)>
module attributes {stable_mosaic.version = 14 : i64} {
  func.func @_emb_ln(%arg0: i32, %arg1: i32, %arg2: memref<128x512xi32, #tpu.memory_space<hbm>>, %arg3: memref<30522x768xf32, #tpu.memory_space<hbm>>, %arg4: memref<512x768xf32, #tpu.memory_space<hbm>>, %arg5: memref<768xf32, #tpu.memory_space<hbm>>, %arg6: memref<768xf32, #tpu.memory_space<hbm>>, %arg7: memref<128x512x768xf32, #tpu.memory_space<hbm>>, %arg8: memref<32xi32, #tpu.memory_space<vmem>>, %arg9: memref<32xi32, #tpu.memory_space<vmem>>, %arg10: memref<32x768xf32, #tpu.memory_space<vmem>>, %arg11: memref<32x768xf32, #tpu.memory_space<vmem>>, %arg12: memref<32x768xf32, #tpu.memory_space<vmem>>, %arg13: memref<32x768xf32, #tpu.memory_space<vmem>>, %arg14: memref<32x16xf32, #tpu.memory_space<vmem>>, %arg15: memref<32x16xf32, #tpu.memory_space<vmem>>, %arg16: memref<16x768xf32, #tpu.memory_space<vmem>>, %arg17: memref<768xf32, #tpu.memory_space<vmem>>, %arg18: memref<768xf32, #tpu.memory_space<vmem>>, %arg19: memref<!tpu.dma_semaphore, #tpu.memory_space<semaphore_mem>>, %arg20: memref<!tpu.dma_semaphore, #tpu.memory_space<semaphore_mem>>, %arg21: memref<!tpu.dma_semaphore, #tpu.memory_space<semaphore_mem>>, %arg22: memref<!tpu.dma_semaphore, #tpu.memory_space<semaphore_mem>>, %arg23: memref<!tpu.dma_semaphore, #tpu.memory_space<semaphore_mem>>, %arg24: memref<!tpu.dma_semaphore, #tpu.memory_space<semaphore_mem>>) attributes {dimension_semantics = [#tpu.dimension_semantics<core_parallel>, #tpu.dimension_semantics<subcore_parallel>], iteration_bounds = array<i64: 2, 16>, scalar_prefetch = 0 : i64, scratch_operands = 17 : i64, tpu.core_type = #tpu.core_type<sc_vector_subcore>, window_params = [{transform_indices = #map}, {transform_indices = #map}, {transform_indices = #map}, {transform_indices = #map1}, {transform_indices = #map1}, {transform_indices = #map2}]} {
    %mul3A = arith.constant 2 : i32
    %mul3A_0 = arith.muli %arg1, %mul3A : i32
    %add3A = arith.addi %mul3A_0, %arg0 : i32
    %mul3A_1 = arith.constant 16 : i32
    %mul3A_2 = arith.muli %add3A, %mul3A_1 : i32
    "tpu.region"() ({
      %run_scoped3A_82 = tpu.sem_alloc : memref<!tpu.dma_semaphore, #tpu.memory_space<semaphore_mem>>
      %dma_start3A_83 = arith.constant 0 : i32
      %dma_start3A_84 = tpu.memref_slice %arg4[%mul3A_2, %dma_start3A_83] : memref<512x768xf32, #tpu.memory_space<hbm>> -> memref<16x768xf32, #tpu.memory_space<hbm>>
      %dma_start3A_85 = arith.constant 0 : i32
      %dma_start3A_86 = tpu.memref_slice %arg4[%mul3A_2, %dma_start3A_85] : memref<512x768xf32, #tpu.memory_space<hbm>> -> memref<16x768xf32, #tpu.memory_space<hbm>>
      tpu.enqueue_dma source(%dma_start3A_86 : memref<16x768xf32, #tpu.memory_space<hbm>>) target(%arg16 : memref<16x768xf32, #tpu.memory_space<vmem>>) target_semaphore(%run_scoped3A_82 : memref<!tpu.dma_semaphore, #tpu.memory_space<semaphore_mem>>)
      %dma_wait3A_87 = arith.constant 0 : i32
      %dma_wait3A_88 = tpu.memref_slice %arg4[%mul3A_2, %dma_wait3A_87] : memref<512x768xf32, #tpu.memory_space<hbm>> -> memref<16x768xf32, #tpu.memory_space<hbm>>
      %dma_wait3A_89 = arith.constant 0 : i32
      %dma_wait3A_90 = tpu.memref_slice %arg4[%mul3A_2, %dma_wait3A_89] : memref<512x768xf32, #tpu.memory_space<hbm>> -> memref<16x768xf32, #tpu.memory_space<hbm>>
      tpu.wait_dma2 semaphore(%run_scoped3A_82 : memref<!tpu.dma_semaphore, #tpu.memory_space<semaphore_mem>>) src(%dma_wait3A_90 : memref<16x768xf32, #tpu.memory_space<hbm>>) dst(%arg16 : memref<16x768xf32, #tpu.memory_space<vmem>>)
      tpu.yield
    }) : () -> ()
    "tpu.region"() ({
      %run_scoped3A_82 = tpu.sem_alloc : memref<!tpu.dma_semaphore, #tpu.memory_space<semaphore_mem>>
      tpu.enqueue_dma source(%arg5 : memref<768xf32, #tpu.memory_space<hbm>>) target(%arg17 : memref<768xf32, #tpu.memory_space<vmem>>) target_semaphore(%run_scoped3A_82 : memref<!tpu.dma_semaphore, #tpu.memory_space<semaphore_mem>>)
      tpu.wait_dma2 semaphore(%run_scoped3A_82 : memref<!tpu.dma_semaphore, #tpu.memory_space<semaphore_mem>>) src(%arg5 : memref<768xf32, #tpu.memory_space<hbm>>) dst(%arg17 : memref<768xf32, #tpu.memory_space<vmem>>)
      tpu.yield
    }) : () -> ()
    "tpu.region"() ({
      %run_scoped3A_82 = tpu.sem_alloc : memref<!tpu.dma_semaphore, #tpu.memory_space<semaphore_mem>>
      tpu.enqueue_dma source(%arg6 : memref<768xf32, #tpu.memory_space<hbm>>) target(%arg18 : memref<768xf32, #tpu.memory_space<vmem>>) target_semaphore(%run_scoped3A_82 : memref<!tpu.dma_semaphore, #tpu.memory_space<semaphore_mem>>)
      tpu.wait_dma2 semaphore(%run_scoped3A_82 : memref<!tpu.dma_semaphore, #tpu.memory_space<semaphore_mem>>) src(%arg6 : memref<768xf32, #tpu.memory_space<hbm>>) dst(%arg18 : memref<768xf32, #tpu.memory_space<vmem>>)
      tpu.yield
    }) : () -> ()
    %broadcast_in_dim3A = arith.constant 0.000000e+00 : f32
    %broadcast_in_dim3A_3 = vector.broadcast %broadcast_in_dim3A : f32 to vector<16xf32>
    %run_scoped3A = arith.constant 0 : i32
    "tpu.region"() ({
      %run_scoped3A_82 = tpu.sem_alloc : memref<!tpu.dma_semaphore, #tpu.memory_space<semaphore_mem>>
      %dma_start3A_83 = arith.constant 0 : i32
      %dma_start3A_84 = tpu.memref_slice %arg8[%dma_start3A_83] : memref<32xi32, #tpu.memory_space<vmem>> -> memref<16xi32, #tpu.memory_space<vmem>>
      %dma_start3A_85 = tpu.memref_slice %arg2[%run_scoped3A, %mul3A_2] : memref<128x512xi32, #tpu.memory_space<hbm>> -> memref<1x16xi32, #tpu.memory_space<hbm>>
      %dma_start3A_86 = tpu.memref_squeeze %dma_start3A_85 : memref<1x16xi32, #tpu.memory_space<hbm>> -> memref<16xi32, #tpu.memory_space<hbm>>
      %dma_start3A_87 = arith.constant 0 : i32
      %dma_start3A_88 = tpu.memref_slice %arg8[%dma_start3A_87] : memref<32xi32, #tpu.memory_space<vmem>> -> memref<16xi32, #tpu.memory_space<vmem>>
      %dma_start3A_89 = tpu.memref_slice %arg2[%run_scoped3A, %mul3A_2] : memref<128x512xi32, #tpu.memory_space<hbm>> -> memref<1x16xi32, #tpu.memory_space<hbm>>
      %dma_start3A_90 = tpu.memref_squeeze %dma_start3A_89 : memref<1x16xi32, #tpu.memory_space<hbm>> -> memref<16xi32, #tpu.memory_space<hbm>>
      tpu.enqueue_dma source(%dma_start3A_90 : memref<16xi32, #tpu.memory_space<hbm>>) target(%dma_start3A_88 : memref<16xi32, #tpu.memory_space<vmem>>) target_semaphore(%run_scoped3A_82 : memref<!tpu.dma_semaphore, #tpu.memory_space<semaphore_mem>>)
      %dma_wait3A_91 = arith.constant 0 : i32
      %dma_wait3A_92 = tpu.memref_slice %arg8[%dma_wait3A_91] : memref<32xi32, #tpu.memory_space<vmem>> -> memref<16xi32, #tpu.memory_space<vmem>>
      %dma_wait3A_93 = tpu.memref_slice %arg2[%run_scoped3A, %mul3A_2] : memref<128x512xi32, #tpu.memory_space<hbm>> -> memref<1x16xi32, #tpu.memory_space<hbm>>
      %dma_wait3A_94 = tpu.memref_squeeze %dma_wait3A_93 : memref<1x16xi32, #tpu.memory_space<hbm>> -> memref<16xi32, #tpu.memory_space<hbm>>
      %dma_wait3A_95 = arith.constant 0 : i32
      %dma_wait3A_96 = tpu.memref_slice %arg8[%dma_wait3A_95] : memref<32xi32, #tpu.memory_space<vmem>> -> memref<16xi32, #tpu.memory_space<vmem>>
      %dma_wait3A_97 = tpu.memref_slice %arg2[%run_scoped3A, %mul3A_2] : memref<128x512xi32, #tpu.memory_space<hbm>> -> memref<1x16xi32, #tpu.memory_space<hbm>>
      %dma_wait3A_98 = tpu.memref_squeeze %dma_wait3A_97 : memref<1x16xi32, #tpu.memory_space<hbm>> -> memref<16xi32, #tpu.memory_space<hbm>>
      tpu.wait_dma2 semaphore(%run_scoped3A_82 : memref<!tpu.dma_semaphore, #tpu.memory_space<semaphore_mem>>) src(%dma_wait3A_98 : memref<16xi32, #tpu.memory_space<hbm>>) dst(%dma_wait3A_96 : memref<16xi32, #tpu.memory_space<vmem>>)
      tpu.yield
    }) : () -> ()
    %run_scoped3A_4 = arith.constant 1 : i32
    "tpu.region"() ({
      %run_scoped3A_82 = tpu.sem_alloc : memref<!tpu.dma_semaphore, #tpu.memory_space<semaphore_mem>>
      %dma_start3A_83 = arith.constant 16 : i32
      %dma_start3A_84 = tpu.memref_slice %arg8[%dma_start3A_83] : memref<32xi32, #tpu.memory_space<vmem>> -> memref<16xi32, #tpu.memory_space<vmem>>
      %dma_start3A_85 = tpu.memref_slice %arg2[%run_scoped3A_4, %mul3A_2] : memref<128x512xi32, #tpu.memory_space<hbm>> -> memref<1x16xi32, #tpu.memory_space<hbm>>
      %dma_start3A_86 = tpu.memref_squeeze %dma_start3A_85 : memref<1x16xi32, #tpu.memory_space<hbm>> -> memref<16xi32, #tpu.memory_space<hbm>>
      %dma_start3A_87 = arith.constant 16 : i32
      %dma_start3A_88 = tpu.memref_slice %arg8[%dma_start3A_87] : memref<32xi32, #tpu.memory_space<vmem>> -> memref<16xi32, #tpu.memory_space<vmem>>
      %dma_start3A_89 = tpu.memref_slice %arg2[%run_scoped3A_4, %mul3A_2] : memref<128x512xi32, #tpu.memory_space<hbm>> -> memref<1x16xi32, #tpu.memory_space<hbm>>
      %dma_start3A_90 = tpu.memref_squeeze %dma_start3A_89 : memref<1x16xi32, #tpu.memory_space<hbm>> -> memref<16xi32, #tpu.memory_space<hbm>>
      tpu.enqueue_dma source(%dma_start3A_90 : memref<16xi32, #tpu.memory_space<hbm>>) target(%dma_start3A_88 : memref<16xi32, #tpu.memory_space<vmem>>) target_semaphore(%run_scoped3A_82 : memref<!tpu.dma_semaphore, #tpu.memory_space<semaphore_mem>>)
      %dma_wait3A_91 = arith.constant 16 : i32
      %dma_wait3A_92 = tpu.memref_slice %arg8[%dma_wait3A_91] : memref<32xi32, #tpu.memory_space<vmem>> -> memref<16xi32, #tpu.memory_space<vmem>>
      %dma_wait3A_93 = tpu.memref_slice %arg2[%run_scoped3A_4, %mul3A_2] : memref<128x512xi32, #tpu.memory_space<hbm>> -> memref<1x16xi32, #tpu.memory_space<hbm>>
      %dma_wait3A_94 = tpu.memref_squeeze %dma_wait3A_93 : memref<1x16xi32, #tpu.memory_space<hbm>> -> memref<16xi32, #tpu.memory_space<hbm>>
      %dma_wait3A_95 = arith.constant 16 : i32
      %dma_wait3A_96 = tpu.memref_slice %arg8[%dma_wait3A_95] : memref<32xi32, #tpu.memory_space<vmem>> -> memref<16xi32, #tpu.memory_space<vmem>>
      %dma_wait3A_97 = tpu.memref_slice %arg2[%run_scoped3A_4, %mul3A_2] : memref<128x512xi32, #tpu.memory_space<hbm>> -> memref<1x16xi32, #tpu.memory_space<hbm>>
      %dma_wait3A_98 = tpu.memref_squeeze %dma_wait3A_97 : memref<1x16xi32, #tpu.memory_space<hbm>> -> memref<16xi32, #tpu.memory_space<hbm>>
      tpu.wait_dma2 semaphore(%run_scoped3A_82 : memref<!tpu.dma_semaphore, #tpu.memory_space<semaphore_mem>>) src(%dma_wait3A_98 : memref<16xi32, #tpu.memory_space<hbm>>) dst(%dma_wait3A_96 : memref<16xi32, #tpu.memory_space<vmem>>)
      tpu.yield
    }) : () -> ()
    %dma_start3A = arith.constant 0 : i32
    %dma_start3A_5 = arith.constant 0 : i32
    %dma_start3A_6 = tpu.memref_slice %arg3[%dma_start3A, %dma_start3A_5] : memref<30522x768xf32, #tpu.memory_space<hbm>> -> memref<30522x768xf32, #tpu.memory_space<hbm>>
    tpu.enqueue_indirect_dma source(%dma_start3A_6 : memref<30522x768xf32, #tpu.memory_space<hbm>>) target(%arg10 : memref<32x768xf32, #tpu.memory_space<vmem>>) offsets(%arg8 : memref<32xi32, #tpu.memory_space<vmem>>) semaphore(%arg19 : memref<!tpu.dma_semaphore, #tpu.memory_space<semaphore_mem>>)
    %dma_start3A_7 = arith.constant 2 : i32
    %dma_start3A_8 = arith.constant 0 : i32
    %dma_start3A_9 = tpu.memref_slice %arg9[%dma_start3A_8] : memref<32xi32, #tpu.memory_space<vmem>> -> memref<16xi32, #tpu.memory_space<vmem>>
    %dma_start3A_10 = tpu.memref_slice %arg2[%dma_start3A_7, %mul3A_2] : memref<128x512xi32, #tpu.memory_space<hbm>> -> memref<1x16xi32, #tpu.memory_space<hbm>>
    %dma_start3A_11 = tpu.memref_squeeze %dma_start3A_10 : memref<1x16xi32, #tpu.memory_space<hbm>> -> memref<16xi32, #tpu.memory_space<hbm>>
    %dma_start3A_12 = arith.constant 0 : i32
    %dma_start3A_13 = tpu.memref_slice %arg9[%dma_start3A_12] : memref<32xi32, #tpu.memory_space<vmem>> -> memref<16xi32, #tpu.memory_space<vmem>>
    %dma_start3A_14 = tpu.memref_slice %arg2[%dma_start3A_7, %mul3A_2] : memref<128x512xi32, #tpu.memory_space<hbm>> -> memref<1x16xi32, #tpu.memory_space<hbm>>
    %dma_start3A_15 = tpu.memref_squeeze %dma_start3A_14 : memref<1x16xi32, #tpu.memory_space<hbm>> -> memref<16xi32, #tpu.memory_space<hbm>>
    tpu.enqueue_dma source(%dma_start3A_15 : memref<16xi32, #tpu.memory_space<hbm>>) target(%dma_start3A_13 : memref<16xi32, #tpu.memory_space<vmem>>) target_semaphore(%arg24 : memref<!tpu.dma_semaphore, #tpu.memory_space<semaphore_mem>>)
    %dma_start3A_16 = arith.constant 3 : i32
    %dma_start3A_17 = arith.constant 16 : i32
    %dma_start3A_18 = tpu.memref_slice %arg9[%dma_start3A_17] : memref<32xi32, #tpu.memory_space<vmem>> -> memref<16xi32, #tpu.memory_space<vmem>>
    %dma_start3A_19 = tpu.memref_slice %arg2[%dma_start3A_16, %mul3A_2] : memref<128x512xi32, #tpu.memory_space<hbm>> -> memref<1x16xi32, #tpu.memory_space<hbm>>
    %dma_start3A_20 = tpu.memref_squeeze %dma_start3A_19 : memref<1x16xi32, #tpu.memory_space<hbm>> -> memref<16xi32, #tpu.memory_space<hbm>>
    %dma_start3A_21 = arith.constant 16 : i32
    %dma_start3A_22 = tpu.memref_slice %arg9[%dma_start3A_21] : memref<32xi32, #tpu.memory_space<vmem>> -> memref<16xi32, #tpu.memory_space<vmem>>
    %dma_start3A_23 = tpu.memref_slice %arg2[%dma_start3A_16, %mul3A_2] : memref<128x512xi32, #tpu.memory_space<hbm>> -> memref<1x16xi32, #tpu.memory_space<hbm>>
    %dma_start3A_24 = tpu.memref_squeeze %dma_start3A_23 : memref<1x16xi32, #tpu.memory_space<hbm>> -> memref<16xi32, #tpu.memory_space<hbm>>
    tpu.enqueue_dma source(%dma_start3A_24 : memref<16xi32, #tpu.memory_space<hbm>>) target(%dma_start3A_22 : memref<16xi32, #tpu.memory_space<vmem>>) target_semaphore(%arg24 : memref<!tpu.dma_semaphore, #tpu.memory_space<semaphore_mem>>)
    %scan3A = arith.constant 0 : i32
    %scan3A_25 = arith.constant 0.00130208337 : f32
    %scan3A_26 = arith.constant 0 : i32
    %scan3A_27 = arith.constant 32 : i32
    %scan3A_28 = arith.addi %scan3A_26, %scan3A_27 : i32
    %scan3A_29 = arith.constant 1 : i32
    scf.for %scan3A_82 = %scan3A_26 to %scan3A_28 step %scan3A_29  : i32 {
      %mul3A_83 = arith.constant 2 : i32
      %mul3A_84 = arith.muli %scan3A_82, %mul3A_83 : i32
      %lt3A = arith.constant 63 : i32
      %lt3A_85 = arith.cmpi slt, %mul3A_84, %lt3A : i32
      %ge3A = arith.constant 2 : i32
      %ge3A_86 = arith.cmpi sge, %mul3A_84, %ge3A : i32
      %convert_element_type3A = arith.extui %lt3A_85 : i1 to i32
      %cond3A = arith.constant 0 : i32
      %cond3A_87 = arith.cmpi ne, %convert_element_type3A, %cond3A : i32
      scf.if %cond3A_87 {
        %add3A_599 = arith.constant 1 : i32
        %add3A_600 = arith.addi %mul3A_84, %add3A_599 : i32
        %mul3A_601 = arith.constant 2 : i32
        %mul3A_602 = arith.muli %add3A_600, %mul3A_601 : i32
        %add3A_603 = arith.constant 0 : i32
        %add3A_604 = arith.addi %mul3A_602, %add3A_603 : i32
        %mul3A_605 = arith.constant 2 : i32
        %mul3A_606 = arith.muli %add3A_600, %mul3A_605 : i32
        %add3A_607 = arith.constant 1 : i32
        %add3A_608 = arith.addi %mul3A_606, %add3A_607 : i32
        %dma_wait3A_609 = arith.constant 0 : i32
        %dma_wait3A_610 = tpu.memref_slice %arg9[%dma_wait3A_609] : memref<32xi32, #tpu.memory_space<vmem>> -> memref<16xi32, #tpu.memory_space<vmem>>
        %dma_wait3A_611 = tpu.memref_slice %arg2[%add3A_604, %mul3A_2] : memref<128x512xi32, #tpu.memory_space<hbm>> -> memref<1x16xi32, #tpu.memory_space<hbm>>
        %dma_wait3A_612 = tpu.memref_squeeze %dma_wait3A_611 : memref<1x16xi32, #tpu.memory_space<hbm>> -> memref<16xi32, #tpu.memory_space<hbm>>
        %dma_wait3A_613 = arith.constant 0 : i32
        %dma_wait3A_614 = tpu.memref_slice %arg9[%dma_wait3A_613] : memref<32xi32, #tpu.memory_space<vmem>> -> memref<16xi32, #tpu.memory_space<vmem>>
        %dma_wait3A_615 = tpu.memref_slice %arg2[%add3A_604, %mul3A_2] : memref<128x512xi32, #tpu.memory_space<hbm>> -> memref<1x16xi32, #tpu.memory_space<hbm>>
        %dma_wait3A_616 = tpu.memref_squeeze %dma_wait3A_615 : memref<1x16xi32, #tpu.memory_space<hbm>> -> memref<16xi32, #tpu.memory_space<hbm>>
        tpu.wait_dma2 semaphore(%arg24 : memref<!tpu.dma_semaphore, #tpu.memory_space<semaphore_mem>>) src(%dma_wait3A_616 : memref<16xi32, #tpu.memory_space<hbm>>) dst(%dma_wait3A_614 : memref<16xi32, #tpu.memory_space<vmem>>)
        %dma_wait3A_617 = arith.constant 16 : i32
        %dma_wait3A_618 = tpu.memref_slice %arg9[%dma_wait3A_617] : memref<32xi32, #tpu.memory_space<vmem>> -> memref<16xi32, #tpu.memory_space<vmem>>
        %dma_wait3A_619 = tpu.memref_slice %arg2[%add3A_608, %mul3A_2] : memref<128x512xi32, #tpu.memory_space<hbm>> -> memref<1x16xi32, #tpu.memory_space<hbm>>
        %dma_wait3A_620 = tpu.memref_squeeze %dma_wait3A_619 : memref<1x16xi32, #tpu.memory_space<hbm>> -> memref<16xi32, #tpu.memory_space<hbm>>
        %dma_wait3A_621 = arith.constant 16 : i32
        %dma_wait3A_622 = tpu.memref_slice %arg9[%dma_wait3A_621] : memref<32xi32, #tpu.memory_space<vmem>> -> memref<16xi32, #tpu.memory_space<vmem>>
        %dma_wait3A_623 = tpu.memref_slice %arg2[%add3A_608, %mul3A_2] : memref<128x512xi32, #tpu.memory_space<hbm>> -> memref<1x16xi32, #tpu.memory_space<hbm>>
        %dma_wait3A_624 = tpu.memref_squeeze %dma_wait3A_623 : memref<1x16xi32, #tpu.memory_space<hbm>> -> memref<16xi32, #tpu.memory_space<hbm>>
        tpu.wait_dma2 semaphore(%arg24 : memref<!tpu.dma_semaphore, #tpu.memory_space<semaphore_mem>>) src(%dma_wait3A_624 : memref<16xi32, #tpu.memory_space<hbm>>) dst(%dma_wait3A_622 : memref<16xi32, #tpu.memory_space<vmem>>)
        %dma_start3A_625 = arith.constant 0 : i32
        %dma_start3A_626 = arith.constant 0 : i32
        %dma_start3A_627 = tpu.memref_slice %arg3[%dma_start3A_625, %dma_start3A_626] : memref<30522x768xf32, #tpu.memory_space<hbm>> -> memref<30522x768xf32, #tpu.memory_space<hbm>>
        tpu.enqueue_indirect_dma source(%dma_start3A_627 : memref<30522x768xf32, #tpu.memory_space<hbm>>) target(%arg11 : memref<32x768xf32, #tpu.memory_space<vmem>>) offsets(%arg9 : memref<32xi32, #tpu.memory_space<vmem>>) semaphore(%arg20 : memref<!tpu.dma_semaphore, #tpu.memory_space<semaphore_mem>>)
      } else {
      }
      %dma_wait3A_88 = arith.constant 0 : i32
      %dma_wait3A_89 = arith.constant 0 : i32
      %dma_wait3A_90 = tpu.memref_slice %arg3[%dma_wait3A_88, %dma_wait3A_89] : memref<30522x768xf32, #tpu.memory_space<hbm>> -> memref<30522x768xf32, #tpu.memory_space<hbm>>
      tpu.wait_indirect_dma semaphore(%arg19 : memref<!tpu.dma_semaphore, #tpu.memory_space<semaphore_mem>>) src(%dma_wait3A_90 : memref<30522x768xf32, #tpu.memory_space<hbm>>) dst(%arg10 : memref<32x768xf32, #tpu.memory_space<vmem>>)
      %lt3A_91 = arith.constant 62 : i32
      %lt3A_92 = arith.cmpi slt, %mul3A_84, %lt3A_91 : i32
      %convert_element_type3A_93 = arith.extui %lt3A_92 : i1 to i32
      %cond3A_94 = arith.constant 0 : i32
      %cond3A_95 = arith.cmpi ne, %convert_element_type3A_93, %cond3A_94 : i32
      scf.if %cond3A_95 {
        %add3A_599 = arith.constant 2 : i32
        %add3A_600 = arith.addi %mul3A_84, %add3A_599 : i32
        %mul3A_601 = arith.constant 2 : i32
        %mul3A_602 = arith.muli %add3A_600, %mul3A_601 : i32
        %add3A_603 = arith.constant 0 : i32
        %add3A_604 = arith.addi %mul3A_602, %add3A_603 : i32
        %mul3A_605 = arith.constant 2 : i32
        %mul3A_606 = arith.muli %add3A_600, %mul3A_605 : i32
        %add3A_607 = arith.constant 1 : i32
        %add3A_608 = arith.addi %mul3A_606, %add3A_607 : i32
        %dma_start3A_609 = arith.constant 0 : i32
        %dma_start3A_610 = tpu.memref_slice %arg8[%dma_start3A_609] : memref<32xi32, #tpu.memory_space<vmem>> -> memref<16xi32, #tpu.memory_space<vmem>>
        %dma_start3A_611 = tpu.memref_slice %arg2[%add3A_604, %mul3A_2] : memref<128x512xi32, #tpu.memory_space<hbm>> -> memref<1x16xi32, #tpu.memory_space<hbm>>
        %dma_start3A_612 = tpu.memref_squeeze %dma_start3A_611 : memref<1x16xi32, #tpu.memory_space<hbm>> -> memref<16xi32, #tpu.memory_space<hbm>>
        %dma_start3A_613 = arith.constant 0 : i32
        %dma_start3A_614 = tpu.memref_slice %arg8[%dma_start3A_613] : memref<32xi32, #tpu.memory_space<vmem>> -> memref<16xi32, #tpu.memory_space<vmem>>
        %dma_start3A_615 = tpu.memref_slice %arg2[%add3A_604, %mul3A_2] : memref<128x512xi32, #tpu.memory_space<hbm>> -> memref<1x16xi32, #tpu.memory_space<hbm>>
        %dma_start3A_616 = tpu.memref_squeeze %dma_start3A_615 : memref<1x16xi32, #tpu.memory_space<hbm>> -> memref<16xi32, #tpu.memory_space<hbm>>
        tpu.enqueue_dma source(%dma_start3A_616 : memref<16xi32, #tpu.memory_space<hbm>>) target(%dma_start3A_614 : memref<16xi32, #tpu.memory_space<vmem>>) target_semaphore(%arg23 : memref<!tpu.dma_semaphore, #tpu.memory_space<semaphore_mem>>)
        %dma_start3A_617 = arith.constant 16 : i32
        %dma_start3A_618 = tpu.memref_slice %arg8[%dma_start3A_617] : memref<32xi32, #tpu.memory_space<vmem>> -> memref<16xi32, #tpu.memory_space<vmem>>
        %dma_start3A_619 = tpu.memref_slice %arg2[%add3A_608, %mul3A_2] : memref<128x512xi32, #tpu.memory_space<hbm>> -> memref<1x16xi32, #tpu.memory_space<hbm>>
        %dma_start3A_620 = tpu.memref_squeeze %dma_start3A_619 : memref<1x16xi32, #tpu.memory_space<hbm>> -> memref<16xi32, #tpu.memory_space<hbm>>
        %dma_start3A_621 = arith.constant 16 : i32
        %dma_start3A_622 = tpu.memref_slice %arg8[%dma_start3A_621] : memref<32xi32, #tpu.memory_space<vmem>> -> memref<16xi32, #tpu.memory_space<vmem>>
        %dma_start3A_623 = tpu.memref_slice %arg2[%add3A_608, %mul3A_2] : memref<128x512xi32, #tpu.memory_space<hbm>> -> memref<1x16xi32, #tpu.memory_space<hbm>>
        %dma_start3A_624 = tpu.memref_squeeze %dma_start3A_623 : memref<1x16xi32, #tpu.memory_space<hbm>> -> memref<16xi32, #tpu.memory_space<hbm>>
        tpu.enqueue_dma source(%dma_start3A_624 : memref<16xi32, #tpu.memory_space<hbm>>) target(%dma_start3A_622 : memref<16xi32, #tpu.memory_space<vmem>>) target_semaphore(%arg23 : memref<!tpu.dma_semaphore, #tpu.memory_space<semaphore_mem>>)
      } else {
      }
      %convert_element_type3A_96 = arith.extui %ge3A_86 : i1 to i32
      %cond3A_97 = arith.constant 0 : i32
      %cond3A_98 = arith.cmpi ne, %convert_element_type3A_96, %cond3A_97 : i32
      scf.if %cond3A_98 {
        %mul3A_599 = arith.constant 2 : i32
        %mul3A_600 = arith.muli %mul3A_84, %mul3A_599 : i32
        %add3A_601 = arith.constant 0 : i32
        %add3A_602 = arith.addi %mul3A_600, %add3A_601 : i32
        %mul3A_603 = arith.constant 2 : i32
        %mul3A_604 = arith.muli %mul3A_84, %mul3A_603 : i32
        %add3A_605 = arith.constant 1 : i32
        %add3A_606 = arith.addi %mul3A_604, %add3A_605 : i32
        %dma_wait3A_607 = arith.constant 0 : i32
        %dma_wait3A_608 = arith.constant 0 : i32
        %dma_wait3A_609 = tpu.memref_slice %arg12[%dma_wait3A_607, %dma_wait3A_608] : memref<32x768xf32, #tpu.memory_space<vmem>> -> memref<16x768xf32, #tpu.memory_space<vmem>>
        %dma_wait3A_610 = arith.constant 0 : i32
        %dma_wait3A_611 = tpu.memref_slice %arg7[%add3A_602, %mul3A_2, %dma_wait3A_610] : memref<128x512x768xf32, #tpu.memory_space<hbm>> -> memref<1x16x768xf32, #tpu.memory_space<hbm>>
        %dma_wait3A_612 = tpu.memref_squeeze %dma_wait3A_611 : memref<1x16x768xf32, #tpu.memory_space<hbm>> -> memref<16x768xf32, #tpu.memory_space<hbm>>
        %dma_wait3A_613 = arith.constant 0 : i32
        %dma_wait3A_614 = tpu.memref_slice %arg7[%add3A_602, %mul3A_2, %dma_wait3A_613] : memref<128x512x768xf32, #tpu.memory_space<hbm>> -> memref<1x16x768xf32, #tpu.memory_space<hbm>>
        %dma_wait3A_615 = tpu.memref_squeeze %dma_wait3A_614 : memref<1x16x768xf32, #tpu.memory_space<hbm>> -> memref<16x768xf32, #tpu.memory_space<hbm>>
        %dma_wait3A_616 = arith.constant 0 : i32
        %dma_wait3A_617 = arith.constant 0 : i32
        %dma_wait3A_618 = tpu.memref_slice %arg12[%dma_wait3A_616, %dma_wait3A_617] : memref<32x768xf32, #tpu.memory_space<vmem>> -> memref<16x768xf32, #tpu.memory_space<vmem>>
        tpu.wait_dma2 semaphore(%arg21 : memref<!tpu.dma_semaphore, #tpu.memory_space<semaphore_mem>>) src(%dma_wait3A_618 : memref<16x768xf32, #tpu.memory_space<vmem>>) dst(%dma_wait3A_615 : memref<16x768xf32, #tpu.memory_space<hbm>>)
        %dma_wait3A_619 = arith.constant 16 : i32
        %dma_wait3A_620 = arith.constant 0 : i32
        %dma_wait3A_621 = tpu.memref_slice %arg12[%dma_wait3A_619, %dma_wait3A_620] : memref<32x768xf32, #tpu.memory_space<vmem>> -> memref<16x768xf32, #tpu.memory_space<vmem>>
        %dma_wait3A_622 = arith.constant 0 : i32
        %dma_wait3A_623 = tpu.memref_slice %arg7[%add3A_606, %mul3A_2, %dma_wait3A_622] : memref<128x512x768xf32, #tpu.memory_space<hbm>> -> memref<1x16x768xf32, #tpu.memory_space<hbm>>
        %dma_wait3A_624 = tpu.memref_squeeze %dma_wait3A_623 : memref<1x16x768xf32, #tpu.memory_space<hbm>> -> memref<16x768xf32, #tpu.memory_space<hbm>>
        %dma_wait3A_625 = arith.constant 0 : i32
        %dma_wait3A_626 = tpu.memref_slice %arg7[%add3A_606, %mul3A_2, %dma_wait3A_625] : memref<128x512x768xf32, #tpu.memory_space<hbm>> -> memref<1x16x768xf32, #tpu.memory_space<hbm>>
        %dma_wait3A_627 = tpu.memref_squeeze %dma_wait3A_626 : memref<1x16x768xf32, #tpu.memory_space<hbm>> -> memref<16x768xf32, #tpu.memory_space<hbm>>
        %dma_wait3A_628 = arith.constant 16 : i32
        %dma_wait3A_629 = arith.constant 0 : i32
        %dma_wait3A_630 = tpu.memref_slice %arg12[%dma_wait3A_628, %dma_wait3A_629] : memref<32x768xf32, #tpu.memory_space<vmem>> -> memref<16x768xf32, #tpu.memory_space<vmem>>
        tpu.wait_dma2 semaphore(%arg21 : memref<!tpu.dma_semaphore, #tpu.memory_space<semaphore_mem>>) src(%dma_wait3A_630 : memref<16x768xf32, #tpu.memory_space<vmem>>) dst(%dma_wait3A_627 : memref<16x768xf32, #tpu.memory_space<hbm>>)
      } else {
      }
      %parallel_loop3A = arith.constant 0 : i32
      %parallel_loop3A_99 = arith.constant 16 : i32
      %parallel_loop3A_100 = arith.constant 1 : i32
      scf.for %parallel_loop3A_599 = %parallel_loop3A to %parallel_loop3A_99 step %parallel_loop3A_100  : i32 {
        %parallel_loop3A_600 = arith.constant 0 : i32
        %parallel_loop3A_601 = arith.constant 48 : i32
        %parallel_loop3A_602 = arith.constant 1 : i32
        %parallel_loop3A_603:4 = scf.for %parallel_loop3A_624 = %parallel_loop3A_600 to %parallel_loop3A_601 step %parallel_loop3A_602 iter_args(%parallel_loop3A_625 = %broadcast_in_dim3A_3, %parallel_loop3A_626 = %broadcast_in_dim3A_3, %parallel_loop3A_627 = %broadcast_in_dim3A_3, %parallel_loop3A_628 = %broadcast_in_dim3A_3) -> (vector<16xf32>, vector<16xf32>, vector<16xf32>, vector<16xf32>)  : i32 {
          %parallel_loop3A_629 = arith.constant 16 : i32
          %parallel_loop3A_630 = arith.muli %parallel_loop3A_624, %parallel_loop3A_629 : i32
          %parallel_loop3A_631 = arith.index_cast %parallel_loop3A_599 : i32 to index
          %parallel_loop3A_632 = arith.index_cast %parallel_loop3A_630 : i32 to index
          %parallel_loop3A_633 = tpu.vector_load %arg16[%parallel_loop3A_631, %parallel_loop3A_632] {strides = array<i32>} : memref<16x768xf32, #tpu.memory_space<vmem>>, vector<16xf32>,
          %parallel_loop3A_634 = arith.constant 0 : i32
          %parallel_loop3A_635 = arith.addi %parallel_loop3A_634, %parallel_loop3A_599 : i32
          %parallel_loop3A_636 = arith.index_cast %parallel_loop3A_635 : i32 to index
          %parallel_loop3A_637 = arith.index_cast %parallel_loop3A_630 : i32 to index
          %parallel_loop3A_638 = tpu.vector_load %arg10[%parallel_loop3A_636, %parallel_loop3A_637] {strides = array<i32>} : memref<32x768xf32, #tpu.memory_space<vmem>>, vector<16xf32>,
          %parallel_loop3A_639 = arith.addf %parallel_loop3A_638, %parallel_loop3A_633 : vector<16xf32>
          %parallel_loop3A_640 = arith.constant 0 : i32
          %parallel_loop3A_641 = arith.addi %parallel_loop3A_640, %parallel_loop3A_599 : i32
          %parallel_loop3A_642 = arith.index_cast %parallel_loop3A_641 : i32 to index
          %parallel_loop3A_643 = arith.index_cast %parallel_loop3A_630 : i32 to index
          %parallel_loop3A_644 = tpu.vector_load %arg12[%parallel_loop3A_642, %parallel_loop3A_643] {strides = array<i32>} : memref<32x768xf32, #tpu.memory_space<vmem>>, vector<16xf32>,
          tpu.vector_store %arg12[%parallel_loop3A_642, %parallel_loop3A_643], %parallel_loop3A_639 {strides = array<i32>} : memref<32x768xf32, #tpu.memory_space<vmem>>, vector<16xf32>,
          %parallel_loop3A_645 = arith.addf %parallel_loop3A_625, %parallel_loop3A_639 : vector<16xf32>
          %parallel_loop3A_646 = arith.mulf %parallel_loop3A_639, %parallel_loop3A_639 : vector<16xf32>
          %parallel_loop3A_647 = arith.addf %parallel_loop3A_626, %parallel_loop3A_646 : vector<16xf32>
          %parallel_loop3A_648 = arith.constant 16 : i32
          %parallel_loop3A_649 = arith.addi %parallel_loop3A_648, %parallel_loop3A_599 : i32
          %parallel_loop3A_650 = arith.index_cast %parallel_loop3A_649 : i32 to index
          %parallel_loop3A_651 = arith.index_cast %parallel_loop3A_630 : i32 to index
          %parallel_loop3A_652 = tpu.vector_load %arg10[%parallel_loop3A_650, %parallel_loop3A_651] {strides = array<i32>} : memref<32x768xf32, #tpu.memory_space<vmem>>, vector<16xf32>,
          %parallel_loop3A_653 = arith.addf %parallel_loop3A_652, %parallel_loop3A_633 : vector<16xf32>
          %parallel_loop3A_654 = arith.constant 16 : i32
          %parallel_loop3A_655 = arith.addi %parallel_loop3A_654, %parallel_loop3A_599 : i32
          %parallel_loop3A_656 = arith.index_cast %parallel_loop3A_655 : i32 to index
          %parallel_loop3A_657 = arith.index_cast %parallel_loop3A_630 : i32 to index
          %parallel_loop3A_658 = tpu.vector_load %arg12[%parallel_loop3A_656, %parallel_loop3A_657] {strides = array<i32>} : memref<32x768xf32, #tpu.memory_space<vmem>>, vector<16xf32>,
          tpu.vector_store %arg12[%parallel_loop3A_656, %parallel_loop3A_657], %parallel_loop3A_653 {strides = array<i32>} : memref<32x768xf32, #tpu.memory_space<vmem>>, vector<16xf32>,
          %parallel_loop3A_659 = arith.addf %parallel_loop3A_627, %parallel_loop3A_653 : vector<16xf32>
          %parallel_loop3A_660 = arith.mulf %parallel_loop3A_653, %parallel_loop3A_653 : vector<16xf32>
          %parallel_loop3A_661 = arith.addf %parallel_loop3A_628, %parallel_loop3A_660 : vector<16xf32>
          scf.yield %parallel_loop3A_645, %parallel_loop3A_647, %parallel_loop3A_659, %parallel_loop3A_661 : vector<16xf32>, vector<16xf32>, vector<16xf32>, vector<16xf32>
        } {sc.loop_unroll_factor = 4 : i64, sc.parallel_access}
        %parallel_loop3A_604 = arith.constant 0 : i32
        %parallel_loop3A_605 = arith.addi %parallel_loop3A_604, %parallel_loop3A_599 : i32
        %parallel_loop3A_606 = arith.index_cast %parallel_loop3A_605 : i32 to index
        %parallel_loop3A_607 = arith.constant 0 : index
        %parallel_loop3A_608 = tpu.vector_load %arg14[%parallel_loop3A_606, %parallel_loop3A_607] {strides = array<i32>} : memref<32x16xf32, #tpu.memory_space<vmem>>, vector<16xf32>,
        tpu.vector_store %arg14[%parallel_loop3A_606, %parallel_loop3A_607], %parallel_loop3A_603#0 {strides = array<i32>} : memref<32x16xf32, #tpu.memory_space<vmem>>, vector<16xf32>,
        %parallel_loop3A_609 = arith.constant 0 : i32
        %parallel_loop3A_610 = arith.addi %parallel_loop3A_609, %parallel_loop3A_599 : i32
        %parallel_loop3A_611 = arith.index_cast %parallel_loop3A_610 : i32 to index
        %parallel_loop3A_612 = arith.constant 0 : index
        %parallel_loop3A_613 = tpu.vector_load %arg15[%parallel_loop3A_611, %parallel_loop3A_612] {strides = array<i32>} : memref<32x16xf32, #tpu.memory_space<vmem>>, vector<16xf32>,
        tpu.vector_store %arg15[%parallel_loop3A_611, %parallel_loop3A_612], %parallel_loop3A_603#1 {strides = array<i32>} : memref<32x16xf32, #tpu.memory_space<vmem>>, vector<16xf32>,
        %parallel_loop3A_614 = arith.constant 16 : i32
        %parallel_loop3A_615 = arith.addi %parallel_loop3A_614, %parallel_loop3A_599 : i32
        %parallel_loop3A_616 = arith.index_cast %parallel_loop3A_615 : i32 to index
        %parallel_loop3A_617 = arith.constant 0 : index
        %parallel_loop3A_618 = tpu.vector_load %arg14[%parallel_loop3A_616, %parallel_loop3A_617] {strides = array<i32>} : memref<32x16xf32, #tpu.memory_space<vmem>>, vector<16xf32>,
        tpu.vector_store %arg14[%parallel_loop3A_616, %parallel_loop3A_617], %parallel_loop3A_603#2 {strides = array<i32>} : memref<32x16xf32, #tpu.memory_space<vmem>>, vector<16xf32>,
        %parallel_loop3A_619 = arith.constant 16 : i32
        %parallel_loop3A_620 = arith.addi %parallel_loop3A_619, %parallel_loop3A_599 : i32
        %parallel_loop3A_621 = arith.index_cast %parallel_loop3A_620 : i32 to index
        %parallel_loop3A_622 = arith.constant 0 : index
        %parallel_loop3A_623 = tpu.vector_load %arg15[%parallel_loop3A_621, %parallel_loop3A_622] {strides = array<i32>} : memref<32x16xf32, #tpu.memory_space<vmem>>, vector<16xf32>,
        tpu.vector_store %arg15[%parallel_loop3A_621, %parallel_loop3A_622], %parallel_loop3A_603#3 {strides = array<i32>} : memref<32x16xf32, #tpu.memory_space<vmem>>, vector<16xf32>,
      } {sc.loop_unroll_factor = 2 : i64, sc.parallel_access}
      %get3A = arith.constant 0 : index
      %get3A_101 = tpu.vector_load %arg17[%get3A] {strides = array<i32>} : memref<768xf32, #tpu.memory_space<vmem>>, vector<16xf32>,
      %get3A_102 = arith.constant 16 : index
      %get3A_103 = tpu.vector_load %arg17[%get3A_102] {strides = array<i32>} : memref<768xf32, #tpu.memory_space<vmem>>, vector<16xf32>,
      %get3A_104 = arith.constant 32 : index
      %get3A_105 = tpu.vector_load %arg17[%get3A_104] {strides = array<i32>} : memref<768xf32, #tpu.memory_space<vmem>>, vector<16xf32>,
      %get3A_106 = arith.constant 48 : index
      %get3A_107 = tpu.vector_load %arg17[%get3A_106] {strides = array<i32>} : memref<768xf32, #tpu.memory_space<vmem>>, vector<16xf32>,
      %get3A_108 = arith.constant 64 : index
      %get3A_109 = tpu.vector_load %arg17[%get3A_108] {strides = array<i32>} : memref<768xf32, #tpu.memory_space<vmem>>, vector<16xf32>,
      %get3A_110 = arith.constant 80 : index
      %get3A_111 = tpu.vector_load %arg17[%get3A_110] {strides = array<i32>} : memref<768xf32, #tpu.memory_space<vmem>>, vector<16xf32>,
      %get3A_112 = arith.constant 96 : index
      %get3A_113 = tpu.vector_load %arg17[%get3A_112] {strides = array<i32>} : memref<768xf32, #tpu.memory_space<vmem>>, vector<16xf32>,
      %get3A_114 = arith.constant 112 : index
      %get3A_115 = tpu.vector_load %arg17[%get3A_114] {strides = array<i32>} : memref<768xf32, #tpu.memory_space<vmem>>, vector<16xf32>,
      %get3A_116 = arith.constant 128 : index
      %get3A_117 = tpu.vector_load %arg17[%get3A_116] {strides = array<i32>} : memref<768xf32, #tpu.memory_space<vmem>>, vector<16xf32>,
      %get3A_118 = arith.constant 144 : index
      %get3A_119 = tpu.vector_load %arg17[%get3A_118] {strides = array<i32>} : memref<768xf32, #tpu.memory_space<vmem>>, vector<16xf32>,
      %get3A_120 = arith.constant 160 : index
      %get3A_121 = tpu.vector_load %arg17[%get3A_120] {strides = array<i32>} : memref<768xf32, #tpu.memory_space<vmem>>, vector<16xf32>,
      %get3A_122 = arith.constant 176 : index
      %get3A_123 = tpu.vector_load %arg17[%get3A_122] {strides = array<i32>} : memref<768xf32, #tpu.memory_space<vmem>>, vector<16xf32>,
      %get3A_124 = arith.constant 0 : index
      %get3A_125 = tpu.vector_load %arg18[%get3A_124] {strides = array<i32>} : memref<768xf32, #tpu.memory_space<vmem>>, vector<16xf32>,
      %get3A_126 = arith.constant 16 : index
      %get3A_127 = tpu.vector_load %arg18[%get3A_126] {strides = array<i32>} : memref<768xf32, #tpu.memory_space<vmem>>, vector<16xf32>,
      %get3A_128 = arith.constant 32 : index
      %get3A_129 = tpu.vector_load %arg18[%get3A_128] {strides = array<i32>} : memref<768xf32, #tpu.memory_space<vmem>>, vector<16xf32>,
      %get3A_130 = arith.constant 48 : index
      %get3A_131 = tpu.vector_load %arg18[%get3A_130] {strides = array<i32>} : memref<768xf32, #tpu.memory_space<vmem>>, vector<16xf32>,
      %get3A_132 = arith.constant 64 : index
      %get3A_133 = tpu.vector_load %arg18[%get3A_132] {strides = array<i32>} : memref<768xf32, #tpu.memory_space<vmem>>, vector<16xf32>,
      %get3A_134 = arith.constant 80 : index
      %get3A_135 = tpu.vector_load %arg18[%get3A_134] {strides = array<i32>} : memref<768xf32, #tpu.memory_space<vmem>>, vector<16xf32>,
      %get3A_136 = arith.constant 96 : index
      %get3A_137 = tpu.vector_load %arg18[%get3A_136] {strides = array<i32>} : memref<768xf32, #tpu.memory_space<vmem>>, vector<16xf32>,
      %get3A_138 = arith.constant 112 : index
      %get3A_139 = tpu.vector_load %arg18[%get3A_138] {strides = array<i32>} : memref<768xf32, #tpu.memory_space<vmem>>, vector<16xf32>,
      %get3A_140 = arith.constant 128 : index
      %get3A_141 = tpu.vector_load %arg18[%get3A_140] {strides = array<i32>} : memref<768xf32, #tpu.memory_space<vmem>>, vector<16xf32>,
      %get3A_142 = arith.constant 144 : index
      %get3A_143 = tpu.vector_load %arg18[%get3A_142] {strides = array<i32>} : memref<768xf32, #tpu.memory_space<vmem>>, vector<16xf32>,
      %get3A_144 = arith.constant 160 : index
      %get3A_145 = tpu.vector_load %arg18[%get3A_144] {strides = array<i32>} : memref<768xf32, #tpu.memory_space<vmem>>, vector<16xf32>,
      %get3A_146 = arith.constant 176 : index
      %get3A_147 = tpu.vector_load %arg18[%get3A_146] {strides = array<i32>} : memref<768xf32, #tpu.memory_space<vmem>>, vector<16xf32>,
      %parallel_loop3A_148 = arith.constant 0 : i32
      %parallel_loop3A_149 = arith.constant 32 : i32
      %parallel_loop3A_150 = arith.constant 1 : i32
      scf.for %parallel_loop3A_599 = %parallel_loop3A_148 to %parallel_loop3A_149 step %parallel_loop3A_150  : i32 {
        %parallel_loop3A_600 = arith.index_cast %parallel_loop3A_599 : i32 to index
        %parallel_loop3A_601 = arith.constant 0 : index
        %parallel_loop3A_602 = tpu.vector_load %arg14[%parallel_loop3A_600, %parallel_loop3A_601] {strides = array<i32>} : memref<32x16xf32, #tpu.memory_space<vmem>>, vector<16xf32>,
        %parallel_loop3A_603 = arith.constant true
        %parallel_loop3A_604 = vector.broadcast %parallel_loop3A_603 : i1 to vector<16xi1>
        %parallel_loop3A_605 = tpu.scan <sum>, %parallel_loop3A_602 masked %parallel_loop3A_604 : vector<16xf32>, vector<16xi1> -> vector<16xf32>
        %parallel_loop3A_606 = vector.extract %parallel_loop3A_605[15] : f32 from vector<16xf32>
        %parallel_loop3A_607 = vector.broadcast %parallel_loop3A_606 : f32 to vector<16xf32>
        %parallel_loop3A_608 = arith.index_cast %parallel_loop3A_599 : i32 to index
        %parallel_loop3A_609 = arith.constant 0 : index
        %parallel_loop3A_610 = tpu.vector_load %arg15[%parallel_loop3A_608, %parallel_loop3A_609] {strides = array<i32>} : memref<32x16xf32, #tpu.memory_space<vmem>>, vector<16xf32>,
        %parallel_loop3A_611 = arith.constant true
        %parallel_loop3A_612 = vector.broadcast %parallel_loop3A_611 : i1 to vector<16xi1>
        %parallel_loop3A_613 = tpu.scan <sum>, %parallel_loop3A_610 masked %parallel_loop3A_612 : vector<16xf32>, vector<16xi1> -> vector<16xf32>
        %parallel_loop3A_614 = vector.extract %parallel_loop3A_613[15] : f32 from vector<16xf32>
        %parallel_loop3A_615 = vector.broadcast %parallel_loop3A_614 : f32 to vector<16xf32>
        %parallel_loop3A_616 = vector.broadcast %scan3A_25 : f32 to vector<16xf32>
        %parallel_loop3A_617 = arith.mulf %parallel_loop3A_607, %parallel_loop3A_616 : vector<16xf32>
        %parallel_loop3A_618 = vector.broadcast %scan3A_25 : f32 to vector<16xf32>
        %parallel_loop3A_619 = arith.mulf %parallel_loop3A_615, %parallel_loop3A_618 : vector<16xf32>
        %parallel_loop3A_620 = arith.mulf %parallel_loop3A_617, %parallel_loop3A_617 : vector<16xf32>
        %parallel_loop3A_621 = arith.subf %parallel_loop3A_619, %parallel_loop3A_620 : vector<16xf32>
        %parallel_loop3A_622 = arith.constant 9.99999996E-13 : f32
        %parallel_loop3A_623 = vector.broadcast %parallel_loop3A_622 : f32 to vector<16xf32>
        %parallel_loop3A_624 = arith.addf %parallel_loop3A_621, %parallel_loop3A_623 : vector<16xf32>
        %parallel_loop3A_625 = vector.bitcast %parallel_loop3A_624 : vector<16xf32> to vector<16xi32>
        %parallel_loop3A_626 = arith.constant 1 : i32
        %parallel_loop3A_627 = vector.broadcast %parallel_loop3A_626 : i32 to vector<16xi32>
        %parallel_loop3A_628 = arith.shrui %parallel_loop3A_625, %parallel_loop3A_627 : vector<16xi32>
        %parallel_loop3A_629 = arith.constant 1597463007 : i32
        %parallel_loop3A_630 = vector.broadcast %parallel_loop3A_629 : i32 to vector<16xi32>
        %parallel_loop3A_631 = arith.subi %parallel_loop3A_630, %parallel_loop3A_628 : vector<16xi32>
        %parallel_loop3A_632 = vector.bitcast %parallel_loop3A_631 : vector<16xi32> to vector<16xf32>
        %parallel_loop3A_633 = arith.constant 5.000000e-01 : f32
        %parallel_loop3A_634 = vector.broadcast %parallel_loop3A_633 : f32 to vector<16xf32>
        %parallel_loop3A_635 = arith.mulf %parallel_loop3A_634, %parallel_loop3A_624 : vector<16xf32>
        %parallel_loop3A_636 = arith.mulf %parallel_loop3A_635, %parallel_loop3A_632 : vector<16xf32>
        %parallel_loop3A_637 = arith.mulf %parallel_loop3A_636, %parallel_loop3A_632 : vector<16xf32>
        %parallel_loop3A_638 = arith.constant 1.500000e+00 : f32
        %parallel_loop3A_639 = vector.broadcast %parallel_loop3A_638 : f32 to vector<16xf32>
        %parallel_loop3A_640 = arith.subf %parallel_loop3A_639, %parallel_loop3A_637 : vector<16xf32>
        %parallel_loop3A_641 = arith.mulf %parallel_loop3A_632, %parallel_loop3A_640 : vector<16xf32>
        %parallel_loop3A_642 = arith.mulf %parallel_loop3A_635, %parallel_loop3A_641 : vector<16xf32>
        %parallel_loop3A_643 = arith.mulf %parallel_loop3A_642, %parallel_loop3A_641 : vector<16xf32>
        %parallel_loop3A_644 = arith.constant 1.500000e+00 : f32
        %parallel_loop3A_645 = vector.broadcast %parallel_loop3A_644 : f32 to vector<16xf32>
        %parallel_loop3A_646 = arith.subf %parallel_loop3A_645, %parallel_loop3A_643 : vector<16xf32>
        %parallel_loop3A_647 = arith.mulf %parallel_loop3A_641, %parallel_loop3A_646 : vector<16xf32>
        %parallel_loop3A_648 = arith.mulf %parallel_loop3A_635, %parallel_loop3A_647 : vector<16xf32>
        %parallel_loop3A_649 = arith.mulf %parallel_loop3A_648, %parallel_loop3A_647 : vector<16xf32>
        %parallel_loop3A_650 = arith.constant 1.500000e+00 : f32
        %parallel_loop3A_651 = vector.broadcast %parallel_loop3A_650 : f32 to vector<16xf32>
        %parallel_loop3A_652 = arith.subf %parallel_loop3A_651, %parallel_loop3A_649 : vector<16xf32>
        %parallel_loop3A_653 = arith.mulf %parallel_loop3A_647, %parallel_loop3A_652 : vector<16xf32>
        %parallel_loop3A_654 = arith.index_cast %parallel_loop3A_599 : i32 to index
        %parallel_loop3A_655 = arith.constant 0 : index
        %parallel_loop3A_656 = tpu.vector_load %arg14[%parallel_loop3A_654, %parallel_loop3A_655] {strides = array<i32>} : memref<32x16xf32, #tpu.memory_space<vmem>>, vector<16xf32>,
        tpu.vector_store %arg14[%parallel_loop3A_654, %parallel_loop3A_655], %parallel_loop3A_617 {strides = array<i32>} : memref<32x16xf32, #tpu.memory_space<vmem>>, vector<16xf32>,
        %parallel_loop3A_657 = arith.index_cast %parallel_loop3A_599 : i32 to index
        %parallel_loop3A_658 = arith.constant 0 : index
        %parallel_loop3A_659 = tpu.vector_load %arg15[%parallel_loop3A_657, %parallel_loop3A_658] {strides = array<i32>} : memref<32x16xf32, #tpu.memory_space<vmem>>, vector<16xf32>,
        tpu.vector_store %arg15[%parallel_loop3A_657, %parallel_loop3A_658], %parallel_loop3A_653 {strides = array<i32>} : memref<32x16xf32, #tpu.memory_space<vmem>>, vector<16xf32>,
        %parallel_loop3A_660 = arith.index_cast %parallel_loop3A_599 : i32 to index
        %parallel_loop3A_661 = arith.constant 0 : index
        %parallel_loop3A_662 = tpu.vector_load %arg12[%parallel_loop3A_660, %parallel_loop3A_661] {strides = array<i32>} : memref<32x768xf32, #tpu.memory_space<vmem>>, vector<16xf32>,
        %parallel_loop3A_663 = arith.subf %parallel_loop3A_662, %parallel_loop3A_617 : vector<16xf32>
        %parallel_loop3A_664 = arith.mulf %parallel_loop3A_663, %parallel_loop3A_653 : vector<16xf32>
        %parallel_loop3A_665 = arith.mulf %parallel_loop3A_664, %get3A_101 : vector<16xf32>
        %parallel_loop3A_666 = arith.addf %parallel_loop3A_665, %get3A_125 : vector<16xf32>
        %parallel_loop3A_667 = arith.index_cast %parallel_loop3A_599 : i32 to index
        %parallel_loop3A_668 = arith.constant 0 : index
        %parallel_loop3A_669 = tpu.vector_load %arg12[%parallel_loop3A_667, %parallel_loop3A_668] {strides = array<i32>} : memref<32x768xf32, #tpu.memory_space<vmem>>, vector<16xf32>,
        tpu.vector_store %arg12[%parallel_loop3A_667, %parallel_loop3A_668], %parallel_loop3A_666 {strides = array<i32>} : memref<32x768xf32, #tpu.memory_space<vmem>>, vector<16xf32>,
        %parallel_loop3A_670 = arith.index_cast %parallel_loop3A_599 : i32 to index
        %parallel_loop3A_671 = arith.constant 16 : index
        %parallel_loop3A_672 = tpu.vector_load %arg12[%parallel_loop3A_670, %parallel_loop3A_671] {strides = array<i32>} : memref<32x768xf32, #tpu.memory_space<vmem>>, vector<16xf32>,
        %parallel_loop3A_673 = arith.subf %parallel_loop3A_672, %parallel_loop3A_617 : vector<16xf32>
        %parallel_loop3A_674 = arith.mulf %parallel_loop3A_673, %parallel_loop3A_653 : vector<16xf32>
        %parallel_loop3A_675 = arith.mulf %parallel_loop3A_674, %get3A_103 : vector<16xf32>
        %parallel_loop3A_676 = arith.addf %parallel_loop3A_675, %get3A_127 : vector<16xf32>
        %parallel_loop3A_677 = arith.index_cast %parallel_loop3A_599 : i32 to index
        %parallel_loop3A_678 = arith.constant 16 : index
        %parallel_loop3A_679 = tpu.vector_load %arg12[%parallel_loop3A_677, %parallel_loop3A_678] {strides = array<i32>} : memref<32x768xf32, #tpu.memory_space<vmem>>, vector<16xf32>,
        tpu.vector_store %arg12[%parallel_loop3A_677, %parallel_loop3A_678], %parallel_loop3A_676 {strides = array<i32>} : memref<32x768xf32, #tpu.memory_space<vmem>>, vector<16xf32>,
        %parallel_loop3A_680 = arith.index_cast %parallel_loop3A_599 : i32 to index
        %parallel_loop3A_681 = arith.constant 32 : index
        %parallel_loop3A_682 = tpu.vector_load %arg12[%parallel_loop3A_680, %parallel_loop3A_681] {strides = array<i32>} : memref<32x768xf32, #tpu.memory_space<vmem>>, vector<16xf32>,
        %parallel_loop3A_683 = arith.subf %parallel_loop3A_682, %parallel_loop3A_617 : vector<16xf32>
        %parallel_loop3A_684 = arith.mulf %parallel_loop3A_683, %parallel_loop3A_653 : vector<16xf32>
        %parallel_loop3A_685 = arith.mulf %parallel_loop3A_684, %get3A_105 : vector<16xf32>
        %parallel_loop3A_686 = arith.addf %parallel_loop3A_685, %get3A_129 : vector<16xf32>
        %parallel_loop3A_687 = arith.index_cast %parallel_loop3A_599 : i32 to index
        %parallel_loop3A_688 = arith.constant 32 : index
        %parallel_loop3A_689 = tpu.vector_load %arg12[%parallel_loop3A_687, %parallel_loop3A_688] {strides = array<i32>} : memref<32x768xf32, #tpu.memory_space<vmem>>, vector<16xf32>,
        tpu.vector_store %arg12[%parallel_loop3A_687, %parallel_loop3A_688], %parallel_loop3A_686 {strides = array<i32>} : memref<32x768xf32, #tpu.memory_space<vmem>>, vector<16xf32>,
        %parallel_loop3A_690 = arith.index_cast %parallel_loop3A_599 : i32 to index
        %parallel_loop3A_691 = arith.constant 48 : index
        %parallel_loop3A_692 = tpu.vector_load %arg12[%parallel_loop3A_690, %parallel_loop3A_691] {strides = array<i32>} : memref<32x768xf32, #tpu.memory_space<vmem>>, vector<16xf32>,
        %parallel_loop3A_693 = arith.subf %parallel_loop3A_692, %parallel_loop3A_617 : vector<16xf32>
        %parallel_loop3A_694 = arith.mulf %parallel_loop3A_693, %parallel_loop3A_653 : vector<16xf32>
        %parallel_loop3A_695 = arith.mulf %parallel_loop3A_694, %get3A_107 : vector<16xf32>
        %parallel_loop3A_696 = arith.addf %parallel_loop3A_695, %get3A_131 : vector<16xf32>
        %parallel_loop3A_697 = arith.index_cast %parallel_loop3A_599 : i32 to index
        %parallel_loop3A_698 = arith.constant 48 : index
        %parallel_loop3A_699 = tpu.vector_load %arg12[%parallel_loop3A_697, %parallel_loop3A_698] {strides = array<i32>} : memref<32x768xf32, #tpu.memory_space<vmem>>, vector<16xf32>,
        tpu.vector_store %arg12[%parallel_loop3A_697, %parallel_loop3A_698], %parallel_loop3A_696 {strides = array<i32>} : memref<32x768xf32, #tpu.memory_space<vmem>>, vector<16xf32>,
        %parallel_loop3A_700 = arith.index_cast %parallel_loop3A_599 : i32 to index
        %parallel_loop3A_701 = arith.constant 64 : index
        %parallel_loop3A_702 = tpu.vector_load %arg12[%parallel_loop3A_700, %parallel_loop3A_701] {strides = array<i32>} : memref<32x768xf32, #tpu.memory_space<vmem>>, vector<16xf32>,
        %parallel_loop3A_703 = arith.subf %parallel_loop3A_702, %parallel_loop3A_617 : vector<16xf32>
        %parallel_loop3A_704 = arith.mulf %parallel_loop3A_703, %parallel_loop3A_653 : vector<16xf32>
        %parallel_loop3A_705 = arith.mulf %parallel_loop3A_704, %get3A_109 : vector<16xf32>
        %parallel_loop3A_706 = arith.addf %parallel_loop3A_705, %get3A_133 : vector<16xf32>
        %parallel_loop3A_707 = arith.index_cast %parallel_loop3A_599 : i32 to index
        %parallel_loop3A_708 = arith.constant 64 : index
        %parallel_loop3A_709 = tpu.vector_load %arg12[%parallel_loop3A_707, %parallel_loop3A_708] {strides = array<i32>} : memref<32x768xf32, #tpu.memory_space<vmem>>, vector<16xf32>,
        tpu.vector_store %arg12[%parallel_loop3A_707, %parallel_loop3A_708], %parallel_loop3A_706 {strides = array<i32>} : memref<32x768xf32, #tpu.memory_space<vmem>>, vector<16xf32>,
        %parallel_loop3A_710 = arith.index_cast %parallel_loop3A_599 : i32 to index
        %parallel_loop3A_711 = arith.constant 80 : index
        %parallel_loop3A_712 = tpu.vector_load %arg12[%parallel_loop3A_710, %parallel_loop3A_711] {strides = array<i32>} : memref<32x768xf32, #tpu.memory_space<vmem>>, vector<16xf32>,
        %parallel_loop3A_713 = arith.subf %parallel_loop3A_712, %parallel_loop3A_617 : vector<16xf32>
        %parallel_loop3A_714 = arith.mulf %parallel_loop3A_713, %parallel_loop3A_653 : vector<16xf32>
        %parallel_loop3A_715 = arith.mulf %parallel_loop3A_714, %get3A_111 : vector<16xf32>
        %parallel_loop3A_716 = arith.addf %parallel_loop3A_715, %get3A_135 : vector<16xf32>
        %parallel_loop3A_717 = arith.index_cast %parallel_loop3A_599 : i32 to index
        %parallel_loop3A_718 = arith.constant 80 : index
        %parallel_loop3A_719 = tpu.vector_load %arg12[%parallel_loop3A_717, %parallel_loop3A_718] {strides = array<i32>} : memref<32x768xf32, #tpu.memory_space<vmem>>, vector<16xf32>,
        tpu.vector_store %arg12[%parallel_loop3A_717, %parallel_loop3A_718], %parallel_loop3A_716 {strides = array<i32>} : memref<32x768xf32, #tpu.memory_space<vmem>>, vector<16xf32>,
        %parallel_loop3A_720 = arith.index_cast %parallel_loop3A_599 : i32 to index
        %parallel_loop3A_721 = arith.constant 96 : index
        %parallel_loop3A_722 = tpu.vector_load %arg12[%parallel_loop3A_720, %parallel_loop3A_721] {strides = array<i32>} : memref<32x768xf32, #tpu.memory_space<vmem>>, vector<16xf32>,
        %parallel_loop3A_723 = arith.subf %parallel_loop3A_722, %parallel_loop3A_617 : vector<16xf32>
        %parallel_loop3A_724 = arith.mulf %parallel_loop3A_723, %parallel_loop3A_653 : vector<16xf32>
        %parallel_loop3A_725 = arith.mulf %parallel_loop3A_724, %get3A_113 : vector<16xf32>
        %parallel_loop3A_726 = arith.addf %parallel_loop3A_725, %get3A_137 : vector<16xf32>
        %parallel_loop3A_727 = arith.index_cast %parallel_loop3A_599 : i32 to index
        %parallel_loop3A_728 = arith.constant 96 : index
        %parallel_loop3A_729 = tpu.vector_load %arg12[%parallel_loop3A_727, %parallel_loop3A_728] {strides = array<i32>} : memref<32x768xf32, #tpu.memory_space<vmem>>, vector<16xf32>,
        tpu.vector_store %arg12[%parallel_loop3A_727, %parallel_loop3A_728], %parallel_loop3A_726 {strides = array<i32>} : memref<32x768xf32, #tpu.memory_space<vmem>>, vector<16xf32>,
        %parallel_loop3A_730 = arith.index_cast %parallel_loop3A_599 : i32 to index
        %parallel_loop3A_731 = arith.constant 112 : index
        %parallel_loop3A_732 = tpu.vector_load %arg12[%parallel_loop3A_730, %parallel_loop3A_731] {strides = array<i32>} : memref<32x768xf32, #tpu.memory_space<vmem>>, vector<16xf32>,
        %parallel_loop3A_733 = arith.subf %parallel_loop3A_732, %parallel_loop3A_617 : vector<16xf32>
        %parallel_loop3A_734 = arith.mulf %parallel_loop3A_733, %parallel_loop3A_653 : vector<16xf32>
        %parallel_loop3A_735 = arith.mulf %parallel_loop3A_734, %get3A_115 : vector<16xf32>
        %parallel_loop3A_736 = arith.addf %parallel_loop3A_735, %get3A_139 : vector<16xf32>
        %parallel_loop3A_737 = arith.index_cast %parallel_loop3A_599 : i32 to index
        %parallel_loop3A_738 = arith.constant 112 : index
        %parallel_loop3A_739 = tpu.vector_load %arg12[%parallel_loop3A_737, %parallel_loop3A_738] {strides = array<i32>} : memref<32x768xf32, #tpu.memory_space<vmem>>, vector<16xf32>,
        tpu.vector_store %arg12[%parallel_loop3A_737, %parallel_loop3A_738], %parallel_loop3A_736 {strides = array<i32>} : memref<32x768xf32, #tpu.memory_space<vmem>>, vector<16xf32>,
        %parallel_loop3A_740 = arith.index_cast %parallel_loop3A_599 : i32 to index
        %parallel_loop3A_741 = arith.constant 128 : index
        %parallel_loop3A_742 = tpu.vector_load %arg12[%parallel_loop3A_740, %parallel_loop3A_741] {strides = array<i32>} : memref<32x768xf32, #tpu.memory_space<vmem>>, vector<16xf32>,
        %parallel_loop3A_743 = arith.subf %parallel_loop3A_742, %parallel_loop3A_617 : vector<16xf32>
        %parallel_loop3A_744 = arith.mulf %parallel_loop3A_743, %parallel_loop3A_653 : vector<16xf32>
        %parallel_loop3A_745 = arith.mulf %parallel_loop3A_744, %get3A_117 : vector<16xf32>
        %parallel_loop3A_746 = arith.addf %parallel_loop3A_745, %get3A_141 : vector<16xf32>
        %parallel_loop3A_747 = arith.index_cast %parallel_loop3A_599 : i32 to index
        %parallel_loop3A_748 = arith.constant 128 : index
        %parallel_loop3A_749 = tpu.vector_load %arg12[%parallel_loop3A_747, %parallel_loop3A_748] {strides = array<i32>} : memref<32x768xf32, #tpu.memory_space<vmem>>, vector<16xf32>,
        tpu.vector_store %arg12[%parallel_loop3A_747, %parallel_loop3A_748], %parallel_loop3A_746 {strides = array<i32>} : memref<32x768xf32, #tpu.memory_space<vmem>>, vector<16xf32>,
        %parallel_loop3A_750 = arith.index_cast %parallel_loop3A_599 : i32 to index
        %parallel_loop3A_751 = arith.constant 144 : index
        %parallel_loop3A_752 = tpu.vector_load %arg12[%parallel_loop3A_750, %parallel_loop3A_751] {strides = array<i32>} : memref<32x768xf32, #tpu.memory_space<vmem>>, vector<16xf32>,
        %parallel_loop3A_753 = arith.subf %parallel_loop3A_752, %parallel_loop3A_617 : vector<16xf32>
        %parallel_loop3A_754 = arith.mulf %parallel_loop3A_753, %parallel_loop3A_653 : vector<16xf32>
        %parallel_loop3A_755 = arith.mulf %parallel_loop3A_754, %get3A_119 : vector<16xf32>
        %parallel_loop3A_756 = arith.addf %parallel_loop3A_755, %get3A_143 : vector<16xf32>
        %parallel_loop3A_757 = arith.index_cast %parallel_loop3A_599 : i32 to index
        %parallel_loop3A_758 = arith.constant 144 : index
        %parallel_loop3A_759 = tpu.vector_load %arg12[%parallel_loop3A_757, %parallel_loop3A_758] {strides = array<i32>} : memref<32x768xf32, #tpu.memory_space<vmem>>, vector<16xf32>,
        tpu.vector_store %arg12[%parallel_loop3A_757, %parallel_loop3A_758], %parallel_loop3A_756 {strides = array<i32>} : memref<32x768xf32, #tpu.memory_space<vmem>>, vector<16xf32>,
        %parallel_loop3A_760 = arith.index_cast %parallel_loop3A_599 : i32 to index
        %parallel_loop3A_761 = arith.constant 160 : index
        %parallel_loop3A_762 = tpu.vector_load %arg12[%parallel_loop3A_760, %parallel_loop3A_761] {strides = array<i32>} : memref<32x768xf32, #tpu.memory_space<vmem>>, vector<16xf32>,
        %parallel_loop3A_763 = arith.subf %parallel_loop3A_762, %parallel_loop3A_617 : vector<16xf32>
        %parallel_loop3A_764 = arith.mulf %parallel_loop3A_763, %parallel_loop3A_653 : vector<16xf32>
        %parallel_loop3A_765 = arith.mulf %parallel_loop3A_764, %get3A_121 : vector<16xf32>
        %parallel_loop3A_766 = arith.addf %parallel_loop3A_765, %get3A_145 : vector<16xf32>
        %parallel_loop3A_767 = arith.index_cast %parallel_loop3A_599 : i32 to index
        %parallel_loop3A_768 = arith.constant 160 : index
        %parallel_loop3A_769 = tpu.vector_load %arg12[%parallel_loop3A_767, %parallel_loop3A_768] {strides = array<i32>} : memref<32x768xf32, #tpu.memory_space<vmem>>, vector<16xf32>,
        tpu.vector_store %arg12[%parallel_loop3A_767, %parallel_loop3A_768], %parallel_loop3A_766 {strides = array<i32>} : memref<32x768xf32, #tpu.memory_space<vmem>>, vector<16xf32>,
        %parallel_loop3A_770 = arith.index_cast %parallel_loop3A_599 : i32 to index
        %parallel_loop3A_771 = arith.constant 176 : index
        %parallel_loop3A_772 = tpu.vector_load %arg12[%parallel_loop3A_770, %parallel_loop3A_771] {strides = array<i32>} : memref<32x768xf32, #tpu.memory_space<vmem>>, vector<16xf32>,
        %parallel_loop3A_773 = arith.subf %parallel_loop3A_772, %parallel_loop3A_617 : vector<16xf32>
        %parallel_loop3A_774 = arith.mulf %parallel_loop3A_773, %parallel_loop3A_653 : vector<16xf32>
        %parallel_loop3A_775 = arith.mulf %parallel_loop3A_774, %get3A_123 : vector<16xf32>
        %parallel_loop3A_776 = arith.addf %parallel_loop3A_775, %get3A_147 : vector<16xf32>
        %parallel_loop3A_777 = arith.index_cast %parallel_loop3A_599 : i32 to index
        %parallel_loop3A_778 = arith.constant 176 : index
        %parallel_loop3A_779 = tpu.vector_load %arg12[%parallel_loop3A_777, %parallel_loop3A_778] {strides = array<i32>} : memref<32x768xf32, #tpu.memory_space<vmem>>, vector<16xf32>,
        tpu.vector_store %arg12[%parallel_loop3A_777, %parallel_loop3A_778], %parallel_loop3A_776 {strides = array<i32>} : memref<32x768xf32, #tpu.memory_space<vmem>>, vector<16xf32>,
      } {sc.loop_unroll_factor = 1 : i64, sc.parallel_access}
      %get3A_151 = arith.constant 192 : index
      %get3A_152 = tpu.vector_load %arg17[%get3A_151] {strides = array<i32>} : memref<768xf32, #tpu.memory_space<vmem>>, vector<16xf32>,
      %get3A_153 = arith.constant 208 : index
      %get3A_154 = tpu.vector_load %arg17[%get3A_153] {strides = array<i32>} : memref<768xf32, #tpu.memory_space<vmem>>, vector<16xf32>,
      %get3A_155 = arith.constant 224 : index
      %get3A_156 = tpu.vector_load %arg17[%get3A_155] {strides = array<i32>} : memref<768xf32, #tpu.memory_space<vmem>>, vector<16xf32>,
      %get3A_157 = arith.constant 240 : index
      %get3A_158 = tpu.vector_load %arg17[%get3A_157] {strides = array<i32>} : memref<768xf32, #tpu.memory_space<vmem>>, vector<16xf32>,
      %get3A_159 = arith.constant 256 : index
      %get3A_160 = tpu.vector_load %arg17[%get3A_159] {strides = array<i32>} : memref<768xf32, #tpu.memory_space<vmem>>, vector<16xf32>,
      %get3A_161 = arith.constant 272 : index
      %get3A_162 = tpu.vector_load %arg17[%get3A_161] {strides = array<i32>} : memref<768xf32, #tpu.memory_space<vmem>>, vector<16xf32>,
      %get3A_163 = arith.constant 288 : index
      %get3A_164 = tpu.vector_load %arg17[%get3A_163] {strides = array<i32>} : memref<768xf32, #tpu.memory_space<vmem>>, vector<16xf32>,
      %get3A_165 = arith.constant 304 : index
      %get3A_166 = tpu.vector_load %arg17[%get3A_165] {strides = array<i32>} : memref<768xf32, #tpu.memory_space<vmem>>, vector<16xf32>,
      %get3A_167 = arith.constant 320 : index
      %get3A_168 = tpu.vector_load %arg17[%get3A_167] {strides = array<i32>} : memref<768xf32, #tpu.memory_space<vmem>>, vector<16xf32>,
      %get3A_169 = arith.constant 336 : index
      %get3A_170 = tpu.vector_load %arg17[%get3A_169] {strides = array<i32>} : memref<768xf32, #tpu.memory_space<vmem>>, vector<16xf32>,
      %get3A_171 = arith.constant 352 : index
      %get3A_172 = tpu.vector_load %arg17[%get3A_171] {strides = array<i32>} : memref<768xf32, #tpu.memory_space<vmem>>, vector<16xf32>,
      %get3A_173 = arith.constant 368 : index
      %get3A_174 = tpu.vector_load %arg17[%get3A_173] {strides = array<i32>} : memref<768xf32, #tpu.memory_space<vmem>>, vector<16xf32>,
      %get3A_175 = arith.constant 192 : index
      %get3A_176 = tpu.vector_load %arg18[%get3A_175] {strides = array<i32>} : memref<768xf32, #tpu.memory_space<vmem>>, vector<16xf32>,
      %get3A_177 = arith.constant 208 : index
      %get3A_178 = tpu.vector_load %arg18[%get3A_177] {strides = array<i32>} : memref<768xf32, #tpu.memory_space<vmem>>, vector<16xf32>,
      %get3A_179 = arith.constant 224 : index
      %get3A_180 = tpu.vector_load %arg18[%get3A_179] {strides = array<i32>} : memref<768xf32, #tpu.memory_space<vmem>>, vector<16xf32>,
      %get3A_181 = arith.constant 240 : index
      %get3A_182 = tpu.vector_load %arg18[%get3A_181] {strides = array<i32>} : memref<768xf32, #tpu.memory_space<vmem>>, vector<16xf32>,
      %get3A_183 = arith.constant 256 : index
      %get3A_184 = tpu.vector_load %arg18[%get3A_183] {strides = array<i32>} : memref<768xf32, #tpu.memory_space<vmem>>, vector<16xf32>,
      %get3A_185 = arith.constant 272 : index
      %get3A_186 = tpu.vector_load %arg18[%get3A_185] {strides = array<i32>} : memref<768xf32, #tpu.memory_space<vmem>>, vector<16xf32>,
      %get3A_187 = arith.constant 288 : index
      %get3A_188 = tpu.vector_load %arg18[%get3A_187] {strides = array<i32>} : memref<768xf32, #tpu.memory_space<vmem>>, vector<16xf32>,
      %get3A_189 = arith.constant 304 : index
      %get3A_190 = tpu.vector_load %arg18[%get3A_189] {strides = array<i32>} : memref<768xf32, #tpu.memory_space<vmem>>, vector<16xf32>,
      %get3A_191 = arith.constant 320 : index
      %get3A_192 = tpu.vector_load %arg18[%get3A_191] {strides = array<i32>} : memref<768xf32, #tpu.memory_space<vmem>>, vector<16xf32>,
      %get3A_193 = arith.constant 336 : index
      %get3A_194 = tpu.vector_load %arg18[%get3A_193] {strides = array<i32>} : memref<768xf32, #tpu.memory_space<vmem>>, vector<16xf32>,
      %get3A_195 = arith.constant 352 : index
      %get3A_196 = tpu.vector_load %arg18[%get3A_195] {strides = array<i32>} : memref<768xf32, #tpu.memory_space<vmem>>, vector<16xf32>,
      %get3A_197 = arith.constant 368 : index
      %get3A_198 = tpu.vector_load %arg18[%get3A_197] {strides = array<i32>} : memref<768xf32, #tpu.memory_space<vmem>>, vector<16xf32>,
      %parallel_loop3A_199 = arith.constant 0 : i32
      %parallel_loop3A_200 = arith.constant 32 : i32
      %parallel_loop3A_201 = arith.constant 1 : i32
      scf.for %parallel_loop3A_599 = %parallel_loop3A_199 to %parallel_loop3A_200 step %parallel_loop3A_201  : i32 {
        %parallel_loop3A_600 = arith.index_cast %parallel_loop3A_599 : i32 to index
        %parallel_loop3A_601 = arith.constant 0 : index
        %parallel_loop3A_602 = tpu.vector_load %arg14[%parallel_loop3A_600, %parallel_loop3A_601] {strides = array<i32>} : memref<32x16xf32, #tpu.memory_space<vmem>>, vector<16xf32>,
        %parallel_loop3A_603 = arith.index_cast %parallel_loop3A_599 : i32 to index
        %parallel_loop3A_604 = arith.constant 0 : index
        %parallel_loop3A_605 = tpu.vector_load %arg15[%parallel_loop3A_603, %parallel_loop3A_604] {strides = array<i32>} : memref<32x16xf32, #tpu.memory_space<vmem>>, vector<16xf32>,
        %parallel_loop3A_606 = arith.index_cast %parallel_loop3A_599 : i32 to index
        %parallel_loop3A_607 = arith.constant 192 : index
        %parallel_loop3A_608 = tpu.vector_load %arg12[%parallel_loop3A_606, %parallel_loop3A_607] {strides = array<i32>} : memref<32x768xf32, #tpu.memory_space<vmem>>, vector<16xf32>,
        %parallel_loop3A_609 = arith.subf %parallel_loop3A_608, %parallel_loop3A_602 : vector<16xf32>
        %parallel_loop3A_610 = arith.mulf %parallel_loop3A_609, %parallel_loop3A_605 : vector<16xf32>
        %parallel_loop3A_611 = arith.mulf %parallel_loop3A_610, %get3A_152 : vector<16xf32>
        %parallel_loop3A_612 = arith.addf %parallel_loop3A_611, %get3A_176 : vector<16xf32>
        %parallel_loop3A_613 = arith.index_cast %parallel_loop3A_599 : i32 to index
        %parallel_loop3A_614 = arith.constant 192 : index
        %parallel_loop3A_615 = tpu.vector_load %arg12[%parallel_loop3A_613, %parallel_loop3A_614] {strides = array<i32>} : memref<32x768xf32, #tpu.memory_space<vmem>>, vector<16xf32>,
        tpu.vector_store %arg12[%parallel_loop3A_613, %parallel_loop3A_614], %parallel_loop3A_612 {strides = array<i32>} : memref<32x768xf32, #tpu.memory_space<vmem>>, vector<16xf32>,
        %parallel_loop3A_616 = arith.index_cast %parallel_loop3A_599 : i32 to index
        %parallel_loop3A_617 = arith.constant 208 : index
        %parallel_loop3A_618 = tpu.vector_load %arg12[%parallel_loop3A_616, %parallel_loop3A_617] {strides = array<i32>} : memref<32x768xf32, #tpu.memory_space<vmem>>, vector<16xf32>,
        %parallel_loop3A_619 = arith.subf %parallel_loop3A_618, %parallel_loop3A_602 : vector<16xf32>
        %parallel_loop3A_620 = arith.mulf %parallel_loop3A_619, %parallel_loop3A_605 : vector<16xf32>
        %parallel_loop3A_621 = arith.mulf %parallel_loop3A_620, %get3A_154 : vector<16xf32>
        %parallel_loop3A_622 = arith.addf %parallel_loop3A_621, %get3A_178 : vector<16xf32>
        %parallel_loop3A_623 = arith.index_cast %parallel_loop3A_599 : i32 to index
        %parallel_loop3A_624 = arith.constant 208 : index
        %parallel_loop3A_625 = tpu.vector_load %arg12[%parallel_loop3A_623, %parallel_loop3A_624] {strides = array<i32>} : memref<32x768xf32, #tpu.memory_space<vmem>>, vector<16xf32>,
        tpu.vector_store %arg12[%parallel_loop3A_623, %parallel_loop3A_624], %parallel_loop3A_622 {strides = array<i32>} : memref<32x768xf32, #tpu.memory_space<vmem>>, vector<16xf32>,
        %parallel_loop3A_626 = arith.index_cast %parallel_loop3A_599 : i32 to index
        %parallel_loop3A_627 = arith.constant 224 : index
        %parallel_loop3A_628 = tpu.vector_load %arg12[%parallel_loop3A_626, %parallel_loop3A_627] {strides = array<i32>} : memref<32x768xf32, #tpu.memory_space<vmem>>, vector<16xf32>,
        %parallel_loop3A_629 = arith.subf %parallel_loop3A_628, %parallel_loop3A_602 : vector<16xf32>
        %parallel_loop3A_630 = arith.mulf %parallel_loop3A_629, %parallel_loop3A_605 : vector<16xf32>
        %parallel_loop3A_631 = arith.mulf %parallel_loop3A_630, %get3A_156 : vector<16xf32>
        %parallel_loop3A_632 = arith.addf %parallel_loop3A_631, %get3A_180 : vector<16xf32>
        %parallel_loop3A_633 = arith.index_cast %parallel_loop3A_599 : i32 to index
        %parallel_loop3A_634 = arith.constant 224 : index
        %parallel_loop3A_635 = tpu.vector_load %arg12[%parallel_loop3A_633, %parallel_loop3A_634] {strides = array<i32>} : memref<32x768xf32, #tpu.memory_space<vmem>>, vector<16xf32>,
        tpu.vector_store %arg12[%parallel_loop3A_633, %parallel_loop3A_634], %parallel_loop3A_632 {strides = array<i32>} : memref<32x768xf32, #tpu.memory_space<vmem>>, vector<16xf32>,
        %parallel_loop3A_636 = arith.index_cast %parallel_loop3A_599 : i32 to index
        %parallel_loop3A_637 = arith.constant 240 : index
        %parallel_loop3A_638 = tpu.vector_load %arg12[%parallel_loop3A_636, %parallel_loop3A_637] {strides = array<i32>} : memref<32x768xf32, #tpu.memory_space<vmem>>, vector<16xf32>,
        %parallel_loop3A_639 = arith.subf %parallel_loop3A_638, %parallel_loop3A_602 : vector<16xf32>
        %parallel_loop3A_640 = arith.mulf %parallel_loop3A_639, %parallel_loop3A_605 : vector<16xf32>
        %parallel_loop3A_641 = arith.mulf %parallel_loop3A_640, %get3A_158 : vector<16xf32>
        %parallel_loop3A_642 = arith.addf %parallel_loop3A_641, %get3A_182 : vector<16xf32>
        %parallel_loop3A_643 = arith.index_cast %parallel_loop3A_599 : i32 to index
        %parallel_loop3A_644 = arith.constant 240 : index
        %parallel_loop3A_645 = tpu.vector_load %arg12[%parallel_loop3A_643, %parallel_loop3A_644] {strides = array<i32>} : memref<32x768xf32, #tpu.memory_space<vmem>>, vector<16xf32>,
        tpu.vector_store %arg12[%parallel_loop3A_643, %parallel_loop3A_644], %parallel_loop3A_642 {strides = array<i32>} : memref<32x768xf32, #tpu.memory_space<vmem>>, vector<16xf32>,
        %parallel_loop3A_646 = arith.index_cast %parallel_loop3A_599 : i32 to index
        %parallel_loop3A_647 = arith.constant 256 : index
        %parallel_loop3A_648 = tpu.vector_load %arg12[%parallel_loop3A_646, %parallel_loop3A_647] {strides = array<i32>} : memref<32x768xf32, #tpu.memory_space<vmem>>, vector<16xf32>,
        %parallel_loop3A_649 = arith.subf %parallel_loop3A_648, %parallel_loop3A_602 : vector<16xf32>
        %parallel_loop3A_650 = arith.mulf %parallel_loop3A_649, %parallel_loop3A_605 : vector<16xf32>
        %parallel_loop3A_651 = arith.mulf %parallel_loop3A_650, %get3A_160 : vector<16xf32>
        %parallel_loop3A_652 = arith.addf %parallel_loop3A_651, %get3A_184 : vector<16xf32>
        %parallel_loop3A_653 = arith.index_cast %parallel_loop3A_599 : i32 to index
        %parallel_loop3A_654 = arith.constant 256 : index
        %parallel_loop3A_655 = tpu.vector_load %arg12[%parallel_loop3A_653, %parallel_loop3A_654] {strides = array<i32>} : memref<32x768xf32, #tpu.memory_space<vmem>>, vector<16xf32>,
        tpu.vector_store %arg12[%parallel_loop3A_653, %parallel_loop3A_654], %parallel_loop3A_652 {strides = array<i32>} : memref<32x768xf32, #tpu.memory_space<vmem>>, vector<16xf32>,
        %parallel_loop3A_656 = arith.index_cast %parallel_loop3A_599 : i32 to index
        %parallel_loop3A_657 = arith.constant 272 : index
        %parallel_loop3A_658 = tpu.vector_load %arg12[%parallel_loop3A_656, %parallel_loop3A_657] {strides = array<i32>} : memref<32x768xf32, #tpu.memory_space<vmem>>, vector<16xf32>,
        %parallel_loop3A_659 = arith.subf %parallel_loop3A_658, %parallel_loop3A_602 : vector<16xf32>
        %parallel_loop3A_660 = arith.mulf %parallel_loop3A_659, %parallel_loop3A_605 : vector<16xf32>
        %parallel_loop3A_661 = arith.mulf %parallel_loop3A_660, %get3A_162 : vector<16xf32>
        %parallel_loop3A_662 = arith.addf %parallel_loop3A_661, %get3A_186 : vector<16xf32>
        %parallel_loop3A_663 = arith.index_cast %parallel_loop3A_599 : i32 to index
        %parallel_loop3A_664 = arith.constant 272 : index
        %parallel_loop3A_665 = tpu.vector_load %arg12[%parallel_loop3A_663, %parallel_loop3A_664] {strides = array<i32>} : memref<32x768xf32, #tpu.memory_space<vmem>>, vector<16xf32>,
        tpu.vector_store %arg12[%parallel_loop3A_663, %parallel_loop3A_664], %parallel_loop3A_662 {strides = array<i32>} : memref<32x768xf32, #tpu.memory_space<vmem>>, vector<16xf32>,
        %parallel_loop3A_666 = arith.index_cast %parallel_loop3A_599 : i32 to index
        %parallel_loop3A_667 = arith.constant 288 : index
        %parallel_loop3A_668 = tpu.vector_load %arg12[%parallel_loop3A_666, %parallel_loop3A_667] {strides = array<i32>} : memref<32x768xf32, #tpu.memory_space<vmem>>, vector<16xf32>,
        %parallel_loop3A_669 = arith.subf %parallel_loop3A_668, %parallel_loop3A_602 : vector<16xf32>
        %parallel_loop3A_670 = arith.mulf %parallel_loop3A_669, %parallel_loop3A_605 : vector<16xf32>
        %parallel_loop3A_671 = arith.mulf %parallel_loop3A_670, %get3A_164 : vector<16xf32>
        %parallel_loop3A_672 = arith.addf %parallel_loop3A_671, %get3A_188 : vector<16xf32>
        %parallel_loop3A_673 = arith.index_cast %parallel_loop3A_599 : i32 to index
        %parallel_loop3A_674 = arith.constant 288 : index
        %parallel_loop3A_675 = tpu.vector_load %arg12[%parallel_loop3A_673, %parallel_loop3A_674] {strides = array<i32>} : memref<32x768xf32, #tpu.memory_space<vmem>>, vector<16xf32>,
        tpu.vector_store %arg12[%parallel_loop3A_673, %parallel_loop3A_674], %parallel_loop3A_672 {strides = array<i32>} : memref<32x768xf32, #tpu.memory_space<vmem>>, vector<16xf32>,
        %parallel_loop3A_676 = arith.index_cast %parallel_loop3A_599 : i32 to index
        %parallel_loop3A_677 = arith.constant 304 : index
        %parallel_loop3A_678 = tpu.vector_load %arg12[%parallel_loop3A_676, %parallel_loop3A_677] {strides = array<i32>} : memref<32x768xf32, #tpu.memory_space<vmem>>, vector<16xf32>,
        %parallel_loop3A_679 = arith.subf %parallel_loop3A_678, %parallel_loop3A_602 : vector<16xf32>
        %parallel_loop3A_680 = arith.mulf %parallel_loop3A_679, %parallel_loop3A_605 : vector<16xf32>
        %parallel_loop3A_681 = arith.mulf %parallel_loop3A_680, %get3A_166 : vector<16xf32>
        %parallel_loop3A_682 = arith.addf %parallel_loop3A_681, %get3A_190 : vector<16xf32>
        %parallel_loop3A_683 = arith.index_cast %parallel_loop3A_599 : i32 to index
        %parallel_loop3A_684 = arith.constant 304 : index
        %parallel_loop3A_685 = tpu.vector_load %arg12[%parallel_loop3A_683, %parallel_loop3A_684] {strides = array<i32>} : memref<32x768xf32, #tpu.memory_space<vmem>>, vector<16xf32>,
        tpu.vector_store %arg12[%parallel_loop3A_683, %parallel_loop3A_684], %parallel_loop3A_682 {strides = array<i32>} : memref<32x768xf32, #tpu.memory_space<vmem>>, vector<16xf32>,
        %parallel_loop3A_686 = arith.index_cast %parallel_loop3A_599 : i32 to index
        %parallel_loop3A_687 = arith.constant 320 : index
        %parallel_loop3A_688 = tpu.vector_load %arg12[%parallel_loop3A_686, %parallel_loop3A_687] {strides = array<i32>} : memref<32x768xf32, #tpu.memory_space<vmem>>, vector<16xf32>,
        %parallel_loop3A_689 = arith.subf %parallel_loop3A_688, %parallel_loop3A_602 : vector<16xf32>
        %parallel_loop3A_690 = arith.mulf %parallel_loop3A_689, %parallel_loop3A_605 : vector<16xf32>
        %parallel_loop3A_691 = arith.mulf %parallel_loop3A_690, %get3A_168 : vector<16xf32>
        %parallel_loop3A_692 = arith.addf %parallel_loop3A_691, %get3A_192 : vector<16xf32>
        %parallel_loop3A_693 = arith.index_cast %parallel_loop3A_599 : i32 to index
        %parallel_loop3A_694 = arith.constant 320 : index
        %parallel_loop3A_695 = tpu.vector_load %arg12[%parallel_loop3A_693, %parallel_loop3A_694] {strides = array<i32>} : memref<32x768xf32, #tpu.memory_space<vmem>>, vector<16xf32>,
        tpu.vector_store %arg12[%parallel_loop3A_693, %parallel_loop3A_694], %parallel_loop3A_692 {strides = array<i32>} : memref<32x768xf32, #tpu.memory_space<vmem>>, vector<16xf32>,
        %parallel_loop3A_696 = arith.index_cast %parallel_loop3A_599 : i32 to index
        %parallel_loop3A_697 = arith.constant 336 : index
        %parallel_loop3A_698 = tpu.vector_load %arg12[%parallel_loop3A_696, %parallel_loop3A_697] {strides = array<i32>} : memref<32x768xf32, #tpu.memory_space<vmem>>, vector<16xf32>,
        %parallel_loop3A_699 = arith.subf %parallel_loop3A_698, %parallel_loop3A_602 : vector<16xf32>
        %parallel_loop3A_700 = arith.mulf %parallel_loop3A_699, %parallel_loop3A_605 : vector<16xf32>
        %parallel_loop3A_701 = arith.mulf %parallel_loop3A_700, %get3A_170 : vector<16xf32>
        %parallel_loop3A_702 = arith.addf %parallel_loop3A_701, %get3A_194 : vector<16xf32>
        %parallel_loop3A_703 = arith.index_cast %parallel_loop3A_599 : i32 to index
        %parallel_loop3A_704 = arith.constant 336 : index
        %parallel_loop3A_705 = tpu.vector_load %arg12[%parallel_loop3A_703, %parallel_loop3A_704] {strides = array<i32>} : memref<32x768xf32, #tpu.memory_space<vmem>>, vector<16xf32>,
        tpu.vector_store %arg12[%parallel_loop3A_703, %parallel_loop3A_704], %parallel_loop3A_702 {strides = array<i32>} : memref<32x768xf32, #tpu.memory_space<vmem>>, vector<16xf32>,
        %parallel_loop3A_706 = arith.index_cast %parallel_loop3A_599 : i32 to index
        %parallel_loop3A_707 = arith.constant 352 : index
        %parallel_loop3A_708 = tpu.vector_load %arg12[%parallel_loop3A_706, %parallel_loop3A_707] {strides = array<i32>} : memref<32x768xf32, #tpu.memory_space<vmem>>, vector<16xf32>,
        %parallel_loop3A_709 = arith.subf %parallel_loop3A_708, %parallel_loop3A_602 : vector<16xf32>
        %parallel_loop3A_710 = arith.mulf %parallel_loop3A_709, %parallel_loop3A_605 : vector<16xf32>
        %parallel_loop3A_711 = arith.mulf %parallel_loop3A_710, %get3A_172 : vector<16xf32>
        %parallel_loop3A_712 = arith.addf %parallel_loop3A_711, %get3A_196 : vector<16xf32>
        %parallel_loop3A_713 = arith.index_cast %parallel_loop3A_599 : i32 to index
        %parallel_loop3A_714 = arith.constant 352 : index
        %parallel_loop3A_715 = tpu.vector_load %arg12[%parallel_loop3A_713, %parallel_loop3A_714] {strides = array<i32>} : memref<32x768xf32, #tpu.memory_space<vmem>>, vector<16xf32>,
        tpu.vector_store %arg12[%parallel_loop3A_713, %parallel_loop3A_714], %parallel_loop3A_712 {strides = array<i32>} : memref<32x768xf32, #tpu.memory_space<vmem>>, vector<16xf32>,
        %parallel_loop3A_716 = arith.index_cast %parallel_loop3A_599 : i32 to index
        %parallel_loop3A_717 = arith.constant 368 : index
        %parallel_loop3A_718 = tpu.vector_load %arg12[%parallel_loop3A_716, %parallel_loop3A_717] {strides = array<i32>} : memref<32x768xf32, #tpu.memory_space<vmem>>, vector<16xf32>,
        %parallel_loop3A_719 = arith.subf %parallel_loop3A_718, %parallel_loop3A_602 : vector<16xf32>
        %parallel_loop3A_720 = arith.mulf %parallel_loop3A_719, %parallel_loop3A_605 : vector<16xf32>
        %parallel_loop3A_721 = arith.mulf %parallel_loop3A_720, %get3A_174 : vector<16xf32>
        %parallel_loop3A_722 = arith.addf %parallel_loop3A_721, %get3A_198 : vector<16xf32>
        %parallel_loop3A_723 = arith.index_cast %parallel_loop3A_599 : i32 to index
        %parallel_loop3A_724 = arith.constant 368 : index
        %parallel_loop3A_725 = tpu.vector_load %arg12[%parallel_loop3A_723, %parallel_loop3A_724] {strides = array<i32>} : memref<32x768xf32, #tpu.memory_space<vmem>>, vector<16xf32>,
        tpu.vector_store %arg12[%parallel_loop3A_723, %parallel_loop3A_724], %parallel_loop3A_722 {strides = array<i32>} : memref<32x768xf32, #tpu.memory_space<vmem>>, vector<16xf32>,
      } {sc.loop_unroll_factor = 1 : i64, sc.parallel_access}
      %get3A_202 = arith.constant 384 : index
      %get3A_203 = tpu.vector_load %arg17[%get3A_202] {strides = array<i32>} : memref<768xf32, #tpu.memory_space<vmem>>, vector<16xf32>,
      %get3A_204 = arith.constant 400 : index
      %get3A_205 = tpu.vector_load %arg17[%get3A_204] {strides = array<i32>} : memref<768xf32, #tpu.memory_space<vmem>>, vector<16xf32>,
      %get3A_206 = arith.constant 416 : index
      %get3A_207 = tpu.vector_load %arg17[%get3A_206] {strides = array<i32>} : memref<768xf32, #tpu.memory_space<vmem>>, vector<16xf32>,
      %get3A_208 = arith.constant 432 : index
      %get3A_209 = tpu.vector_load %arg17[%get3A_208] {strides = array<i32>} : memref<768xf32, #tpu.memory_space<vmem>>, vector<16xf32>,
      %get3A_210 = arith.constant 448 : index
      %get3A_211 = tpu.vector_load %arg17[%get3A_210] {strides = array<i32>} : memref<768xf32, #tpu.memory_space<vmem>>, vector<16xf32>,
      %get3A_212 = arith.constant 464 : index
      %get3A_213 = tpu.vector_load %arg17[%get3A_212] {strides = array<i32>} : memref<768xf32, #tpu.memory_space<vmem>>, vector<16xf32>,
      %get3A_214 = arith.constant 480 : index
      %get3A_215 = tpu.vector_load %arg17[%get3A_214] {strides = array<i32>} : memref<768xf32, #tpu.memory_space<vmem>>, vector<16xf32>,
      %get3A_216 = arith.constant 496 : index
      %get3A_217 = tpu.vector_load %arg17[%get3A_216] {strides = array<i32>} : memref<768xf32, #tpu.memory_space<vmem>>, vector<16xf32>,
      %get3A_218 = arith.constant 512 : index
      %get3A_219 = tpu.vector_load %arg17[%get3A_218] {strides = array<i32>} : memref<768xf32, #tpu.memory_space<vmem>>, vector<16xf32>,
      %get3A_220 = arith.constant 528 : index
      %get3A_221 = tpu.vector_load %arg17[%get3A_220] {strides = array<i32>} : memref<768xf32, #tpu.memory_space<vmem>>, vector<16xf32>,
      %get3A_222 = arith.constant 544 : index
      %get3A_223 = tpu.vector_load %arg17[%get3A_222] {strides = array<i32>} : memref<768xf32, #tpu.memory_space<vmem>>, vector<16xf32>,
      %get3A_224 = arith.constant 560 : index
      %get3A_225 = tpu.vector_load %arg17[%get3A_224] {strides = array<i32>} : memref<768xf32, #tpu.memory_space<vmem>>, vector<16xf32>,
      %get3A_226 = arith.constant 384 : index
      %get3A_227 = tpu.vector_load %arg18[%get3A_226] {strides = array<i32>} : memref<768xf32, #tpu.memory_space<vmem>>, vector<16xf32>,
      %get3A_228 = arith.constant 400 : index
      %get3A_229 = tpu.vector_load %arg18[%get3A_228] {strides = array<i32>} : memref<768xf32, #tpu.memory_space<vmem>>, vector<16xf32>,
      %get3A_230 = arith.constant 416 : index
      %get3A_231 = tpu.vector_load %arg18[%get3A_230] {strides = array<i32>} : memref<768xf32, #tpu.memory_space<vmem>>, vector<16xf32>,
      %get3A_232 = arith.constant 432 : index
      %get3A_233 = tpu.vector_load %arg18[%get3A_232] {strides = array<i32>} : memref<768xf32, #tpu.memory_space<vmem>>, vector<16xf32>,
      %get3A_234 = arith.constant 448 : index
      %get3A_235 = tpu.vector_load %arg18[%get3A_234] {strides = array<i32>} : memref<768xf32, #tpu.memory_space<vmem>>, vector<16xf32>,
      %get3A_236 = arith.constant 464 : index
      %get3A_237 = tpu.vector_load %arg18[%get3A_236] {strides = array<i32>} : memref<768xf32, #tpu.memory_space<vmem>>, vector<16xf32>,
      %get3A_238 = arith.constant 480 : index
      %get3A_239 = tpu.vector_load %arg18[%get3A_238] {strides = array<i32>} : memref<768xf32, #tpu.memory_space<vmem>>, vector<16xf32>,
      %get3A_240 = arith.constant 496 : index
      %get3A_241 = tpu.vector_load %arg18[%get3A_240] {strides = array<i32>} : memref<768xf32, #tpu.memory_space<vmem>>, vector<16xf32>,
      %get3A_242 = arith.constant 512 : index
      %get3A_243 = tpu.vector_load %arg18[%get3A_242] {strides = array<i32>} : memref<768xf32, #tpu.memory_space<vmem>>, vector<16xf32>,
      %get3A_244 = arith.constant 528 : index
      %get3A_245 = tpu.vector_load %arg18[%get3A_244] {strides = array<i32>} : memref<768xf32, #tpu.memory_space<vmem>>, vector<16xf32>,
      %get3A_246 = arith.constant 544 : index
      %get3A_247 = tpu.vector_load %arg18[%get3A_246] {strides = array<i32>} : memref<768xf32, #tpu.memory_space<vmem>>, vector<16xf32>,
      %get3A_248 = arith.constant 560 : index
      %get3A_249 = tpu.vector_load %arg18[%get3A_248] {strides = array<i32>} : memref<768xf32, #tpu.memory_space<vmem>>, vector<16xf32>,
      %parallel_loop3A_250 = arith.constant 0 : i32
      %parallel_loop3A_251 = arith.constant 32 : i32
      %parallel_loop3A_252 = arith.constant 1 : i32
      scf.for %parallel_loop3A_599 = %parallel_loop3A_250 to %parallel_loop3A_251 step %parallel_loop3A_252  : i32 {
        %parallel_loop3A_600 = arith.index_cast %parallel_loop3A_599 : i32 to index
        %parallel_loop3A_601 = arith.constant 0 : index
        %parallel_loop3A_602 = tpu.vector_load %arg14[%parallel_loop3A_600, %parallel_loop3A_601] {strides = array<i32>} : memref<32x16xf32, #tpu.memory_space<vmem>>, vector<16xf32>,
        %parallel_loop3A_603 = arith.index_cast %parallel_loop3A_599 : i32 to index
        %parallel_loop3A_604 = arith.constant 0 : index
        %parallel_loop3A_605 = tpu.vector_load %arg15[%parallel_loop3A_603, %parallel_loop3A_604] {strides = array<i32>} : memref<32x16xf32, #tpu.memory_space<vmem>>, vector<16xf32>,
        %parallel_loop3A_606 = arith.index_cast %parallel_loop3A_599 : i32 to index
        %parallel_loop3A_607 = arith.constant 384 : index
        %parallel_loop3A_608 = tpu.vector_load %arg12[%parallel_loop3A_606, %parallel_loop3A_607] {strides = array<i32>} : memref<32x768xf32, #tpu.memory_space<vmem>>, vector<16xf32>,
        %parallel_loop3A_609 = arith.subf %parallel_loop3A_608, %parallel_loop3A_602 : vector<16xf32>
        %parallel_loop3A_610 = arith.mulf %parallel_loop3A_609, %parallel_loop3A_605 : vector<16xf32>
        %parallel_loop3A_611 = arith.mulf %parallel_loop3A_610, %get3A_203 : vector<16xf32>
        %parallel_loop3A_612 = arith.addf %parallel_loop3A_611, %get3A_227 : vector<16xf32>
        %parallel_loop3A_613 = arith.index_cast %parallel_loop3A_599 : i32 to index
        %parallel_loop3A_614 = arith.constant 384 : index
        %parallel_loop3A_615 = tpu.vector_load %arg12[%parallel_loop3A_613, %parallel_loop3A_614] {strides = array<i32>} : memref<32x768xf32, #tpu.memory_space<vmem>>, vector<16xf32>,
        tpu.vector_store %arg12[%parallel_loop3A_613, %parallel_loop3A_614], %parallel_loop3A_612 {strides = array<i32>} : memref<32x768xf32, #tpu.memory_space<vmem>>, vector<16xf32>,
        %parallel_loop3A_616 = arith.index_cast %parallel_loop3A_599 : i32 to index
        %parallel_loop3A_617 = arith.constant 400 : index
        %parallel_loop3A_618 = tpu.vector_load %arg12[%parallel_loop3A_616, %parallel_loop3A_617] {strides = array<i32>} : memref<32x768xf32, #tpu.memory_space<vmem>>, vector<16xf32>,
        %parallel_loop3A_619 = arith.subf %parallel_loop3A_618, %parallel_loop3A_602 : vector<16xf32>
        %parallel_loop3A_620 = arith.mulf %parallel_loop3A_619, %parallel_loop3A_605 : vector<16xf32>
        %parallel_loop3A_621 = arith.mulf %parallel_loop3A_620, %get3A_205 : vector<16xf32>
        %parallel_loop3A_622 = arith.addf %parallel_loop3A_621, %get3A_229 : vector<16xf32>
        %parallel_loop3A_623 = arith.index_cast %parallel_loop3A_599 : i32 to index
        %parallel_loop3A_624 = arith.constant 400 : index
        %parallel_loop3A_625 = tpu.vector_load %arg12[%parallel_loop3A_623, %parallel_loop3A_624] {strides = array<i32>} : memref<32x768xf32, #tpu.memory_space<vmem>>, vector<16xf32>,
        tpu.vector_store %arg12[%parallel_loop3A_623, %parallel_loop3A_624], %parallel_loop3A_622 {strides = array<i32>} : memref<32x768xf32, #tpu.memory_space<vmem>>, vector<16xf32>,
        %parallel_loop3A_626 = arith.index_cast %parallel_loop3A_599 : i32 to index
        %parallel_loop3A_627 = arith.constant 416 : index
        %parallel_loop3A_628 = tpu.vector_load %arg12[%parallel_loop3A_626, %parallel_loop3A_627] {strides = array<i32>} : memref<32x768xf32, #tpu.memory_space<vmem>>, vector<16xf32>,
        %parallel_loop3A_629 = arith.subf %parallel_loop3A_628, %parallel_loop3A_602 : vector<16xf32>
        %parallel_loop3A_630 = arith.mulf %parallel_loop3A_629, %parallel_loop3A_605 : vector<16xf32>
        %parallel_loop3A_631 = arith.mulf %parallel_loop3A_630, %get3A_207 : vector<16xf32>
        %parallel_loop3A_632 = arith.addf %parallel_loop3A_631, %get3A_231 : vector<16xf32>
        %parallel_loop3A_633 = arith.index_cast %parallel_loop3A_599 : i32 to index
        %parallel_loop3A_634 = arith.constant 416 : index
        %parallel_loop3A_635 = tpu.vector_load %arg12[%parallel_loop3A_633, %parallel_loop3A_634] {strides = array<i32>} : memref<32x768xf32, #tpu.memory_space<vmem>>, vector<16xf32>,
        tpu.vector_store %arg12[%parallel_loop3A_633, %parallel_loop3A_634], %parallel_loop3A_632 {strides = array<i32>} : memref<32x768xf32, #tpu.memory_space<vmem>>, vector<16xf32>,
        %parallel_loop3A_636 = arith.index_cast %parallel_loop3A_599 : i32 to index
        %parallel_loop3A_637 = arith.constant 432 : index
        %parallel_loop3A_638 = tpu.vector_load %arg12[%parallel_loop3A_636, %parallel_loop3A_637] {strides = array<i32>} : memref<32x768xf32, #tpu.memory_space<vmem>>, vector<16xf32>,
        %parallel_loop3A_639 = arith.subf %parallel_loop3A_638, %parallel_loop3A_602 : vector<16xf32>
        %parallel_loop3A_640 = arith.mulf %parallel_loop3A_639, %parallel_loop3A_605 : vector<16xf32>
        %parallel_loop3A_641 = arith.mulf %parallel_loop3A_640, %get3A_209 : vector<16xf32>
        %parallel_loop3A_642 = arith.addf %parallel_loop3A_641, %get3A_233 : vector<16xf32>
        %parallel_loop3A_643 = arith.index_cast %parallel_loop3A_599 : i32 to index
        %parallel_loop3A_644 = arith.constant 432 : index
        %parallel_loop3A_645 = tpu.vector_load %arg12[%parallel_loop3A_643, %parallel_loop3A_644] {strides = array<i32>} : memref<32x768xf32, #tpu.memory_space<vmem>>, vector<16xf32>,
        tpu.vector_store %arg12[%parallel_loop3A_643, %parallel_loop3A_644], %parallel_loop3A_642 {strides = array<i32>} : memref<32x768xf32, #tpu.memory_space<vmem>>, vector<16xf32>,
        %parallel_loop3A_646 = arith.index_cast %parallel_loop3A_599 : i32 to index
        %parallel_loop3A_647 = arith.constant 448 : index
        %parallel_loop3A_648 = tpu.vector_load %arg12[%parallel_loop3A_646, %parallel_loop3A_647] {strides = array<i32>} : memref<32x768xf32, #tpu.memory_space<vmem>>, vector<16xf32>,
        %parallel_loop3A_649 = arith.subf %parallel_loop3A_648, %parallel_loop3A_602 : vector<16xf32>
        %parallel_loop3A_650 = arith.mulf %parallel_loop3A_649, %parallel_loop3A_605 : vector<16xf32>
        %parallel_loop3A_651 = arith.mulf %parallel_loop3A_650, %get3A_211 : vector<16xf32>
        %parallel_loop3A_652 = arith.addf %parallel_loop3A_651, %get3A_235 : vector<16xf32>
        %parallel_loop3A_653 = arith.index_cast %parallel_loop3A_599 : i32 to index
        %parallel_loop3A_654 = arith.constant 448 : index
        %parallel_loop3A_655 = tpu.vector_load %arg12[%parallel_loop3A_653, %parallel_loop3A_654] {strides = array<i32>} : memref<32x768xf32, #tpu.memory_space<vmem>>, vector<16xf32>,
        tpu.vector_store %arg12[%parallel_loop3A_653, %parallel_loop3A_654], %parallel_loop3A_652 {strides = array<i32>} : memref<32x768xf32, #tpu.memory_space<vmem>>, vector<16xf32>,
        %parallel_loop3A_656 = arith.index_cast %parallel_loop3A_599 : i32 to index
        %parallel_loop3A_657 = arith.constant 464 : index
        %parallel_loop3A_658 = tpu.vector_load %arg12[%parallel_loop3A_656, %parallel_loop3A_657] {strides = array<i32>} : memref<32x768xf32, #tpu.memory_space<vmem>>, vector<16xf32>,
        %parallel_loop3A_659 = arith.subf %parallel_loop3A_658, %parallel_loop3A_602 : vector<16xf32>
        %parallel_loop3A_660 = arith.mulf %parallel_loop3A_659, %parallel_loop3A_605 : vector<16xf32>
        %parallel_loop3A_661 = arith.mulf %parallel_loop3A_660, %get3A_213 : vector<16xf32>
        %parallel_loop3A_662 = arith.addf %parallel_loop3A_661, %get3A_237 : vector<16xf32>
        %parallel_loop3A_663 = arith.index_cast %parallel_loop3A_599 : i32 to index
        %parallel_loop3A_664 = arith.constant 464 : index
        %parallel_loop3A_665 = tpu.vector_load %arg12[%parallel_loop3A_663, %parallel_loop3A_664] {strides = array<i32>} : memref<32x768xf32, #tpu.memory_space<vmem>>, vector<16xf32>,
        tpu.vector_store %arg12[%parallel_loop3A_663, %parallel_loop3A_664], %parallel_loop3A_662 {strides = array<i32>} : memref<32x768xf32, #tpu.memory_space<vmem>>, vector<16xf32>,
        %parallel_loop3A_666 = arith.index_cast %parallel_loop3A_599 : i32 to index
        %parallel_loop3A_667 = arith.constant 480 : index
        %parallel_loop3A_668 = tpu.vector_load %arg12[%parallel_loop3A_666, %parallel_loop3A_667] {strides = array<i32>} : memref<32x768xf32, #tpu.memory_space<vmem>>, vector<16xf32>,
        %parallel_loop3A_669 = arith.subf %parallel_loop3A_668, %parallel_loop3A_602 : vector<16xf32>
        %parallel_loop3A_670 = arith.mulf %parallel_loop3A_669, %parallel_loop3A_605 : vector<16xf32>
        %parallel_loop3A_671 = arith.mulf %parallel_loop3A_670, %get3A_215 : vector<16xf32>
        %parallel_loop3A_672 = arith.addf %parallel_loop3A_671, %get3A_239 : vector<16xf32>
        %parallel_loop3A_673 = arith.index_cast %parallel_loop3A_599 : i32 to index
        %parallel_loop3A_674 = arith.constant 480 : index
        %parallel_loop3A_675 = tpu.vector_load %arg12[%parallel_loop3A_673, %parallel_loop3A_674] {strides = array<i32>} : memref<32x768xf32, #tpu.memory_space<vmem>>, vector<16xf32>,
        tpu.vector_store %arg12[%parallel_loop3A_673, %parallel_loop3A_674], %parallel_loop3A_672 {strides = array<i32>} : memref<32x768xf32, #tpu.memory_space<vmem>>, vector<16xf32>,
        %parallel_loop3A_676 = arith.index_cast %parallel_loop3A_599 : i32 to index
        %parallel_loop3A_677 = arith.constant 496 : index
        %parallel_loop3A_678 = tpu.vector_load %arg12[%parallel_loop3A_676, %parallel_loop3A_677] {strides = array<i32>} : memref<32x768xf32, #tpu.memory_space<vmem>>, vector<16xf32>,
        %parallel_loop3A_679 = arith.subf %parallel_loop3A_678, %parallel_loop3A_602 : vector<16xf32>
        %parallel_loop3A_680 = arith.mulf %parallel_loop3A_679, %parallel_loop3A_605 : vector<16xf32>
        %parallel_loop3A_681 = arith.mulf %parallel_loop3A_680, %get3A_217 : vector<16xf32>
        %parallel_loop3A_682 = arith.addf %parallel_loop3A_681, %get3A_241 : vector<16xf32>
        %parallel_loop3A_683 = arith.index_cast %parallel_loop3A_599 : i32 to index
        %parallel_loop3A_684 = arith.constant 496 : index
        %parallel_loop3A_685 = tpu.vector_load %arg12[%parallel_loop3A_683, %parallel_loop3A_684] {strides = array<i32>} : memref<32x768xf32, #tpu.memory_space<vmem>>, vector<16xf32>,
        tpu.vector_store %arg12[%parallel_loop3A_683, %parallel_loop3A_684], %parallel_loop3A_682 {strides = array<i32>} : memref<32x768xf32, #tpu.memory_space<vmem>>, vector<16xf32>,
        %parallel_loop3A_686 = arith.index_cast %parallel_loop3A_599 : i32 to index
        %parallel_loop3A_687 = arith.constant 512 : index
        %parallel_loop3A_688 = tpu.vector_load %arg12[%parallel_loop3A_686, %parallel_loop3A_687] {strides = array<i32>} : memref<32x768xf32, #tpu.memory_space<vmem>>, vector<16xf32>,
        %parallel_loop3A_689 = arith.subf %parallel_loop3A_688, %parallel_loop3A_602 : vector<16xf32>
        %parallel_loop3A_690 = arith.mulf %parallel_loop3A_689, %parallel_loop3A_605 : vector<16xf32>
        %parallel_loop3A_691 = arith.mulf %parallel_loop3A_690, %get3A_219 : vector<16xf32>
        %parallel_loop3A_692 = arith.addf %parallel_loop3A_691, %get3A_243 : vector<16xf32>
        %parallel_loop3A_693 = arith.index_cast %parallel_loop3A_599 : i32 to index
        %parallel_loop3A_694 = arith.constant 512 : index
        %parallel_loop3A_695 = tpu.vector_load %arg12[%parallel_loop3A_693, %parallel_loop3A_694] {strides = array<i32>} : memref<32x768xf32, #tpu.memory_space<vmem>>, vector<16xf32>,
        tpu.vector_store %arg12[%parallel_loop3A_693, %parallel_loop3A_694], %parallel_loop3A_692 {strides = array<i32>} : memref<32x768xf32, #tpu.memory_space<vmem>>, vector<16xf32>,
        %parallel_loop3A_696 = arith.index_cast %parallel_loop3A_599 : i32 to index
        %parallel_loop3A_697 = arith.constant 528 : index
        %parallel_loop3A_698 = tpu.vector_load %arg12[%parallel_loop3A_696, %parallel_loop3A_697] {strides = array<i32>} : memref<32x768xf32, #tpu.memory_space<vmem>>, vector<16xf32>,
        %parallel_loop3A_699 = arith.subf %parallel_loop3A_698, %parallel_loop3A_602 : vector<16xf32>
        %parallel_loop3A_700 = arith.mulf %parallel_loop3A_699, %parallel_loop3A_605 : vector<16xf32>
        %parallel_loop3A_701 = arith.mulf %parallel_loop3A_700, %get3A_221 : vector<16xf32>
        %parallel_loop3A_702 = arith.addf %parallel_loop3A_701, %get3A_245 : vector<16xf32>
        %parallel_loop3A_703 = arith.index_cast %parallel_loop3A_599 : i32 to index
        %parallel_loop3A_704 = arith.constant 528 : index
        %parallel_loop3A_705 = tpu.vector_load %arg12[%parallel_loop3A_703, %parallel_loop3A_704] {strides = array<i32>} : memref<32x768xf32, #tpu.memory_space<vmem>>, vector<16xf32>,
        tpu.vector_store %arg12[%parallel_loop3A_703, %parallel_loop3A_704], %parallel_loop3A_702 {strides = array<i32>} : memref<32x768xf32, #tpu.memory_space<vmem>>, vector<16xf32>,
        %parallel_loop3A_706 = arith.index_cast %parallel_loop3A_599 : i32 to index
        %parallel_loop3A_707 = arith.constant 544 : index
        %parallel_loop3A_708 = tpu.vector_load %arg12[%parallel_loop3A_706, %parallel_loop3A_707] {strides = array<i32>} : memref<32x768xf32, #tpu.memory_space<vmem>>, vector<16xf32>,
        %parallel_loop3A_709 = arith.subf %parallel_loop3A_708, %parallel_loop3A_602 : vector<16xf32>
        %parallel_loop3A_710 = arith.mulf %parallel_loop3A_709, %parallel_loop3A_605 : vector<16xf32>
        %parallel_loop3A_711 = arith.mulf %parallel_loop3A_710, %get3A_223 : vector<16xf32>
        %parallel_loop3A_712 = arith.addf %parallel_loop3A_711, %get3A_247 : vector<16xf32>
        %parallel_loop3A_713 = arith.index_cast %parallel_loop3A_599 : i32 to index
        %parallel_loop3A_714 = arith.constant 544 : index
        %parallel_loop3A_715 = tpu.vector_load %arg12[%parallel_loop3A_713, %parallel_loop3A_714] {strides = array<i32>} : memref<32x768xf32, #tpu.memory_space<vmem>>, vector<16xf32>,
        tpu.vector_store %arg12[%parallel_loop3A_713, %parallel_loop3A_714], %parallel_loop3A_712 {strides = array<i32>} : memref<32x768xf32, #tpu.memory_space<vmem>>, vector<16xf32>,
        %parallel_loop3A_716 = arith.index_cast %parallel_loop3A_599 : i32 to index
        %parallel_loop3A_717 = arith.constant 560 : index
        %parallel_loop3A_718 = tpu.vector_load %arg12[%parallel_loop3A_716, %parallel_loop3A_717] {strides = array<i32>} : memref<32x768xf32, #tpu.memory_space<vmem>>, vector<16xf32>,
        %parallel_loop3A_719 = arith.subf %parallel_loop3A_718, %parallel_loop3A_602 : vector<16xf32>
        %parallel_loop3A_720 = arith.mulf %parallel_loop3A_719, %parallel_loop3A_605 : vector<16xf32>
        %parallel_loop3A_721 = arith.mulf %parallel_loop3A_720, %get3A_225 : vector<16xf32>
        %parallel_loop3A_722 = arith.addf %parallel_loop3A_721, %get3A_249 : vector<16xf32>
        %parallel_loop3A_723 = arith.index_cast %parallel_loop3A_599 : i32 to index
        %parallel_loop3A_724 = arith.constant 560 : index
        %parallel_loop3A_725 = tpu.vector_load %arg12[%parallel_loop3A_723, %parallel_loop3A_724] {strides = array<i32>} : memref<32x768xf32, #tpu.memory_space<vmem>>, vector<16xf32>,
        tpu.vector_store %arg12[%parallel_loop3A_723, %parallel_loop3A_724], %parallel_loop3A_722 {strides = array<i32>} : memref<32x768xf32, #tpu.memory_space<vmem>>, vector<16xf32>,
      } {sc.loop_unroll_factor = 1 : i64, sc.parallel_access}
      %get3A_253 = arith.constant 576 : index
      %get3A_254 = tpu.vector_load %arg17[%get3A_253] {strides = array<i32>} : memref<768xf32, #tpu.memory_space<vmem>>, vector<16xf32>,
      %get3A_255 = arith.constant 592 : index
      %get3A_256 = tpu.vector_load %arg17[%get3A_255] {strides = array<i32>} : memref<768xf32, #tpu.memory_space<vmem>>, vector<16xf32>,
      %get3A_257 = arith.constant 608 : index
      %get3A_258 = tpu.vector_load %arg17[%get3A_257] {strides = array<i32>} : memref<768xf32, #tpu.memory_space<vmem>>, vector<16xf32>,
      %get3A_259 = arith.constant 624 : index
      %get3A_260 = tpu.vector_load %arg17[%get3A_259] {strides = array<i32>} : memref<768xf32, #tpu.memory_space<vmem>>, vector<16xf32>,
      %get3A_261 = arith.constant 640 : index
      %get3A_262 = tpu.vector_load %arg17[%get3A_261] {strides = array<i32>} : memref<768xf32, #tpu.memory_space<vmem>>, vector<16xf32>,
      %get3A_263 = arith.constant 656 : index
      %get3A_264 = tpu.vector_load %arg17[%get3A_263] {strides = array<i32>} : memref<768xf32, #tpu.memory_space<vmem>>, vector<16xf32>,
      %get3A_265 = arith.constant 672 : index
      %get3A_266 = tpu.vector_load %arg17[%get3A_265] {strides = array<i32>} : memref<768xf32, #tpu.memory_space<vmem>>, vector<16xf32>,
      %get3A_267 = arith.constant 688 : index
      %get3A_268 = tpu.vector_load %arg17[%get3A_267] {strides = array<i32>} : memref<768xf32, #tpu.memory_space<vmem>>, vector<16xf32>,
      %get3A_269 = arith.constant 704 : index
      %get3A_270 = tpu.vector_load %arg17[%get3A_269] {strides = array<i32>} : memref<768xf32, #tpu.memory_space<vmem>>, vector<16xf32>,
      %get3A_271 = arith.constant 720 : index
      %get3A_272 = tpu.vector_load %arg17[%get3A_271] {strides = array<i32>} : memref<768xf32, #tpu.memory_space<vmem>>, vector<16xf32>,
      %get3A_273 = arith.constant 736 : index
      %get3A_274 = tpu.vector_load %arg17[%get3A_273] {strides = array<i32>} : memref<768xf32, #tpu.memory_space<vmem>>, vector<16xf32>,
      %get3A_275 = arith.constant 752 : index
      %get3A_276 = tpu.vector_load %arg17[%get3A_275] {strides = array<i32>} : memref<768xf32, #tpu.memory_space<vmem>>, vector<16xf32>,
      %get3A_277 = arith.constant 576 : index
      %get3A_278 = tpu.vector_load %arg18[%get3A_277] {strides = array<i32>} : memref<768xf32, #tpu.memory_space<vmem>>, vector<16xf32>,
      %get3A_279 = arith.constant 592 : index
      %get3A_280 = tpu.vector_load %arg18[%get3A_279] {strides = array<i32>} : memref<768xf32, #tpu.memory_space<vmem>>, vector<16xf32>,
      %get3A_281 = arith.constant 608 : index
      %get3A_282 = tpu.vector_load %arg18[%get3A_281] {strides = array<i32>} : memref<768xf32, #tpu.memory_space<vmem>>, vector<16xf32>,
      %get3A_283 = arith.constant 624 : index
      %get3A_284 = tpu.vector_load %arg18[%get3A_283] {strides = array<i32>} : memref<768xf32, #tpu.memory_space<vmem>>, vector<16xf32>,
      %get3A_285 = arith.constant 640 : index
      %get3A_286 = tpu.vector_load %arg18[%get3A_285] {strides = array<i32>} : memref<768xf32, #tpu.memory_space<vmem>>, vector<16xf32>,
      %get3A_287 = arith.constant 656 : index
      %get3A_288 = tpu.vector_load %arg18[%get3A_287] {strides = array<i32>} : memref<768xf32, #tpu.memory_space<vmem>>, vector<16xf32>,
      %get3A_289 = arith.constant 672 : index
      %get3A_290 = tpu.vector_load %arg18[%get3A_289] {strides = array<i32>} : memref<768xf32, #tpu.memory_space<vmem>>, vector<16xf32>,
      %get3A_291 = arith.constant 688 : index
      %get3A_292 = tpu.vector_load %arg18[%get3A_291] {strides = array<i32>} : memref<768xf32, #tpu.memory_space<vmem>>, vector<16xf32>,
      %get3A_293 = arith.constant 704 : index
      %get3A_294 = tpu.vector_load %arg18[%get3A_293] {strides = array<i32>} : memref<768xf32, #tpu.memory_space<vmem>>, vector<16xf32>,
      %get3A_295 = arith.constant 720 : index
      %get3A_296 = tpu.vector_load %arg18[%get3A_295] {strides = array<i32>} : memref<768xf32, #tpu.memory_space<vmem>>, vector<16xf32>,
      %get3A_297 = arith.constant 736 : index
      %get3A_298 = tpu.vector_load %arg18[%get3A_297] {strides = array<i32>} : memref<768xf32, #tpu.memory_space<vmem>>, vector<16xf32>,
      %get3A_299 = arith.constant 752 : index
      %get3A_300 = tpu.vector_load %arg18[%get3A_299] {strides = array<i32>} : memref<768xf32, #tpu.memory_space<vmem>>, vector<16xf32>,
      %parallel_loop3A_301 = arith.constant 0 : i32
      %parallel_loop3A_302 = arith.constant 32 : i32
      %parallel_loop3A_303 = arith.constant 1 : i32
      scf.for %parallel_loop3A_599 = %parallel_loop3A_301 to %parallel_loop3A_302 step %parallel_loop3A_303  : i32 {
        %parallel_loop3A_600 = arith.index_cast %parallel_loop3A_599 : i32 to index
        %parallel_loop3A_601 = arith.constant 0 : index
        %parallel_loop3A_602 = tpu.vector_load %arg14[%parallel_loop3A_600, %parallel_loop3A_601] {strides = array<i32>} : memref<32x16xf32, #tpu.memory_space<vmem>>, vector<16xf32>,
        %parallel_loop3A_603 = arith.index_cast %parallel_loop3A_599 : i32 to index
        %parallel_loop3A_604 = arith.constant 0 : index
        %parallel_loop3A_605 = tpu.vector_load %arg15[%parallel_loop3A_603, %parallel_loop3A_604] {strides = array<i32>} : memref<32x16xf32, #tpu.memory_space<vmem>>, vector<16xf32>,
        %parallel_loop3A_606 = arith.index_cast %parallel_loop3A_599 : i32 to index
        %parallel_loop3A_607 = arith.constant 576 : index
        %parallel_loop3A_608 = tpu.vector_load %arg12[%parallel_loop3A_606, %parallel_loop3A_607] {strides = array<i32>} : memref<32x768xf32, #tpu.memory_space<vmem>>, vector<16xf32>,
        %parallel_loop3A_609 = arith.subf %parallel_loop3A_608, %parallel_loop3A_602 : vector<16xf32>
        %parallel_loop3A_610 = arith.mulf %parallel_loop3A_609, %parallel_loop3A_605 : vector<16xf32>
        %parallel_loop3A_611 = arith.mulf %parallel_loop3A_610, %get3A_254 : vector<16xf32>
        %parallel_loop3A_612 = arith.addf %parallel_loop3A_611, %get3A_278 : vector<16xf32>
        %parallel_loop3A_613 = arith.index_cast %parallel_loop3A_599 : i32 to index
        %parallel_loop3A_614 = arith.constant 576 : index
        %parallel_loop3A_615 = tpu.vector_load %arg12[%parallel_loop3A_613, %parallel_loop3A_614] {strides = array<i32>} : memref<32x768xf32, #tpu.memory_space<vmem>>, vector<16xf32>,
        tpu.vector_store %arg12[%parallel_loop3A_613, %parallel_loop3A_614], %parallel_loop3A_612 {strides = array<i32>} : memref<32x768xf32, #tpu.memory_space<vmem>>, vector<16xf32>,
        %parallel_loop3A_616 = arith.index_cast %parallel_loop3A_599 : i32 to index
        %parallel_loop3A_617 = arith.constant 592 : index
        %parallel_loop3A_618 = tpu.vector_load %arg12[%parallel_loop3A_616, %parallel_loop3A_617] {strides = array<i32>} : memref<32x768xf32, #tpu.memory_space<vmem>>, vector<16xf32>,
        %parallel_loop3A_619 = arith.subf %parallel_loop3A_618, %parallel_loop3A_602 : vector<16xf32>
        %parallel_loop3A_620 = arith.mulf %parallel_loop3A_619, %parallel_loop3A_605 : vector<16xf32>
        %parallel_loop3A_621 = arith.mulf %parallel_loop3A_620, %get3A_256 : vector<16xf32>
        %parallel_loop3A_622 = arith.addf %parallel_loop3A_621, %get3A_280 : vector<16xf32>
        %parallel_loop3A_623 = arith.index_cast %parallel_loop3A_599 : i32 to index
        %parallel_loop3A_624 = arith.constant 592 : index
        %parallel_loop3A_625 = tpu.vector_load %arg12[%parallel_loop3A_623, %parallel_loop3A_624] {strides = array<i32>} : memref<32x768xf32, #tpu.memory_space<vmem>>, vector<16xf32>,
        tpu.vector_store %arg12[%parallel_loop3A_623, %parallel_loop3A_624], %parallel_loop3A_622 {strides = array<i32>} : memref<32x768xf32, #tpu.memory_space<vmem>>, vector<16xf32>,
        %parallel_loop3A_626 = arith.index_cast %parallel_loop3A_599 : i32 to index
        %parallel_loop3A_627 = arith.constant 608 : index
        %parallel_loop3A_628 = tpu.vector_load %arg12[%parallel_loop3A_626, %parallel_loop3A_627] {strides = array<i32>} : memref<32x768xf32, #tpu.memory_space<vmem>>, vector<16xf32>,
        %parallel_loop3A_629 = arith.subf %parallel_loop3A_628, %parallel_loop3A_602 : vector<16xf32>
        %parallel_loop3A_630 = arith.mulf %parallel_loop3A_629, %parallel_loop3A_605 : vector<16xf32>
        %parallel_loop3A_631 = arith.mulf %parallel_loop3A_630, %get3A_258 : vector<16xf32>
        %parallel_loop3A_632 = arith.addf %parallel_loop3A_631, %get3A_282 : vector<16xf32>
        %parallel_loop3A_633 = arith.index_cast %parallel_loop3A_599 : i32 to index
        %parallel_loop3A_634 = arith.constant 608 : index
        %parallel_loop3A_635 = tpu.vector_load %arg12[%parallel_loop3A_633, %parallel_loop3A_634] {strides = array<i32>} : memref<32x768xf32, #tpu.memory_space<vmem>>, vector<16xf32>,
        tpu.vector_store %arg12[%parallel_loop3A_633, %parallel_loop3A_634], %parallel_loop3A_632 {strides = array<i32>} : memref<32x768xf32, #tpu.memory_space<vmem>>, vector<16xf32>,
        %parallel_loop3A_636 = arith.index_cast %parallel_loop3A_599 : i32 to index
        %parallel_loop3A_637 = arith.constant 624 : index
        %parallel_loop3A_638 = tpu.vector_load %arg12[%parallel_loop3A_636, %parallel_loop3A_637] {strides = array<i32>} : memref<32x768xf32, #tpu.memory_space<vmem>>, vector<16xf32>,
        %parallel_loop3A_639 = arith.subf %parallel_loop3A_638, %parallel_loop3A_602 : vector<16xf32>
        %parallel_loop3A_640 = arith.mulf %parallel_loop3A_639, %parallel_loop3A_605 : vector<16xf32>
        %parallel_loop3A_641 = arith.mulf %parallel_loop3A_640, %get3A_260 : vector<16xf32>
        %parallel_loop3A_642 = arith.addf %parallel_loop3A_641, %get3A_284 : vector<16xf32>
        %parallel_loop3A_643 = arith.index_cast %parallel_loop3A_599 : i32 to index
        %parallel_loop3A_644 = arith.constant 624 : index
        %parallel_loop3A_645 = tpu.vector_load %arg12[%parallel_loop3A_643, %parallel_loop3A_644] {strides = array<i32>} : memref<32x768xf32, #tpu.memory_space<vmem>>, vector<16xf32>,
        tpu.vector_store %arg12[%parallel_loop3A_643, %parallel_loop3A_644], %parallel_loop3A_642 {strides = array<i32>} : memref<32x768xf32, #tpu.memory_space<vmem>>, vector<16xf32>,
        %parallel_loop3A_646 = arith.index_cast %parallel_loop3A_599 : i32 to index
        %parallel_loop3A_647 = arith.constant 640 : index
        %parallel_loop3A_648 = tpu.vector_load %arg12[%parallel_loop3A_646, %parallel_loop3A_647] {strides = array<i32>} : memref<32x768xf32, #tpu.memory_space<vmem>>, vector<16xf32>,
        %parallel_loop3A_649 = arith.subf %parallel_loop3A_648, %parallel_loop3A_602 : vector<16xf32>
        %parallel_loop3A_650 = arith.mulf %parallel_loop3A_649, %parallel_loop3A_605 : vector<16xf32>
        %parallel_loop3A_651 = arith.mulf %parallel_loop3A_650, %get3A_262 : vector<16xf32>
        %parallel_loop3A_652 = arith.addf %parallel_loop3A_651, %get3A_286 : vector<16xf32>
        %parallel_loop3A_653 = arith.index_cast %parallel_loop3A_599 : i32 to index
        %parallel_loop3A_654 = arith.constant 640 : index
        %parallel_loop3A_655 = tpu.vector_load %arg12[%parallel_loop3A_653, %parallel_loop3A_654] {strides = array<i32>} : memref<32x768xf32, #tpu.memory_space<vmem>>, vector<16xf32>,
        tpu.vector_store %arg12[%parallel_loop3A_653, %parallel_loop3A_654], %parallel_loop3A_652 {strides = array<i32>} : memref<32x768xf32, #tpu.memory_space<vmem>>, vector<16xf32>,
        %parallel_loop3A_656 = arith.index_cast %parallel_loop3A_599 : i32 to index
        %parallel_loop3A_657 = arith.constant 656 : index
        %parallel_loop3A_658 = tpu.vector_load %arg12[%parallel_loop3A_656, %parallel_loop3A_657] {strides = array<i32>} : memref<32x768xf32, #tpu.memory_space<vmem>>, vector<16xf32>,
        %parallel_loop3A_659 = arith.subf %parallel_loop3A_658, %parallel_loop3A_602 : vector<16xf32>
        %parallel_loop3A_660 = arith.mulf %parallel_loop3A_659, %parallel_loop3A_605 : vector<16xf32>
        %parallel_loop3A_661 = arith.mulf %parallel_loop3A_660, %get3A_264 : vector<16xf32>
        %parallel_loop3A_662 = arith.addf %parallel_loop3A_661, %get3A_288 : vector<16xf32>
        %parallel_loop3A_663 = arith.index_cast %parallel_loop3A_599 : i32 to index
        %parallel_loop3A_664 = arith.constant 656 : index
        %parallel_loop3A_665 = tpu.vector_load %arg12[%parallel_loop3A_663, %parallel_loop3A_664] {strides = array<i32>} : memref<32x768xf32, #tpu.memory_space<vmem>>, vector<16xf32>,
        tpu.vector_store %arg12[%parallel_loop3A_663, %parallel_loop3A_664], %parallel_loop3A_662 {strides = array<i32>} : memref<32x768xf32, #tpu.memory_space<vmem>>, vector<16xf32>,
        %parallel_loop3A_666 = arith.index_cast %parallel_loop3A_599 : i32 to index
        %parallel_loop3A_667 = arith.constant 672 : index
        %parallel_loop3A_668 = tpu.vector_load %arg12[%parallel_loop3A_666, %parallel_loop3A_667] {strides = array<i32>} : memref<32x768xf32, #tpu.memory_space<vmem>>, vector<16xf32>,
        %parallel_loop3A_669 = arith.subf %parallel_loop3A_668, %parallel_loop3A_602 : vector<16xf32>
        %parallel_loop3A_670 = arith.mulf %parallel_loop3A_669, %parallel_loop3A_605 : vector<16xf32>
        %parallel_loop3A_671 = arith.mulf %parallel_loop3A_670, %get3A_266 : vector<16xf32>
        %parallel_loop3A_672 = arith.addf %parallel_loop3A_671, %get3A_290 : vector<16xf32>
        %parallel_loop3A_673 = arith.index_cast %parallel_loop3A_599 : i32 to index
        %parallel_loop3A_674 = arith.constant 672 : index
        %parallel_loop3A_675 = tpu.vector_load %arg12[%parallel_loop3A_673, %parallel_loop3A_674] {strides = array<i32>} : memref<32x768xf32, #tpu.memory_space<vmem>>, vector<16xf32>,
        tpu.vector_store %arg12[%parallel_loop3A_673, %parallel_loop3A_674], %parallel_loop3A_672 {strides = array<i32>} : memref<32x768xf32, #tpu.memory_space<vmem>>, vector<16xf32>,
        %parallel_loop3A_676 = arith.index_cast %parallel_loop3A_599 : i32 to index
        %parallel_loop3A_677 = arith.constant 688 : index
        %parallel_loop3A_678 = tpu.vector_load %arg12[%parallel_loop3A_676, %parallel_loop3A_677] {strides = array<i32>} : memref<32x768xf32, #tpu.memory_space<vmem>>, vector<16xf32>,
        %parallel_loop3A_679 = arith.subf %parallel_loop3A_678, %parallel_loop3A_602 : vector<16xf32>
        %parallel_loop3A_680 = arith.mulf %parallel_loop3A_679, %parallel_loop3A_605 : vector<16xf32>
        %parallel_loop3A_681 = arith.mulf %parallel_loop3A_680, %get3A_268 : vector<16xf32>
        %parallel_loop3A_682 = arith.addf %parallel_loop3A_681, %get3A_292 : vector<16xf32>
        %parallel_loop3A_683 = arith.index_cast %parallel_loop3A_599 : i32 to index
        %parallel_loop3A_684 = arith.constant 688 : index
        %parallel_loop3A_685 = tpu.vector_load %arg12[%parallel_loop3A_683, %parallel_loop3A_684] {strides = array<i32>} : memref<32x768xf32, #tpu.memory_space<vmem>>, vector<16xf32>,
        tpu.vector_store %arg12[%parallel_loop3A_683, %parallel_loop3A_684], %parallel_loop3A_682 {strides = array<i32>} : memref<32x768xf32, #tpu.memory_space<vmem>>, vector<16xf32>,
        %parallel_loop3A_686 = arith.index_cast %parallel_loop3A_599 : i32 to index
        %parallel_loop3A_687 = arith.constant 704 : index
        %parallel_loop3A_688 = tpu.vector_load %arg12[%parallel_loop3A_686, %parallel_loop3A_687] {strides = array<i32>} : memref<32x768xf32, #tpu.memory_space<vmem>>, vector<16xf32>,
        %parallel_loop3A_689 = arith.subf %parallel_loop3A_688, %parallel_loop3A_602 : vector<16xf32>
        %parallel_loop3A_690 = arith.mulf %parallel_loop3A_689, %parallel_loop3A_605 : vector<16xf32>
        %parallel_loop3A_691 = arith.mulf %parallel_loop3A_690, %get3A_270 : vector<16xf32>
        %parallel_loop3A_692 = arith.addf %parallel_loop3A_691, %get3A_294 : vector<16xf32>
        %parallel_loop3A_693 = arith.index_cast %parallel_loop3A_599 : i32 to index
        %parallel_loop3A_694 = arith.constant 704 : index
        %parallel_loop3A_695 = tpu.vector_load %arg12[%parallel_loop3A_693, %parallel_loop3A_694] {strides = array<i32>} : memref<32x768xf32, #tpu.memory_space<vmem>>, vector<16xf32>,
        tpu.vector_store %arg12[%parallel_loop3A_693, %parallel_loop3A_694], %parallel_loop3A_692 {strides = array<i32>} : memref<32x768xf32, #tpu.memory_space<vmem>>, vector<16xf32>,
        %parallel_loop3A_696 = arith.index_cast %parallel_loop3A_599 : i32 to index
        %parallel_loop3A_697 = arith.constant 720 : index
        %parallel_loop3A_698 = tpu.vector_load %arg12[%parallel_loop3A_696, %parallel_loop3A_697] {strides = array<i32>} : memref<32x768xf32, #tpu.memory_space<vmem>>, vector<16xf32>,
        %parallel_loop3A_699 = arith.subf %parallel_loop3A_698, %parallel_loop3A_602 : vector<16xf32>
        %parallel_loop3A_700 = arith.mulf %parallel_loop3A_699, %parallel_loop3A_605 : vector<16xf32>
        %parallel_loop3A_701 = arith.mulf %parallel_loop3A_700, %get3A_272 : vector<16xf32>
        %parallel_loop3A_702 = arith.addf %parallel_loop3A_701, %get3A_296 : vector<16xf32>
        %parallel_loop3A_703 = arith.index_cast %parallel_loop3A_599 : i32 to index
        %parallel_loop3A_704 = arith.constant 720 : index
        %parallel_loop3A_705 = tpu.vector_load %arg12[%parallel_loop3A_703, %parallel_loop3A_704] {strides = array<i32>} : memref<32x768xf32, #tpu.memory_space<vmem>>, vector<16xf32>,
        tpu.vector_store %arg12[%parallel_loop3A_703, %parallel_loop3A_704], %parallel_loop3A_702 {strides = array<i32>} : memref<32x768xf32, #tpu.memory_space<vmem>>, vector<16xf32>,
        %parallel_loop3A_706 = arith.index_cast %parallel_loop3A_599 : i32 to index
        %parallel_loop3A_707 = arith.constant 736 : index
        %parallel_loop3A_708 = tpu.vector_load %arg12[%parallel_loop3A_706, %parallel_loop3A_707] {strides = array<i32>} : memref<32x768xf32, #tpu.memory_space<vmem>>, vector<16xf32>,
        %parallel_loop3A_709 = arith.subf %parallel_loop3A_708, %parallel_loop3A_602 : vector<16xf32>
        %parallel_loop3A_710 = arith.mulf %parallel_loop3A_709, %parallel_loop3A_605 : vector<16xf32>
        %parallel_loop3A_711 = arith.mulf %parallel_loop3A_710, %get3A_274 : vector<16xf32>
        %parallel_loop3A_712 = arith.addf %parallel_loop3A_711, %get3A_298 : vector<16xf32>
        %parallel_loop3A_713 = arith.index_cast %parallel_loop3A_599 : i32 to index
        %parallel_loop3A_714 = arith.constant 736 : index
        %parallel_loop3A_715 = tpu.vector_load %arg12[%parallel_loop3A_713, %parallel_loop3A_714] {strides = array<i32>} : memref<32x768xf32, #tpu.memory_space<vmem>>, vector<16xf32>,
        tpu.vector_store %arg12[%parallel_loop3A_713, %parallel_loop3A_714], %parallel_loop3A_712 {strides = array<i32>} : memref<32x768xf32, #tpu.memory_space<vmem>>, vector<16xf32>,
        %parallel_loop3A_716 = arith.index_cast %parallel_loop3A_599 : i32 to index
        %parallel_loop3A_717 = arith.constant 752 : index
        %parallel_loop3A_718 = tpu.vector_load %arg12[%parallel_loop3A_716, %parallel_loop3A_717] {strides = array<i32>} : memref<32x768xf32, #tpu.memory_space<vmem>>, vector<16xf32>,
        %parallel_loop3A_719 = arith.subf %parallel_loop3A_718, %parallel_loop3A_602 : vector<16xf32>
        %parallel_loop3A_720 = arith.mulf %parallel_loop3A_719, %parallel_loop3A_605 : vector<16xf32>
        %parallel_loop3A_721 = arith.mulf %parallel_loop3A_720, %get3A_276 : vector<16xf32>
        %parallel_loop3A_722 = arith.addf %parallel_loop3A_721, %get3A_300 : vector<16xf32>
        %parallel_loop3A_723 = arith.index_cast %parallel_loop3A_599 : i32 to index
        %parallel_loop3A_724 = arith.constant 752 : index
        %parallel_loop3A_725 = tpu.vector_load %arg12[%parallel_loop3A_723, %parallel_loop3A_724] {strides = array<i32>} : memref<32x768xf32, #tpu.memory_space<vmem>>, vector<16xf32>,
        tpu.vector_store %arg12[%parallel_loop3A_723, %parallel_loop3A_724], %parallel_loop3A_722 {strides = array<i32>} : memref<32x768xf32, #tpu.memory_space<vmem>>, vector<16xf32>,
      } {sc.loop_unroll_factor = 1 : i64, sc.parallel_access}
      %mul3A_304 = arith.constant 2 : i32
      %mul3A_305 = arith.muli %mul3A_84, %mul3A_304 : i32
      %add3A_306 = arith.constant 0 : i32
      %add3A_307 = arith.addi %mul3A_305, %add3A_306 : i32
      %mul3A_308 = arith.constant 2 : i32
      %mul3A_309 = arith.muli %mul3A_84, %mul3A_308 : i32
      %add3A_310 = arith.constant 1 : i32
      %add3A_311 = arith.addi %mul3A_309, %add3A_310 : i32
      %dma_start3A_312 = arith.constant 0 : i32
      %dma_start3A_313 = arith.constant 0 : i32
      %dma_start3A_314 = tpu.memref_slice %arg12[%dma_start3A_312, %dma_start3A_313] : memref<32x768xf32, #tpu.memory_space<vmem>> -> memref<16x768xf32, #tpu.memory_space<vmem>>
      %dma_start3A_315 = arith.constant 0 : i32
      %dma_start3A_316 = tpu.memref_slice %arg7[%add3A_307, %mul3A_2, %dma_start3A_315] : memref<128x512x768xf32, #tpu.memory_space<hbm>> -> memref<1x16x768xf32, #tpu.memory_space<hbm>>
      %dma_start3A_317 = tpu.memref_squeeze %dma_start3A_316 : memref<1x16x768xf32, #tpu.memory_space<hbm>> -> memref<16x768xf32, #tpu.memory_space<hbm>>
      %dma_start3A_318 = arith.constant 0 : i32
      %dma_start3A_319 = tpu.memref_slice %arg7[%add3A_307, %mul3A_2, %dma_start3A_318] : memref<128x512x768xf32, #tpu.memory_space<hbm>> -> memref<1x16x768xf32, #tpu.memory_space<hbm>>
      %dma_start3A_320 = tpu.memref_squeeze %dma_start3A_319 : memref<1x16x768xf32, #tpu.memory_space<hbm>> -> memref<16x768xf32, #tpu.memory_space<hbm>>
      %dma_start3A_321 = arith.constant 0 : i32
      %dma_start3A_322 = arith.constant 0 : i32
      %dma_start3A_323 = tpu.memref_slice %arg12[%dma_start3A_321, %dma_start3A_322] : memref<32x768xf32, #tpu.memory_space<vmem>> -> memref<16x768xf32, #tpu.memory_space<vmem>>
      tpu.enqueue_dma source(%dma_start3A_323 : memref<16x768xf32, #tpu.memory_space<vmem>>) target(%dma_start3A_320 : memref<16x768xf32, #tpu.memory_space<hbm>>) target_semaphore(%arg21 : memref<!tpu.dma_semaphore, #tpu.memory_space<semaphore_mem>>)
      %dma_start3A_324 = arith.constant 16 : i32
      %dma_start3A_325 = arith.constant 0 : i32
      %dma_start3A_326 = tpu.memref_slice %arg12[%dma_start3A_324, %dma_start3A_325] : memref<32x768xf32, #tpu.memory_space<vmem>> -> memref<16x768xf32, #tpu.memory_space<vmem>>
      %dma_start3A_327 = arith.constant 0 : i32
      %dma_start3A_328 = tpu.memref_slice %arg7[%add3A_311, %mul3A_2, %dma_start3A_327] : memref<128x512x768xf32, #tpu.memory_space<hbm>> -> memref<1x16x768xf32, #tpu.memory_space<hbm>>
      %dma_start3A_329 = tpu.memref_squeeze %dma_start3A_328 : memref<1x16x768xf32, #tpu.memory_space<hbm>> -> memref<16x768xf32, #tpu.memory_space<hbm>>
      %dma_start3A_330 = arith.constant 0 : i32
      %dma_start3A_331 = tpu.memref_slice %arg7[%add3A_311, %mul3A_2, %dma_start3A_330] : memref<128x512x768xf32, #tpu.memory_space<hbm>> -> memref<1x16x768xf32, #tpu.memory_space<hbm>>
      %dma_start3A_332 = tpu.memref_squeeze %dma_start3A_331 : memref<1x16x768xf32, #tpu.memory_space<hbm>> -> memref<16x768xf32, #tpu.memory_space<hbm>>
      %dma_start3A_333 = arith.constant 16 : i32
      %dma_start3A_334 = arith.constant 0 : i32
      %dma_start3A_335 = tpu.memref_slice %arg12[%dma_start3A_333, %dma_start3A_334] : memref<32x768xf32, #tpu.memory_space<vmem>> -> memref<16x768xf32, #tpu.memory_space<vmem>>
      tpu.enqueue_dma source(%dma_start3A_335 : memref<16x768xf32, #tpu.memory_space<vmem>>) target(%dma_start3A_332 : memref<16x768xf32, #tpu.memory_space<hbm>>) target_semaphore(%arg21 : memref<!tpu.dma_semaphore, #tpu.memory_space<semaphore_mem>>)
      %add3A_336 = arith.constant 1 : i32
      %add3A_337 = arith.addi %mul3A_84, %add3A_336 : i32
      %add3A_338 = arith.constant 1 : i32
      %add3A_339 = arith.addi %mul3A_84, %add3A_338 : i32
      %lt3A_340 = arith.constant 63 : i32
      %lt3A_341 = arith.cmpi slt, %add3A_339, %lt3A_340 : i32
      %add3A_342 = arith.constant 1 : i32
      %add3A_343 = arith.addi %mul3A_84, %add3A_342 : i32
      %ge3A_344 = arith.constant 2 : i32
      %ge3A_345 = arith.cmpi sge, %add3A_343, %ge3A_344 : i32
      %convert_element_type3A_346 = arith.extui %lt3A_341 : i1 to i32
      %cond3A_347 = arith.constant 0 : i32
      %cond3A_348 = arith.cmpi ne, %convert_element_type3A_346, %cond3A_347 : i32
      scf.if %cond3A_348 {
        %add3A_599 = arith.constant 1 : i32
        %add3A_600 = arith.addi %add3A_337, %add3A_599 : i32
        %mul3A_601 = arith.constant 2 : i32
        %mul3A_602 = arith.muli %add3A_600, %mul3A_601 : i32
        %add3A_603 = arith.constant 0 : i32
        %add3A_604 = arith.addi %mul3A_602, %add3A_603 : i32
        %mul3A_605 = arith.constant 2 : i32
        %mul3A_606 = arith.muli %add3A_600, %mul3A_605 : i32
        %add3A_607 = arith.constant 1 : i32
        %add3A_608 = arith.addi %mul3A_606, %add3A_607 : i32
        %dma_wait3A_609 = arith.constant 0 : i32
        %dma_wait3A_610 = tpu.memref_slice %arg8[%dma_wait3A_609] : memref<32xi32, #tpu.memory_space<vmem>> -> memref<16xi32, #tpu.memory_space<vmem>>
        %dma_wait3A_611 = tpu.memref_slice %arg2[%add3A_604, %mul3A_2] : memref<128x512xi32, #tpu.memory_space<hbm>> -> memref<1x16xi32, #tpu.memory_space<hbm>>
        %dma_wait3A_612 = tpu.memref_squeeze %dma_wait3A_611 : memref<1x16xi32, #tpu.memory_space<hbm>> -> memref<16xi32, #tpu.memory_space<hbm>>
        %dma_wait3A_613 = arith.constant 0 : i32
        %dma_wait3A_614 = tpu.memref_slice %arg8[%dma_wait3A_613] : memref<32xi32, #tpu.memory_space<vmem>> -> memref<16xi32, #tpu.memory_space<vmem>>
        %dma_wait3A_615 = tpu.memref_slice %arg2[%add3A_604, %mul3A_2] : memref<128x512xi32, #tpu.memory_space<hbm>> -> memref<1x16xi32, #tpu.memory_space<hbm>>
        %dma_wait3A_616 = tpu.memref_squeeze %dma_wait3A_615 : memref<1x16xi32, #tpu.memory_space<hbm>> -> memref<16xi32, #tpu.memory_space<hbm>>
        tpu.wait_dma2 semaphore(%arg23 : memref<!tpu.dma_semaphore, #tpu.memory_space<semaphore_mem>>) src(%dma_wait3A_616 : memref<16xi32, #tpu.memory_space<hbm>>) dst(%dma_wait3A_614 : memref<16xi32, #tpu.memory_space<vmem>>)
        %dma_wait3A_617 = arith.constant 16 : i32
        %dma_wait3A_618 = tpu.memref_slice %arg8[%dma_wait3A_617] : memref<32xi32, #tpu.memory_space<vmem>> -> memref<16xi32, #tpu.memory_space<vmem>>
        %dma_wait3A_619 = tpu.memref_slice %arg2[%add3A_608, %mul3A_2] : memref<128x512xi32, #tpu.memory_space<hbm>> -> memref<1x16xi32, #tpu.memory_space<hbm>>
        %dma_wait3A_620 = tpu.memref_squeeze %dma_wait3A_619 : memref<1x16xi32, #tpu.memory_space<hbm>> -> memref<16xi32, #tpu.memory_space<hbm>>
        %dma_wait3A_621 = arith.constant 16 : i32
        %dma_wait3A_622 = tpu.memref_slice %arg8[%dma_wait3A_621] : memref<32xi32, #tpu.memory_space<vmem>> -> memref<16xi32, #tpu.memory_space<vmem>>
        %dma_wait3A_623 = tpu.memref_slice %arg2[%add3A_608, %mul3A_2] : memref<128x512xi32, #tpu.memory_space<hbm>> -> memref<1x16xi32, #tpu.memory_space<hbm>>
        %dma_wait3A_624 = tpu.memref_squeeze %dma_wait3A_623 : memref<1x16xi32, #tpu.memory_space<hbm>> -> memref<16xi32, #tpu.memory_space<hbm>>
        tpu.wait_dma2 semaphore(%arg23 : memref<!tpu.dma_semaphore, #tpu.memory_space<semaphore_mem>>) src(%dma_wait3A_624 : memref<16xi32, #tpu.memory_space<hbm>>) dst(%dma_wait3A_622 : memref<16xi32, #tpu.memory_space<vmem>>)
        %dma_start3A_625 = arith.constant 0 : i32
        %dma_start3A_626 = arith.constant 0 : i32
        %dma_start3A_627 = tpu.memref_slice %arg3[%dma_start3A_625, %dma_start3A_626] : memref<30522x768xf32, #tpu.memory_space<hbm>> -> memref<30522x768xf32, #tpu.memory_space<hbm>>
        tpu.enqueue_indirect_dma source(%dma_start3A_627 : memref<30522x768xf32, #tpu.memory_space<hbm>>) target(%arg10 : memref<32x768xf32, #tpu.memory_space<vmem>>) offsets(%arg8 : memref<32xi32, #tpu.memory_space<vmem>>) semaphore(%arg19 : memref<!tpu.dma_semaphore, #tpu.memory_space<semaphore_mem>>)
      } else {
      }
      %dma_wait3A_349 = arith.constant 0 : i32
      %dma_wait3A_350 = arith.constant 0 : i32
      %dma_wait3A_351 = tpu.memref_slice %arg3[%dma_wait3A_349, %dma_wait3A_350] : memref<30522x768xf32, #tpu.memory_space<hbm>> -> memref<30522x768xf32, #tpu.memory_space<hbm>>
      tpu.wait_indirect_dma semaphore(%arg20 : memref<!tpu.dma_semaphore, #tpu.memory_space<semaphore_mem>>) src(%dma_wait3A_351 : memref<30522x768xf32, #tpu.memory_space<hbm>>) dst(%arg11 : memref<32x768xf32, #tpu.memory_space<vmem>>)
      %lt3A_352 = arith.constant 62 : i32
      %lt3A_353 = arith.cmpi slt, %add3A_337, %lt3A_352 : i32
      %convert_element_type3A_354 = arith.extui %lt3A_353 : i1 to i32
      %cond3A_355 = arith.constant 0 : i32
      %cond3A_356 = arith.cmpi ne, %convert_element_type3A_354, %cond3A_355 : i32
      scf.if %cond3A_356 {
        %add3A_599 = arith.constant 2 : i32
        %add3A_600 = arith.addi %add3A_337, %add3A_599 : i32
        %mul3A_601 = arith.constant 2 : i32
        %mul3A_602 = arith.muli %add3A_600, %mul3A_601 : i32
        %add3A_603 = arith.constant 0 : i32
        %add3A_604 = arith.addi %mul3A_602, %add3A_603 : i32
        %mul3A_605 = arith.constant 2 : i32
        %mul3A_606 = arith.muli %add3A_600, %mul3A_605 : i32
        %add3A_607 = arith.constant 1 : i32
        %add3A_608 = arith.addi %mul3A_606, %add3A_607 : i32
        %dma_start3A_609 = arith.constant 0 : i32
        %dma_start3A_610 = tpu.memref_slice %arg9[%dma_start3A_609] : memref<32xi32, #tpu.memory_space<vmem>> -> memref<16xi32, #tpu.memory_space<vmem>>
        %dma_start3A_611 = tpu.memref_slice %arg2[%add3A_604, %mul3A_2] : memref<128x512xi32, #tpu.memory_space<hbm>> -> memref<1x16xi32, #tpu.memory_space<hbm>>
        %dma_start3A_612 = tpu.memref_squeeze %dma_start3A_611 : memref<1x16xi32, #tpu.memory_space<hbm>> -> memref<16xi32, #tpu.memory_space<hbm>>
        %dma_start3A_613 = arith.constant 0 : i32
        %dma_start3A_614 = tpu.memref_slice %arg9[%dma_start3A_613] : memref<32xi32, #tpu.memory_space<vmem>> -> memref<16xi32, #tpu.memory_space<vmem>>
        %dma_start3A_615 = tpu.memref_slice %arg2[%add3A_604, %mul3A_2] : memref<128x512xi32, #tpu.memory_space<hbm>> -> memref<1x16xi32, #tpu.memory_space<hbm>>
        %dma_start3A_616 = tpu.memref_squeeze %dma_start3A_615 : memref<1x16xi32, #tpu.memory_space<hbm>> -> memref<16xi32, #tpu.memory_space<hbm>>
        tpu.enqueue_dma source(%dma_start3A_616 : memref<16xi32, #tpu.memory_space<hbm>>) target(%dma_start3A_614 : memref<16xi32, #tpu.memory_space<vmem>>) target_semaphore(%arg24 : memref<!tpu.dma_semaphore, #tpu.memory_space<semaphore_mem>>)
        %dma_start3A_617 = arith.constant 16 : i32
        %dma_start3A_618 = tpu.memref_slice %arg9[%dma_start3A_617] : memref<32xi32, #tpu.memory_space<vmem>> -> memref<16xi32, #tpu.memory_space<vmem>>
        %dma_start3A_619 = tpu.memref_slice %arg2[%add3A_608, %mul3A_2] : memref<128x512xi32, #tpu.memory_space<hbm>> -> memref<1x16xi32, #tpu.memory_space<hbm>>
        %dma_start3A_620 = tpu.memref_squeeze %dma_start3A_619 : memref<1x16xi32, #tpu.memory_space<hbm>> -> memref<16xi32, #tpu.memory_space<hbm>>
        %dma_start3A_621 = arith.constant 16 : i32
        %dma_start3A_622 = tpu.memref_slice %arg9[%dma_start3A_621] : memref<32xi32, #tpu.memory_space<vmem>> -> memref<16xi32, #tpu.memory_space<vmem>>
        %dma_start3A_623 = tpu.memref_slice %arg2[%add3A_608, %mul3A_2] : memref<128x512xi32, #tpu.memory_space<hbm>> -> memref<1x16xi32, #tpu.memory_space<hbm>>
        %dma_start3A_624 = tpu.memref_squeeze %dma_start3A_623 : memref<1x16xi32, #tpu.memory_space<hbm>> -> memref<16xi32, #tpu.memory_space<hbm>>
        tpu.enqueue_dma source(%dma_start3A_624 : memref<16xi32, #tpu.memory_space<hbm>>) target(%dma_start3A_622 : memref<16xi32, #tpu.memory_space<vmem>>) target_semaphore(%arg24 : memref<!tpu.dma_semaphore, #tpu.memory_space<semaphore_mem>>)
      } else {
      }
      %convert_element_type3A_357 = arith.extui %ge3A_345 : i1 to i32
      %cond3A_358 = arith.constant 0 : i32
      %cond3A_359 = arith.cmpi ne, %convert_element_type3A_357, %cond3A_358 : i32
      scf.if %cond3A_359 {
        %mul3A_599 = arith.constant 2 : i32
        %mul3A_600 = arith.muli %add3A_337, %mul3A_599 : i32
        %add3A_601 = arith.constant 0 : i32
        %add3A_602 = arith.addi %mul3A_600, %add3A_601 : i32
        %mul3A_603 = arith.constant 2 : i32
        %mul3A_604 = arith.muli %add3A_337, %mul3A_603 : i32
        %add3A_605 = arith.constant 1 : i32
        %add3A_606 = arith.addi %mul3A_604, %add3A_605 : i32
        %dma_wait3A_607 = arith.constant 0 : i32
        %dma_wait3A_608 = arith.constant 0 : i32
        %dma_wait3A_609 = tpu.memref_slice %arg13[%dma_wait3A_607, %dma_wait3A_608] : memref<32x768xf32, #tpu.memory_space<vmem>> -> memref<16x768xf32, #tpu.memory_space<vmem>>
        %dma_wait3A_610 = arith.constant 0 : i32
        %dma_wait3A_611 = tpu.memref_slice %arg7[%add3A_602, %mul3A_2, %dma_wait3A_610] : memref<128x512x768xf32, #tpu.memory_space<hbm>> -> memref<1x16x768xf32, #tpu.memory_space<hbm>>
        %dma_wait3A_612 = tpu.memref_squeeze %dma_wait3A_611 : memref<1x16x768xf32, #tpu.memory_space<hbm>> -> memref<16x768xf32, #tpu.memory_space<hbm>>
        %dma_wait3A_613 = arith.constant 0 : i32
        %dma_wait3A_614 = tpu.memref_slice %arg7[%add3A_602, %mul3A_2, %dma_wait3A_613] : memref<128x512x768xf32, #tpu.memory_space<hbm>> -> memref<1x16x768xf32, #tpu.memory_space<hbm>>
        %dma_wait3A_615 = tpu.memref_squeeze %dma_wait3A_614 : memref<1x16x768xf32, #tpu.memory_space<hbm>> -> memref<16x768xf32, #tpu.memory_space<hbm>>
        %dma_wait3A_616 = arith.constant 0 : i32
        %dma_wait3A_617 = arith.constant 0 : i32
        %dma_wait3A_618 = tpu.memref_slice %arg13[%dma_wait3A_616, %dma_wait3A_617] : memref<32x768xf32, #tpu.memory_space<vmem>> -> memref<16x768xf32, #tpu.memory_space<vmem>>
        tpu.wait_dma2 semaphore(%arg22 : memref<!tpu.dma_semaphore, #tpu.memory_space<semaphore_mem>>) src(%dma_wait3A_618 : memref<16x768xf32, #tpu.memory_space<vmem>>) dst(%dma_wait3A_615 : memref<16x768xf32, #tpu.memory_space<hbm>>)
        %dma_wait3A_619 = arith.constant 16 : i32
        %dma_wait3A_620 = arith.constant 0 : i32
        %dma_wait3A_621 = tpu.memref_slice %arg13[%dma_wait3A_619, %dma_wait3A_620] : memref<32x768xf32, #tpu.memory_space<vmem>> -> memref<16x768xf32, #tpu.memory_space<vmem>>
        %dma_wait3A_622 = arith.constant 0 : i32
        %dma_wait3A_623 = tpu.memref_slice %arg7[%add3A_606, %mul3A_2, %dma_wait3A_622] : memref<128x512x768xf32, #tpu.memory_space<hbm>> -> memref<1x16x768xf32, #tpu.memory_space<hbm>>
        %dma_wait3A_624 = tpu.memref_squeeze %dma_wait3A_623 : memref<1x16x768xf32, #tpu.memory_space<hbm>> -> memref<16x768xf32, #tpu.memory_space<hbm>>
        %dma_wait3A_625 = arith.constant 0 : i32
        %dma_wait3A_626 = tpu.memref_slice %arg7[%add3A_606, %mul3A_2, %dma_wait3A_625] : memref<128x512x768xf32, #tpu.memory_space<hbm>> -> memref<1x16x768xf32, #tpu.memory_space<hbm>>
        %dma_wait3A_627 = tpu.memref_squeeze %dma_wait3A_626 : memref<1x16x768xf32, #tpu.memory_space<hbm>> -> memref<16x768xf32, #tpu.memory_space<hbm>>
        %dma_wait3A_628 = arith.constant 16 : i32
        %dma_wait3A_629 = arith.constant 0 : i32
        %dma_wait3A_630 = tpu.memref_slice %arg13[%dma_wait3A_628, %dma_wait3A_629] : memref<32x768xf32, #tpu.memory_space<vmem>> -> memref<16x768xf32, #tpu.memory_space<vmem>>
        tpu.wait_dma2 semaphore(%arg22 : memref<!tpu.dma_semaphore, #tpu.memory_space<semaphore_mem>>) src(%dma_wait3A_630 : memref<16x768xf32, #tpu.memory_space<vmem>>) dst(%dma_wait3A_627 : memref<16x768xf32, #tpu.memory_space<hbm>>)
      } else {
      }
      %parallel_loop3A_360 = arith.constant 0 : i32
      %parallel_loop3A_361 = arith.constant 16 : i32
      %parallel_loop3A_362 = arith.constant 1 : i32
      scf.for %parallel_loop3A_599 = %parallel_loop3A_360 to %parallel_loop3A_361 step %parallel_loop3A_362  : i32 {
        %parallel_loop3A_600 = arith.constant 0 : i32
        %parallel_loop3A_601 = arith.constant 48 : i32
        %parallel_loop3A_602 = arith.constant 1 : i32
        %parallel_loop3A_603:4 = scf.for %parallel_loop3A_624 = %parallel_loop3A_600 to %parallel_loop3A_601 step %parallel_loop3A_602 iter_args(%parallel_loop3A_625 = %broadcast_in_dim3A_3, %parallel_loop3A_626 = %broadcast_in_dim3A_3, %parallel_loop3A_627 = %broadcast_in_dim3A_3, %parallel_loop3A_628 = %broadcast_in_dim3A_3) -> (vector<16xf32>, vector<16xf32>, vector<16xf32>, vector<16xf32>)  : i32 {
          %parallel_loop3A_629 = arith.constant 16 : i32
          %parallel_loop3A_630 = arith.muli %parallel_loop3A_624, %parallel_loop3A_629 : i32
          %parallel_loop3A_631 = arith.index_cast %parallel_loop3A_599 : i32 to index
          %parallel_loop3A_632 = arith.index_cast %parallel_loop3A_630 : i32 to index
          %parallel_loop3A_633 = tpu.vector_load %arg16[%parallel_loop3A_631, %parallel_loop3A_632] {strides = array<i32>} : memref<16x768xf32, #tpu.memory_space<vmem>>, vector<16xf32>,
          %parallel_loop3A_634 = arith.constant 0 : i32
          %parallel_loop3A_635 = arith.addi %parallel_loop3A_634, %parallel_loop3A_599 : i32
          %parallel_loop3A_636 = arith.index_cast %parallel_loop3A_635 : i32 to index
          %parallel_loop3A_637 = arith.index_cast %parallel_loop3A_630 : i32 to index
          %parallel_loop3A_638 = tpu.vector_load %arg11[%parallel_loop3A_636, %parallel_loop3A_637] {strides = array<i32>} : memref<32x768xf32, #tpu.memory_space<vmem>>, vector<16xf32>,
          %parallel_loop3A_639 = arith.addf %parallel_loop3A_638, %parallel_loop3A_633 : vector<16xf32>
          %parallel_loop3A_640 = arith.constant 0 : i32
          %parallel_loop3A_641 = arith.addi %parallel_loop3A_640, %parallel_loop3A_599 : i32
          %parallel_loop3A_642 = arith.index_cast %parallel_loop3A_641 : i32 to index
          %parallel_loop3A_643 = arith.index_cast %parallel_loop3A_630 : i32 to index
          %parallel_loop3A_644 = tpu.vector_load %arg13[%parallel_loop3A_642, %parallel_loop3A_643] {strides = array<i32>} : memref<32x768xf32, #tpu.memory_space<vmem>>, vector<16xf32>,
          tpu.vector_store %arg13[%parallel_loop3A_642, %parallel_loop3A_643], %parallel_loop3A_639 {strides = array<i32>} : memref<32x768xf32, #tpu.memory_space<vmem>>, vector<16xf32>,
          %parallel_loop3A_645 = arith.addf %parallel_loop3A_625, %parallel_loop3A_639 : vector<16xf32>
          %parallel_loop3A_646 = arith.mulf %parallel_loop3A_639, %parallel_loop3A_639 : vector<16xf32>
          %parallel_loop3A_647 = arith.addf %parallel_loop3A_626, %parallel_loop3A_646 : vector<16xf32>
          %parallel_loop3A_648 = arith.constant 16 : i32
          %parallel_loop3A_649 = arith.addi %parallel_loop3A_648, %parallel_loop3A_599 : i32
          %parallel_loop3A_650 = arith.index_cast %parallel_loop3A_649 : i32 to index
          %parallel_loop3A_651 = arith.index_cast %parallel_loop3A_630 : i32 to index
          %parallel_loop3A_652 = tpu.vector_load %arg11[%parallel_loop3A_650, %parallel_loop3A_651] {strides = array<i32>} : memref<32x768xf32, #tpu.memory_space<vmem>>, vector<16xf32>,
          %parallel_loop3A_653 = arith.addf %parallel_loop3A_652, %parallel_loop3A_633 : vector<16xf32>
          %parallel_loop3A_654 = arith.constant 16 : i32
          %parallel_loop3A_655 = arith.addi %parallel_loop3A_654, %parallel_loop3A_599 : i32
          %parallel_loop3A_656 = arith.index_cast %parallel_loop3A_655 : i32 to index
          %parallel_loop3A_657 = arith.index_cast %parallel_loop3A_630 : i32 to index
          %parallel_loop3A_658 = tpu.vector_load %arg13[%parallel_loop3A_656, %parallel_loop3A_657] {strides = array<i32>} : memref<32x768xf32, #tpu.memory_space<vmem>>, vector<16xf32>,
          tpu.vector_store %arg13[%parallel_loop3A_656, %parallel_loop3A_657], %parallel_loop3A_653 {strides = array<i32>} : memref<32x768xf32, #tpu.memory_space<vmem>>, vector<16xf32>,
          %parallel_loop3A_659 = arith.addf %parallel_loop3A_627, %parallel_loop3A_653 : vector<16xf32>
          %parallel_loop3A_660 = arith.mulf %parallel_loop3A_653, %parallel_loop3A_653 : vector<16xf32>
          %parallel_loop3A_661 = arith.addf %parallel_loop3A_628, %parallel_loop3A_660 : vector<16xf32>
          scf.yield %parallel_loop3A_645, %parallel_loop3A_647, %parallel_loop3A_659, %parallel_loop3A_661 : vector<16xf32>, vector<16xf32>, vector<16xf32>, vector<16xf32>
        } {sc.loop_unroll_factor = 4 : i64, sc.parallel_access}
        %parallel_loop3A_604 = arith.constant 0 : i32
        %parallel_loop3A_605 = arith.addi %parallel_loop3A_604, %parallel_loop3A_599 : i32
        %parallel_loop3A_606 = arith.index_cast %parallel_loop3A_605 : i32 to index
        %parallel_loop3A_607 = arith.constant 0 : index
        %parallel_loop3A_608 = tpu.vector_load %arg14[%parallel_loop3A_606, %parallel_loop3A_607] {strides = array<i32>} : memref<32x16xf32, #tpu.memory_space<vmem>>, vector<16xf32>,
        tpu.vector_store %arg14[%parallel_loop3A_606, %parallel_loop3A_607], %parallel_loop3A_603#0 {strides = array<i32>} : memref<32x16xf32, #tpu.memory_space<vmem>>, vector<16xf32>,
        %parallel_loop3A_609 = arith.constant 0 : i32
        %parallel_loop3A_610 = arith.addi %parallel_loop3A_609, %parallel_loop3A_599 : i32
        %parallel_loop3A_611 = arith.index_cast %parallel_loop3A_610 : i32 to index
        %parallel_loop3A_612 = arith.constant 0 : index
        %parallel_loop3A_613 = tpu.vector_load %arg15[%parallel_loop3A_611, %parallel_loop3A_612] {strides = array<i32>} : memref<32x16xf32, #tpu.memory_space<vmem>>, vector<16xf32>,
        tpu.vector_store %arg15[%parallel_loop3A_611, %parallel_loop3A_612], %parallel_loop3A_603#1 {strides = array<i32>} : memref<32x16xf32, #tpu.memory_space<vmem>>, vector<16xf32>,
        %parallel_loop3A_614 = arith.constant 16 : i32
        %parallel_loop3A_615 = arith.addi %parallel_loop3A_614, %parallel_loop3A_599 : i32
        %parallel_loop3A_616 = arith.index_cast %parallel_loop3A_615 : i32 to index
        %parallel_loop3A_617 = arith.constant 0 : index
        %parallel_loop3A_618 = tpu.vector_load %arg14[%parallel_loop3A_616, %parallel_loop3A_617] {strides = array<i32>} : memref<32x16xf32, #tpu.memory_space<vmem>>, vector<16xf32>,
        tpu.vector_store %arg14[%parallel_loop3A_616, %parallel_loop3A_617], %parallel_loop3A_603#2 {strides = array<i32>} : memref<32x16xf32, #tpu.memory_space<vmem>>, vector<16xf32>,
        %parallel_loop3A_619 = arith.constant 16 : i32
        %parallel_loop3A_620 = arith.addi %parallel_loop3A_619, %parallel_loop3A_599 : i32
        %parallel_loop3A_621 = arith.index_cast %parallel_loop3A_620 : i32 to index
        %parallel_loop3A_622 = arith.constant 0 : index
        %parallel_loop3A_623 = tpu.vector_load %arg15[%parallel_loop3A_621, %parallel_loop3A_622] {strides = array<i32>} : memref<32x16xf32, #tpu.memory_space<vmem>>, vector<16xf32>,
        tpu.vector_store %arg15[%parallel_loop3A_621, %parallel_loop3A_622], %parallel_loop3A_603#3 {strides = array<i32>} : memref<32x16xf32, #tpu.memory_space<vmem>>, vector<16xf32>,
      } {sc.loop_unroll_factor = 2 : i64, sc.parallel_access}
      %get3A_363 = arith.constant 0 : index
      %get3A_364 = tpu.vector_load %arg17[%get3A_363] {strides = array<i32>} : memref<768xf32, #tpu.memory_space<vmem>>, vector<16xf32>,
      %get3A_365 = arith.constant 16 : index
      %get3A_366 = tpu.vector_load %arg17[%get3A_365] {strides = array<i32>} : memref<768xf32, #tpu.memory_space<vmem>>, vector<16xf32>,
      %get3A_367 = arith.constant 32 : index
      %get3A_368 = tpu.vector_load %arg17[%get3A_367] {strides = array<i32>} : memref<768xf32, #tpu.memory_space<vmem>>, vector<16xf32>,
      %get3A_369 = arith.constant 48 : index
      %get3A_370 = tpu.vector_load %arg17[%get3A_369] {strides = array<i32>} : memref<768xf32, #tpu.memory_space<vmem>>, vector<16xf32>,
      %get3A_371 = arith.constant 64 : index
      %get3A_372 = tpu.vector_load %arg17[%get3A_371] {strides = array<i32>} : memref<768xf32, #tpu.memory_space<vmem>>, vector<16xf32>,
      %get3A_373 = arith.constant 80 : index
      %get3A_374 = tpu.vector_load %arg17[%get3A_373] {strides = array<i32>} : memref<768xf32, #tpu.memory_space<vmem>>, vector<16xf32>,
      %get3A_375 = arith.constant 96 : index
      %get3A_376 = tpu.vector_load %arg17[%get3A_375] {strides = array<i32>} : memref<768xf32, #tpu.memory_space<vmem>>, vector<16xf32>,
      %get3A_377 = arith.constant 112 : index
      %get3A_378 = tpu.vector_load %arg17[%get3A_377] {strides = array<i32>} : memref<768xf32, #tpu.memory_space<vmem>>, vector<16xf32>,
      %get3A_379 = arith.constant 128 : index
      %get3A_380 = tpu.vector_load %arg17[%get3A_379] {strides = array<i32>} : memref<768xf32, #tpu.memory_space<vmem>>, vector<16xf32>,
      %get3A_381 = arith.constant 144 : index
      %get3A_382 = tpu.vector_load %arg17[%get3A_381] {strides = array<i32>} : memref<768xf32, #tpu.memory_space<vmem>>, vector<16xf32>,
      %get3A_383 = arith.constant 160 : index
      %get3A_384 = tpu.vector_load %arg17[%get3A_383] {strides = array<i32>} : memref<768xf32, #tpu.memory_space<vmem>>, vector<16xf32>,
      %get3A_385 = arith.constant 176 : index
      %get3A_386 = tpu.vector_load %arg17[%get3A_385] {strides = array<i32>} : memref<768xf32, #tpu.memory_space<vmem>>, vector<16xf32>,
      %get3A_387 = arith.constant 0 : index
      %get3A_388 = tpu.vector_load %arg18[%get3A_387] {strides = array<i32>} : memref<768xf32, #tpu.memory_space<vmem>>, vector<16xf32>,
      %get3A_389 = arith.constant 16 : index
      %get3A_390 = tpu.vector_load %arg18[%get3A_389] {strides = array<i32>} : memref<768xf32, #tpu.memory_space<vmem>>, vector<16xf32>,
      %get3A_391 = arith.constant 32 : index
      %get3A_392 = tpu.vector_load %arg18[%get3A_391] {strides = array<i32>} : memref<768xf32, #tpu.memory_space<vmem>>, vector<16xf32>,
      %get3A_393 = arith.constant 48 : index
      %get3A_394 = tpu.vector_load %arg18[%get3A_393] {strides = array<i32>} : memref<768xf32, #tpu.memory_space<vmem>>, vector<16xf32>,
      %get3A_395 = arith.constant 64 : index
      %get3A_396 = tpu.vector_load %arg18[%get3A_395] {strides = array<i32>} : memref<768xf32, #tpu.memory_space<vmem>>, vector<16xf32>,
      %get3A_397 = arith.constant 80 : index
      %get3A_398 = tpu.vector_load %arg18[%get3A_397] {strides = array<i32>} : memref<768xf32, #tpu.memory_space<vmem>>, vector<16xf32>,
      %get3A_399 = arith.constant 96 : index
      %get3A_400 = tpu.vector_load %arg18[%get3A_399] {strides = array<i32>} : memref<768xf32, #tpu.memory_space<vmem>>, vector<16xf32>,
      %get3A_401 = arith.constant 112 : index
      %get3A_402 = tpu.vector_load %arg18[%get3A_401] {strides = array<i32>} : memref<768xf32, #tpu.memory_space<vmem>>, vector<16xf32>,
      %get3A_403 = arith.constant 128 : index
      %get3A_404 = tpu.vector_load %arg18[%get3A_403] {strides = array<i32>} : memref<768xf32, #tpu.memory_space<vmem>>, vector<16xf32>,
      %get3A_405 = arith.constant 144 : index
      %get3A_406 = tpu.vector_load %arg18[%get3A_405] {strides = array<i32>} : memref<768xf32, #tpu.memory_space<vmem>>, vector<16xf32>,
      %get3A_407 = arith.constant 160 : index
      %get3A_408 = tpu.vector_load %arg18[%get3A_407] {strides = array<i32>} : memref<768xf32, #tpu.memory_space<vmem>>, vector<16xf32>,
      %get3A_409 = arith.constant 176 : index
      %get3A_410 = tpu.vector_load %arg18[%get3A_409] {strides = array<i32>} : memref<768xf32, #tpu.memory_space<vmem>>, vector<16xf32>,
      %parallel_loop3A_411 = arith.constant 0 : i32
      %parallel_loop3A_412 = arith.constant 32 : i32
      %parallel_loop3A_413 = arith.constant 1 : i32
      scf.for %parallel_loop3A_599 = %parallel_loop3A_411 to %parallel_loop3A_412 step %parallel_loop3A_413  : i32 {
        %parallel_loop3A_600 = arith.index_cast %parallel_loop3A_599 : i32 to index
        %parallel_loop3A_601 = arith.constant 0 : index
        %parallel_loop3A_602 = tpu.vector_load %arg14[%parallel_loop3A_600, %parallel_loop3A_601] {strides = array<i32>} : memref<32x16xf32, #tpu.memory_space<vmem>>, vector<16xf32>,
        %parallel_loop3A_603 = arith.constant true
        %parallel_loop3A_604 = vector.broadcast %parallel_loop3A_603 : i1 to vector<16xi1>
        %parallel_loop3A_605 = tpu.scan <sum>, %parallel_loop3A_602 masked %parallel_loop3A_604 : vector<16xf32>, vector<16xi1> -> vector<16xf32>
        %parallel_loop3A_606 = vector.extract %parallel_loop3A_605[15] : f32 from vector<16xf32>
        %parallel_loop3A_607 = vector.broadcast %parallel_loop3A_606 : f32 to vector<16xf32>
        %parallel_loop3A_608 = arith.index_cast %parallel_loop3A_599 : i32 to index
        %parallel_loop3A_609 = arith.constant 0 : index
        %parallel_loop3A_610 = tpu.vector_load %arg15[%parallel_loop3A_608, %parallel_loop3A_609] {strides = array<i32>} : memref<32x16xf32, #tpu.memory_space<vmem>>, vector<16xf32>,
        %parallel_loop3A_611 = arith.constant true
        %parallel_loop3A_612 = vector.broadcast %parallel_loop3A_611 : i1 to vector<16xi1>
        %parallel_loop3A_613 = tpu.scan <sum>, %parallel_loop3A_610 masked %parallel_loop3A_612 : vector<16xf32>, vector<16xi1> -> vector<16xf32>
        %parallel_loop3A_614 = vector.extract %parallel_loop3A_613[15] : f32 from vector<16xf32>
        %parallel_loop3A_615 = vector.broadcast %parallel_loop3A_614 : f32 to vector<16xf32>
        %parallel_loop3A_616 = vector.broadcast %scan3A_25 : f32 to vector<16xf32>
        %parallel_loop3A_617 = arith.mulf %parallel_loop3A_607, %parallel_loop3A_616 : vector<16xf32>
        %parallel_loop3A_618 = vector.broadcast %scan3A_25 : f32 to vector<16xf32>
        %parallel_loop3A_619 = arith.mulf %parallel_loop3A_615, %parallel_loop3A_618 : vector<16xf32>
        %parallel_loop3A_620 = arith.mulf %parallel_loop3A_617, %parallel_loop3A_617 : vector<16xf32>
        %parallel_loop3A_621 = arith.subf %parallel_loop3A_619, %parallel_loop3A_620 : vector<16xf32>
        %parallel_loop3A_622 = arith.constant 9.99999996E-13 : f32
        %parallel_loop3A_623 = vector.broadcast %parallel_loop3A_622 : f32 to vector<16xf32>
        %parallel_loop3A_624 = arith.addf %parallel_loop3A_621, %parallel_loop3A_623 : vector<16xf32>
        %parallel_loop3A_625 = vector.bitcast %parallel_loop3A_624 : vector<16xf32> to vector<16xi32>
        %parallel_loop3A_626 = arith.constant 1 : i32
        %parallel_loop3A_627 = vector.broadcast %parallel_loop3A_626 : i32 to vector<16xi32>
        %parallel_loop3A_628 = arith.shrui %parallel_loop3A_625, %parallel_loop3A_627 : vector<16xi32>
        %parallel_loop3A_629 = arith.constant 1597463007 : i32
        %parallel_loop3A_630 = vector.broadcast %parallel_loop3A_629 : i32 to vector<16xi32>
        %parallel_loop3A_631 = arith.subi %parallel_loop3A_630, %parallel_loop3A_628 : vector<16xi32>
        %parallel_loop3A_632 = vector.bitcast %parallel_loop3A_631 : vector<16xi32> to vector<16xf32>
        %parallel_loop3A_633 = arith.constant 5.000000e-01 : f32
        %parallel_loop3A_634 = vector.broadcast %parallel_loop3A_633 : f32 to vector<16xf32>
        %parallel_loop3A_635 = arith.mulf %parallel_loop3A_634, %parallel_loop3A_624 : vector<16xf32>
        %parallel_loop3A_636 = arith.mulf %parallel_loop3A_635, %parallel_loop3A_632 : vector<16xf32>
        %parallel_loop3A_637 = arith.mulf %parallel_loop3A_636, %parallel_loop3A_632 : vector<16xf32>
        %parallel_loop3A_638 = arith.constant 1.500000e+00 : f32
        %parallel_loop3A_639 = vector.broadcast %parallel_loop3A_638 : f32 to vector<16xf32>
        %parallel_loop3A_640 = arith.subf %parallel_loop3A_639, %parallel_loop3A_637 : vector<16xf32>
        %parallel_loop3A_641 = arith.mulf %parallel_loop3A_632, %parallel_loop3A_640 : vector<16xf32>
        %parallel_loop3A_642 = arith.mulf %parallel_loop3A_635, %parallel_loop3A_641 : vector<16xf32>
        %parallel_loop3A_643 = arith.mulf %parallel_loop3A_642, %parallel_loop3A_641 : vector<16xf32>
        %parallel_loop3A_644 = arith.constant 1.500000e+00 : f32
        %parallel_loop3A_645 = vector.broadcast %parallel_loop3A_644 : f32 to vector<16xf32>
        %parallel_loop3A_646 = arith.subf %parallel_loop3A_645, %parallel_loop3A_643 : vector<16xf32>
        %parallel_loop3A_647 = arith.mulf %parallel_loop3A_641, %parallel_loop3A_646 : vector<16xf32>
        %parallel_loop3A_648 = arith.mulf %parallel_loop3A_635, %parallel_loop3A_647 : vector<16xf32>
        %parallel_loop3A_649 = arith.mulf %parallel_loop3A_648, %parallel_loop3A_647 : vector<16xf32>
        %parallel_loop3A_650 = arith.constant 1.500000e+00 : f32
        %parallel_loop3A_651 = vector.broadcast %parallel_loop3A_650 : f32 to vector<16xf32>
        %parallel_loop3A_652 = arith.subf %parallel_loop3A_651, %parallel_loop3A_649 : vector<16xf32>
        %parallel_loop3A_653 = arith.mulf %parallel_loop3A_647, %parallel_loop3A_652 : vector<16xf32>
        %parallel_loop3A_654 = arith.index_cast %parallel_loop3A_599 : i32 to index
        %parallel_loop3A_655 = arith.constant 0 : index
        %parallel_loop3A_656 = tpu.vector_load %arg14[%parallel_loop3A_654, %parallel_loop3A_655] {strides = array<i32>} : memref<32x16xf32, #tpu.memory_space<vmem>>, vector<16xf32>,
        tpu.vector_store %arg14[%parallel_loop3A_654, %parallel_loop3A_655], %parallel_loop3A_617 {strides = array<i32>} : memref<32x16xf32, #tpu.memory_space<vmem>>, vector<16xf32>,
        %parallel_loop3A_657 = arith.index_cast %parallel_loop3A_599 : i32 to index
        %parallel_loop3A_658 = arith.constant 0 : index
        %parallel_loop3A_659 = tpu.vector_load %arg15[%parallel_loop3A_657, %parallel_loop3A_658] {strides = array<i32>} : memref<32x16xf32, #tpu.memory_space<vmem>>, vector<16xf32>,
        tpu.vector_store %arg15[%parallel_loop3A_657, %parallel_loop3A_658], %parallel_loop3A_653 {strides = array<i32>} : memref<32x16xf32, #tpu.memory_space<vmem>>, vector<16xf32>,
        %parallel_loop3A_660 = arith.index_cast %parallel_loop3A_599 : i32 to index
        %parallel_loop3A_661 = arith.constant 0 : index
        %parallel_loop3A_662 = tpu.vector_load %arg13[%parallel_loop3A_660, %parallel_loop3A_661] {strides = array<i32>} : memref<32x768xf32, #tpu.memory_space<vmem>>, vector<16xf32>,
        %parallel_loop3A_663 = arith.subf %parallel_loop3A_662, %parallel_loop3A_617 : vector<16xf32>
        %parallel_loop3A_664 = arith.mulf %parallel_loop3A_663, %parallel_loop3A_653 : vector<16xf32>
        %parallel_loop3A_665 = arith.mulf %parallel_loop3A_664, %get3A_364 : vector<16xf32>
        %parallel_loop3A_666 = arith.addf %parallel_loop3A_665, %get3A_388 : vector<16xf32>
        %parallel_loop3A_667 = arith.index_cast %parallel_loop3A_599 : i32 to index
        %parallel_loop3A_668 = arith.constant 0 : index
        %parallel_loop3A_669 = tpu.vector_load %arg13[%parallel_loop3A_667, %parallel_loop3A_668] {strides = array<i32>} : memref<32x768xf32, #tpu.memory_space<vmem>>, vector<16xf32>,
        tpu.vector_store %arg13[%parallel_loop3A_667, %parallel_loop3A_668], %parallel_loop3A_666 {strides = array<i32>} : memref<32x768xf32, #tpu.memory_space<vmem>>, vector<16xf32>,
        %parallel_loop3A_670 = arith.index_cast %parallel_loop3A_599 : i32 to index
        %parallel_loop3A_671 = arith.constant 16 : index
        %parallel_loop3A_672 = tpu.vector_load %arg13[%parallel_loop3A_670, %parallel_loop3A_671] {strides = array<i32>} : memref<32x768xf32, #tpu.memory_space<vmem>>, vector<16xf32>,
        %parallel_loop3A_673 = arith.subf %parallel_loop3A_672, %parallel_loop3A_617 : vector<16xf32>
        %parallel_loop3A_674 = arith.mulf %parallel_loop3A_673, %parallel_loop3A_653 : vector<16xf32>
        %parallel_loop3A_675 = arith.mulf %parallel_loop3A_674, %get3A_366 : vector<16xf32>
        %parallel_loop3A_676 = arith.addf %parallel_loop3A_675, %get3A_390 : vector<16xf32>
        %parallel_loop3A_677 = arith.index_cast %parallel_loop3A_599 : i32 to index
        %parallel_loop3A_678 = arith.constant 16 : index
        %parallel_loop3A_679 = tpu.vector_load %arg13[%parallel_loop3A_677, %parallel_loop3A_678] {strides = array<i32>} : memref<32x768xf32, #tpu.memory_space<vmem>>, vector<16xf32>,
        tpu.vector_store %arg13[%parallel_loop3A_677, %parallel_loop3A_678], %parallel_loop3A_676 {strides = array<i32>} : memref<32x768xf32, #tpu.memory_space<vmem>>, vector<16xf32>,
        %parallel_loop3A_680 = arith.index_cast %parallel_loop3A_599 : i32 to index
        %parallel_loop3A_681 = arith.constant 32 : index
        %parallel_loop3A_682 = tpu.vector_load %arg13[%parallel_loop3A_680, %parallel_loop3A_681] {strides = array<i32>} : memref<32x768xf32, #tpu.memory_space<vmem>>, vector<16xf32>,
        %parallel_loop3A_683 = arith.subf %parallel_loop3A_682, %parallel_loop3A_617 : vector<16xf32>
        %parallel_loop3A_684 = arith.mulf %parallel_loop3A_683, %parallel_loop3A_653 : vector<16xf32>
        %parallel_loop3A_685 = arith.mulf %parallel_loop3A_684, %get3A_368 : vector<16xf32>
        %parallel_loop3A_686 = arith.addf %parallel_loop3A_685, %get3A_392 : vector<16xf32>
        %parallel_loop3A_687 = arith.index_cast %parallel_loop3A_599 : i32 to index
        %parallel_loop3A_688 = arith.constant 32 : index
        %parallel_loop3A_689 = tpu.vector_load %arg13[%parallel_loop3A_687, %parallel_loop3A_688] {strides = array<i32>} : memref<32x768xf32, #tpu.memory_space<vmem>>, vector<16xf32>,
        tpu.vector_store %arg13[%parallel_loop3A_687, %parallel_loop3A_688], %parallel_loop3A_686 {strides = array<i32>} : memref<32x768xf32, #tpu.memory_space<vmem>>, vector<16xf32>,
        %parallel_loop3A_690 = arith.index_cast %parallel_loop3A_599 : i32 to index
        %parallel_loop3A_691 = arith.constant 48 : index
        %parallel_loop3A_692 = tpu.vector_load %arg13[%parallel_loop3A_690, %parallel_loop3A_691] {strides = array<i32>} : memref<32x768xf32, #tpu.memory_space<vmem>>, vector<16xf32>,
        %parallel_loop3A_693 = arith.subf %parallel_loop3A_692, %parallel_loop3A_617 : vector<16xf32>
        %parallel_loop3A_694 = arith.mulf %parallel_loop3A_693, %parallel_loop3A_653 : vector<16xf32>
        %parallel_loop3A_695 = arith.mulf %parallel_loop3A_694, %get3A_370 : vector<16xf32>
        %parallel_loop3A_696 = arith.addf %parallel_loop3A_695, %get3A_394 : vector<16xf32>
        %parallel_loop3A_697 = arith.index_cast %parallel_loop3A_599 : i32 to index
        %parallel_loop3A_698 = arith.constant 48 : index
        %parallel_loop3A_699 = tpu.vector_load %arg13[%parallel_loop3A_697, %parallel_loop3A_698] {strides = array<i32>} : memref<32x768xf32, #tpu.memory_space<vmem>>, vector<16xf32>,
        tpu.vector_store %arg13[%parallel_loop3A_697, %parallel_loop3A_698], %parallel_loop3A_696 {strides = array<i32>} : memref<32x768xf32, #tpu.memory_space<vmem>>, vector<16xf32>,
        %parallel_loop3A_700 = arith.index_cast %parallel_loop3A_599 : i32 to index
        %parallel_loop3A_701 = arith.constant 64 : index
        %parallel_loop3A_702 = tpu.vector_load %arg13[%parallel_loop3A_700, %parallel_loop3A_701] {strides = array<i32>} : memref<32x768xf32, #tpu.memory_space<vmem>>, vector<16xf32>,
        %parallel_loop3A_703 = arith.subf %parallel_loop3A_702, %parallel_loop3A_617 : vector<16xf32>
        %parallel_loop3A_704 = arith.mulf %parallel_loop3A_703, %parallel_loop3A_653 : vector<16xf32>
        %parallel_loop3A_705 = arith.mulf %parallel_loop3A_704, %get3A_372 : vector<16xf32>
        %parallel_loop3A_706 = arith.addf %parallel_loop3A_705, %get3A_396 : vector<16xf32>
        %parallel_loop3A_707 = arith.index_cast %parallel_loop3A_599 : i32 to index
        %parallel_loop3A_708 = arith.constant 64 : index
        %parallel_loop3A_709 = tpu.vector_load %arg13[%parallel_loop3A_707, %parallel_loop3A_708] {strides = array<i32>} : memref<32x768xf32, #tpu.memory_space<vmem>>, vector<16xf32>,
        tpu.vector_store %arg13[%parallel_loop3A_707, %parallel_loop3A_708], %parallel_loop3A_706 {strides = array<i32>} : memref<32x768xf32, #tpu.memory_space<vmem>>, vector<16xf32>,
        %parallel_loop3A_710 = arith.index_cast %parallel_loop3A_599 : i32 to index
        %parallel_loop3A_711 = arith.constant 80 : index
        %parallel_loop3A_712 = tpu.vector_load %arg13[%parallel_loop3A_710, %parallel_loop3A_711] {strides = array<i32>} : memref<32x768xf32, #tpu.memory_space<vmem>>, vector<16xf32>,
        %parallel_loop3A_713 = arith.subf %parallel_loop3A_712, %parallel_loop3A_617 : vector<16xf32>
        %parallel_loop3A_714 = arith.mulf %parallel_loop3A_713, %parallel_loop3A_653 : vector<16xf32>
        %parallel_loop3A_715 = arith.mulf %parallel_loop3A_714, %get3A_374 : vector<16xf32>
        %parallel_loop3A_716 = arith.addf %parallel_loop3A_715, %get3A_398 : vector<16xf32>
        %parallel_loop3A_717 = arith.index_cast %parallel_loop3A_599 : i32 to index
        %parallel_loop3A_718 = arith.constant 80 : index
        %parallel_loop3A_719 = tpu.vector_load %arg13[%parallel_loop3A_717, %parallel_loop3A_718] {strides = array<i32>} : memref<32x768xf32, #tpu.memory_space<vmem>>, vector<16xf32>,
        tpu.vector_store %arg13[%parallel_loop3A_717, %parallel_loop3A_718], %parallel_loop3A_716 {strides = array<i32>} : memref<32x768xf32, #tpu.memory_space<vmem>>, vector<16xf32>,
        %parallel_loop3A_720 = arith.index_cast %parallel_loop3A_599 : i32 to index
        %parallel_loop3A_721 = arith.constant 96 : index
        %parallel_loop3A_722 = tpu.vector_load %arg13[%parallel_loop3A_720, %parallel_loop3A_721] {strides = array<i32>} : memref<32x768xf32, #tpu.memory_space<vmem>>, vector<16xf32>,
        %parallel_loop3A_723 = arith.subf %parallel_loop3A_722, %parallel_loop3A_617 : vector<16xf32>
        %parallel_loop3A_724 = arith.mulf %parallel_loop3A_723, %parallel_loop3A_653 : vector<16xf32>
        %parallel_loop3A_725 = arith.mulf %parallel_loop3A_724, %get3A_376 : vector<16xf32>
        %parallel_loop3A_726 = arith.addf %parallel_loop3A_725, %get3A_400 : vector<16xf32>
        %parallel_loop3A_727 = arith.index_cast %parallel_loop3A_599 : i32 to index
        %parallel_loop3A_728 = arith.constant 96 : index
        %parallel_loop3A_729 = tpu.vector_load %arg13[%parallel_loop3A_727, %parallel_loop3A_728] {strides = array<i32>} : memref<32x768xf32, #tpu.memory_space<vmem>>, vector<16xf32>,
        tpu.vector_store %arg13[%parallel_loop3A_727, %parallel_loop3A_728], %parallel_loop3A_726 {strides = array<i32>} : memref<32x768xf32, #tpu.memory_space<vmem>>, vector<16xf32>,
        %parallel_loop3A_730 = arith.index_cast %parallel_loop3A_599 : i32 to index
        %parallel_loop3A_731 = arith.constant 112 : index
        %parallel_loop3A_732 = tpu.vector_load %arg13[%parallel_loop3A_730, %parallel_loop3A_731] {strides = array<i32>} : memref<32x768xf32, #tpu.memory_space<vmem>>, vector<16xf32>,
        %parallel_loop3A_733 = arith.subf %parallel_loop3A_732, %parallel_loop3A_617 : vector<16xf32>
        %parallel_loop3A_734 = arith.mulf %parallel_loop3A_733, %parallel_loop3A_653 : vector<16xf32>
        %parallel_loop3A_735 = arith.mulf %parallel_loop3A_734, %get3A_378 : vector<16xf32>
        %parallel_loop3A_736 = arith.addf %parallel_loop3A_735, %get3A_402 : vector<16xf32>
        %parallel_loop3A_737 = arith.index_cast %parallel_loop3A_599 : i32 to index
        %parallel_loop3A_738 = arith.constant 112 : index
        %parallel_loop3A_739 = tpu.vector_load %arg13[%parallel_loop3A_737, %parallel_loop3A_738] {strides = array<i32>} : memref<32x768xf32, #tpu.memory_space<vmem>>, vector<16xf32>,
        tpu.vector_store %arg13[%parallel_loop3A_737, %parallel_loop3A_738], %parallel_loop3A_736 {strides = array<i32>} : memref<32x768xf32, #tpu.memory_space<vmem>>, vector<16xf32>,
        %parallel_loop3A_740 = arith.index_cast %parallel_loop3A_599 : i32 to index
        %parallel_loop3A_741 = arith.constant 128 : index
        %parallel_loop3A_742 = tpu.vector_load %arg13[%parallel_loop3A_740, %parallel_loop3A_741] {strides = array<i32>} : memref<32x768xf32, #tpu.memory_space<vmem>>, vector<16xf32>,
        %parallel_loop3A_743 = arith.subf %parallel_loop3A_742, %parallel_loop3A_617 : vector<16xf32>
        %parallel_loop3A_744 = arith.mulf %parallel_loop3A_743, %parallel_loop3A_653 : vector<16xf32>
        %parallel_loop3A_745 = arith.mulf %parallel_loop3A_744, %get3A_380 : vector<16xf32>
        %parallel_loop3A_746 = arith.addf %parallel_loop3A_745, %get3A_404 : vector<16xf32>
        %parallel_loop3A_747 = arith.index_cast %parallel_loop3A_599 : i32 to index
        %parallel_loop3A_748 = arith.constant 128 : index
        %parallel_loop3A_749 = tpu.vector_load %arg13[%parallel_loop3A_747, %parallel_loop3A_748] {strides = array<i32>} : memref<32x768xf32, #tpu.memory_space<vmem>>, vector<16xf32>,
        tpu.vector_store %arg13[%parallel_loop3A_747, %parallel_loop3A_748], %parallel_loop3A_746 {strides = array<i32>} : memref<32x768xf32, #tpu.memory_space<vmem>>, vector<16xf32>,
        %parallel_loop3A_750 = arith.index_cast %parallel_loop3A_599 : i32 to index
        %parallel_loop3A_751 = arith.constant 144 : index
        %parallel_loop3A_752 = tpu.vector_load %arg13[%parallel_loop3A_750, %parallel_loop3A_751] {strides = array<i32>} : memref<32x768xf32, #tpu.memory_space<vmem>>, vector<16xf32>,
        %parallel_loop3A_753 = arith.subf %parallel_loop3A_752, %parallel_loop3A_617 : vector<16xf32>
        %parallel_loop3A_754 = arith.mulf %parallel_loop3A_753, %parallel_loop3A_653 : vector<16xf32>
        %parallel_loop3A_755 = arith.mulf %parallel_loop3A_754, %get3A_382 : vector<16xf32>
        %parallel_loop3A_756 = arith.addf %parallel_loop3A_755, %get3A_406 : vector<16xf32>
        %parallel_loop3A_757 = arith.index_cast %parallel_loop3A_599 : i32 to index
        %parallel_loop3A_758 = arith.constant 144 : index
        %parallel_loop3A_759 = tpu.vector_load %arg13[%parallel_loop3A_757, %parallel_loop3A_758] {strides = array<i32>} : memref<32x768xf32, #tpu.memory_space<vmem>>, vector<16xf32>,
        tpu.vector_store %arg13[%parallel_loop3A_757, %parallel_loop3A_758], %parallel_loop3A_756 {strides = array<i32>} : memref<32x768xf32, #tpu.memory_space<vmem>>, vector<16xf32>,
        %parallel_loop3A_760 = arith.index_cast %parallel_loop3A_599 : i32 to index
        %parallel_loop3A_761 = arith.constant 160 : index
        %parallel_loop3A_762 = tpu.vector_load %arg13[%parallel_loop3A_760, %parallel_loop3A_761] {strides = array<i32>} : memref<32x768xf32, #tpu.memory_space<vmem>>, vector<16xf32>,
        %parallel_loop3A_763 = arith.subf %parallel_loop3A_762, %parallel_loop3A_617 : vector<16xf32>
        %parallel_loop3A_764 = arith.mulf %parallel_loop3A_763, %parallel_loop3A_653 : vector<16xf32>
        %parallel_loop3A_765 = arith.mulf %parallel_loop3A_764, %get3A_384 : vector<16xf32>
        %parallel_loop3A_766 = arith.addf %parallel_loop3A_765, %get3A_408 : vector<16xf32>
        %parallel_loop3A_767 = arith.index_cast %parallel_loop3A_599 : i32 to index
        %parallel_loop3A_768 = arith.constant 160 : index
        %parallel_loop3A_769 = tpu.vector_load %arg13[%parallel_loop3A_767, %parallel_loop3A_768] {strides = array<i32>} : memref<32x768xf32, #tpu.memory_space<vmem>>, vector<16xf32>,
        tpu.vector_store %arg13[%parallel_loop3A_767, %parallel_loop3A_768], %parallel_loop3A_766 {strides = array<i32>} : memref<32x768xf32, #tpu.memory_space<vmem>>, vector<16xf32>,
        %parallel_loop3A_770 = arith.index_cast %parallel_loop3A_599 : i32 to index
        %parallel_loop3A_771 = arith.constant 176 : index
        %parallel_loop3A_772 = tpu.vector_load %arg13[%parallel_loop3A_770, %parallel_loop3A_771] {strides = array<i32>} : memref<32x768xf32, #tpu.memory_space<vmem>>, vector<16xf32>,
        %parallel_loop3A_773 = arith.subf %parallel_loop3A_772, %parallel_loop3A_617 : vector<16xf32>
        %parallel_loop3A_774 = arith.mulf %parallel_loop3A_773, %parallel_loop3A_653 : vector<16xf32>
        %parallel_loop3A_775 = arith.mulf %parallel_loop3A_774, %get3A_386 : vector<16xf32>
        %parallel_loop3A_776 = arith.addf %parallel_loop3A_775, %get3A_410 : vector<16xf32>
        %parallel_loop3A_777 = arith.index_cast %parallel_loop3A_599 : i32 to index
        %parallel_loop3A_778 = arith.constant 176 : index
        %parallel_loop3A_779 = tpu.vector_load %arg13[%parallel_loop3A_777, %parallel_loop3A_778] {strides = array<i32>} : memref<32x768xf32, #tpu.memory_space<vmem>>, vector<16xf32>,
        tpu.vector_store %arg13[%parallel_loop3A_777, %parallel_loop3A_778], %parallel_loop3A_776 {strides = array<i32>} : memref<32x768xf32, #tpu.memory_space<vmem>>, vector<16xf32>,
      } {sc.loop_unroll_factor = 1 : i64, sc.parallel_access}
      %get3A_414 = arith.constant 192 : index
      %get3A_415 = tpu.vector_load %arg17[%get3A_414] {strides = array<i32>} : memref<768xf32, #tpu.memory_space<vmem>>, vector<16xf32>,
      %get3A_416 = arith.constant 208 : index
      %get3A_417 = tpu.vector_load %arg17[%get3A_416] {strides = array<i32>} : memref<768xf32, #tpu.memory_space<vmem>>, vector<16xf32>,
      %get3A_418 = arith.constant 224 : index
      %get3A_419 = tpu.vector_load %arg17[%get3A_418] {strides = array<i32>} : memref<768xf32, #tpu.memory_space<vmem>>, vector<16xf32>,
      %get3A_420 = arith.constant 240 : index
      %get3A_421 = tpu.vector_load %arg17[%get3A_420] {strides = array<i32>} : memref<768xf32, #tpu.memory_space<vmem>>, vector<16xf32>,
      %get3A_422 = arith.constant 256 : index
      %get3A_423 = tpu.vector_load %arg17[%get3A_422] {strides = array<i32>} : memref<768xf32, #tpu.memory_space<vmem>>, vector<16xf32>,
      %get3A_424 = arith.constant 272 : index
      %get3A_425 = tpu.vector_load %arg17[%get3A_424] {strides = array<i32>} : memref<768xf32, #tpu.memory_space<vmem>>, vector<16xf32>,
      %get3A_426 = arith.constant 288 : index
      %get3A_427 = tpu.vector_load %arg17[%get3A_426] {strides = array<i32>} : memref<768xf32, #tpu.memory_space<vmem>>, vector<16xf32>,
      %get3A_428 = arith.constant 304 : index
      %get3A_429 = tpu.vector_load %arg17[%get3A_428] {strides = array<i32>} : memref<768xf32, #tpu.memory_space<vmem>>, vector<16xf32>,
      %get3A_430 = arith.constant 320 : index
      %get3A_431 = tpu.vector_load %arg17[%get3A_430] {strides = array<i32>} : memref<768xf32, #tpu.memory_space<vmem>>, vector<16xf32>,
      %get3A_432 = arith.constant 336 : index
      %get3A_433 = tpu.vector_load %arg17[%get3A_432] {strides = array<i32>} : memref<768xf32, #tpu.memory_space<vmem>>, vector<16xf32>,
      %get3A_434 = arith.constant 352 : index
      %get3A_435 = tpu.vector_load %arg17[%get3A_434] {strides = array<i32>} : memref<768xf32, #tpu.memory_space<vmem>>, vector<16xf32>,
      %get3A_436 = arith.constant 368 : index
      %get3A_437 = tpu.vector_load %arg17[%get3A_436] {strides = array<i32>} : memref<768xf32, #tpu.memory_space<vmem>>, vector<16xf32>,
      %get3A_438 = arith.constant 192 : index
      %get3A_439 = tpu.vector_load %arg18[%get3A_438] {strides = array<i32>} : memref<768xf32, #tpu.memory_space<vmem>>, vector<16xf32>,
      %get3A_440 = arith.constant 208 : index
      %get3A_441 = tpu.vector_load %arg18[%get3A_440] {strides = array<i32>} : memref<768xf32, #tpu.memory_space<vmem>>, vector<16xf32>,
      %get3A_442 = arith.constant 224 : index
      %get3A_443 = tpu.vector_load %arg18[%get3A_442] {strides = array<i32>} : memref<768xf32, #tpu.memory_space<vmem>>, vector<16xf32>,
      %get3A_444 = arith.constant 240 : index
      %get3A_445 = tpu.vector_load %arg18[%get3A_444] {strides = array<i32>} : memref<768xf32, #tpu.memory_space<vmem>>, vector<16xf32>,
      %get3A_446 = arith.constant 256 : index
      %get3A_447 = tpu.vector_load %arg18[%get3A_446] {strides = array<i32>} : memref<768xf32, #tpu.memory_space<vmem>>, vector<16xf32>,
      %get3A_448 = arith.constant 272 : index
      %get3A_449 = tpu.vector_load %arg18[%get3A_448] {strides = array<i32>} : memref<768xf32, #tpu.memory_space<vmem>>, vector<16xf32>,
      %get3A_450 = arith.constant 288 : index
      %get3A_451 = tpu.vector_load %arg18[%get3A_450] {strides = array<i32>} : memref<768xf32, #tpu.memory_space<vmem>>, vector<16xf32>,
      %get3A_452 = arith.constant 304 : index
      %get3A_453 = tpu.vector_load %arg18[%get3A_452] {strides = array<i32>} : memref<768xf32, #tpu.memory_space<vmem>>, vector<16xf32>,
      %get3A_454 = arith.constant 320 : index
      %get3A_455 = tpu.vector_load %arg18[%get3A_454] {strides = array<i32>} : memref<768xf32, #tpu.memory_space<vmem>>, vector<16xf32>,
      %get3A_456 = arith.constant 336 : index
      %get3A_457 = tpu.vector_load %arg18[%get3A_456] {strides = array<i32>} : memref<768xf32, #tpu.memory_space<vmem>>, vector<16xf32>,
      %get3A_458 = arith.constant 352 : index
      %get3A_459 = tpu.vector_load %arg18[%get3A_458] {strides = array<i32>} : memref<768xf32, #tpu.memory_space<vmem>>, vector<16xf32>,
      %get3A_460 = arith.constant 368 : index
      %get3A_461 = tpu.vector_load %arg18[%get3A_460] {strides = array<i32>} : memref<768xf32, #tpu.memory_space<vmem>>, vector<16xf32>,
      %parallel_loop3A_462 = arith.constant 0 : i32
      %parallel_loop3A_463 = arith.constant 32 : i32
      %parallel_loop3A_464 = arith.constant 1 : i32
      scf.for %parallel_loop3A_599 = %parallel_loop3A_462 to %parallel_loop3A_463 step %parallel_loop3A_464  : i32 {
        %parallel_loop3A_600 = arith.index_cast %parallel_loop3A_599 : i32 to index
        %parallel_loop3A_601 = arith.constant 0 : index
        %parallel_loop3A_602 = tpu.vector_load %arg14[%parallel_loop3A_600, %parallel_loop3A_601] {strides = array<i32>} : memref<32x16xf32, #tpu.memory_space<vmem>>, vector<16xf32>,
        %parallel_loop3A_603 = arith.index_cast %parallel_loop3A_599 : i32 to index
        %parallel_loop3A_604 = arith.constant 0 : index
        %parallel_loop3A_605 = tpu.vector_load %arg15[%parallel_loop3A_603, %parallel_loop3A_604] {strides = array<i32>} : memref<32x16xf32, #tpu.memory_space<vmem>>, vector<16xf32>,
        %parallel_loop3A_606 = arith.index_cast %parallel_loop3A_599 : i32 to index
        %parallel_loop3A_607 = arith.constant 192 : index
        %parallel_loop3A_608 = tpu.vector_load %arg13[%parallel_loop3A_606, %parallel_loop3A_607] {strides = array<i32>} : memref<32x768xf32, #tpu.memory_space<vmem>>, vector<16xf32>,
        %parallel_loop3A_609 = arith.subf %parallel_loop3A_608, %parallel_loop3A_602 : vector<16xf32>
        %parallel_loop3A_610 = arith.mulf %parallel_loop3A_609, %parallel_loop3A_605 : vector<16xf32>
        %parallel_loop3A_611 = arith.mulf %parallel_loop3A_610, %get3A_415 : vector<16xf32>
        %parallel_loop3A_612 = arith.addf %parallel_loop3A_611, %get3A_439 : vector<16xf32>
        %parallel_loop3A_613 = arith.index_cast %parallel_loop3A_599 : i32 to index
        %parallel_loop3A_614 = arith.constant 192 : index
        %parallel_loop3A_615 = tpu.vector_load %arg13[%parallel_loop3A_613, %parallel_loop3A_614] {strides = array<i32>} : memref<32x768xf32, #tpu.memory_space<vmem>>, vector<16xf32>,
        tpu.vector_store %arg13[%parallel_loop3A_613, %parallel_loop3A_614], %parallel_loop3A_612 {strides = array<i32>} : memref<32x768xf32, #tpu.memory_space<vmem>>, vector<16xf32>,
        %parallel_loop3A_616 = arith.index_cast %parallel_loop3A_599 : i32 to index
        %parallel_loop3A_617 = arith.constant 208 : index
        %parallel_loop3A_618 = tpu.vector_load %arg13[%parallel_loop3A_616, %parallel_loop3A_617] {strides = array<i32>} : memref<32x768xf32, #tpu.memory_space<vmem>>, vector<16xf32>,
        %parallel_loop3A_619 = arith.subf %parallel_loop3A_618, %parallel_loop3A_602 : vector<16xf32>
        %parallel_loop3A_620 = arith.mulf %parallel_loop3A_619, %parallel_loop3A_605 : vector<16xf32>
        %parallel_loop3A_621 = arith.mulf %parallel_loop3A_620, %get3A_417 : vector<16xf32>
        %parallel_loop3A_622 = arith.addf %parallel_loop3A_621, %get3A_441 : vector<16xf32>
        %parallel_loop3A_623 = arith.index_cast %parallel_loop3A_599 : i32 to index
        %parallel_loop3A_624 = arith.constant 208 : index
        %parallel_loop3A_625 = tpu.vector_load %arg13[%parallel_loop3A_623, %parallel_loop3A_624] {strides = array<i32>} : memref<32x768xf32, #tpu.memory_space<vmem>>, vector<16xf32>,
        tpu.vector_store %arg13[%parallel_loop3A_623, %parallel_loop3A_624], %parallel_loop3A_622 {strides = array<i32>} : memref<32x768xf32, #tpu.memory_space<vmem>>, vector<16xf32>,
        %parallel_loop3A_626 = arith.index_cast %parallel_loop3A_599 : i32 to index
        %parallel_loop3A_627 = arith.constant 224 : index
        %parallel_loop3A_628 = tpu.vector_load %arg13[%parallel_loop3A_626, %parallel_loop3A_627] {strides = array<i32>} : memref<32x768xf32, #tpu.memory_space<vmem>>, vector<16xf32>,
        %parallel_loop3A_629 = arith.subf %parallel_loop3A_628, %parallel_loop3A_602 : vector<16xf32>
        %parallel_loop3A_630 = arith.mulf %parallel_loop3A_629, %parallel_loop3A_605 : vector<16xf32>
        %parallel_loop3A_631 = arith.mulf %parallel_loop3A_630, %get3A_419 : vector<16xf32>
        %parallel_loop3A_632 = arith.addf %parallel_loop3A_631, %get3A_443 : vector<16xf32>
        %parallel_loop3A_633 = arith.index_cast %parallel_loop3A_599 : i32 to index
        %parallel_loop3A_634 = arith.constant 224 : index
        %parallel_loop3A_635 = tpu.vector_load %arg13[%parallel_loop3A_633, %parallel_loop3A_634] {strides = array<i32>} : memref<32x768xf32, #tpu.memory_space<vmem>>, vector<16xf32>,
        tpu.vector_store %arg13[%parallel_loop3A_633, %parallel_loop3A_634], %parallel_loop3A_632 {strides = array<i32>} : memref<32x768xf32, #tpu.memory_space<vmem>>, vector<16xf32>,
        %parallel_loop3A_636 = arith.index_cast %parallel_loop3A_599 : i32 to index
        %parallel_loop3A_637 = arith.constant 240 : index
        %parallel_loop3A_638 = tpu.vector_load %arg13[%parallel_loop3A_636, %parallel_loop3A_637] {strides = array<i32>} : memref<32x768xf32, #tpu.memory_space<vmem>>, vector<16xf32>,
        %parallel_loop3A_639 = arith.subf %parallel_loop3A_638, %parallel_loop3A_602 : vector<16xf32>
        %parallel_loop3A_640 = arith.mulf %parallel_loop3A_639, %parallel_loop3A_605 : vector<16xf32>
        %parallel_loop3A_641 = arith.mulf %parallel_loop3A_640, %get3A_421 : vector<16xf32>
        %parallel_loop3A_642 = arith.addf %parallel_loop3A_641, %get3A_445 : vector<16xf32>
        %parallel_loop3A_643 = arith.index_cast %parallel_loop3A_599 : i32 to index
        %parallel_loop3A_644 = arith.constant 240 : index
        %parallel_loop3A_645 = tpu.vector_load %arg13[%parallel_loop3A_643, %parallel_loop3A_644] {strides = array<i32>} : memref<32x768xf32, #tpu.memory_space<vmem>>, vector<16xf32>,
        tpu.vector_store %arg13[%parallel_loop3A_643, %parallel_loop3A_644], %parallel_loop3A_642 {strides = array<i32>} : memref<32x768xf32, #tpu.memory_space<vmem>>, vector<16xf32>,
        %parallel_loop3A_646 = arith.index_cast %parallel_loop3A_599 : i32 to index
        %parallel_loop3A_647 = arith.constant 256 : index
        %parallel_loop3A_648 = tpu.vector_load %arg13[%parallel_loop3A_646, %parallel_loop3A_647] {strides = array<i32>} : memref<32x768xf32, #tpu.memory_space<vmem>>, vector<16xf32>,
        %parallel_loop3A_649 = arith.subf %parallel_loop3A_648, %parallel_loop3A_602 : vector<16xf32>
        %parallel_loop3A_650 = arith.mulf %parallel_loop3A_649, %parallel_loop3A_605 : vector<16xf32>
        %parallel_loop3A_651 = arith.mulf %parallel_loop3A_650, %get3A_423 : vector<16xf32>
        %parallel_loop3A_652 = arith.addf %parallel_loop3A_651, %get3A_447 : vector<16xf32>
        %parallel_loop3A_653 = arith.index_cast %parallel_loop3A_599 : i32 to index
        %parallel_loop3A_654 = arith.constant 256 : index
        %parallel_loop3A_655 = tpu.vector_load %arg13[%parallel_loop3A_653, %parallel_loop3A_654] {strides = array<i32>} : memref<32x768xf32, #tpu.memory_space<vmem>>, vector<16xf32>,
        tpu.vector_store %arg13[%parallel_loop3A_653, %parallel_loop3A_654], %parallel_loop3A_652 {strides = array<i32>} : memref<32x768xf32, #tpu.memory_space<vmem>>, vector<16xf32>,
        %parallel_loop3A_656 = arith.index_cast %parallel_loop3A_599 : i32 to index
        %parallel_loop3A_657 = arith.constant 272 : index
        %parallel_loop3A_658 = tpu.vector_load %arg13[%parallel_loop3A_656, %parallel_loop3A_657] {strides = array<i32>} : memref<32x768xf32, #tpu.memory_space<vmem>>, vector<16xf32>,
        %parallel_loop3A_659 = arith.subf %parallel_loop3A_658, %parallel_loop3A_602 : vector<16xf32>
        %parallel_loop3A_660 = arith.mulf %parallel_loop3A_659, %parallel_loop3A_605 : vector<16xf32>
        %parallel_loop3A_661 = arith.mulf %parallel_loop3A_660, %get3A_425 : vector<16xf32>
        %parallel_loop3A_662 = arith.addf %parallel_loop3A_661, %get3A_449 : vector<16xf32>
        %parallel_loop3A_663 = arith.index_cast %parallel_loop3A_599 : i32 to index
        %parallel_loop3A_664 = arith.constant 272 : index
        %parallel_loop3A_665 = tpu.vector_load %arg13[%parallel_loop3A_663, %parallel_loop3A_664] {strides = array<i32>} : memref<32x768xf32, #tpu.memory_space<vmem>>, vector<16xf32>,
        tpu.vector_store %arg13[%parallel_loop3A_663, %parallel_loop3A_664], %parallel_loop3A_662 {strides = array<i32>} : memref<32x768xf32, #tpu.memory_space<vmem>>, vector<16xf32>,
        %parallel_loop3A_666 = arith.index_cast %parallel_loop3A_599 : i32 to index
        %parallel_loop3A_667 = arith.constant 288 : index
        %parallel_loop3A_668 = tpu.vector_load %arg13[%parallel_loop3A_666, %parallel_loop3A_667] {strides = array<i32>} : memref<32x768xf32, #tpu.memory_space<vmem>>, vector<16xf32>,
        %parallel_loop3A_669 = arith.subf %parallel_loop3A_668, %parallel_loop3A_602 : vector<16xf32>
        %parallel_loop3A_670 = arith.mulf %parallel_loop3A_669, %parallel_loop3A_605 : vector<16xf32>
        %parallel_loop3A_671 = arith.mulf %parallel_loop3A_670, %get3A_427 : vector<16xf32>
        %parallel_loop3A_672 = arith.addf %parallel_loop3A_671, %get3A_451 : vector<16xf32>
        %parallel_loop3A_673 = arith.index_cast %parallel_loop3A_599 : i32 to index
        %parallel_loop3A_674 = arith.constant 288 : index
        %parallel_loop3A_675 = tpu.vector_load %arg13[%parallel_loop3A_673, %parallel_loop3A_674] {strides = array<i32>} : memref<32x768xf32, #tpu.memory_space<vmem>>, vector<16xf32>,
        tpu.vector_store %arg13[%parallel_loop3A_673, %parallel_loop3A_674], %parallel_loop3A_672 {strides = array<i32>} : memref<32x768xf32, #tpu.memory_space<vmem>>, vector<16xf32>,
        %parallel_loop3A_676 = arith.index_cast %parallel_loop3A_599 : i32 to index
        %parallel_loop3A_677 = arith.constant 304 : index
        %parallel_loop3A_678 = tpu.vector_load %arg13[%parallel_loop3A_676, %parallel_loop3A_677] {strides = array<i32>} : memref<32x768xf32, #tpu.memory_space<vmem>>, vector<16xf32>,
        %parallel_loop3A_679 = arith.subf %parallel_loop3A_678, %parallel_loop3A_602 : vector<16xf32>
        %parallel_loop3A_680 = arith.mulf %parallel_loop3A_679, %parallel_loop3A_605 : vector<16xf32>
        %parallel_loop3A_681 = arith.mulf %parallel_loop3A_680, %get3A_429 : vector<16xf32>
        %parallel_loop3A_682 = arith.addf %parallel_loop3A_681, %get3A_453 : vector<16xf32>
        %parallel_loop3A_683 = arith.index_cast %parallel_loop3A_599 : i32 to index
        %parallel_loop3A_684 = arith.constant 304 : index
        %parallel_loop3A_685 = tpu.vector_load %arg13[%parallel_loop3A_683, %parallel_loop3A_684] {strides = array<i32>} : memref<32x768xf32, #tpu.memory_space<vmem>>, vector<16xf32>,
        tpu.vector_store %arg13[%parallel_loop3A_683, %parallel_loop3A_684], %parallel_loop3A_682 {strides = array<i32>} : memref<32x768xf32, #tpu.memory_space<vmem>>, vector<16xf32>,
        %parallel_loop3A_686 = arith.index_cast %parallel_loop3A_599 : i32 to index
        %parallel_loop3A_687 = arith.constant 320 : index
        %parallel_loop3A_688 = tpu.vector_load %arg13[%parallel_loop3A_686, %parallel_loop3A_687] {strides = array<i32>} : memref<32x768xf32, #tpu.memory_space<vmem>>, vector<16xf32>,
        %parallel_loop3A_689 = arith.subf %parallel_loop3A_688, %parallel_loop3A_602 : vector<16xf32>
        %parallel_loop3A_690 = arith.mulf %parallel_loop3A_689, %parallel_loop3A_605 : vector<16xf32>
        %parallel_loop3A_691 = arith.mulf %parallel_loop3A_690, %get3A_431 : vector<16xf32>
        %parallel_loop3A_692 = arith.addf %parallel_loop3A_691, %get3A_455 : vector<16xf32>
        %parallel_loop3A_693 = arith.index_cast %parallel_loop3A_599 : i32 to index
        %parallel_loop3A_694 = arith.constant 320 : index
        %parallel_loop3A_695 = tpu.vector_load %arg13[%parallel_loop3A_693, %parallel_loop3A_694] {strides = array<i32>} : memref<32x768xf32, #tpu.memory_space<vmem>>, vector<16xf32>,
        tpu.vector_store %arg13[%parallel_loop3A_693, %parallel_loop3A_694], %parallel_loop3A_692 {strides = array<i32>} : memref<32x768xf32, #tpu.memory_space<vmem>>, vector<16xf32>,
        %parallel_loop3A_696 = arith.index_cast %parallel_loop3A_599 : i32 to index
        %parallel_loop3A_697 = arith.constant 336 : index
        %parallel_loop3A_698 = tpu.vector_load %arg13[%parallel_loop3A_696, %parallel_loop3A_697] {strides = array<i32>} : memref<32x768xf32, #tpu.memory_space<vmem>>, vector<16xf32>,
        %parallel_loop3A_699 = arith.subf %parallel_loop3A_698, %parallel_loop3A_602 : vector<16xf32>
        %parallel_loop3A_700 = arith.mulf %parallel_loop3A_699, %parallel_loop3A_605 : vector<16xf32>
        %parallel_loop3A_701 = arith.mulf %parallel_loop3A_700, %get3A_433 : vector<16xf32>
        %parallel_loop3A_702 = arith.addf %parallel_loop3A_701, %get3A_457 : vector<16xf32>
        %parallel_loop3A_703 = arith.index_cast %parallel_loop3A_599 : i32 to index
        %parallel_loop3A_704 = arith.constant 336 : index
        %parallel_loop3A_705 = tpu.vector_load %arg13[%parallel_loop3A_703, %parallel_loop3A_704] {strides = array<i32>} : memref<32x768xf32, #tpu.memory_space<vmem>>, vector<16xf32>,
        tpu.vector_store %arg13[%parallel_loop3A_703, %parallel_loop3A_704], %parallel_loop3A_702 {strides = array<i32>} : memref<32x768xf32, #tpu.memory_space<vmem>>, vector<16xf32>,
        %parallel_loop3A_706 = arith.index_cast %parallel_loop3A_599 : i32 to index
        %parallel_loop3A_707 = arith.constant 352 : index
        %parallel_loop3A_708 = tpu.vector_load %arg13[%parallel_loop3A_706, %parallel_loop3A_707] {strides = array<i32>} : memref<32x768xf32, #tpu.memory_space<vmem>>, vector<16xf32>,
        %parallel_loop3A_709 = arith.subf %parallel_loop3A_708, %parallel_loop3A_602 : vector<16xf32>
        %parallel_loop3A_710 = arith.mulf %parallel_loop3A_709, %parallel_loop3A_605 : vector<16xf32>
        %parallel_loop3A_711 = arith.mulf %parallel_loop3A_710, %get3A_435 : vector<16xf32>
        %parallel_loop3A_712 = arith.addf %parallel_loop3A_711, %get3A_459 : vector<16xf32>
        %parallel_loop3A_713 = arith.index_cast %parallel_loop3A_599 : i32 to index
        %parallel_loop3A_714 = arith.constant 352 : index
        %parallel_loop3A_715 = tpu.vector_load %arg13[%parallel_loop3A_713, %parallel_loop3A_714] {strides = array<i32>} : memref<32x768xf32, #tpu.memory_space<vmem>>, vector<16xf32>,
        tpu.vector_store %arg13[%parallel_loop3A_713, %parallel_loop3A_714], %parallel_loop3A_712 {strides = array<i32>} : memref<32x768xf32, #tpu.memory_space<vmem>>, vector<16xf32>,
        %parallel_loop3A_716 = arith.index_cast %parallel_loop3A_599 : i32 to index
        %parallel_loop3A_717 = arith.constant 368 : index
        %parallel_loop3A_718 = tpu.vector_load %arg13[%parallel_loop3A_716, %parallel_loop3A_717] {strides = array<i32>} : memref<32x768xf32, #tpu.memory_space<vmem>>, vector<16xf32>,
        %parallel_loop3A_719 = arith.subf %parallel_loop3A_718, %parallel_loop3A_602 : vector<16xf32>
        %parallel_loop3A_720 = arith.mulf %parallel_loop3A_719, %parallel_loop3A_605 : vector<16xf32>
        %parallel_loop3A_721 = arith.mulf %parallel_loop3A_720, %get3A_437 : vector<16xf32>
        %parallel_loop3A_722 = arith.addf %parallel_loop3A_721, %get3A_461 : vector<16xf32>
        %parallel_loop3A_723 = arith.index_cast %parallel_loop3A_599 : i32 to index
        %parallel_loop3A_724 = arith.constant 368 : index
        %parallel_loop3A_725 = tpu.vector_load %arg13[%parallel_loop3A_723, %parallel_loop3A_724] {strides = array<i32>} : memref<32x768xf32, #tpu.memory_space<vmem>>, vector<16xf32>,
        tpu.vector_store %arg13[%parallel_loop3A_723, %parallel_loop3A_724], %parallel_loop3A_722 {strides = array<i32>} : memref<32x768xf32, #tpu.memory_space<vmem>>, vector<16xf32>,
      } {sc.loop_unroll_factor = 1 : i64, sc.parallel_access}
      %get3A_465 = arith.constant 384 : index
      %get3A_466 = tpu.vector_load %arg17[%get3A_465] {strides = array<i32>} : memref<768xf32, #tpu.memory_space<vmem>>, vector<16xf32>,
      %get3A_467 = arith.constant 400 : index
      %get3A_468 = tpu.vector_load %arg17[%get3A_467] {strides = array<i32>} : memref<768xf32, #tpu.memory_space<vmem>>, vector<16xf32>,
      %get3A_469 = arith.constant 416 : index
      %get3A_470 = tpu.vector_load %arg17[%get3A_469] {strides = array<i32>} : memref<768xf32, #tpu.memory_space<vmem>>, vector<16xf32>,
      %get3A_471 = arith.constant 432 : index
      %get3A_472 = tpu.vector_load %arg17[%get3A_471] {strides = array<i32>} : memref<768xf32, #tpu.memory_space<vmem>>, vector<16xf32>,
      %get3A_473 = arith.constant 448 : index
      %get3A_474 = tpu.vector_load %arg17[%get3A_473] {strides = array<i32>} : memref<768xf32, #tpu.memory_space<vmem>>, vector<16xf32>,
      %get3A_475 = arith.constant 464 : index
      %get3A_476 = tpu.vector_load %arg17[%get3A_475] {strides = array<i32>} : memref<768xf32, #tpu.memory_space<vmem>>, vector<16xf32>,
      %get3A_477 = arith.constant 480 : index
      %get3A_478 = tpu.vector_load %arg17[%get3A_477] {strides = array<i32>} : memref<768xf32, #tpu.memory_space<vmem>>, vector<16xf32>,
      %get3A_479 = arith.constant 496 : index
      %get3A_480 = tpu.vector_load %arg17[%get3A_479] {strides = array<i32>} : memref<768xf32, #tpu.memory_space<vmem>>, vector<16xf32>,
      %get3A_481 = arith.constant 512 : index
      %get3A_482 = tpu.vector_load %arg17[%get3A_481] {strides = array<i32>} : memref<768xf32, #tpu.memory_space<vmem>>, vector<16xf32>,
      %get3A_483 = arith.constant 528 : index
      %get3A_484 = tpu.vector_load %arg17[%get3A_483] {strides = array<i32>} : memref<768xf32, #tpu.memory_space<vmem>>, vector<16xf32>,
      %get3A_485 = arith.constant 544 : index
      %get3A_486 = tpu.vector_load %arg17[%get3A_485] {strides = array<i32>} : memref<768xf32, #tpu.memory_space<vmem>>, vector<16xf32>,
      %get3A_487 = arith.constant 560 : index
      %get3A_488 = tpu.vector_load %arg17[%get3A_487] {strides = array<i32>} : memref<768xf32, #tpu.memory_space<vmem>>, vector<16xf32>,
      %get3A_489 = arith.constant 384 : index
      %get3A_490 = tpu.vector_load %arg18[%get3A_489] {strides = array<i32>} : memref<768xf32, #tpu.memory_space<vmem>>, vector<16xf32>,
      %get3A_491 = arith.constant 400 : index
      %get3A_492 = tpu.vector_load %arg18[%get3A_491] {strides = array<i32>} : memref<768xf32, #tpu.memory_space<vmem>>, vector<16xf32>,
      %get3A_493 = arith.constant 416 : index
      %get3A_494 = tpu.vector_load %arg18[%get3A_493] {strides = array<i32>} : memref<768xf32, #tpu.memory_space<vmem>>, vector<16xf32>,
      %get3A_495 = arith.constant 432 : index
      %get3A_496 = tpu.vector_load %arg18[%get3A_495] {strides = array<i32>} : memref<768xf32, #tpu.memory_space<vmem>>, vector<16xf32>,
      %get3A_497 = arith.constant 448 : index
      %get3A_498 = tpu.vector_load %arg18[%get3A_497] {strides = array<i32>} : memref<768xf32, #tpu.memory_space<vmem>>, vector<16xf32>,
      %get3A_499 = arith.constant 464 : index
      %get3A_500 = tpu.vector_load %arg18[%get3A_499] {strides = array<i32>} : memref<768xf32, #tpu.memory_space<vmem>>, vector<16xf32>,
      %get3A_501 = arith.constant 480 : index
      %get3A_502 = tpu.vector_load %arg18[%get3A_501] {strides = array<i32>} : memref<768xf32, #tpu.memory_space<vmem>>, vector<16xf32>,
      %get3A_503 = arith.constant 496 : index
      %get3A_504 = tpu.vector_load %arg18[%get3A_503] {strides = array<i32>} : memref<768xf32, #tpu.memory_space<vmem>>, vector<16xf32>,
      %get3A_505 = arith.constant 512 : index
      %get3A_506 = tpu.vector_load %arg18[%get3A_505] {strides = array<i32>} : memref<768xf32, #tpu.memory_space<vmem>>, vector<16xf32>,
      %get3A_507 = arith.constant 528 : index
      %get3A_508 = tpu.vector_load %arg18[%get3A_507] {strides = array<i32>} : memref<768xf32, #tpu.memory_space<vmem>>, vector<16xf32>,
      %get3A_509 = arith.constant 544 : index
      %get3A_510 = tpu.vector_load %arg18[%get3A_509] {strides = array<i32>} : memref<768xf32, #tpu.memory_space<vmem>>, vector<16xf32>,
      %get3A_511 = arith.constant 560 : index
      %get3A_512 = tpu.vector_load %arg18[%get3A_511] {strides = array<i32>} : memref<768xf32, #tpu.memory_space<vmem>>, vector<16xf32>,
      %parallel_loop3A_513 = arith.constant 0 : i32
      %parallel_loop3A_514 = arith.constant 32 : i32
      %parallel_loop3A_515 = arith.constant 1 : i32
      scf.for %parallel_loop3A_599 = %parallel_loop3A_513 to %parallel_loop3A_514 step %parallel_loop3A_515  : i32 {
        %parallel_loop3A_600 = arith.index_cast %parallel_loop3A_599 : i32 to index
        %parallel_loop3A_601 = arith.constant 0 : index
        %parallel_loop3A_602 = tpu.vector_load %arg14[%parallel_loop3A_600, %parallel_loop3A_601] {strides = array<i32>} : memref<32x16xf32, #tpu.memory_space<vmem>>, vector<16xf32>,
        %parallel_loop3A_603 = arith.index_cast %parallel_loop3A_599 : i32 to index
        %parallel_loop3A_604 = arith.constant 0 : index
        %parallel_loop3A_605 = tpu.vector_load %arg15[%parallel_loop3A_603, %parallel_loop3A_604] {strides = array<i32>} : memref<32x16xf32, #tpu.memory_space<vmem>>, vector<16xf32>,
        %parallel_loop3A_606 = arith.index_cast %parallel_loop3A_599 : i32 to index
        %parallel_loop3A_607 = arith.constant 384 : index
        %parallel_loop3A_608 = tpu.vector_load %arg13[%parallel_loop3A_606, %parallel_loop3A_607] {strides = array<i32>} : memref<32x768xf32, #tpu.memory_space<vmem>>, vector<16xf32>,
        %parallel_loop3A_609 = arith.subf %parallel_loop3A_608, %parallel_loop3A_602 : vector<16xf32>
        %parallel_loop3A_610 = arith.mulf %parallel_loop3A_609, %parallel_loop3A_605 : vector<16xf32>
        %parallel_loop3A_611 = arith.mulf %parallel_loop3A_610, %get3A_466 : vector<16xf32>
        %parallel_loop3A_612 = arith.addf %parallel_loop3A_611, %get3A_490 : vector<16xf32>
        %parallel_loop3A_613 = arith.index_cast %parallel_loop3A_599 : i32 to index
        %parallel_loop3A_614 = arith.constant 384 : index
        %parallel_loop3A_615 = tpu.vector_load %arg13[%parallel_loop3A_613, %parallel_loop3A_614] {strides = array<i32>} : memref<32x768xf32, #tpu.memory_space<vmem>>, vector<16xf32>,
        tpu.vector_store %arg13[%parallel_loop3A_613, %parallel_loop3A_614], %parallel_loop3A_612 {strides = array<i32>} : memref<32x768xf32, #tpu.memory_space<vmem>>, vector<16xf32>,
        %parallel_loop3A_616 = arith.index_cast %parallel_loop3A_599 : i32 to index
        %parallel_loop3A_617 = arith.constant 400 : index
        %parallel_loop3A_618 = tpu.vector_load %arg13[%parallel_loop3A_616, %parallel_loop3A_617] {strides = array<i32>} : memref<32x768xf32, #tpu.memory_space<vmem>>, vector<16xf32>,
        %parallel_loop3A_619 = arith.subf %parallel_loop3A_618, %parallel_loop3A_602 : vector<16xf32>
        %parallel_loop3A_620 = arith.mulf %parallel_loop3A_619, %parallel_loop3A_605 : vector<16xf32>
        %parallel_loop3A_621 = arith.mulf %parallel_loop3A_620, %get3A_468 : vector<16xf32>
        %parallel_loop3A_622 = arith.addf %parallel_loop3A_621, %get3A_492 : vector<16xf32>
        %parallel_loop3A_623 = arith.index_cast %parallel_loop3A_599 : i32 to index
        %parallel_loop3A_624 = arith.constant 400 : index
        %parallel_loop3A_625 = tpu.vector_load %arg13[%parallel_loop3A_623, %parallel_loop3A_624] {strides = array<i32>} : memref<32x768xf32, #tpu.memory_space<vmem>>, vector<16xf32>,
        tpu.vector_store %arg13[%parallel_loop3A_623, %parallel_loop3A_624], %parallel_loop3A_622 {strides = array<i32>} : memref<32x768xf32, #tpu.memory_space<vmem>>, vector<16xf32>,
        %parallel_loop3A_626 = arith.index_cast %parallel_loop3A_599 : i32 to index
        %parallel_loop3A_627 = arith.constant 416 : index
        %parallel_loop3A_628 = tpu.vector_load %arg13[%parallel_loop3A_626, %parallel_loop3A_627] {strides = array<i32>} : memref<32x768xf32, #tpu.memory_space<vmem>>, vector<16xf32>,
        %parallel_loop3A_629 = arith.subf %parallel_loop3A_628, %parallel_loop3A_602 : vector<16xf32>
        %parallel_loop3A_630 = arith.mulf %parallel_loop3A_629, %parallel_loop3A_605 : vector<16xf32>
        %parallel_loop3A_631 = arith.mulf %parallel_loop3A_630, %get3A_470 : vector<16xf32>
        %parallel_loop3A_632 = arith.addf %parallel_loop3A_631, %get3A_494 : vector<16xf32>
        %parallel_loop3A_633 = arith.index_cast %parallel_loop3A_599 : i32 to index
        %parallel_loop3A_634 = arith.constant 416 : index
        %parallel_loop3A_635 = tpu.vector_load %arg13[%parallel_loop3A_633, %parallel_loop3A_634] {strides = array<i32>} : memref<32x768xf32, #tpu.memory_space<vmem>>, vector<16xf32>,
        tpu.vector_store %arg13[%parallel_loop3A_633, %parallel_loop3A_634], %parallel_loop3A_632 {strides = array<i32>} : memref<32x768xf32, #tpu.memory_space<vmem>>, vector<16xf32>,
        %parallel_loop3A_636 = arith.index_cast %parallel_loop3A_599 : i32 to index
        %parallel_loop3A_637 = arith.constant 432 : index
        %parallel_loop3A_638 = tpu.vector_load %arg13[%parallel_loop3A_636, %parallel_loop3A_637] {strides = array<i32>} : memref<32x768xf32, #tpu.memory_space<vmem>>, vector<16xf32>,
        %parallel_loop3A_639 = arith.subf %parallel_loop3A_638, %parallel_loop3A_602 : vector<16xf32>
        %parallel_loop3A_640 = arith.mulf %parallel_loop3A_639, %parallel_loop3A_605 : vector<16xf32>
        %parallel_loop3A_641 = arith.mulf %parallel_loop3A_640, %get3A_472 : vector<16xf32>
        %parallel_loop3A_642 = arith.addf %parallel_loop3A_641, %get3A_496 : vector<16xf32>
        %parallel_loop3A_643 = arith.index_cast %parallel_loop3A_599 : i32 to index
        %parallel_loop3A_644 = arith.constant 432 : index
        %parallel_loop3A_645 = tpu.vector_load %arg13[%parallel_loop3A_643, %parallel_loop3A_644] {strides = array<i32>} : memref<32x768xf32, #tpu.memory_space<vmem>>, vector<16xf32>,
        tpu.vector_store %arg13[%parallel_loop3A_643, %parallel_loop3A_644], %parallel_loop3A_642 {strides = array<i32>} : memref<32x768xf32, #tpu.memory_space<vmem>>, vector<16xf32>,
        %parallel_loop3A_646 = arith.index_cast %parallel_loop3A_599 : i32 to index
        %parallel_loop3A_647 = arith.constant 448 : index
        %parallel_loop3A_648 = tpu.vector_load %arg13[%parallel_loop3A_646, %parallel_loop3A_647] {strides = array<i32>} : memref<32x768xf32, #tpu.memory_space<vmem>>, vector<16xf32>,
        %parallel_loop3A_649 = arith.subf %parallel_loop3A_648, %parallel_loop3A_602 : vector<16xf32>
        %parallel_loop3A_650 = arith.mulf %parallel_loop3A_649, %parallel_loop3A_605 : vector<16xf32>
        %parallel_loop3A_651 = arith.mulf %parallel_loop3A_650, %get3A_474 : vector<16xf32>
        %parallel_loop3A_652 = arith.addf %parallel_loop3A_651, %get3A_498 : vector<16xf32>
        %parallel_loop3A_653 = arith.index_cast %parallel_loop3A_599 : i32 to index
        %parallel_loop3A_654 = arith.constant 448 : index
        %parallel_loop3A_655 = tpu.vector_load %arg13[%parallel_loop3A_653, %parallel_loop3A_654] {strides = array<i32>} : memref<32x768xf32, #tpu.memory_space<vmem>>, vector<16xf32>,
        tpu.vector_store %arg13[%parallel_loop3A_653, %parallel_loop3A_654], %parallel_loop3A_652 {strides = array<i32>} : memref<32x768xf32, #tpu.memory_space<vmem>>, vector<16xf32>,
        %parallel_loop3A_656 = arith.index_cast %parallel_loop3A_599 : i32 to index
        %parallel_loop3A_657 = arith.constant 464 : index
        %parallel_loop3A_658 = tpu.vector_load %arg13[%parallel_loop3A_656, %parallel_loop3A_657] {strides = array<i32>} : memref<32x768xf32, #tpu.memory_space<vmem>>, vector<16xf32>,
        %parallel_loop3A_659 = arith.subf %parallel_loop3A_658, %parallel_loop3A_602 : vector<16xf32>
        %parallel_loop3A_660 = arith.mulf %parallel_loop3A_659, %parallel_loop3A_605 : vector<16xf32>
        %parallel_loop3A_661 = arith.mulf %parallel_loop3A_660, %get3A_476 : vector<16xf32>
        %parallel_loop3A_662 = arith.addf %parallel_loop3A_661, %get3A_500 : vector<16xf32>
        %parallel_loop3A_663 = arith.index_cast %parallel_loop3A_599 : i32 to index
        %parallel_loop3A_664 = arith.constant 464 : index
        %parallel_loop3A_665 = tpu.vector_load %arg13[%parallel_loop3A_663, %parallel_loop3A_664] {strides = array<i32>} : memref<32x768xf32, #tpu.memory_space<vmem>>, vector<16xf32>,
        tpu.vector_store %arg13[%parallel_loop3A_663, %parallel_loop3A_664], %parallel_loop3A_662 {strides = array<i32>} : memref<32x768xf32, #tpu.memory_space<vmem>>, vector<16xf32>,
        %parallel_loop3A_666 = arith.index_cast %parallel_loop3A_599 : i32 to index
        %parallel_loop3A_667 = arith.constant 480 : index
        %parallel_loop3A_668 = tpu.vector_load %arg13[%parallel_loop3A_666, %parallel_loop3A_667] {strides = array<i32>} : memref<32x768xf32, #tpu.memory_space<vmem>>, vector<16xf32>,
        %parallel_loop3A_669 = arith.subf %parallel_loop3A_668, %parallel_loop3A_602 : vector<16xf32>
        %parallel_loop3A_670 = arith.mulf %parallel_loop3A_669, %parallel_loop3A_605 : vector<16xf32>
        %parallel_loop3A_671 = arith.mulf %parallel_loop3A_670, %get3A_478 : vector<16xf32>
        %parallel_loop3A_672 = arith.addf %parallel_loop3A_671, %get3A_502 : vector<16xf32>
        %parallel_loop3A_673 = arith.index_cast %parallel_loop3A_599 : i32 to index
        %parallel_loop3A_674 = arith.constant 480 : index
        %parallel_loop3A_675 = tpu.vector_load %arg13[%parallel_loop3A_673, %parallel_loop3A_674] {strides = array<i32>} : memref<32x768xf32, #tpu.memory_space<vmem>>, vector<16xf32>,
        tpu.vector_store %arg13[%parallel_loop3A_673, %parallel_loop3A_674], %parallel_loop3A_672 {strides = array<i32>} : memref<32x768xf32, #tpu.memory_space<vmem>>, vector<16xf32>,
        %parallel_loop3A_676 = arith.index_cast %parallel_loop3A_599 : i32 to index
        %parallel_loop3A_677 = arith.constant 496 : index
        %parallel_loop3A_678 = tpu.vector_load %arg13[%parallel_loop3A_676, %parallel_loop3A_677] {strides = array<i32>} : memref<32x768xf32, #tpu.memory_space<vmem>>, vector<16xf32>,
        %parallel_loop3A_679 = arith.subf %parallel_loop3A_678, %parallel_loop3A_602 : vector<16xf32>
        %parallel_loop3A_680 = arith.mulf %parallel_loop3A_679, %parallel_loop3A_605 : vector<16xf32>
        %parallel_loop3A_681 = arith.mulf %parallel_loop3A_680, %get3A_480 : vector<16xf32>
        %parallel_loop3A_682 = arith.addf %parallel_loop3A_681, %get3A_504 : vector<16xf32>
        %parallel_loop3A_683 = arith.index_cast %parallel_loop3A_599 : i32 to index
        %parallel_loop3A_684 = arith.constant 496 : index
        %parallel_loop3A_685 = tpu.vector_load %arg13[%parallel_loop3A_683, %parallel_loop3A_684] {strides = array<i32>} : memref<32x768xf32, #tpu.memory_space<vmem>>, vector<16xf32>,
        tpu.vector_store %arg13[%parallel_loop3A_683, %parallel_loop3A_684], %parallel_loop3A_682 {strides = array<i32>} : memref<32x768xf32, #tpu.memory_space<vmem>>, vector<16xf32>,
        %parallel_loop3A_686 = arith.index_cast %parallel_loop3A_599 : i32 to index
        %parallel_loop3A_687 = arith.constant 512 : index
        %parallel_loop3A_688 = tpu.vector_load %arg13[%parallel_loop3A_686, %parallel_loop3A_687] {strides = array<i32>} : memref<32x768xf32, #tpu.memory_space<vmem>>, vector<16xf32>,
        %parallel_loop3A_689 = arith.subf %parallel_loop3A_688, %parallel_loop3A_602 : vector<16xf32>
        %parallel_loop3A_690 = arith.mulf %parallel_loop3A_689, %parallel_loop3A_605 : vector<16xf32>
        %parallel_loop3A_691 = arith.mulf %parallel_loop3A_690, %get3A_482 : vector<16xf32>
        %parallel_loop3A_692 = arith.addf %parallel_loop3A_691, %get3A_506 : vector<16xf32>
        %parallel_loop3A_693 = arith.index_cast %parallel_loop3A_599 : i32 to index
        %parallel_loop3A_694 = arith.constant 512 : index
        %parallel_loop3A_695 = tpu.vector_load %arg13[%parallel_loop3A_693, %parallel_loop3A_694] {strides = array<i32>} : memref<32x768xf32, #tpu.memory_space<vmem>>, vector<16xf32>,
        tpu.vector_store %arg13[%parallel_loop3A_693, %parallel_loop3A_694], %parallel_loop3A_692 {strides = array<i32>} : memref<32x768xf32, #tpu.memory_space<vmem>>, vector<16xf32>,
        %parallel_loop3A_696 = arith.index_cast %parallel_loop3A_599 : i32 to index
        %parallel_loop3A_697 = arith.constant 528 : index
        %parallel_loop3A_698 = tpu.vector_load %arg13[%parallel_loop3A_696, %parallel_loop3A_697] {strides = array<i32>} : memref<32x768xf32, #tpu.memory_space<vmem>>, vector<16xf32>,
        %parallel_loop3A_699 = arith.subf %parallel_loop3A_698, %parallel_loop3A_602 : vector<16xf32>
        %parallel_loop3A_700 = arith.mulf %parallel_loop3A_699, %parallel_loop3A_605 : vector<16xf32>
        %parallel_loop3A_701 = arith.mulf %parallel_loop3A_700, %get3A_484 : vector<16xf32>
        %parallel_loop3A_702 = arith.addf %parallel_loop3A_701, %get3A_508 : vector<16xf32>
        %parallel_loop3A_703 = arith.index_cast %parallel_loop3A_599 : i32 to index
        %parallel_loop3A_704 = arith.constant 528 : index
        %parallel_loop3A_705 = tpu.vector_load %arg13[%parallel_loop3A_703, %parallel_loop3A_704] {strides = array<i32>} : memref<32x768xf32, #tpu.memory_space<vmem>>, vector<16xf32>,
        tpu.vector_store %arg13[%parallel_loop3A_703, %parallel_loop3A_704], %parallel_loop3A_702 {strides = array<i32>} : memref<32x768xf32, #tpu.memory_space<vmem>>, vector<16xf32>,
        %parallel_loop3A_706 = arith.index_cast %parallel_loop3A_599 : i32 to index
        %parallel_loop3A_707 = arith.constant 544 : index
        %parallel_loop3A_708 = tpu.vector_load %arg13[%parallel_loop3A_706, %parallel_loop3A_707] {strides = array<i32>} : memref<32x768xf32, #tpu.memory_space<vmem>>, vector<16xf32>,
        %parallel_loop3A_709 = arith.subf %parallel_loop3A_708, %parallel_loop3A_602 : vector<16xf32>
        %parallel_loop3A_710 = arith.mulf %parallel_loop3A_709, %parallel_loop3A_605 : vector<16xf32>
        %parallel_loop3A_711 = arith.mulf %parallel_loop3A_710, %get3A_486 : vector<16xf32>
        %parallel_loop3A_712 = arith.addf %parallel_loop3A_711, %get3A_510 : vector<16xf32>
        %parallel_loop3A_713 = arith.index_cast %parallel_loop3A_599 : i32 to index
        %parallel_loop3A_714 = arith.constant 544 : index
        %parallel_loop3A_715 = tpu.vector_load %arg13[%parallel_loop3A_713, %parallel_loop3A_714] {strides = array<i32>} : memref<32x768xf32, #tpu.memory_space<vmem>>, vector<16xf32>,
        tpu.vector_store %arg13[%parallel_loop3A_713, %parallel_loop3A_714], %parallel_loop3A_712 {strides = array<i32>} : memref<32x768xf32, #tpu.memory_space<vmem>>, vector<16xf32>,
        %parallel_loop3A_716 = arith.index_cast %parallel_loop3A_599 : i32 to index
        %parallel_loop3A_717 = arith.constant 560 : index
        %parallel_loop3A_718 = tpu.vector_load %arg13[%parallel_loop3A_716, %parallel_loop3A_717] {strides = array<i32>} : memref<32x768xf32, #tpu.memory_space<vmem>>, vector<16xf32>,
        %parallel_loop3A_719 = arith.subf %parallel_loop3A_718, %parallel_loop3A_602 : vector<16xf32>
        %parallel_loop3A_720 = arith.mulf %parallel_loop3A_719, %parallel_loop3A_605 : vector<16xf32>
        %parallel_loop3A_721 = arith.mulf %parallel_loop3A_720, %get3A_488 : vector<16xf32>
        %parallel_loop3A_722 = arith.addf %parallel_loop3A_721, %get3A_512 : vector<16xf32>
        %parallel_loop3A_723 = arith.index_cast %parallel_loop3A_599 : i32 to index
        %parallel_loop3A_724 = arith.constant 560 : index
        %parallel_loop3A_725 = tpu.vector_load %arg13[%parallel_loop3A_723, %parallel_loop3A_724] {strides = array<i32>} : memref<32x768xf32, #tpu.memory_space<vmem>>, vector<16xf32>,
        tpu.vector_store %arg13[%parallel_loop3A_723, %parallel_loop3A_724], %parallel_loop3A_722 {strides = array<i32>} : memref<32x768xf32, #tpu.memory_space<vmem>>, vector<16xf32>,
      } {sc.loop_unroll_factor = 1 : i64, sc.parallel_access}
      %get3A_516 = arith.constant 576 : index
      %get3A_517 = tpu.vector_load %arg17[%get3A_516] {strides = array<i32>} : memref<768xf32, #tpu.memory_space<vmem>>, vector<16xf32>,
      %get3A_518 = arith.constant 592 : index
      %get3A_519 = tpu.vector_load %arg17[%get3A_518] {strides = array<i32>} : memref<768xf32, #tpu.memory_space<vmem>>, vector<16xf32>,
      %get3A_520 = arith.constant 608 : index
      %get3A_521 = tpu.vector_load %arg17[%get3A_520] {strides = array<i32>} : memref<768xf32, #tpu.memory_space<vmem>>, vector<16xf32>,
      %get3A_522 = arith.constant 624 : index
      %get3A_523 = tpu.vector_load %arg17[%get3A_522] {strides = array<i32>} : memref<768xf32, #tpu.memory_space<vmem>>, vector<16xf32>,
      %get3A_524 = arith.constant 640 : index
      %get3A_525 = tpu.vector_load %arg17[%get3A_524] {strides = array<i32>} : memref<768xf32, #tpu.memory_space<vmem>>, vector<16xf32>,
      %get3A_526 = arith.constant 656 : index
      %get3A_527 = tpu.vector_load %arg17[%get3A_526] {strides = array<i32>} : memref<768xf32, #tpu.memory_space<vmem>>, vector<16xf32>,
      %get3A_528 = arith.constant 672 : index
      %get3A_529 = tpu.vector_load %arg17[%get3A_528] {strides = array<i32>} : memref<768xf32, #tpu.memory_space<vmem>>, vector<16xf32>,
      %get3A_530 = arith.constant 688 : index
      %get3A_531 = tpu.vector_load %arg17[%get3A_530] {strides = array<i32>} : memref<768xf32, #tpu.memory_space<vmem>>, vector<16xf32>,
      %get3A_532 = arith.constant 704 : index
      %get3A_533 = tpu.vector_load %arg17[%get3A_532] {strides = array<i32>} : memref<768xf32, #tpu.memory_space<vmem>>, vector<16xf32>,
      %get3A_534 = arith.constant 720 : index
      %get3A_535 = tpu.vector_load %arg17[%get3A_534] {strides = array<i32>} : memref<768xf32, #tpu.memory_space<vmem>>, vector<16xf32>,
      %get3A_536 = arith.constant 736 : index
      %get3A_537 = tpu.vector_load %arg17[%get3A_536] {strides = array<i32>} : memref<768xf32, #tpu.memory_space<vmem>>, vector<16xf32>,
      %get3A_538 = arith.constant 752 : index
      %get3A_539 = tpu.vector_load %arg17[%get3A_538] {strides = array<i32>} : memref<768xf32, #tpu.memory_space<vmem>>, vector<16xf32>,
      %get3A_540 = arith.constant 576 : index
      %get3A_541 = tpu.vector_load %arg18[%get3A_540] {strides = array<i32>} : memref<768xf32, #tpu.memory_space<vmem>>, vector<16xf32>,
      %get3A_542 = arith.constant 592 : index
      %get3A_543 = tpu.vector_load %arg18[%get3A_542] {strides = array<i32>} : memref<768xf32, #tpu.memory_space<vmem>>, vector<16xf32>,
      %get3A_544 = arith.constant 608 : index
      %get3A_545 = tpu.vector_load %arg18[%get3A_544] {strides = array<i32>} : memref<768xf32, #tpu.memory_space<vmem>>, vector<16xf32>,
      %get3A_546 = arith.constant 624 : index
      %get3A_547 = tpu.vector_load %arg18[%get3A_546] {strides = array<i32>} : memref<768xf32, #tpu.memory_space<vmem>>, vector<16xf32>,
      %get3A_548 = arith.constant 640 : index
      %get3A_549 = tpu.vector_load %arg18[%get3A_548] {strides = array<i32>} : memref<768xf32, #tpu.memory_space<vmem>>, vector<16xf32>,
      %get3A_550 = arith.constant 656 : index
      %get3A_551 = tpu.vector_load %arg18[%get3A_550] {strides = array<i32>} : memref<768xf32, #tpu.memory_space<vmem>>, vector<16xf32>,
      %get3A_552 = arith.constant 672 : index
      %get3A_553 = tpu.vector_load %arg18[%get3A_552] {strides = array<i32>} : memref<768xf32, #tpu.memory_space<vmem>>, vector<16xf32>,
      %get3A_554 = arith.constant 688 : index
      %get3A_555 = tpu.vector_load %arg18[%get3A_554] {strides = array<i32>} : memref<768xf32, #tpu.memory_space<vmem>>, vector<16xf32>,
      %get3A_556 = arith.constant 704 : index
      %get3A_557 = tpu.vector_load %arg18[%get3A_556] {strides = array<i32>} : memref<768xf32, #tpu.memory_space<vmem>>, vector<16xf32>,
      %get3A_558 = arith.constant 720 : index
      %get3A_559 = tpu.vector_load %arg18[%get3A_558] {strides = array<i32>} : memref<768xf32, #tpu.memory_space<vmem>>, vector<16xf32>,
      %get3A_560 = arith.constant 736 : index
      %get3A_561 = tpu.vector_load %arg18[%get3A_560] {strides = array<i32>} : memref<768xf32, #tpu.memory_space<vmem>>, vector<16xf32>,
      %get3A_562 = arith.constant 752 : index
      %get3A_563 = tpu.vector_load %arg18[%get3A_562] {strides = array<i32>} : memref<768xf32, #tpu.memory_space<vmem>>, vector<16xf32>,
      %parallel_loop3A_564 = arith.constant 0 : i32
      %parallel_loop3A_565 = arith.constant 32 : i32
      %parallel_loop3A_566 = arith.constant 1 : i32
      scf.for %parallel_loop3A_599 = %parallel_loop3A_564 to %parallel_loop3A_565 step %parallel_loop3A_566  : i32 {
        %parallel_loop3A_600 = arith.index_cast %parallel_loop3A_599 : i32 to index
        %parallel_loop3A_601 = arith.constant 0 : index
        %parallel_loop3A_602 = tpu.vector_load %arg14[%parallel_loop3A_600, %parallel_loop3A_601] {strides = array<i32>} : memref<32x16xf32, #tpu.memory_space<vmem>>, vector<16xf32>,
        %parallel_loop3A_603 = arith.index_cast %parallel_loop3A_599 : i32 to index
        %parallel_loop3A_604 = arith.constant 0 : index
        %parallel_loop3A_605 = tpu.vector_load %arg15[%parallel_loop3A_603, %parallel_loop3A_604] {strides = array<i32>} : memref<32x16xf32, #tpu.memory_space<vmem>>, vector<16xf32>,
        %parallel_loop3A_606 = arith.index_cast %parallel_loop3A_599 : i32 to index
        %parallel_loop3A_607 = arith.constant 576 : index
        %parallel_loop3A_608 = tpu.vector_load %arg13[%parallel_loop3A_606, %parallel_loop3A_607] {strides = array<i32>} : memref<32x768xf32, #tpu.memory_space<vmem>>, vector<16xf32>,
        %parallel_loop3A_609 = arith.subf %parallel_loop3A_608, %parallel_loop3A_602 : vector<16xf32>
        %parallel_loop3A_610 = arith.mulf %parallel_loop3A_609, %parallel_loop3A_605 : vector<16xf32>
        %parallel_loop3A_611 = arith.mulf %parallel_loop3A_610, %get3A_517 : vector<16xf32>
        %parallel_loop3A_612 = arith.addf %parallel_loop3A_611, %get3A_541 : vector<16xf32>
        %parallel_loop3A_613 = arith.index_cast %parallel_loop3A_599 : i32 to index
        %parallel_loop3A_614 = arith.constant 576 : index
        %parallel_loop3A_615 = tpu.vector_load %arg13[%parallel_loop3A_613, %parallel_loop3A_614] {strides = array<i32>} : memref<32x768xf32, #tpu.memory_space<vmem>>, vector<16xf32>,
        tpu.vector_store %arg13[%parallel_loop3A_613, %parallel_loop3A_614], %parallel_loop3A_612 {strides = array<i32>} : memref<32x768xf32, #tpu.memory_space<vmem>>, vector<16xf32>,
        %parallel_loop3A_616 = arith.index_cast %parallel_loop3A_599 : i32 to index
        %parallel_loop3A_617 = arith.constant 592 : index
        %parallel_loop3A_618 = tpu.vector_load %arg13[%parallel_loop3A_616, %parallel_loop3A_617] {strides = array<i32>} : memref<32x768xf32, #tpu.memory_space<vmem>>, vector<16xf32>,
        %parallel_loop3A_619 = arith.subf %parallel_loop3A_618, %parallel_loop3A_602 : vector<16xf32>
        %parallel_loop3A_620 = arith.mulf %parallel_loop3A_619, %parallel_loop3A_605 : vector<16xf32>
        %parallel_loop3A_621 = arith.mulf %parallel_loop3A_620, %get3A_519 : vector<16xf32>
        %parallel_loop3A_622 = arith.addf %parallel_loop3A_621, %get3A_543 : vector<16xf32>
        %parallel_loop3A_623 = arith.index_cast %parallel_loop3A_599 : i32 to index
        %parallel_loop3A_624 = arith.constant 592 : index
        %parallel_loop3A_625 = tpu.vector_load %arg13[%parallel_loop3A_623, %parallel_loop3A_624] {strides = array<i32>} : memref<32x768xf32, #tpu.memory_space<vmem>>, vector<16xf32>,
        tpu.vector_store %arg13[%parallel_loop3A_623, %parallel_loop3A_624], %parallel_loop3A_622 {strides = array<i32>} : memref<32x768xf32, #tpu.memory_space<vmem>>, vector<16xf32>,
        %parallel_loop3A_626 = arith.index_cast %parallel_loop3A_599 : i32 to index
        %parallel_loop3A_627 = arith.constant 608 : index
        %parallel_loop3A_628 = tpu.vector_load %arg13[%parallel_loop3A_626, %parallel_loop3A_627] {strides = array<i32>} : memref<32x768xf32, #tpu.memory_space<vmem>>, vector<16xf32>,
        %parallel_loop3A_629 = arith.subf %parallel_loop3A_628, %parallel_loop3A_602 : vector<16xf32>
        %parallel_loop3A_630 = arith.mulf %parallel_loop3A_629, %parallel_loop3A_605 : vector<16xf32>
        %parallel_loop3A_631 = arith.mulf %parallel_loop3A_630, %get3A_521 : vector<16xf32>
        %parallel_loop3A_632 = arith.addf %parallel_loop3A_631, %get3A_545 : vector<16xf32>
        %parallel_loop3A_633 = arith.index_cast %parallel_loop3A_599 : i32 to index
        %parallel_loop3A_634 = arith.constant 608 : index
        %parallel_loop3A_635 = tpu.vector_load %arg13[%parallel_loop3A_633, %parallel_loop3A_634] {strides = array<i32>} : memref<32x768xf32, #tpu.memory_space<vmem>>, vector<16xf32>,
        tpu.vector_store %arg13[%parallel_loop3A_633, %parallel_loop3A_634], %parallel_loop3A_632 {strides = array<i32>} : memref<32x768xf32, #tpu.memory_space<vmem>>, vector<16xf32>,
        %parallel_loop3A_636 = arith.index_cast %parallel_loop3A_599 : i32 to index
        %parallel_loop3A_637 = arith.constant 624 : index
        %parallel_loop3A_638 = tpu.vector_load %arg13[%parallel_loop3A_636, %parallel_loop3A_637] {strides = array<i32>} : memref<32x768xf32, #tpu.memory_space<vmem>>, vector<16xf32>,
        %parallel_loop3A_639 = arith.subf %parallel_loop3A_638, %parallel_loop3A_602 : vector<16xf32>
        %parallel_loop3A_640 = arith.mulf %parallel_loop3A_639, %parallel_loop3A_605 : vector<16xf32>
        %parallel_loop3A_641 = arith.mulf %parallel_loop3A_640, %get3A_523 : vector<16xf32>
        %parallel_loop3A_642 = arith.addf %parallel_loop3A_641, %get3A_547 : vector<16xf32>
        %parallel_loop3A_643 = arith.index_cast %parallel_loop3A_599 : i32 to index
        %parallel_loop3A_644 = arith.constant 624 : index
        %parallel_loop3A_645 = tpu.vector_load %arg13[%parallel_loop3A_643, %parallel_loop3A_644] {strides = array<i32>} : memref<32x768xf32, #tpu.memory_space<vmem>>, vector<16xf32>,
        tpu.vector_store %arg13[%parallel_loop3A_643, %parallel_loop3A_644], %parallel_loop3A_642 {strides = array<i32>} : memref<32x768xf32, #tpu.memory_space<vmem>>, vector<16xf32>,
        %parallel_loop3A_646 = arith.index_cast %parallel_loop3A_599 : i32 to index
        %parallel_loop3A_647 = arith.constant 640 : index
        %parallel_loop3A_648 = tpu.vector_load %arg13[%parallel_loop3A_646, %parallel_loop3A_647] {strides = array<i32>} : memref<32x768xf32, #tpu.memory_space<vmem>>, vector<16xf32>,
        %parallel_loop3A_649 = arith.subf %parallel_loop3A_648, %parallel_loop3A_602 : vector<16xf32>
        %parallel_loop3A_650 = arith.mulf %parallel_loop3A_649, %parallel_loop3A_605 : vector<16xf32>
        %parallel_loop3A_651 = arith.mulf %parallel_loop3A_650, %get3A_525 : vector<16xf32>
        %parallel_loop3A_652 = arith.addf %parallel_loop3A_651, %get3A_549 : vector<16xf32>
        %parallel_loop3A_653 = arith.index_cast %parallel_loop3A_599 : i32 to index
        %parallel_loop3A_654 = arith.constant 640 : index
        %parallel_loop3A_655 = tpu.vector_load %arg13[%parallel_loop3A_653, %parallel_loop3A_654] {strides = array<i32>} : memref<32x768xf32, #tpu.memory_space<vmem>>, vector<16xf32>,
        tpu.vector_store %arg13[%parallel_loop3A_653, %parallel_loop3A_654], %parallel_loop3A_652 {strides = array<i32>} : memref<32x768xf32, #tpu.memory_space<vmem>>, vector<16xf32>,
        %parallel_loop3A_656 = arith.index_cast %parallel_loop3A_599 : i32 to index
        %parallel_loop3A_657 = arith.constant 656 : index
        %parallel_loop3A_658 = tpu.vector_load %arg13[%parallel_loop3A_656, %parallel_loop3A_657] {strides = array<i32>} : memref<32x768xf32, #tpu.memory_space<vmem>>, vector<16xf32>,
        %parallel_loop3A_659 = arith.subf %parallel_loop3A_658, %parallel_loop3A_602 : vector<16xf32>
        %parallel_loop3A_660 = arith.mulf %parallel_loop3A_659, %parallel_loop3A_605 : vector<16xf32>
        %parallel_loop3A_661 = arith.mulf %parallel_loop3A_660, %get3A_527 : vector<16xf32>
        %parallel_loop3A_662 = arith.addf %parallel_loop3A_661, %get3A_551 : vector<16xf32>
        %parallel_loop3A_663 = arith.index_cast %parallel_loop3A_599 : i32 to index
        %parallel_loop3A_664 = arith.constant 656 : index
        %parallel_loop3A_665 = tpu.vector_load %arg13[%parallel_loop3A_663, %parallel_loop3A_664] {strides = array<i32>} : memref<32x768xf32, #tpu.memory_space<vmem>>, vector<16xf32>,
        tpu.vector_store %arg13[%parallel_loop3A_663, %parallel_loop3A_664], %parallel_loop3A_662 {strides = array<i32>} : memref<32x768xf32, #tpu.memory_space<vmem>>, vector<16xf32>,
        %parallel_loop3A_666 = arith.index_cast %parallel_loop3A_599 : i32 to index
        %parallel_loop3A_667 = arith.constant 672 : index
        %parallel_loop3A_668 = tpu.vector_load %arg13[%parallel_loop3A_666, %parallel_loop3A_667] {strides = array<i32>} : memref<32x768xf32, #tpu.memory_space<vmem>>, vector<16xf32>,
        %parallel_loop3A_669 = arith.subf %parallel_loop3A_668, %parallel_loop3A_602 : vector<16xf32>
        %parallel_loop3A_670 = arith.mulf %parallel_loop3A_669, %parallel_loop3A_605 : vector<16xf32>
        %parallel_loop3A_671 = arith.mulf %parallel_loop3A_670, %get3A_529 : vector<16xf32>
        %parallel_loop3A_672 = arith.addf %parallel_loop3A_671, %get3A_553 : vector<16xf32>
        %parallel_loop3A_673 = arith.index_cast %parallel_loop3A_599 : i32 to index
        %parallel_loop3A_674 = arith.constant 672 : index
        %parallel_loop3A_675 = tpu.vector_load %arg13[%parallel_loop3A_673, %parallel_loop3A_674] {strides = array<i32>} : memref<32x768xf32, #tpu.memory_space<vmem>>, vector<16xf32>,
        tpu.vector_store %arg13[%parallel_loop3A_673, %parallel_loop3A_674], %parallel_loop3A_672 {strides = array<i32>} : memref<32x768xf32, #tpu.memory_space<vmem>>, vector<16xf32>,
        %parallel_loop3A_676 = arith.index_cast %parallel_loop3A_599 : i32 to index
        %parallel_loop3A_677 = arith.constant 688 : index
        %parallel_loop3A_678 = tpu.vector_load %arg13[%parallel_loop3A_676, %parallel_loop3A_677] {strides = array<i32>} : memref<32x768xf32, #tpu.memory_space<vmem>>, vector<16xf32>,
        %parallel_loop3A_679 = arith.subf %parallel_loop3A_678, %parallel_loop3A_602 : vector<16xf32>
        %parallel_loop3A_680 = arith.mulf %parallel_loop3A_679, %parallel_loop3A_605 : vector<16xf32>
        %parallel_loop3A_681 = arith.mulf %parallel_loop3A_680, %get3A_531 : vector<16xf32>
        %parallel_loop3A_682 = arith.addf %parallel_loop3A_681, %get3A_555 : vector<16xf32>
        %parallel_loop3A_683 = arith.index_cast %parallel_loop3A_599 : i32 to index
        %parallel_loop3A_684 = arith.constant 688 : index
        %parallel_loop3A_685 = tpu.vector_load %arg13[%parallel_loop3A_683, %parallel_loop3A_684] {strides = array<i32>} : memref<32x768xf32, #tpu.memory_space<vmem>>, vector<16xf32>,
        tpu.vector_store %arg13[%parallel_loop3A_683, %parallel_loop3A_684], %parallel_loop3A_682 {strides = array<i32>} : memref<32x768xf32, #tpu.memory_space<vmem>>, vector<16xf32>,
        %parallel_loop3A_686 = arith.index_cast %parallel_loop3A_599 : i32 to index
        %parallel_loop3A_687 = arith.constant 704 : index
        %parallel_loop3A_688 = tpu.vector_load %arg13[%parallel_loop3A_686, %parallel_loop3A_687] {strides = array<i32>} : memref<32x768xf32, #tpu.memory_space<vmem>>, vector<16xf32>,
        %parallel_loop3A_689 = arith.subf %parallel_loop3A_688, %parallel_loop3A_602 : vector<16xf32>
        %parallel_loop3A_690 = arith.mulf %parallel_loop3A_689, %parallel_loop3A_605 : vector<16xf32>
        %parallel_loop3A_691 = arith.mulf %parallel_loop3A_690, %get3A_533 : vector<16xf32>
        %parallel_loop3A_692 = arith.addf %parallel_loop3A_691, %get3A_557 : vector<16xf32>
        %parallel_loop3A_693 = arith.index_cast %parallel_loop3A_599 : i32 to index
        %parallel_loop3A_694 = arith.constant 704 : index
        %parallel_loop3A_695 = tpu.vector_load %arg13[%parallel_loop3A_693, %parallel_loop3A_694] {strides = array<i32>} : memref<32x768xf32, #tpu.memory_space<vmem>>, vector<16xf32>,
        tpu.vector_store %arg13[%parallel_loop3A_693, %parallel_loop3A_694], %parallel_loop3A_692 {strides = array<i32>} : memref<32x768xf32, #tpu.memory_space<vmem>>, vector<16xf32>,
        %parallel_loop3A_696 = arith.index_cast %parallel_loop3A_599 : i32 to index
        %parallel_loop3A_697 = arith.constant 720 : index
        %parallel_loop3A_698 = tpu.vector_load %arg13[%parallel_loop3A_696, %parallel_loop3A_697] {strides = array<i32>} : memref<32x768xf32, #tpu.memory_space<vmem>>, vector<16xf32>,
        %parallel_loop3A_699 = arith.subf %parallel_loop3A_698, %parallel_loop3A_602 : vector<16xf32>
        %parallel_loop3A_700 = arith.mulf %parallel_loop3A_699, %parallel_loop3A_605 : vector<16xf32>
        %parallel_loop3A_701 = arith.mulf %parallel_loop3A_700, %get3A_535 : vector<16xf32>
        %parallel_loop3A_702 = arith.addf %parallel_loop3A_701, %get3A_559 : vector<16xf32>
        %parallel_loop3A_703 = arith.index_cast %parallel_loop3A_599 : i32 to index
        %parallel_loop3A_704 = arith.constant 720 : index
        %parallel_loop3A_705 = tpu.vector_load %arg13[%parallel_loop3A_703, %parallel_loop3A_704] {strides = array<i32>} : memref<32x768xf32, #tpu.memory_space<vmem>>, vector<16xf32>,
        tpu.vector_store %arg13[%parallel_loop3A_703, %parallel_loop3A_704], %parallel_loop3A_702 {strides = array<i32>} : memref<32x768xf32, #tpu.memory_space<vmem>>, vector<16xf32>,
        %parallel_loop3A_706 = arith.index_cast %parallel_loop3A_599 : i32 to index
        %parallel_loop3A_707 = arith.constant 736 : index
        %parallel_loop3A_708 = tpu.vector_load %arg13[%parallel_loop3A_706, %parallel_loop3A_707] {strides = array<i32>} : memref<32x768xf32, #tpu.memory_space<vmem>>, vector<16xf32>,
        %parallel_loop3A_709 = arith.subf %parallel_loop3A_708, %parallel_loop3A_602 : vector<16xf32>
        %parallel_loop3A_710 = arith.mulf %parallel_loop3A_709, %parallel_loop3A_605 : vector<16xf32>
        %parallel_loop3A_711 = arith.mulf %parallel_loop3A_710, %get3A_537 : vector<16xf32>
        %parallel_loop3A_712 = arith.addf %parallel_loop3A_711, %get3A_561 : vector<16xf32>
        %parallel_loop3A_713 = arith.index_cast %parallel_loop3A_599 : i32 to index
        %parallel_loop3A_714 = arith.constant 736 : index
        %parallel_loop3A_715 = tpu.vector_load %arg13[%parallel_loop3A_713, %parallel_loop3A_714] {strides = array<i32>} : memref<32x768xf32, #tpu.memory_space<vmem>>, vector<16xf32>,
        tpu.vector_store %arg13[%parallel_loop3A_713, %parallel_loop3A_714], %parallel_loop3A_712 {strides = array<i32>} : memref<32x768xf32, #tpu.memory_space<vmem>>, vector<16xf32>,
        %parallel_loop3A_716 = arith.index_cast %parallel_loop3A_599 : i32 to index
        %parallel_loop3A_717 = arith.constant 752 : index
        %parallel_loop3A_718 = tpu.vector_load %arg13[%parallel_loop3A_716, %parallel_loop3A_717] {strides = array<i32>} : memref<32x768xf32, #tpu.memory_space<vmem>>, vector<16xf32>,
        %parallel_loop3A_719 = arith.subf %parallel_loop3A_718, %parallel_loop3A_602 : vector<16xf32>
        %parallel_loop3A_720 = arith.mulf %parallel_loop3A_719, %parallel_loop3A_605 : vector<16xf32>
        %parallel_loop3A_721 = arith.mulf %parallel_loop3A_720, %get3A_539 : vector<16xf32>
        %parallel_loop3A_722 = arith.addf %parallel_loop3A_721, %get3A_563 : vector<16xf32>
        %parallel_loop3A_723 = arith.index_cast %parallel_loop3A_599 : i32 to index
        %parallel_loop3A_724 = arith.constant 752 : index
        %parallel_loop3A_725 = tpu.vector_load %arg13[%parallel_loop3A_723, %parallel_loop3A_724] {strides = array<i32>} : memref<32x768xf32, #tpu.memory_space<vmem>>, vector<16xf32>,
        tpu.vector_store %arg13[%parallel_loop3A_723, %parallel_loop3A_724], %parallel_loop3A_722 {strides = array<i32>} : memref<32x768xf32, #tpu.memory_space<vmem>>, vector<16xf32>,
      } {sc.loop_unroll_factor = 1 : i64, sc.parallel_access}
      %mul3A_567 = arith.constant 2 : i32
      %mul3A_568 = arith.muli %add3A_337, %mul3A_567 : i32
      %add3A_569 = arith.constant 0 : i32
      %add3A_570 = arith.addi %mul3A_568, %add3A_569 : i32
      %mul3A_571 = arith.constant 2 : i32
      %mul3A_572 = arith.muli %add3A_337, %mul3A_571 : i32
      %add3A_573 = arith.constant 1 : i32
      %add3A_574 = arith.addi %mul3A_572, %add3A_573 : i32
      %dma_start3A_575 = arith.constant 0 : i32
      %dma_start3A_576 = arith.constant 0 : i32
      %dma_start3A_577 = tpu.memref_slice %arg13[%dma_start3A_575, %dma_start3A_576] : memref<32x768xf32, #tpu.memory_space<vmem>> -> memref<16x768xf32, #tpu.memory_space<vmem>>
      %dma_start3A_578 = arith.constant 0 : i32
      %dma_start3A_579 = tpu.memref_slice %arg7[%add3A_570, %mul3A_2, %dma_start3A_578] : memref<128x512x768xf32, #tpu.memory_space<hbm>> -> memref<1x16x768xf32, #tpu.memory_space<hbm>>
      %dma_start3A_580 = tpu.memref_squeeze %dma_start3A_579 : memref<1x16x768xf32, #tpu.memory_space<hbm>> -> memref<16x768xf32, #tpu.memory_space<hbm>>
      %dma_start3A_581 = arith.constant 0 : i32
      %dma_start3A_582 = tpu.memref_slice %arg7[%add3A_570, %mul3A_2, %dma_start3A_581] : memref<128x512x768xf32, #tpu.memory_space<hbm>> -> memref<1x16x768xf32, #tpu.memory_space<hbm>>
      %dma_start3A_583 = tpu.memref_squeeze %dma_start3A_582 : memref<1x16x768xf32, #tpu.memory_space<hbm>> -> memref<16x768xf32, #tpu.memory_space<hbm>>
      %dma_start3A_584 = arith.constant 0 : i32
      %dma_start3A_585 = arith.constant 0 : i32
      %dma_start3A_586 = tpu.memref_slice %arg13[%dma_start3A_584, %dma_start3A_585] : memref<32x768xf32, #tpu.memory_space<vmem>> -> memref<16x768xf32, #tpu.memory_space<vmem>>
      tpu.enqueue_dma source(%dma_start3A_586 : memref<16x768xf32, #tpu.memory_space<vmem>>) target(%dma_start3A_583 : memref<16x768xf32, #tpu.memory_space<hbm>>) target_semaphore(%arg22 : memref<!tpu.dma_semaphore, #tpu.memory_space<semaphore_mem>>)
      %dma_start3A_587 = arith.constant 16 : i32
      %dma_start3A_588 = arith.constant 0 : i32
      %dma_start3A_589 = tpu.memref_slice %arg13[%dma_start3A_587, %dma_start3A_588] : memref<32x768xf32, #tpu.memory_space<vmem>> -> memref<16x768xf32, #tpu.memory_space<vmem>>
      %dma_start3A_590 = arith.constant 0 : i32
      %dma_start3A_591 = tpu.memref_slice %arg7[%add3A_574, %mul3A_2, %dma_start3A_590] : memref<128x512x768xf32, #tpu.memory_space<hbm>> -> memref<1x16x768xf32, #tpu.memory_space<hbm>>
      %dma_start3A_592 = tpu.memref_squeeze %dma_start3A_591 : memref<1x16x768xf32, #tpu.memory_space<hbm>> -> memref<16x768xf32, #tpu.memory_space<hbm>>
      %dma_start3A_593 = arith.constant 0 : i32
      %dma_start3A_594 = tpu.memref_slice %arg7[%add3A_574, %mul3A_2, %dma_start3A_593] : memref<128x512x768xf32, #tpu.memory_space<hbm>> -> memref<1x16x768xf32, #tpu.memory_space<hbm>>
      %dma_start3A_595 = tpu.memref_squeeze %dma_start3A_594 : memref<1x16x768xf32, #tpu.memory_space<hbm>> -> memref<16x768xf32, #tpu.memory_space<hbm>>
      %dma_start3A_596 = arith.constant 16 : i32
      %dma_start3A_597 = arith.constant 0 : i32
      %dma_start3A_598 = tpu.memref_slice %arg13[%dma_start3A_596, %dma_start3A_597] : memref<32x768xf32, #tpu.memory_space<vmem>> -> memref<16x768xf32, #tpu.memory_space<vmem>>
      tpu.enqueue_dma source(%dma_start3A_598 : memref<16x768xf32, #tpu.memory_space<vmem>>) target(%dma_start3A_595 : memref<16x768xf32, #tpu.memory_space<hbm>>) target_semaphore(%arg22 : memref<!tpu.dma_semaphore, #tpu.memory_space<semaphore_mem>>)
    }
    %scan3A_30 = arith.constant 32 : i32
    %dma_wait3A = arith.constant 124 : i32
    %dma_wait3A_31 = arith.constant 0 : i32
    %dma_wait3A_32 = arith.constant 0 : i32
    %dma_wait3A_33 = tpu.memref_slice %arg12[%dma_wait3A_31, %dma_wait3A_32] : memref<32x768xf32, #tpu.memory_space<vmem>> -> memref<16x768xf32, #tpu.memory_space<vmem>>
    %dma_wait3A_34 = arith.constant 0 : i32
    %dma_wait3A_35 = tpu.memref_slice %arg7[%dma_wait3A, %mul3A_2, %dma_wait3A_34] : memref<128x512x768xf32, #tpu.memory_space<hbm>> -> memref<1x16x768xf32, #tpu.memory_space<hbm>>
    %dma_wait3A_36 = tpu.memref_squeeze %dma_wait3A_35 : memref<1x16x768xf32, #tpu.memory_space<hbm>> -> memref<16x768xf32, #tpu.memory_space<hbm>>
    %dma_wait3A_37 = arith.constant 0 : i32
    %dma_wait3A_38 = tpu.memref_slice %arg7[%dma_wait3A, %mul3A_2, %dma_wait3A_37] : memref<128x512x768xf32, #tpu.memory_space<hbm>> -> memref<1x16x768xf32, #tpu.memory_space<hbm>>
    %dma_wait3A_39 = tpu.memref_squeeze %dma_wait3A_38 : memref<1x16x768xf32, #tpu.memory_space<hbm>> -> memref<16x768xf32, #tpu.memory_space<hbm>>
    %dma_wait3A_40 = arith.constant 0 : i32
    %dma_wait3A_41 = arith.constant 0 : i32
    %dma_wait3A_42 = tpu.memref_slice %arg12[%dma_wait3A_40, %dma_wait3A_41] : memref<32x768xf32, #tpu.memory_space<vmem>> -> memref<16x768xf32, #tpu.memory_space<vmem>>
    tpu.wait_dma2 semaphore(%arg21 : memref<!tpu.dma_semaphore, #tpu.memory_space<semaphore_mem>>) src(%dma_wait3A_42 : memref<16x768xf32, #tpu.memory_space<vmem>>) dst(%dma_wait3A_39 : memref<16x768xf32, #tpu.memory_space<hbm>>)
    %dma_wait3A_43 = arith.constant 125 : i32
    %dma_wait3A_44 = arith.constant 16 : i32
    %dma_wait3A_45 = arith.constant 0 : i32
    %dma_wait3A_46 = tpu.memref_slice %arg12[%dma_wait3A_44, %dma_wait3A_45] : memref<32x768xf32, #tpu.memory_space<vmem>> -> memref<16x768xf32, #tpu.memory_space<vmem>>
    %dma_wait3A_47 = arith.constant 0 : i32
    %dma_wait3A_48 = tpu.memref_slice %arg7[%dma_wait3A_43, %mul3A_2, %dma_wait3A_47] : memref<128x512x768xf32, #tpu.memory_space<hbm>> -> memref<1x16x768xf32, #tpu.memory_space<hbm>>
    %dma_wait3A_49 = tpu.memref_squeeze %dma_wait3A_48 : memref<1x16x768xf32, #tpu.memory_space<hbm>> -> memref<16x768xf32, #tpu.memory_space<hbm>>
    %dma_wait3A_50 = arith.constant 0 : i32
    %dma_wait3A_51 = tpu.memref_slice %arg7[%dma_wait3A_43, %mul3A_2, %dma_wait3A_50] : memref<128x512x768xf32, #tpu.memory_space<hbm>> -> memref<1x16x768xf32, #tpu.memory_space<hbm>>
    %dma_wait3A_52 = tpu.memref_squeeze %dma_wait3A_51 : memref<1x16x768xf32, #tpu.memory_space<hbm>> -> memref<16x768xf32, #tpu.memory_space<hbm>>
    %dma_wait3A_53 = arith.constant 16 : i32
    %dma_wait3A_54 = arith.constant 0 : i32
    %dma_wait3A_55 = tpu.memref_slice %arg12[%dma_wait3A_53, %dma_wait3A_54] : memref<32x768xf32, #tpu.memory_space<vmem>> -> memref<16x768xf32, #tpu.memory_space<vmem>>
    tpu.wait_dma2 semaphore(%arg21 : memref<!tpu.dma_semaphore, #tpu.memory_space<semaphore_mem>>) src(%dma_wait3A_55 : memref<16x768xf32, #tpu.memory_space<vmem>>) dst(%dma_wait3A_52 : memref<16x768xf32, #tpu.memory_space<hbm>>)
    %dma_wait3A_56 = arith.constant 126 : i32
    %dma_wait3A_57 = arith.constant 0 : i32
    %dma_wait3A_58 = arith.constant 0 : i32
    %dma_wait3A_59 = tpu.memref_slice %arg13[%dma_wait3A_57, %dma_wait3A_58] : memref<32x768xf32, #tpu.memory_space<vmem>> -> memref<16x768xf32, #tpu.memory_space<vmem>>
    %dma_wait3A_60 = arith.constant 0 : i32
    %dma_wait3A_61 = tpu.memref_slice %arg7[%dma_wait3A_56, %mul3A_2, %dma_wait3A_60] : memref<128x512x768xf32, #tpu.memory_space<hbm>> -> memref<1x16x768xf32, #tpu.memory_space<hbm>>
    %dma_wait3A_62 = tpu.memref_squeeze %dma_wait3A_61 : memref<1x16x768xf32, #tpu.memory_space<hbm>> -> memref<16x768xf32, #tpu.memory_space<hbm>>
    %dma_wait3A_63 = arith.constant 0 : i32
    %dma_wait3A_64 = tpu.memref_slice %arg7[%dma_wait3A_56, %mul3A_2, %dma_wait3A_63] : memref<128x512x768xf32, #tpu.memory_space<hbm>> -> memref<1x16x768xf32, #tpu.memory_space<hbm>>
    %dma_wait3A_65 = tpu.memref_squeeze %dma_wait3A_64 : memref<1x16x768xf32, #tpu.memory_space<hbm>> -> memref<16x768xf32, #tpu.memory_space<hbm>>
    %dma_wait3A_66 = arith.constant 0 : i32
    %dma_wait3A_67 = arith.constant 0 : i32
    %dma_wait3A_68 = tpu.memref_slice %arg13[%dma_wait3A_66, %dma_wait3A_67] : memref<32x768xf32, #tpu.memory_space<vmem>> -> memref<16x768xf32, #tpu.memory_space<vmem>>
    tpu.wait_dma2 semaphore(%arg22 : memref<!tpu.dma_semaphore, #tpu.memory_space<semaphore_mem>>) src(%dma_wait3A_68 : memref<16x768xf32, #tpu.memory_space<vmem>>) dst(%dma_wait3A_65 : memref<16x768xf32, #tpu.memory_space<hbm>>)
    %dma_wait3A_69 = arith.constant 127 : i32
    %dma_wait3A_70 = arith.constant 16 : i32
    %dma_wait3A_71 = arith.constant 0 : i32
    %dma_wait3A_72 = tpu.memref_slice %arg13[%dma_wait3A_70, %dma_wait3A_71] : memref<32x768xf32, #tpu.memory_space<vmem>> -> memref<16x768xf32, #tpu.memory_space<vmem>>
    %dma_wait3A_73 = arith.constant 0 : i32
    %dma_wait3A_74 = tpu.memref_slice %arg7[%dma_wait3A_69, %mul3A_2, %dma_wait3A_73] : memref<128x512x768xf32, #tpu.memory_space<hbm>> -> memref<1x16x768xf32, #tpu.memory_space<hbm>>
    %dma_wait3A_75 = tpu.memref_squeeze %dma_wait3A_74 : memref<1x16x768xf32, #tpu.memory_space<hbm>> -> memref<16x768xf32, #tpu.memory_space<hbm>>
    %dma_wait3A_76 = arith.constant 0 : i32
    %dma_wait3A_77 = tpu.memref_slice %arg7[%dma_wait3A_69, %mul3A_2, %dma_wait3A_76] : memref<128x512x768xf32, #tpu.memory_space<hbm>> -> memref<1x16x768xf32, #tpu.memory_space<hbm>>
    %dma_wait3A_78 = tpu.memref_squeeze %dma_wait3A_77 : memref<1x16x768xf32, #tpu.memory_space<hbm>> -> memref<16x768xf32, #tpu.memory_space<hbm>>
    %dma_wait3A_79 = arith.constant 16 : i32
    %dma_wait3A_80 = arith.constant 0 : i32
    %dma_wait3A_81 = tpu.memref_slice %arg13[%dma_wait3A_79, %dma_wait3A_80] : memref<32x768xf32, #tpu.memory_space<vmem>> -> memref<16x768xf32, #tpu.memory_space<vmem>>
    tpu.wait_dma2 semaphore(%arg22 : memref<!tpu.dma_semaphore, #tpu.memory_space<semaphore_mem>>) src(%dma_wait3A_81 : memref<16x768xf32, #tpu.memory_space<vmem>>) dst(%dma_wait3A_78 : memref<16x768xf32, #tpu.memory_space<hbm>>)
    return
  }
}

</mosaic_0001>

<sc_bundles>
// kernel: kernel.3.cloned.1.call-start
scs
__scs_entry_jumppad:
0x0: {  	(pc) =	sbr.rel $0x88, $3  }
0x1: {  	(tag) =	ssettag $0x0;
	lr =	simm.s32 $0x1  }
0x2: {  	[smem:$0x3F9B] =	sst lr;
	_ =	strace $0xD0000000  }
0x3: {  	_ = 	snop  }
0x4: {  	_ = 	snop  }
0x5: {  	_ = 	snop  }
0x6: {  	_ = 	snop  }
0x7: {  	_ = 	snop  }
__scs_overlays_trampoline_lowered:
0x8: {  	[smem:$0x3FAA] =	sst s0  }
0x9: {  	[smem:$0x3FAB] =	sst s1  }
0xa: {  	[smem:$0x3FAC] =	sst s2  }
0xb: {  	[smem:$0x3FAD] =	sst s3  }
0xc: {  	[smem:$0x3FAE] =	sst s4  }
0xd: {  	[smem:$0x3FAF] =	sst s5  }
0xe: {  	[smem:$0x3FB0] =	sst s6  }
0xf: {  	[smem:$0x3FB1] =	sst s7  }
0x10: {  	[smem:$0x3FB2] =	sst s8  }
0x11: {  	[smem:$0x3FB3] =	sst s9;
	s0 =	simm.s32 @!p0 $0x0  }
0x12: {  	s1 =	sld [smem:$0x3F99];
	s0 =	simm.s32 @p0 $0x1  }
0x13: {  	[smem:$0x3FB4] =	sst s0;
	s0 =	simm.s32 @!p1 $0x0  }
0x14: {  	s2 =	sld [smem:$0x3F98];
	s0 =	simm.s32 @p1 $0x1  }
0x15: {  	[smem:$0x3FB5] =	sst s0;
	s0 =	simm.s32 @!p2 $0x0  }
0x16: {  	s3 =	sld [smem:$0x3FDB];
	s0 =	simm.s32 @p2 $0x1  }
0x17: {  	s4 =	simm.s32 $0x1BF5;
	[smem:$0x3FB7] =	sst s0  }
0x18: {  	s0 =	sld [smem:$0x3F9A];
	_ =	swait.ge [sflag:s4], $0x0  }
0x19: {  	s7 =	sld [smem:$0x3F9B]  }
0x1a: {  	s8 =	sadd.s32 $0xFFFFE003, lr  }
0x1b: {  	s9 =	sadd.s32 $0xFFFFFEF7, lr;
	s5 =	simm.s32 $0xFFFFFFFF;
	p2 =	slt.u32 s8, $0xFFFFF086  }
0x1c: {  	p1 =	slt.u32 s9, $0xF7A;
	s5 =	simm.s32 @!p2 $0x0  }
0x1d: {  	s5 =	simm.s32 @p1 $0x1;
	p0 =	seq.s32 s7, s2  }
0x1e: {  	s7 =	smul.u32 @!p0 $0xF7A, s2;
	p2 =	seq.s32 @!p0 s5, $0x0  }
0x1f: {  	s9 =	smul.u32 $0xF7A, s1;
	s8 =	simm.s32 @!p0 $0x1BF5;
	p2 =	por !p2, p0  }
0x20: {  	[sflag:s8] =	ssyncset.s32 @!p0 $0xFFFFF086;
	s6 =	sadd.s32 @!p0 s3, s7;
	s7 =	simm.s32 @!p0 $0x108  }
0x21: {  	s3 =	sadd.s32 s3, s9;
	s6 =	sadd.s32 @!p0 $0x88, s6;
	s7 =	simm.s32 @p2 $0x1082  }
0x22: {  	[simem:s7], [sflag:s8] =	dma.local @!p0 [hbm:s6], $0xF7A  }
0x23: {  	s9 =	sor.u32 $0xD0000000, s2;
	s6 =	simm.s32 $0x108;
	_ =	swait.ge @!p0 [sflag:s8], $0x0  }
0x24: {  	s3 =	sadd.s32 $0x88, s3;
	s6 =	simm.s32 @!p1 $0x1082;
	[sflag:s4] =	ssyncset.s32 $0xFFFFF086  }
0x25: {  	[simem:s6], [sflag:s4] =	dma.local [hbm:s3], $0xF7A  }
0x26: {  	[smem:$0x3F9B] =	sst s1;
	(tag) =	ssettag s2;
	_ =	strace s9  }
0x27: {  	s1 =	sld [smem:$0x3FAB]  }
0x28: {  	s2 =	sld [smem:$0x3FAC]  }
0x29: {  	s4 =	sld [smem:$0x3FAE]  }
0x2a: {  	p0 =	seq.s32 s5, $0x0;
	s5 =	sld [smem:$0x3FAF]  }
0x2b: {  	s6 =	sld [smem:$0x3FB0]  }
0x2c: {  	s7 =	sld [smem:$0x3FB1]  }
0x2d: {  	s3 =	simm.s32 $0x108;
	s8 =	sld [smem:$0x3FB2]  }
0x2e: {  	s3 =	simm.s32 @!p0 $0x1082;
	s9 =	sld [smem:$0x3FB3]  }
0x2f: {  	lr =	sadd.s32 s0, s3;
	s0 =	sld [smem:$0x3FAA]  }
0x30: {  	s3 =	sld [smem:$0x3FAD]  }
0x31: {  	[smem:$0x3FB6] =	sst s10  }
0x32: {  	s10 =	sld [smem:$0x3FB4];
	_ =	sdelay $0x3  }
0x33: {  	p0 =	seq.s32 s10, $0x1;
	s10 =	sld [smem:$0x3FB6];
	_ =	sdelay $0x3  }
0x34: {  	[smem:$0x3FB6] =	sst s10  }
0x35: {  	s10 =	sld [smem:$0x3FB5];
	_ =	sdelay $0x3  }
0x36: {  	p1 =	seq.s32 s10, $0x1;
	s10 =	sld [smem:$0x3FB6];
	_ =	sdelay $0x3  }
0x37: {  	[smem:$0x3FB6] =	sst s10  }
0x38: {  	s10 =	sld [smem:$0x3FB7]  }
0x39: {  	_ = 	snop;
	(pc) =	sbr.ind lr, $3  }
0x3a: {  	_ = 	snop  }
0x3b: {  	_ = 	snop  }
0x3c: {  	p2 =	seq.s32 s10, $0x1;
	s10 =	sld [smem:$0x3FB6]  }
0x3d: {  	_ =	shalt  }
0x3e: {  	_ =	shalt  }
0x3f: {  	_ =	shalt  }
0x40: {  	_ =	shalt  }
0x41: {  	_ =	shalt  }
0x42: {  	_ =	shalt  }
0x43: {  	_ =	shalt  }
0x44: {  	_ =	shalt  }
0x45: {  	_ =	shalt  }
0x46: {  	_ =	shalt  }
0x47: {  	_ =	shalt  }
0x48: {  	_ =	shalt  }
0x49: {  	_ =	shalt  }
0x4a: {  	_ =	shalt  }
0x4b: {  	_ =	shalt  }
0x4c: {  	_ =	shalt  }
0x4d: {  	_ =	shalt  }
0x4e: {  	_ =	shalt  }
0x4f: {  	_ =	shalt  }
0x50: {  	_ =	shalt  }
0x51: {  	_ =	shalt  }
0x52: {  	_ =	shalt  }
0x53: {  	_ =	shalt  }
0x54: {  	_ =	shalt  }
0x55: {  	_ =	shalt  }
0x56: {  	_ =	shalt  }
0x57: {  	_ =	shalt  }
0x58: {  	_ =	shalt  }
0x59: {  	_ =	shalt  }
0x5a: {  	_ =	shalt  }
0x5b: {  	_ =	shalt  }
0x5c: {  	_ =	shalt  }
0x5d: {  	_ =	shalt  }
0x5e: {  	_ =	shalt  }
0x5f: {  	_ =	shalt  }
0x60: {  	_ =	shalt  }
0x61: {  	_ =	shalt  }
0x62: {  	_ =	shalt  }
0x63: {  	_ =	shalt  }
0x64: {  	_ =	shalt  }
0x65: {  	_ =	shalt  }
0x66: {  	_ =	shalt  }
0x67: {  	_ =	shalt  }
0x68: {  	_ =	shalt  }
0x69: {  	_ =	shalt  }
0x6a: {  	_ =	shalt  }
0x6b: {  	_ =	shalt  }
0x6c: {  	_ =	shalt  }
0x6d: {  	_ =	shalt  }
0x6e: {  	_ =	shalt  }
0x6f: {  	_ =	shalt  }
0x70: {  	_ =	shalt  }
0x71: {  	_ =	shalt  }
0x72: {  	_ =	shalt  }
0x73: {  	_ =	shalt  }
0x74: {  	_ =	shalt  }
0x75: {  	_ =	shalt  }
0x76: {  	_ =	shalt  }
0x77: {  	_ =	shalt  }
0x78: {  	_ =	shalt  }
0x79: {  	_ =	shalt  }
0x7a: {  	_ =	shalt  }
0x7b: {  	_ =	shalt  }
0x7c: {  	_ =	shalt  }
0x7d: {  	_ =	shalt  }
0x7e: {  	_ =	shalt  }
0x7f: {  	_ =	shalt  }
0x80: {  	_ =	shalt  }
0x81: {  	_ =	shalt  }
0x82: {  	_ =	shalt  }
0x83: {  	_ =	shalt  }
0x84: {  	_ =	shalt  }
0x85: {  	_ =	shalt  }
0x86: {  	_ =	shalt  }
0x87: {  	_ =	shalt  }
.Lfunc_end0:
.L_simem_size_0:
called_computation_lowered:
.L_overlay_start_0:
0x88: {  	s2 =	sld [smem:$0x3FD9]  }
0x89: {  	s3 =	sld [smem:$0x3FFE];
	_ =	sdelay $0x1  }
0x8a: {  	s1 =	srdreg.scid  }
0x8b: {  	s0 =	sand.u32 $0x1, s1  }
0x8c: {  	s17 =	sshll.u32 s0, $0xA;
	s2 =	sadd.s32 s3, s2  }
0x8d: {  	s2 =	sadd.s32 s2, s17  }
0x8e: {  	[smem:$0x3FC2] =	sst s2  }
0x8f: {  	_ = 	snop  }
0x90: {  	s2 =	sld [smem:$0x3FC9]  }
0x91: {  	s18 =	sld [smem:$0x3FC8]  }
0x92: {  	s4 =	sld [smem:$0x3FC5]  }
0x93: {  	s5 =	sld [smem:$0x3FC4]  }
0x94: {  	s6 =	sld [smem:$0x3FD0];
	(tm) =	ssettm $0x1  }
0x95: {  	s7 =	sld [smem:$0x3FFB];
	_ =	sdelay $0x3  }
0x96: {  	_ =	strace s7  }
0x97: {  	s7 =	sld [smem:$0x3FFC];
	_ =	sdelay $0x3  }
0x98: {  	_ =	strace s7  }
0x99: {  	s7 =	sld [smem:$0x3FFD];
	_ =	sdelay $0x3  }
0x9a: {  	_ =	strace s7  }
0x9b: {  	_ =	strace $0x8FFFFFFF  }
0x9c: {  	s19 =	sld [smem:$0x3FDB];
	_ =	sdelay $0x1  }
0x9d: {  	s8 =	simm.s32 $_scs_section_size  }
0x9e: {  	s9 =	simm.s32 $_size__tile_overlayer_lowered;
	s10 =	simm.s32 $_tile_overlayer_lowered  }
0x9f: {  	s22 =	simm.s32 $0x1BFF;
	s21 =	sshll.u32 s10, $0x1;
	s7 =	sadd.s32 s8, s19  }
0xa0: {  	s11 =	simm.s32 $0x0;
	s20 =	sshll.u32 s9, $0x1;
	s9 =	sadd.s32 s21, s7  }
0xa1: {  	[timem:s11], [sflag:s22] =	dma.local [hbm:s9], s20  }
0xa2: {  	_ =	swait.ge [sflag:s22], s20  }
0xa3: {  	s8 =	ssub.s32 $0x0, s20;
	[sflag:s22] =	ssyncset.done $0x0  }
0xa4: {  	[sflag:s22] =	ssyncadd.s32 s8;
	_ =	sdelay $0x1  }
0xa5: {  	s23 =	simm.s32 $0x1B8B  }
0xa6: {  	_ =	swait.ge [sflag:s23], $0x1  }
0xa7: {  	[sflag:s23] =	ssyncset.done $0x0  }
0xa8: {  	s25 =	simm.s32 $0x1B8E;
	s24 =	sld [smem:$0x3FFE];
	[sflag:s23] =	ssyncadd.s32 $0xFFFFFFFF  }
0xa9: {  	s26 =	simm.s32 $execute0_lowered;
	[smem:$0x3FD2] =	sst s25  }
0xaa: {  	s9 =	sshll.u32 s26, $0x1;
	_ =	strace $0x80000046;
	[dreg:$0x1] =	wrdreg $0xFFFFFFFF  }
0xab: {  	s28 =	simm.s32 $_size_execute0_lowered;
	s7 =	sadd.s32 s7, s9;
	[dreg:$0x0] =	wrdreg $0x0  }
0xac: {  	s9 =	sshll.u32 s28, $0x1;
	[dreg:$0x2] =	wrdreg s7  }
0xad: {  	[dreg:$0x3] =	wrdreg s9  }
0xae: {  	[dreg:$0x4] =	wrdreg $0xC0  }
0xaf: {  	_ =	task [dreg:s11], $0x5FFFF  }
0xb0: {  	[dreg:$0x1] =	wrdreg $0xFFFFFFFF  }
0xb1: {  	[dreg:$0x0] =	wrdreg $0x60  }
0xb2: {  	[dreg:$0x2] =	wrdreg s2  }
0xb3: {  	[dreg:$0x3] =	wrdreg s18  }
0xb4: {  	[dreg:$0x4] =	wrdreg s24  }
0xb5: {  	[dreg:$0x5] =	wrdreg s4  }
0xb6: {  	[dreg:$0x6] =	wrdreg s5  }
0xb7: {  	[dreg:$0x7] =	wrdreg s6  }
0xb8: {  	[dreg:$0x8] =	wrdreg $0x9  }
0xb9: {  	_ =	task.clear_ibuf [dreg:s11], $0x9FFFF;
	_ =	strace $0x90000046  }
0xba: {  	s29 =	simm.s32 $0x9;
	_ =	strace $0x80000048  }
0xbb: {  	_ =	swait.ge [sflag:s29], $0x1  }
0xbc: {  	[sflag:s29] =	ssyncadd.s32 $0xFFFFFFFF  }
0xbd: {  	_ =	strace $0x90000048  }
0xbe: {  	_ =	sfence  }
0xbf: {  	s30 =	sld [smem:$0x0];
	_ =	sdelay $0x2  }
0xc0: {  	s31 =	sshll.u32 s1, $0xD;
	s1 =	sshrl.u32 s1, $0x2  }
0xc1: {  	s3 =	sand.u32 $0x4000, s31;
	s1 =	sadd.s32 s1, s30  }
0xc2: {  	s0 =	sor.u32 s3, s0;
	s1 =	sshll.u32 s1, $0x11  }
0xc3: {  	s0 =	sor.u32 s1, s0  }
0xc4: {  	s0 =	sadd.s32 $0x8F2B, s0  }
0xc5: {  	[sflag:s0] =	ssyncadd.remote.s32 $0x1  }
0xc6: {  	_ =	sfence.sel $0xFFFF  }
0xc7: {  	[dreg:$0x0] =	wrdreg $0xFFFFFFFF;
	(pc) =	sbr.abs _section_cstart, $3  }
0xc8: {  	[dreg:$0x1] =	wrdreg $0xFFFFFFFF  }
0xc9: {  	_ =	task.clear_ibuf [dreg:s11], $0x2FFFF;
	_ =	strace $0x9FFFFFFF  }
0xca: {  	(tm) =	ssettm $0x7FFFFFFF  }
0xcb: {  	_ =	shalt  }
tec
execute0_lowered:
.L_overlay_start_1:
0x0: {  	(tag) =	ssettag $0x1  }
0x1: {  	s1 =	rddreg [dreg:$0x0]  }
0x2: {  	s7 =	rddreg [dreg:$0x1]  }
0x3: {  	s0 =	rddreg [dreg:$0x2]  }
0x4: {  	s2 =	srdreg.scid;
	s5 =	stileid.u32  }
0x5: {  	s8 =	simm.s32 $0x0;
	s2 =	sand.u32 $0x1, s2;
	s3 =	sshll.u32 s5, $0x5  }
0x6: {  	s20 =	sshll.u32 s5, $0x8;
	[smem:$0x7FF] =	sst s8;
	s26 =	sadd.s32 $0x100, s7  }
0x7: {  	s28 =	sadd.s32 $0x200, s7;
	s4 =	sshll.u32 s2, $0x4;
	s2 =	ssub.s32 $0x2, s2  }
0x8: {  	_ =	strace $0x80000047;
	[dreg:$0xc] =	wrdreg s26;
	s3 =	sor.u32 s4, s3  }
0x9: {  	[dreg:$0xd] =	wrdreg s28;
	s22 =	sshrl.u32 s2, $0x1;
	s6 =	sor.u32 s20, s3  }
0xa: {  	s21 =	sshrl.u32 s3, $0x3;
	s2 =	ssub.s32 s2, s22;
	s6 =	sand.u32 $0xC70, s6  }
0xb: {  	s9 =	smul.u32 $0x1800, s21;
	s31 =	smax.u32 s2, $0x1;
	[dreg:$0x8] =	wrdreg s6  }
0xc: {  	s6 =	sshrl.u32 s6, $0x3;
	[dreg:$0x11] =	wrdreg s31  }
0xd: {  	s1 =	sadd.s32 s1, s6;
	[dreg:$0x7] =	wrdreg s9  }
0xe: {  	s23 =	sshrl.u32 s9, $0x3;
	s30 =	sadd.s32 $0x60000, s9;
	[dreg:$0x9] =	wrdreg s1  }
0xf: {  	s0 =	sadd.s32 s0, s23;
	[dreg:$0x10] =	wrdreg s30  }
0x10: {  	s25 =	sadd.s32 $0x10, s1;
	[dreg:$0xa] =	wrdreg s0  }
0x11: {  	s29 =	sadd.s32 $0x20, s1;
	[dreg:$0xb] =	wrdreg s25  }
0x12: {  	v2 =	vlaneseq.u32;
	s24 =	sand.u32 $0xC00, s20;
	s1 =	sadd.s32 $0x30, s1;
	[dreg:$0xe] =	wrdreg s29  }
0x13: {  	vm0 =	vmmov $0xffff;
	v1 =	vshrl.u32 v2, $0x3;
	[dreg:$0xf] =	wrdreg s1;
	s0 =	sor.u32 s3, s24  }
0x14: {  	v0 =	vand.u32 $0x7, v2;
	v2 =	vor.u32 $0x8, v2;
	v1 =	vmul.u32 $0x8, v1;
	s2 =	simm.s32 $0x0;
	[dreg:$0x12] =	wrdreg s0  }
.LBB2_1:
0x15: {  	[dreg:$0x13] =	wrdreg s2  }
0x16: {  	s0 =	rddreg [dreg:$0xa];
	s1 =	simm.s32 $0x1A100;
	s4 =	simm.s32 $0x7  }
0x17: {  	[tilespmem:s1], [sflag:$0x7] =	stream.linear.gather [hbm4b:s0+s8], $0x3000, $0x38;
	[tilespmem:$0x1D700] =	vst v63  }
0x18: {  	_ =	swait.ge [sflag:s4], $0x3000  }
0x19: {  	[sflag:s4] =	ssyncset.done $0x0  }
0x1a: {  	[sflag:s4] =	ssyncadd.s32 $0xFFFFD000  }
0x1b: {  	s6 =	simm.s32 $0x1D100;
	s5 =	rddreg [dreg:$0x3]  }
0x1c: {  	[tilespmem:s6], [sflag:$0x7] =	stream.linear.gather [hbm4b:s5+s8], $0x300, $0x38;
	[tilespmem:$0x1D700] =	vst v63  }
0x1d: {  	_ =	swait.ge [sflag:s4], $0x300  }
0x1e: {  	[sflag:s4] =	ssyncset.done $0x0  }
0x1f: {  	[sflag:s4] =	ssyncadd.s32 $0xFFFFFD00  }
0x20: {  	s9 =	simm.s32 $0x1D400;
	s7 =	rddreg [dreg:$0x4]  }
0x21: {  	[tilespmem:s9], [sflag:$0x7] =	stream.linear.gather [hbm4b:s7+s8], $0x300, $0x38;
	[tilespmem:$0x1D700] =	vst v63  }
0x22: {  	_ =	swait.ge [sflag:s4], $0x300  }
0x23: {  	[sflag:s4] =	ssyncset.done $0x0  }
0x24: {  	s10 =	rddreg [dreg:$0x9];
	[sflag:s4] =	ssyncadd.s32 $0xFFFFFD00  }
0x25: {  	[tilespmem:s8], [sflag:$0x7] =	stream.linear.gather [hbm4b:s10+s8], $0x10, $0x38;
	[tilespmem:$0x1D700] =	vst v63  }
0x26: {  	_ =	swait.ge [sflag:s4], $0x10  }
0x27: {  	[sflag:s4] =	ssyncset.done $0x0  }
0x28: {  	s12 =	simm.s32 $0x10;
	s11 =	rddreg [dreg:$0xb];
	[sflag:s4] =	ssyncadd.s32 $0xFFFFFFF0  }
0x29: {  	[tilespmem:s12], [sflag:$0x7] =	stream.linear.gather [hbm4b:s11+s8], $0x10, $0x38;
	[tilespmem:$0x1D700] =	vst v63  }
0x2a: {  	_ =	swait.ge [sflag:s4], $0x10  }
0x2b: {  	[sflag:s4] =	ssyncset.done $0x0  }
0x2c: {  	[sflag:s4] =	ssyncadd.s32 $0xFFFFFFF0  }
0x2d: {  	v3 =	vld [tilespmem:$0x0];
	_ =	sdelay $0x4  }
0x2e: {  	v4 =	vshrl.u32 v3, $0x3  }
0x2f: {  	v4 =	vmul.u32 $0x30, v4  }
0x30: {  	v3 =	vand.u32 $0x7, v3  }
0x31: {  	v3 =	vor.u32 v3, v4  }
0x32: {  	v4 =	vperm.xlane v3, v0;
	_ =	sdelay $0x1  }
0x33: {  	v4 =	vadd.s32 v1, v4;
	_ =	sdelay $0x3  }
0x34: {  	s14 =	simm.s32 $0x100;
	s13 =	rddreg [dreg:$0x1];
	v3 =	vperm.xlane v3, v2  }
0x35: {  	[tilespmem:s14], [sflag:$0x1] =	stream.indirect_vreg.gather [hbm4b:s13+s8], $0x80, v4, vm0, $0xb8;
	[tilespmem:$0x1D700] =	vst v63  }
0x36: {  	s16 =	simm.s32 $0x900;
	s15 =	rddreg [dreg:$0xc];
	v3 =	vadd.s32 v1, v3  }
0x37: {  	[tilespmem:s16], [sflag:$0x1] =	stream.indirect_vreg.gather [hbm4b:s15+s8], $0x80, v4, vm0, $0xb8;
	[tilespmem:$0x1D700] =	vst v63  }
0x38: {  	s3 =	simm.s32 $0x1100;
	s17 =	rddreg [dreg:$0xd]  }
0x39: {  	[tilespmem:s3], [sflag:$0x1] =	stream.indirect_vreg.gather [hbm4b:s17+s8], $0x80, v4, vm0, $0xb8;
	[tilespmem:$0x1D700] =	vst v63  }
0x3a: {  	s18 =	simm.s32 $0x1900  }
0x3b: {  	[tilespmem:s18], [sflag:$0x1] =	stream.indirect_vreg.gather [hbm4b:s13+s8], $0x80, v3, vm0, $0xb8;
	[tilespmem:$0x1D700] =	vst v63  }
0x3c: {  	s19 =	simm.s32 $0x2100  }
0x3d: {  	[tilespmem:s19], [sflag:$0x1] =	stream.indirect_vreg.gather [hbm4b:s15+s8], $0x80, v3, vm0, $0xb8;
	[tilespmem:$0x1D700] =	vst v63  }
0x3e: {  	s20 =	simm.s32 $0x2900  }
0x3f: {  	[tilespmem:s20], [sflag:$0x1] =	stream.indirect_vreg.gather [hbm4b:s17+s8], $0x80, v3, vm0, $0xb8;
	[tilespmem:$0x1D700] =	vst v63  }
0x40: {  	v3 =	vld [tilespmem:$0x10];
	_ =	sdelay $0x4  }
0x41: {  	v63 =	vshrl.u32 v3, $0x3  }
0x42: {  	v4 =	vmul.u32 $0x30, v63  }
0x43: {  	v3 =	vand.u32 $0x7, v3  }
0x44: {  	v3 =	vor.u32 v3, v4  }
0x45: {  	v4 =	vperm.xlane v3, v0;
	_ =	sdelay $0x1  }
0x46: {  	v4 =	vadd.s32 v1, v4;
	_ =	sdelay $0x3  }
0x47: {  	s21 =	simm.s32 $0x3100;
	v3 =	vperm.xlane v3, v2  }
0x48: {  	[tilespmem:s21], [sflag:$0x1] =	stream.indirect_vreg.gather [hbm4b:s13+s8], $0x80, v4, vm0, $0xb8;
	[tilespmem:$0x1D700] =	vst v63  }
0x49: {  	s22 =	simm.s32 $0x3900;
	v3 =	vadd.s32 v1, v3  }
0x4a: {  	[tilespmem:s22], [sflag:$0x1] =	stream.indirect_vreg.gather [hbm4b:s15+s8], $0x80, v4, vm0, $0xb8;
	[tilespmem:$0x1D700] =	vst v63  }
0x4b: {  	s23 =	simm.s32 $0x4100  }
0x4c: {  	[tilespmem:s23], [sflag:$0x1] =	stream.indirect_vreg.gather [hbm4b:s17+s8], $0x80, v4, vm0, $0xb8;
	[tilespmem:$0x1D700] =	vst v63  }
0x4d: {  	s24 =	simm.s32 $0x4900  }
0x4e: {  	[tilespmem:s24], [sflag:$0x1] =	stream.indirect_vreg.gather [hbm4b:s13+s8], $0x80, v3, vm0, $0xb8;
	[tilespmem:$0x1D700] =	vst v63  }
0x4f: {  	s25 =	simm.s32 $0x5100  }
0x50: {  	[tilespmem:s25], [sflag:$0x1] =	stream.indirect_vreg.gather [hbm4b:s15+s8], $0x80, v3, vm0, $0xb8;
	[tilespmem:$0x1D700] =	vst v63  }
0x51: {  	s26 =	simm.s32 $0x5900  }
0x52: {  	[tilespmem:s26], [sflag:$0x1] =	stream.indirect_vreg.gather [hbm4b:s17+s8], $0x80, v3, vm0, $0xb8;
	[tilespmem:$0x1D700] =	vst v63  }
0x53: {  	s29 =	simm.s32 $0x80;
	s28 =	rddreg [dreg:$0xe]  }
0x54: {  	[tilespmem:s29], [sflag:$0x6] =	stream.linear.gather [hbm4b:s28+s8], $0x10, $0x38;
	[tilespmem:$0x1D700] =	vst v63  }
0x55: {  	s31 =	simm.s32 $0x90;
	s30 =	rddreg [dreg:$0xf];
	s26 =	simm.s32 $0x0  }
0x56: {  	[tilespmem:s31], [sflag:$0x6] =	stream.linear.gather [hbm4b:s30+s8], $0x10, $0x38;
	[tilespmem:$0x1D700] =	vst v63  }
.LBB2_2:
0x57: {  	s0 =	simm.s32 $0x6  }
0x58: {  	_ =	swait.ge [sflag:s0], $0x10  }
0x59: {  	[sflag:s0] =	ssyncset.done $0x0  }
0x5a: {  	[sflag:s0] =	ssyncadd.s32 $0xFFFFFFF0  }
0x5b: {  	_ =	swait.ge [sflag:s0], $0x10  }
0x5c: {  	[sflag:s0] =	ssyncset.done $0x0  }
0x5d: {  	[sflag:s0] =	ssyncadd.s32 $0xFFFFFFF0  }
0x5e: {  	v3 =	vld [tilespmem:$0x80];
	_ =	sdelay $0x4  }
0x5f: {  	v4 =	vshrl.u32 v3, $0x3  }
0x60: {  	v4 =	vmul.u32 $0x30, v4  }
0x61: {  	v3 =	vand.u32 $0x7, v3  }
0x62: {  	v3 =	vor.u32 v3, v4  }
0x63: {  	v4 =	vperm.xlane v3, v0;
	_ =	sdelay $0x1  }
0x64: {  	v4 =	vadd.s32 v1, v4;
	_ =	sdelay $0x3  }
0x65: {  	s1 =	simm.s32 $0x6100;
	s0 =	rddreg [dreg:$0x1];
	v3 =	vperm.xlane v3, v2  }
0x66: {  	[tilespmem:s1], [sflag:$0x2] =	stream.indirect_vreg.gather [hbm4b:s0+s8], $0x80, v4, vm0, $0xb8;
	[tilespmem:$0x1D700] =	vst v63  }
0x67: {  	s2 =	simm.s32 $0x6900;
	s14 =	rddreg [dreg:$0xc];
	v3 =	vadd.s32 v1, v3  }
0x68: {  	[tilespmem:s2], [sflag:$0x2] =	stream.indirect_vreg.gather [hbm4b:s14+s8], $0x80, v4, vm0, $0xb8;
	[tilespmem:$0x1D700] =	vst v63  }
0x69: {  	s3 =	simm.s32 $0x7100;
	s15 =	rddreg [dreg:$0xd]  }
0x6a: {  	[tilespmem:s3], [sflag:$0x2] =	stream.indirect_vreg.gather [hbm4b:s15+s8], $0x80, v4, vm0, $0xb8;
	[tilespmem:$0x1D700] =	vst v63  }
0x6b: {  	s16 =	simm.s32 $0x7900  }
0x6c: {  	[tilespmem:s16], [sflag:$0x2] =	stream.indirect_vreg.gather [hbm4b:s0+s8], $0x80, v3, vm0, $0xb8;
	[tilespmem:$0x1D700] =	vst v63  }
0x6d: {  	s17 =	simm.s32 $0x8100  }
0x6e: {  	[tilespmem:s17], [sflag:$0x2] =	stream.indirect_vreg.gather [hbm4b:s14+s8], $0x80, v3, vm0, $0xb8;
	[tilespmem:$0x1D700] =	vst v63  }
0x6f: {  	s18 =	simm.s32 $0x8900  }
0x70: {  	[tilespmem:s18], [sflag:$0x2] =	stream.indirect_vreg.gather [hbm4b:s15+s8], $0x80, v3, vm0, $0xb8;
	[tilespmem:$0x1D700] =	vst v63  }
0x71: {  	v3 =	vld [tilespmem:$0x90];
	_ =	sdelay $0x4  }
0x72: {  	v63 =	vshrl.u32 v3, $0x3  }
0x73: {  	v4 =	vmul.u32 $0x30, v63  }
0x74: {  	v3 =	vand.u32 $0x7, v3  }
0x75: {  	v3 =	vor.u32 v3, v4  }
0x76: {  	v4 =	vperm.xlane v3, v0;
	_ =	sdelay $0x1  }
0x77: {  	v4 =	vadd.s32 v1, v4;
	_ =	sdelay $0x3  }
0x78: {  	s19 =	simm.s32 $0x9100;
	v3 =	vperm.xlane v3, v2  }
0x79: {  	[tilespmem:s19], [sflag:$0x2] =	stream.indirect_vreg.gather [hbm4b:s0+s8], $0x80, v4, vm0, $0xb8;
	[tilespmem:$0x1D700] =	vst v63  }
0x7a: {  	s20 =	simm.s32 $0x9900;
	v3 =	vadd.s32 v1, v3  }
0x7b: {  	[tilespmem:s20], [sflag:$0x2] =	stream.indirect_vreg.gather [hbm4b:s14+s8], $0x80, v4, vm0, $0xb8;
	[tilespmem:$0x1D700] =	vst v63  }
0x7c: {  	s21 =	simm.s32 $0xA100;
	p0 =	seq.s32 s26, $0x1F  }
0x7d: {  	[tilespmem:s21], [sflag:$0x2] =	stream.indirect_vreg.gather [hbm4b:s15+s8], $0x80, v4, vm0, $0xb8;
	[tilespmem:$0x1D700] =	vst v63  }
0x7e: {  	s22 =	simm.s32 $0xA900;
	s29 =	sshll.u32 @!p0 s26, $0x2  }
0x7f: {  	[tilespmem:s22], [sflag:$0x2] =	stream.indirect_vreg.gather [hbm4b:s0+s8], $0x80, v3, vm0, $0xb8;
	[tilespmem:$0x1D700] =	vst v63  }
0x80: {  	s23 =	simm.s32 $0xB100;
	s24 =	simm.s32 $0xB900;
	s0 =	sadd.s32 @!p0 $0x4, s29  }
0x81: {  	[tilespmem:s23], [sflag:$0x2] =	stream.indirect_vreg.gather [hbm4b:s14+s8], $0x80, v3, vm0, $0xb8;
	[tilespmem:$0x1D700] =	vst v63  }
0x82: {  	s25 =	simm.s32 $0x1;
	s2 =	sshll.u32 @!p0 s0, $0x9;
	s0 =	sshll.u32 @!p0 s0, $0x7  }
0x83: {  	[tilespmem:s24], [sflag:$0x2] =	stream.indirect_vreg.gather [hbm4b:s15+s8], $0x80, v3, vm0, $0xb8;
	[tilespmem:$0x1D700] =	vst v63  }
0x84: {  	s2 =	sand.u32 @!p0 $0x1F000, s2;
	s0 =	sand.u32 @!p0 $0x200, s0;
	_ =	swait.ge [sflag:s25], $0x6000  }
0x85: {  	s0 =	sor.u32 @!p0 s2, s0;
	s4 =	rddreg [dreg:$0x8];
	[sflag:s25] =	ssyncset.done $0x0  }
0x86: {  	s0 =	sor.u32 @!p0 s4, s0;
	[sflag:s25] =	ssyncadd.s32 $0xFFFFA000  }
0x87: {  	s0 =	sshrl.u32 @!p0 s0, $0x3;
	s1 =	rddreg [dreg:$0x0]  }
0x88: {  	s2 =	simm.s32 @!p0 $0x0;
	s0 =	sadd.s32 @!p0 s1, s0  }
0x89: {  	[tilespmem:s2], [sflag:$0x5] =	stream.linear.gather @!p0 [hbm4b:s0+s2], $0x10, $0x38;
	[tilespmem:$0x1D700] =	vst v63  }
0x8a: {  	s0 =	sadd.s32 @!p0 $0x5, s29  }
0x8b: {  	s3 =	sshll.u32 @!p0 s0, $0x9;
	s0 =	sshll.u32 @!p0 s0, $0x7  }
0x8c: {  	s3 =	sand.u32 @!p0 $0x1F000, s3;
	s0 =	sand.u32 @!p0 $0x280, s0  }
0x8d: {  	s0 =	sor.u32 @!p0 s3, s0  }
0x8e: {  	s0 =	sor.u32 @!p0 s4, s0  }
0x8f: {  	p1 =	seq.s32 @!p0 s26, $0x0;
	s0 =	sshrl.u32 @!p0 s0, $0x3  }
0x90: {  	p1 =	por p0, !p1;
	s3 =	simm.s32 @!p0 $0x10;
	s0 =	sadd.s32 @!p0 s1, s0  }
0x91: {  	[tilespmem:s3], [sflag:$0x5] =	stream.linear.gather @!p0 [hbm4b:s0+s2], $0x10, $0x38;
	[tilespmem:$0x1D700] =	vst v63  }
0x92: {  	s0 =	simm.s32 @p1 $0x3  }
0x93: {  	_ =	swait.ge @p1 [sflag:s0], $0x3000  }
0x94: {  	[sflag:s0] =	ssyncset.done @p1 $0x0  }
0x95: {  	[sflag:s0] =	ssyncadd.s32 @p1 $0xFFFFD000  }
0x96: {  	_ =	swait.ge @p1 [sflag:s0], $0x3000  }
0x97: {  	s28 =	sshll.u32 s26, $0x1;
	s30 =	simm.s32 $0x0;
	[sflag:s0] =	ssyncset.done @p1 $0x0  }
0x98: {  	s31 =	simm.s32 $0x0;
	[dreg:$0x14] =	wrdreg s28;
	[sflag:s0] =	ssyncadd.s32 @p1 $0xFFFFD000  }
.LBB2_3:
0x99: {  	s0 =	sshrl.u32 s31, $0x3  }
0x9a: {  	s2 =	sshll.u32 s31, $0x7;
	s4 =	smul.u32 $0x1800, s0  }
0x9b: {  	s21 =	sand.u32 $0x300, s2  }
0x9c: {  	s22 =	sand.u32 $0x1C00, s30;
	s8 =	sand.u32 $0x40, s30;
	s3 =	sor.u32 s21, s4  }
0x9d: {  	s9 =	sor.u32 $0x10, s8;
	s6 =	sadd.s32 s3, s22  }
0x9e: {  	s10 =	sor.u32 s9, s6  }
0x9f: {  	v4 =	vld [tilespmem:s10+$0x1A100]  }
0xa0: {  	s12 =	sor.u32 s8, s6;
	v3 =	vld [tilespmem:s10+$0x100]  }
0xa1: {  	s15 =	sor.u32 $0x20, s8;
	v6 =	vld [tilespmem:s12+$0x1A100]  }
0xa2: {  	s23 =	simm.s32 $0x200;
	s16 =	sor.u32 s15, s6;
	v5 =	vld [tilespmem:s12+$0x100]  }
0xa3: {  	s24 =	simm.s32 $0x40;
	s17 =	sor.u32 $0x30, s8;
	s20 =	sand.u32 $0x1C00, s23;
	v7 =	vld [tilespmem:s16+$0x1A100]  }
0xa4: {  	s0 =	sand.u32 $0x40, s24;
	s5 =	sadd.s32 $0x3000, s3;
	s18 =	sor.u32 s17, s6;
	v8 =	vld [tilespmem:s16+$0x100]  }
0xa5: {  	s21 =	sadd.s32 s3, s20;
	s19 =	sadd.s32 s5, s22;
	s22 =	sor.u32 $0x10, s0;
	v11 =	vld [tilespmem:s18+$0x1A100]  }
0xa6: {  	v10 =	vld [tilespmem:s18+$0x100];
	s24 =	sor.u32 s22, s21  }
0xa7: {  	s6 =	sor.u32 $0x20, s0;
	v17 =	vld [tilespmem:s24+$0x1A100];
	v9 =	vadd.f32 v3, v4  }
0xa8: {  	s11 =	sor.u32 s19, s9;
	s9 =	sor.u32 s6, s21;
	v18 =	vld [tilespmem:s24+$0x100];
	v13 =	vadd.f32 v5, v6  }
0xa9: {  	v16 =	vimm.f32 $0.0e+00;
	v5 =	vld [tilespmem:s9+$0x1A100];
	[tilespmem:s10+$0xC100] =	vst v9  }
0xaa: {  	s10 =	sor.u32 s0, s21;
	v15 =	vadd.f32 v13, v16;
	v19 =	vmul.f32 v13, v13;
	[tilespmem:s12+$0xC100] =	vst v13;
	v13 =	vld [tilespmem:s9+$0x100]  }
0xab: {  	v3 =	vld [tilespmem:s10+$0x1A100]  }
0xac: {  	v8 =	vadd.f32 v8, v7;
	v14 =	vld [tilespmem:s10+$0x100]  }
0xad: {  	s1 =	sor.u32 s19, s8;
	v10 =	vadd.f32 v10, v11;
	v12 =	vld [tilespmem:s11+$0x100];
	v15 =	vadd.f32 v9, v15  }
0xae: {  	s28 =	sor.u32 s19, s15;
	[tilespmem:s16+$0xC100] =	vst v8;
	v20 =	vld [tilespmem:s1+$0x100];
	v19 =	vadd.f32 v19, v16;
	v9 =	vmul.f32 v9, v9  }
0xaf: {  	s8 =	sor.u32 $0x30, s0;
	s19 =	sor.u32 s19, s17;
	v18 =	vadd.f32 v18, v17;
	[tilespmem:s18+$0xC100] =	vst v10;
	v21 =	vld [tilespmem:s28+$0x100];
	v15 =	vadd.f32 v8, v15  }
0xb0: {  	s25 =	simm.s32 $0x400;
	s7 =	sadd.s32 s5, s20;
	s12 =	sor.u32 s8, s21;
	v9 =	vadd.f32 v9, v19;
	v8 =	vmul.f32 v8, v8;
	v19 =	vld [tilespmem:s19+$0x100];
	v13 =	vadd.f32 v13, v5  }
0xb1: {  	s25 =	sand.u32 $0x1C00, s25;
	s14 =	sor.u32 s7, s22;
	s16 =	simm.s32 $0x80;
	[tilespmem:s24+$0xC100] =	vst v18;
	v22 =	vld [tilespmem:s12+$0x100];
	v14 =	vadd.f32 v14, v3;
	v15 =	vadd.f32 v10, v15  }
0xb2: {  	s13 =	sadd.s32 s3, s25;
	s23 =	sand.u32 $0x40, s16;
	v23 =	vld [tilespmem:s14+$0x100];
	v12 =	vadd.f32 v12, v4;
	v8 =	vadd.f32 v8, v9;
	v9 =	vmul.f32 v10, v10  }
0xb3: {  	s22 =	sor.u32 s23, s13;
	v4 =	vld [tilespmem:s12+$0x1A100];
	v10 =	vadd.f32 v14, v15;
	v15 =	vadd.f32 v20, v6  }
0xb4: {  	s15 =	sor.u32 $0x10, s23;
	v24 =	vadd.f32 v21, v7;
	v20 =	vmul.f32 v14, v14;
	v6 =	vld [tilespmem:s22+$0x1A100];
	v7 =	vadd.f32 v9, v8  }
0xb5: {  	s21 =	sor.u32 s15, s13;
	[tilespmem:s9+$0xC100] =	vst v13;
	v9 =	vld [tilespmem:s22+$0x100];
	v11 =	vadd.f32 v19, v11;
	v8 =	vadd.f32 v18, v10;
	v25 =	vmul.f32 v15, v15  }
0xb6: {  	s18 =	sor.u32 $0x20, s23;
	[tilespmem:s10+$0xC100] =	vst v14;
	v62 =	vmul.f32 v12, v12;
	v19 =	vld [tilespmem:s21+$0x100];
	v21 =	vadd.f32 v15, v16;
	v20 =	vadd.f32 v20, v7  }
0xb7: {  	s24 =	sor.u32 s18, s13;
	[tilespmem:s1+$0xC100] =	vst v15;
	v10 =	vld [tilespmem:s21+$0x1A100];
	v18 =	vmul.f32 v18, v18;
	v15 =	vadd.f32 v13, v8;
	v14 =	vadd.f32 v25, v16  }
0xb8: {  	[tilespmem:s11+$0xC100] =	vst v12;
	v7 =	vld [tilespmem:s24+$0x1A100];
	v8 =	vadd.f32 v23, v17;
	v23 =	vadd.f32 v12, v21  }
0xb9: {  	s20 =	sor.u32 s7, s0;
	[tilespmem:s28+$0xC100] =	vst v24;
	v63 =	vmul.f32 v24, v24;
	v16 =	vld [tilespmem:s24+$0x100];
	v26 =	vadd.f32 v18, v20;
	v14 =	vadd.f32 v62, v14  }
0xba: {  	v27 =	vmul.f32 v13, v13;
	s11 =	sor.u32 s7, s6;
	[tilespmem:s19+$0xC100] =	vst v11;
	s19 =	sor.u32 $0x30, s23;
	v17 =	vld [tilespmem:s20+$0x100];
	v21 =	vadd.f32 v22, v4;
	v12 =	vadd.f32 v9, v6  }
0xbb: {  	s6 =	simm.s32 $0x8;
	s0 =	sor.u32 s19, s13;
	v18 =	vld [tilespmem:s11+$0x100];
	[tilespmem:s14+$0xC100] =	vst v8;
	v20 =	vadd.f32 v24, v23;
	v23 =	vmul.f32 v11, v11;
	v22 =	vadd.f32 v63, v14  }
0xbc: {  	s10 =	sadd.s32 s5, s25;
	v9 =	vld [tilespmem:s0+$0x1A100];
	[tilespmem:s12+$0xC100] =	vst v21;
	s12 =	sor.u32 s7, s8;
	s8 =	simm.s32 $0x600;
	v13 =	vadd.f32 v19, v10;
	v19 =	vadd.f32 v27, v26;
	v14 =	vmul.f32 v12, v12  }
.LBB2_4:
0xbd: {  	s1 =	sand.u32 $0x1C00, s8;
	s6 =	sadd.s32 $0x4, s6;
	s16 =	sadd.s32 $0x40, s16;
	v15 =	vadd.f32 v21, v15;
	v21 =	vmul.f32 v21, v21;
	v24 =	vld [tilespmem:s12+$0x100];
	v22 =	vadd.f32 v23, v22;
	v23 =	vmovc v10  }
0xbe: {  	s25 =	sor.u32 s10, s15;
	v10 =	vadd.f32 v11, v20;
	s13 =	sand.u32 $0x40, s16;
	s17 =	sadd.s32 s3, s1;
	[tilespmem:s21+$0xC100] =	vst v13;
	v25 =	vadd.f32 v16, v7;
	v26 =	vld [tilespmem:s0+$0x100]  }
0xbf: {  	s14 =	sor.u32 s13, s17;
	s15 =	sor.u32 $0x10, s13;
	s9 =	sor.u32 $0x30, s13;
	v11 =	vadd.f32 v12, v15;
	v16 =	vld [tilespmem:s25+$0x100];
	v15 =	vadd.f32 v17, v3;
	v3 =	vmov v6  }
0xc0: {  	s28 =	smov.u32 s10;
	p2 =	slt.u32 s6, $0x2C;
	s10 =	sadd.s32 s5, s1;
	v17 =	vadd.f32 v21, v19;
	v6 =	vld [tilespmem:s14+$0x1A100];
	v20 =	vadd.f32 v18, v5;
	v5 =	vmov v7  }
0xc1: {  	s1 =	smov.u32 s0;
	s21 =	sor.u32 s15, s17;
	v18 =	vld [tilespmem:s14+$0x100];
	v7 =	vadd.f32 v13, v11;
	[tilespmem:s20+$0xC100] =	vst v15;
	v19 =	vadd.f32 v15, v10;
	v21 =	vmul.f32 v15, v15  }
0xc2: {  	s0 =	sor.u32 $0x20, s13;
	v14 =	vadd.f32 v14, v17;
	v13 =	vmul.f32 v13, v13;
	v10 =	vld [tilespmem:s21+$0x1A100];
	v11 =	vadd.f32 v24, v4;
	v4 =	vmovc v9  }
0xc3: {  	s7 =	sor.u32 s0, s17;
	v17 =	vmul.f32 v8, v8;
	v9 =	vld [tilespmem:s21+$0x100];
	[tilespmem:s22+$0xC100] =	vst v12;
	v15 =	vadd.f32 v25, v7;
	v12 =	vadd.f32 v21, v22;
	s22 =	smov.u32 s14  }
.Ltmp0:
0xc4: {  	v19 =	vadd.f32 v8, v19;
	v7 =	vld [tilespmem:s7+$0x1A100];
	v8 =	vadd.f32 v16, v23;
	[tilespmem:s11+$0xC100] =	vst v20;
	(pc) =	sbr.rel @p2 .LBB2_4-.Ltmp0, $4  }
0xc5: {  	s20 =	sor.u32 s28, s23;
	s23 =	smov.u32 s13;
	v24 =	vadd.f32 v13, v14;
	v14 =	vmul.f32 v20, v20;
	v16 =	vld [tilespmem:s7+$0x100];
	[tilespmem:s24+$0xC100] =	vst v25;
	v13 =	vadd.f32 v17, v12;
	s24 =	smov.u32 s7  }
0xc6: {  	v21 =	vadd.f32 v26, v4;
	s11 =	sor.u32 s28, s18;
	s18 =	smov.u32 s0;
	v25 =	vmul.f32 v25, v25;
	v12 =	vadd.f32 v18, v6;
	v17 =	vld [tilespmem:s20+$0x100];
	[tilespmem:s12+$0xC100] =	vst v11  }
0xc7: {  	s0 =	sor.u32 s9, s17;
	v23 =	vmul.f32 v11, v11;
	v20 =	vadd.f32 v20, v19;
	[tilespmem:s25+$0xC100] =	vst v8;
	v18 =	vld [tilespmem:s11+$0x100];
	v22 =	vadd.f32 v14, v13  }
0xc8: {  	s8 =	sadd.s32 $0x200, s8;
	s12 =	sor.u32 s28, s19;
	s19 =	smov.u32 s9;
	v19 =	vadd.f32 v25, v24;
	v14 =	vmul.f32 v12, v12;
	v13 =	vadd.f32 v9, v10;
	v9 =	vld [tilespmem:s0+$0x1A100];
	[tilespmem:s1+$0xC100] =	vst v21  }
0xc9: {  	v15 =	vadd.f32 v21, v15;
	v22 =	vadd.f32 v23, v22;
	s8 =	sor.u32 s10, s15;
	s3 =	sor.u32 $0x80, s2;
	v23 =	vld [tilespmem:s12+$0x100]  }
0xca: {  	v24 =	vld [tilespmem:s0+$0x100];
	v21 =	vmul.f32 v21, v21;
	s15 =	sor.u32 s10, s23;
	s5 =	simm.s32 $0x0;
	v11 =	vadd.f32 v11, v20;
	v16 =	vadd.f32 v16, v7;
	[tilespmem:s21+$0xC100] =	vst v13;
	s1 =	sand.u32 $0x380, s3  }
0xcb: {  	[tilespmem:s22+$0xC100] =	vst v12;
	s28 =	sand.u32 $0x1C00, s5;
	s6 =	sand.u32 $0x40, s5;
	v15 =	vadd.f32 v12, v15;
	v3 =	vadd.f32 v17, v3;
	v17 =	vld [tilespmem:s8+$0x100];
	s4 =	sor.u32 s1, s4  }
0xcc: {  	s16 =	sor.u32 s10, s18;
	v12 =	vadd.f32 v21, v19;
	v19 =	vld [tilespmem:s15+$0x100];
	s13 =	sor.u32 $0x10, s6;
	v5 =	vadd.f32 v18, v5;
	[tilespmem:s24+$0xC100] =	vst v16;
	s7 =	sadd.s32 s4, s28  }
0xcd: {  	v15 =	vadd.f32 v13, v15;
	v18 =	vmul.f32 v3, v3;
	v11 =	vadd.f32 v3, v11;
	v21 =	vld [tilespmem:s16+$0x100];
	s14 =	sor.u32 s13, s7  }
0xce: {  	s21 =	sor.u32 s10, s19;
	s19 =	sor.u32 $0x11, s31;
	v12 =	vadd.f32 v14, v12;
	v13 =	vmul.f32 v13, v13;
	v4 =	vadd.f32 v23, v4;
	v23 =	vld [tilespmem:s14+$0x100]  }
0xcf: {  	s23 =	sshrl.u32 s19, $0x3;
	s17 =	sor.u32 $0x20, s6;
	s22 =	sor.u32 s6, s7;
	v20 =	vadd.f32 v24, v9;
	v14 =	vadd.f32 v18, v22;
	v22 =	vld [tilespmem:s14+$0x1A100]  }
0xd0: {  	s5 =	smul.u32 $0x1800, s23;
	s23 =	sor.u32 s17, s7;
	v18 =	vmul.f32 v8, v8;
	v8 =	vadd.f32 v8, v11;
	v11 =	vadd.f32 v13, v12;
	v13 =	vld [tilespmem:s22+$0x1A100]  }
0xd1: {  	v15 =	vadd.f32 v16, v15;
	v12 =	vmul.f32 v16, v16;
	[tilespmem:s0+$0xC100] =	vst v20;
	v6 =	vadd.f32 v19, v6;
	v19 =	vld [tilespmem:s23+$0x100]  }
0xd2: {  	s18 =	sor.u32 $0x30, s6;
	v10 =	vadd.f32 v17, v10;
	v17 =	vmul.f32 v5, v5;
	v14 =	vadd.f32 v18, v14;
	v18 =	vld [tilespmem:s21+$0x100]  }
0xd3: {  	s9 =	sor.u32 s18, s7;
	v16 =	vmul.f32 v4, v4;
	s0 =	sshll.u32 s19, $0x7;
	v8 =	vadd.f32 v5, v8;
	v11 =	vadd.f32 v12, v11;
	v12 =	vld [tilespmem:s23+$0x1A100]  }
0xd4: {  	[tilespmem:s20+$0xC100] =	vst v3;
	v3 =	vmul.f32 v20, v20;
	s0 =	sand.u32 $0x380, s0;
	v15 =	vadd.f32 v20, v15;
	v20 =	vld [tilespmem:s9+$0x1A100];
	v14 =	vadd.f32 v17, v14  }
0xd5: {  	s25 =	simm.s32 $0x40;
	s24 =	simm.s32 $0x200;
	[tilespmem:s11+$0xC100] =	vst v5;
	s5 =	sor.u32 s0, s5;
	v17 =	vld [tilespmem:s22+$0x100];
	v8 =	vadd.f32 v4, v8;
	v23 =	vadd.f32 v23, v22  }
0xd6: {  	s24 =	sand.u32 $0x1C00, s24;
	[tilespmem:s12+$0xC100] =	vst v4;
	v7 =	vadd.f32 v21, v7;
	s0 =	sand.u32 $0x40, s25;
	v21 =	vld [tilespmem:s9+$0x100];
	s20 =	sadd.s32 s5, s28;
	v14 =	vadd.f32 v16, v14;
	v16 =	vmul.f32 v6, v6  }
0xd7: {  	s28 =	sadd.s32 s4, s24;
	v11 =	vadd.f32 v3, v11;
	s7 =	sor.u32 $0x10, s0;
	s19 =	sor.u32 s13, s20;
	v5 =	vadd.f32 v6, v8;
	[tilespmem:s14+$0xC100] =	vst v23  }
0xd8: {  	[tilespmem:s8+$0xC100] =	vst v10;
	v9 =	vadd.f32 v18, v9;
	s14 =	sor.u32 s7, s28;
	v14 =	vadd.f32 v16, v14;
	v16 =	vmul.f32 v10, v10;
	v8 =	vld [tilespmem:s19+$0x100]  }
0xd9: {  	[tilespmem:s15+$0xC100] =	vst v6;
	v19 =	vadd.f32 v19, v12;
	v5 =	vadd.f32 v10, v5;
	v18 =	vld [tilespmem:s14+$0x100]  }
0xda: {  	s10 =	sor.u32 s0, s28;
	[tilespmem:s16+$0xC100] =	vst v7;
	v10 =	vadd.f32 v17, v13;
	v17 =	vld [tilespmem:s14+$0x1A100];
	v4 =	vadd.f32 v16, v14;
	v14 =	vmul.f32 v7, v7  }
0xdb: {  	v3 =	vld [tilespmem:s10+$0x1A100];
	v21 =	vadd.f32 v21, v20;
	[tilespmem:s21+$0xC100] =	vst v9;
	v5 =	vadd.f32 v7, v5  }
0xdc: {  	s6 =	sor.u32 s6, s20;
	v6 =	vmul.f32 v9, v9;
	v16 =	vld [tilespmem:s10+$0x100];
	[tilespmem:s22+$0xC100] =	vst v10;
	v4 =	vadd.f32 v14, v4;
	v14 =	vimm.f32 $0.0e+00  }
0xdd: {  	s8 =	sor.u32 $0x20, s0;
	[tilespmem:s23+$0xC100] =	vst v19;
	s23 =	sor.u32 s17, s20;
	v9 =	vadd.f32 v9, v5;
	v61 =	vld [tilespmem:s6+$0x100];
	v7 =	vadd.f32 v10, v14  }
0xde: {  	s25 =	simm.s32 $0x400;
	s15 =	sor.u32 s8, s28;
	[tilespmem:s2+$0x18100] =	vst v15;
	v60 =	vmul.f32 v10, v10;
	v22 =	vadd.f32 v8, v22;
	v8 =	vld [tilespmem:s23+$0x100];
	v6 =	vadd.f32 v6, v4  }
0xdf: {  	s12 =	simm.s32 $0x80;
	s25 =	sand.u32 $0x1C00, s25;
	[tilespmem:s9+$0xC100] =	vst v21;
	v4 =	vld [tilespmem:s15+$0x1A100];
	v18 =	vadd.f32 v18, v17;
	v5 =	vadd.f32 v23, v7  }
0xe0: {  	s11 =	sand.u32 $0x40, s12;
	s1 =	sadd.s32 s4, s25;
	[tilespmem:s2+$0x19100] =	vst v11;
	v10 =	vadd.f32 v60, v14;
	v7 =	vld [tilespmem:s15+$0x100];
	v23 =	vmul.f32 v23, v23  }
0xe1: {  	s16 =	sor.u32 s11, s1;
	s9 =	sadd.s32 s5, s24;
	[tilespmem:s14+$0xC100] =	vst v18;
	v15 =	vadd.f32 v19, v5  }
0xe2: {  	s21 =	sor.u32 $0x30, s0;
	s7 =	sor.u32 s7, s9;
	v16 =	vadd.f32 v16, v3;
	[tilespmem:s2+$0x19900] =	vst v6;
	v6 =	vld [tilespmem:s16+$0x1A100];
	v10 =	vadd.f32 v23, v10;
	v19 =	vmul.f32 v19, v19  }
0xe3: {  	s17 =	sor.u32 s21, s28;
	s28 =	sor.u32 s18, s20;
	[tilespmem:s2+$0x18900] =	vst v9;
	v25 =	vld [tilespmem:s7+$0x100];
	v9 =	vadd.f32 v61, v13;
	v11 =	vadd.f32 v21, v15  }
0xe4: {  	v13 =	vadd.f32 v8, v12;
	v15 =	vld [tilespmem:s28+$0x100];
	v10 =	vadd.f32 v19, v10;
	v19 =	vmul.f32 v21, v21  }
0xe5: {  	v5 =	vld [tilespmem:s17+$0x1A100];
	v21 =	vadd.f32 v7, v4;
	v7 =	vadd.f32 v16, v11  }
0xe6: {  	s18 =	sor.u32 $0x10, s11;
	v23 =	vld [tilespmem:s17+$0x100];
	v11 =	vmul.f32 v16, v16;
	v8 =	vadd.f32 v19, v10;
	v19 =	vmul.f32 v9, v9  }
0xe7: {  	s24 =	sor.u32 s18, s1;
	[tilespmem:s19+$0xC100] =	vst v22;
	v12 =	vadd.f32 v9, v14;
	v10 =	vld [tilespmem:s16+$0x100];
	v7 =	vadd.f32 v18, v7  }
0xe8: {  	s20 =	sor.u32 $0x20, s11;
	v26 =	vld [tilespmem:s24+$0x100];
	[tilespmem:s10+$0xC100] =	vst v16;
	v62 =	vadd.f32 v11, v8;
	v18 =	vmul.f32 v18, v18;
	v14 =	vadd.f32 v19, v14  }
0xe9: {  	s19 =	sor.u32 s20, s1;
	[tilespmem:s6+$0xC100] =	vst v9;
	v9 =	vld [tilespmem:s24+$0x1A100];
	v19 =	vmul.f32 v22, v22;
	v8 =	vadd.f32 v25, v17;
	v11 =	vadd.f32 v15, v20  }
0xea: {  	[tilespmem:s23+$0xC100] =	vst v13;
	v16 =	vld [tilespmem:s19+$0x100];
	v20 =	vadd.f32 v22, v12;
	v15 =	vadd.f32 v21, v7  }
0xeb: {  	s23 =	sor.u32 s0, s9;
	[tilespmem:s15+$0xC100] =	vst v21;
	v7 =	vld [tilespmem:s19+$0x1A100];
	v24 =	vadd.f32 v18, v62;
	v14 =	vadd.f32 v19, v14;
	v19 =	vmul.f32 v13, v13  }
0xec: {  	s22 =	sor.u32 $0x30, s11;
	v63 =	vmul.f32 v21, v21;
	s15 =	sor.u32 s8, s9;
	v17 =	vld [tilespmem:s23+$0x100];
	v21 =	vadd.f32 v23, v5;
	[tilespmem:s7+$0xC100] =	vst v8;
	v12 =	vadd.f32 v10, v6  }
0xed: {  	s21 =	sor.u32 s21, s9;
	s6 =	sor.u32 s22, s1;
	v18 =	vld [tilespmem:s15+$0x100];
	[tilespmem:s28+$0xC100] =	vst v11;
	v20 =	vadd.f32 v13, v20;
	v23 =	vmul.f32 v11, v11;
	v22 =	vadd.f32 v19, v14  }
0xee: {  	s10 =	sadd.s32 s5, s25;
	s0 =	simm.s32 $0x8;
	s8 =	simm.s32 $0x600;
	v13 =	vadd.f32 v26, v9;
	v10 =	vld [tilespmem:s6+$0x1A100];
	v19 =	vadd.f32 v63, v24;
	[tilespmem:s17+$0xC100] =	vst v21;
	v14 =	vmul.f32 v12, v12  }
.LBB2_6:
0xef: {  	s1 =	sand.u32 $0x1C00, s8;
	s0 =	sadd.s32 $0x4, s0;
	s12 =	sadd.s32 $0x40, s12;
	v15 =	vadd.f32 v21, v15;
	v21 =	vmul.f32 v21, v21;
	v24 =	vld [tilespmem:s21+$0x100];
	v22 =	vadd.f32 v23, v22;
	v23 =	vmovc v9  }
0xf0: {  	s25 =	sor.u32 s18, s10;
	v9 =	vadd.f32 v11, v20;
	s7 =	sand.u32 $0x40, s12;
	s17 =	sadd.s32 s4, s1;
	[tilespmem:s24+$0xC100] =	vst v13;
	v25 =	vadd.f32 v16, v7;
	v26 =	vld [tilespmem:s6+$0x100]  }
0xf1: {  	s13 =	sor.u32 s7, s17;
	s18 =	sor.u32 $0x10, s7;
	s9 =	sor.u32 $0x30, s7;
	v11 =	vadd.f32 v12, v15;
	v16 =	vld [tilespmem:s25+$0x100];
	v15 =	vadd.f32 v17, v3;
	v3 =	vmov v6  }
0xf2: {  	s14 =	smov.u32 s10;
	p2 =	slt.u32 s0, $0x2C;
	s10 =	sadd.s32 s5, s1;
	v17 =	vadd.f32 v21, v19;
	v6 =	vld [tilespmem:s13+$0x1A100];
	v20 =	vadd.f32 v18, v4;
	v4 =	vmov v7  }
0xf3: {  	s1 =	smov.u32 s6;
	s24 =	sor.u32 s18, s17;
	v18 =	vld [tilespmem:s13+$0x100];
	v7 =	vadd.f32 v13, v11;
	[tilespmem:s23+$0xC100] =	vst v15;
	v19 =	vadd.f32 v15, v9;
	v21 =	vmul.f32 v15, v15  }
0xf4: {  	s6 =	sor.u32 $0x20, s7;
	v14 =	vadd.f32 v14, v17;
	v13 =	vmul.f32 v13, v13;
	v9 =	vld [tilespmem:s24+$0x1A100];
	v11 =	vadd.f32 v24, v5;
	v5 =	vmovc v10  }
0xf5: {  	s28 =	sor.u32 s6, s17;
	v17 =	vmul.f32 v8, v8;
	v10 =	vld [tilespmem:s24+$0x100];
	[tilespmem:s16+$0xC100] =	vst v12;
	v15 =	vadd.f32 v25, v7;
	v12 =	vadd.f32 v21, v22;
	s16 =	smov.u32 s13  }
.Ltmp1:
0xf6: {  	v19 =	vadd.f32 v8, v19;
	v7 =	vld [tilespmem:s28+$0x1A100];
	v8 =	vadd.f32 v16, v23;
	[tilespmem:s15+$0xC100] =	vst v20;
	(pc) =	sbr.rel @p2 .LBB2_6-.Ltmp1, $4  }
0xf7: {  	s23 =	sor.u32 s11, s14;
	s11 =	smov.u32 s7;
	v24 =	vadd.f32 v13, v14;
	v14 =	vmul.f32 v20, v20;
	v16 =	vld [tilespmem:s28+$0x100];
	[tilespmem:s19+$0xC100] =	vst v25;
	v13 =	vadd.f32 v17, v12;
	s19 =	smov.u32 s28  }
0xf8: {  	v21 =	vadd.f32 v26, v5;
	s15 =	sor.u32 s20, s14;
	s20 =	smov.u32 s6;
	v25 =	vmul.f32 v25, v25;
	v12 =	vadd.f32 v18, v6;
	v17 =	vld [tilespmem:s23+$0x100];
	[tilespmem:s21+$0xC100] =	vst v11  }
0xf9: {  	s6 =	sor.u32 s9, s17;
	v23 =	vmul.f32 v11, v11;
	v20 =	vadd.f32 v20, v19;
	[tilespmem:s25+$0xC100] =	vst v8;
	v18 =	vld [tilespmem:s15+$0x100];
	v22 =	vadd.f32 v14, v13  }
0xfa: {  	s8 =	sadd.s32 $0x200, s8;
	s21 =	sor.u32 s22, s14;
	s22 =	smov.u32 s9;
	v19 =	vadd.f32 v25, v24;
	v14 =	vmul.f32 v12, v12;
	v13 =	vadd.f32 v10, v9;
	v10 =	vld [tilespmem:s6+$0x1A100];
	[tilespmem:s1+$0xC100] =	vst v21  }
0xfb: {  	_ = 	snop  }
0xfc: {  	v15 =	vadd.f32 v21, v15  }
0xfd: {  	v24 =	vld [tilespmem:s21+$0x100];
	v22 =	vadd.f32 v23, v22;
	v36 =	vmul.f32 v21, v21;
	v3 =	vadd.f32 v17, v3  }
0xfe: {  	v37 =	vld [tilespmem:s6+$0x100];
	v11 =	vadd.f32 v11, v20;
	v16 =	vadd.f32 v16, v7  }
0xff: {  	[tilespmem:s16+$0xC100] =	vst v12;
	s0 =	sor.u32 s11, s10;
	v15 =	vadd.f32 v12, v15;
	v39 =	vadd.f32 v36, v19;
	v38 =	vmul.f32 v3, v3  }
0x100: {  	v40 =	vld [tilespmem:s0+$0x100];
	v4 =	vadd.f32 v18, v4;
	v11 =	vadd.f32 v3, v11  }
0x101: {  	s1 =	sor.u32 s18, s10;
	v41 =	vmul.f32 v8, v8;
	[tilespmem:s24+$0xC100] =	vst v13;
	v15 =	vadd.f32 v13, v15;
	v18 =	vadd.f32 v38, v22  }
0x102: {  	v42 =	vld [tilespmem:s1+$0x100];
	v5 =	vadd.f32 v24, v5;
	v43 =	vadd.f32 v8, v11  }
0x103: {  	s4 =	sor.u32 s20, s10;
	[tilespmem:s19+$0xC100] =	vst v16;
	v45 =	vmul.f32 v4, v4;
	v46 =	vadd.f32 v37, v10;
	v44 =	vadd.f32 v41, v18  }
0x104: {  	v12 =	vadd.f32 v14, v39;
	v47 =	vld [tilespmem:s4+$0x100];
	v8 =	vadd.f32 v4, v43  }
0x105: {  	s5 =	sor.u32 s22, s10;
	v6 =	vadd.f32 v40, v6;
	v48 =	vmul.f32 v5, v5;
	[tilespmem:s6+$0xC100] =	vst v46;
	v11 =	vadd.f32 v45, v44  }
0x106: {  	v49 =	vmul.f32 v13, v13;
	v15 =	vadd.f32 v16, v15;
	v50 =	vld [tilespmem:s5+$0x100];
	v8 =	vadd.f32 v5, v8  }
0x107: {  	[tilespmem:s23+$0xC100] =	vst v3;
	v3 =	vadd.f32 v42, v9;
	v52 =	vmul.f32 v6, v6;
	v51 =	vadd.f32 v48, v11  }
0x108: {  	v54 =	vmul.f32 v16, v16;
	[tilespmem:s15+$0xC100] =	vst v4;
	v53 =	vadd.f32 v49, v12;
	v8 =	vadd.f32 v6, v8  }
0x109: {  	[tilespmem:s21+$0xC100] =	vst v5;
	v55 =	vadd.f32 v47, v7;
	v57 =	vmul.f32 v3, v3;
	v56 =	vadd.f32 v52, v51  }
0x10a: {  	v58 =	vmul.f32 v46, v46;
	v4 =	vadd.f32 v54, v53;
	[tilespmem:s1+$0xC100] =	vst v3;
	v3 =	vadd.f32 v3, v8  }
0x10b: {  	[tilespmem:s0+$0xC100] =	vst v6;
	v60 =	vmul.f32 v55, v55;
	v59 =	vadd.f32 v50, v10;
	v7 =	vadd.f32 v57, v56  }
0x10c: {  	p2 =	slt.u32 s31, $0xE;
	v61 =	vadd.f32 v46, v15;
	[tilespmem:s4+$0xC100] =	vst v55;
	v3 =	vadd.f32 v55, v3  }
.Ltmp2:
0x10d: {  	v4 =	vadd.f32 v58, v4;
	[tilespmem:s5+$0xC100] =	vst v59;
	v63 =	vmul.f32 v59, v59;
	v62 =	vadd.f32 v60, v7;
	(pc) =	sbr.rel @p2 .LBB2_3-.Ltmp2, $4  }
0x10e: {  	[tilespmem:s3+$0x18100] =	vst v61;
	v3 =	vadd.f32 v59, v3  }
0x10f: {  	[tilespmem:s3+$0x19100] =	vst v4;
	v5 =	vadd.f32 v63, v62  }
0x110: {  	s28 =	sadd.s32 $0x2, s31;
	[tilespmem:s2+$0x18980] =	vst v3  }
0x111: {  	s31 =	smov.u32 s28;
	[tilespmem:s2+$0x19980] =	vst v5  }
0x112: {  	s0 =	simm.s32 $0x19100  }
0x113: {  	s2 =	simm.s32 $0x18100;
	v3 =	vld [tilespmem:s0+$0x0]  }
0x114: {  	v4 =	vld [tilespmem:s2+$0x0];
	_ =	sdelay $0x3  }
0x115: {  	(xrf2) =	vadd.scan.msk.f32 $0xffff, v3  }
0x116: {  	(xrf2) =	vadd.scan.msk.f32 $0xffff, v4;
	_ =	sdelay $0x8  }
0x117: {  	v3, _, _ =	vpop (xrf2)  }
0x118: {  	v4, _, _ =	vpop (xrf2)  }
0x119: {  	v26 =	vmul.f32 $1.302083370e-03, v4;
	_ =	sdelay $0x1  }
0x11a: {  	v3 =	vmul.f32 $1.302083370e-03, v3;
	v4 =	vmul.f32 v26, v26;
	_ =	sdelay $0x1  }
0x11b: {  	v3 =	vsub.f32 v3, v4;
	_ =	sdelay $0x1  }
0x11c: {  	s4 =	simm.s32 $0x19180;
	v3 =	vadd.f32 $9.999999960e-13, v3  }
0x11d: {  	s10 =	simm.s32 $0x18180;
	v4 =	vld [tilespmem:s4+$0x0]  }
0x11e: {  	v5 =	vld [tilespmem:s10+$0x0];
	v3 =	vbroadcast v3, $0xF;
	_ =	sdelay $0x1  }
0x11f: {  	v13 =	vld [tilespmem:$0x1D100];
	v6 =	vshrl.u32 v3, $0x1;
	v16 =	vmul.f32 $5.000000000e-01, v3  }
0x120: {  	v11 =	vld [tilespmem:$0x1D110];
	v3 =	vsub.s32 $0x5F3759DF, v6  }
0x121: {  	v12 =	vld [tilespmem:$0x1D120];
	(xrf2) =	vadd.scan.msk.f32 $0xffff, v4;
	v4 =	vmul.f32 v3, v16  }
0x122: {  	v10 =	vld [tilespmem:$0x1D130];
	(xrf2) =	vadd.scan.msk.f32 $0xffff, v5  }
0x123: {  	v9 =	vld [tilespmem:$0x1D140];
	v4 =	vmul.f32 v3, v4  }
0x124: {  	v8 =	vld [tilespmem:$0x1D150]  }
0x125: {  	v7 =	vld [tilespmem:$0x1D160];
	v14 =	vsub.f32 $1.500000000e+00, v4  }
0x126: {  	v25 =	vld [tilespmem:$0x1D1B0]  }
0x127: {  	v24 =	vld [tilespmem:$0x1D400];
	v17 =	vmul.f32 v3, v14  }
0x128: {  	v23 =	vld [tilespmem:$0x1D410]  }
0x129: {  	v22 =	vld [tilespmem:$0x1D420];
	v14 =	vmul.f32 v17, v16  }
0x12a: {  	v21 =	vld [tilespmem:$0x1D430];
	s22 =	simm.s32 $0x18200  }
0x12b: {  	v29 =	vld [tilespmem:s22+$0x0];
	v15, _, _ =	vpop (xrf2);
	v14 =	vmul.f32 v14, v17  }
0x12c: {  	v32 =	vbroadcast v26, $0xF;
	v26 =	vld [tilespmem:$0x1D4B0];
	v18, _, _ =	vpop (xrf2)  }
0x12d: {  	v5 =	vld [tilespmem:$0x1D180];
	v28 =	vmul.f32 $1.302083370e-03, v18;
	v18 =	vsub.f32 $1.500000000e+00, v14  }
0x12e: {  	v6 =	vld [tilespmem:$0x1D170];
	v19 =	vmul.f32 $1.302083370e-03, v15  }
0x12f: {  	v4 =	vld [tilespmem:$0x1D190];
	v20 =	vmul.f32 v28, v28;
	v27 =	vmul.f32 v18, v17  }
0x130: {  	s5 =	simm.s32 $0x19200;
	v3 =	vld [tilespmem:$0x1D1A0]  }
0x131: {  	v17 =	vsub.f32 v19, v20;
	v19 =	vld [tilespmem:s5+$0x0];
	v16 =	vmul.f32 v27, v16  }
0x132: {  	v15 =	vld [tilespmem:$0x1D450]  }
0x133: {  	v14 =	vld [tilespmem:$0x1D440];
	v17 =	vadd.f32 $9.999999960e-13, v17;
	v30 =	vmul.f32 v16, v27  }
0x134: {  	v20 =	vld [tilespmem:$0x1D460]  }
0x135: {  	s1 =	simm.s32 $0x0;
	v18 =	vld [tilespmem:$0x1D470];
	v31 =	vbroadcast v17, $0xF;
	v30 =	vsub.f32 $1.500000000e+00, v30  }
0x136: {  	s1 =	smul.u32 $0x6000, s1;
	v16 =	vld [tilespmem:$0x1D480];
	(xrf2) =	vadd.scan.msk.f32 $0xffff, v19  }
0x137: {  	s3 =	simm.s32 $0x0;
	v17 =	vld [tilespmem:$0x1D490];
	v33 =	vshrl.u32 v31, $0x1;
	v31 =	vmul.f32 $5.000000000e-01, v31;
	(xrf2) =	vadd.scan.msk.f32 $0xffff, v29;
	v29 =	vmul.f32 v30, v27  }
0x138: {  	s24 =	sand.u32 $0x380, s3;
	s1 =	sshra.s32 s1, $0x2;
	v19 =	vld [tilespmem:$0x1D4A0];
	[tilespmem:s2+$0x0] =	vst v32;
	v27 =	vsub.s32 $0x5F3759DF, v33  }
0x139: {  	s2 =	sor.u32 s24, s1;
	v30 =	vmul.f32 v27, v31;
	[tilespmem:s0+$0x0] =	vst v29  }
0x13a: {  	v49 =	vld [tilespmem:s2+$0xC530]  }
0x13b: {  	v30 =	vmul.f32 v27, v30;
	v34 =	vld [tilespmem:s2+$0xC100]  }
0x13c: {  	v35 =	vld [tilespmem:s2+$0xC110]  }
0x13d: {  	v36 =	vld [tilespmem:s2+$0xC120];
	v30 =	vsub.f32 $1.500000000e+00, v30  }
0x13e: {  	v37 =	vld [tilespmem:s2+$0xC130]  }
0x13f: {  	v38 =	vld [tilespmem:s2+$0xC140];
	v30 =	vmul.f32 v27, v30  }
0x140: {  	v41 =	vld [tilespmem:s2+$0xC150]  }
0x141: {  	v43 =	vld [tilespmem:s2+$0xC170];
	v27 =	vsub.f32 v49, v32;
	v34 =	vsub.f32 v34, v32;
	v39 =	vmul.f32 v30, v31  }
0x142: {  	v45 =	vld [tilespmem:s2+$0xC500];
	v50, _, _ =	vpop (xrf2);
	v35 =	vsub.f32 v35, v32;
	v36 =	vsub.f32 v36, v32  }
0x143: {  	v40, _, _ =	vpop (xrf2);
	v33 =	vmul.f32 $1.302083370e-03, v50;
	v37 =	vsub.f32 v37, v32;
	v39 =	vmul.f32 v39, v30  }
0x144: {  	v46 =	vld [tilespmem:s2+$0xC510];
	v38 =	vsub.f32 v38, v32;
	v42 =	vmul.f32 v27, v29;
	v27 =	vmul.f32 $1.302083370e-03, v40  }
0x145: {  	v41 =	vsub.f32 v41, v32;
	v34 =	vmul.f32 v29, v34;
	v39 =	vsub.f32 $1.500000000e+00, v39  }
0x146: {  	s31 =	simm.s32 $0x19280;
	v43 =	vsub.f32 v43, v32;
	v35 =	vmul.f32 v29, v35;
	v44 =	vmul.f32 v27, v27  }
0x147: {  	v54 =	vld [tilespmem:s31+$0x0];
	s3 =	simm.s32 $0x18280;
	v45 =	vsub.f32 v45, v32;
	v36 =	vmul.f32 v29, v36;
	v30 =	vmul.f32 v39, v30  }
0x148: {  	v47 =	vld [tilespmem:s3+$0x0];
	v37 =	vmul.f32 v29, v37;
	v38 =	vmul.f32 v29, v38;
	v33 =	vsub.f32 v33, v44  }
0x149: {  	v46 =	vsub.f32 v46, v32;
	v41 =	vmul.f32 v29, v41;
	v31 =	vmul.f32 v30, v31  }
0x14a: {  	v43 =	vmul.f32 v29, v43;
	v45 =	vmul.f32 v29, v45;
	v33 =	vadd.f32 $9.999999960e-13, v33  }
0x14b: {  	v51 =	vld [tilespmem:s2+$0xC160];
	v46 =	vmul.f32 v29, v46;
	v31 =	vmul.f32 v31, v30  }
0x14c: {  	v52 =	vld [tilespmem:s2+$0xC520];
	(xrf2) =	vadd.scan.msk.f32 $0xffff, v54;
	v42 =	vmul.f32 v42, v25;
	v33 =	vbroadcast v33, $0xF  }
0x14d: {  	s25 =	simm.s32 $0x0;
	(xrf2) =	vadd.scan.msk.f32 $0xffff, v47;
	v60 =	vmul.f32 v35, v11;
	v61 =	vmul.f32 v36, v12;
	v31 =	vsub.f32 $1.500000000e+00, v31  }
0x14e: {  	s0 =	smul.u32 $0x6000, s25;
	v44 =	vbroadcast v28, $0xF;
	v48 =	vshrl.u32 v33, $0x1;
	v33 =	vmul.f32 $5.000000000e-01, v33  }
0x14f: {  	s11 =	simm.s32 $0x80;
	v62 =	vmul.f32 v37, v10;
	v55 =	vsub.s32 $0x5F3759DF, v48;
	v48 =	vmul.f32 v31, v30  }
0x150: {  	s28 =	sand.u32 $0x380, s11;
	s0 =	sshra.s32 s0, $0x2;
	v53 =	vsub.f32 v51, v32;
	v56 =	vmul.f32 v38, v9;
	[tilespmem:s10+$0x0] =	vst v44;
	v28 =	vmul.f32 v55, v33  }
0x151: {  	s30 =	sor.u32 s28, s0;
	v32 =	vsub.f32 v52, v32;
	v57 =	vmul.f32 v41, v8;
	v43 =	vmul.f32 v43, v6;
	[tilespmem:s4+$0x0] =	vst v48  }
0x152: {  	v45 =	vmul.f32 v45, v5;
	v35 =	vadd.f32 v62, v21;
	v28 =	vmul.f32 v55, v28;
	v63 =	vld [tilespmem:s30+$0xC530]  }
0x153: {  	v51 =	vadd.f32 v56, v14;
	v39 =	vmul.f32 v29, v53;
	v29 =	vmul.f32 v32, v29;
	v59 =	vld [tilespmem:s30+$0xC110]  }
0x154: {  	v46 =	vmul.f32 v46, v4;
	v32 =	vadd.f32 v60, v23;
	v28 =	vsub.f32 $1.500000000e+00, v28;
	v60 =	vld [tilespmem:s30+$0xC120]  }
0x155: {  	v52 =	vadd.f32 v57, v15;
	v41 =	vadd.f32 v43, v18;
	v39 =	vmul.f32 v39, v7;
	v49 =	vld [tilespmem:s30+$0xC130]  }
0x156: {  	v31 =	vmul.f32 v34, v13;
	v34 =	vadd.f32 v61, v22;
	v61, _, _ =	vpop (xrf2);
	v47 =	vld [tilespmem:s30+$0xC500];
	v40 =	vmul.f32 v55, v28  }
0x157: {  	v54 =	vadd.f32 v39, v20;
	v30 =	vadd.f32 v42, v26;
	v28 =	vmul.f32 v29, v3;
	v29, _, _ =	vpop (xrf2)  }
0x158: {  	v31 =	vadd.f32 v31, v24;
	v58 =	vld [tilespmem:s30+$0xC100];
	v29 =	vmul.f32 $1.302083370e-03, v29;
	v50 =	vmul.f32 v40, v33  }
0x159: {  	v37 =	vmul.f32 $1.302083370e-03, v61;
	v53 =	vld [tilespmem:s30+$0xC140];
	v36 =	vsub.f32 v63, v44;
	v42 =	vsub.f32 v59, v44  }
0x15a: {  	[tilespmem:s2+$0xC530] =	vst v30;
	v30 =	vsub.f32 v60, v44;
	v57 =	vmul.f32 v29, v29;
	v60 =	vld [tilespmem:s30+$0xC510];
	v62 =	vmul.f32 v50, v40  }
0x15b: {  	v55 =	vld [tilespmem:s30+$0xC150];
	v61 =	vsub.f32 v49, v44;
	v59 =	vsub.f32 v47, v44;
	v36 =	vmul.f32 v36, v48  }
0x15c: {  	[tilespmem:s2+$0xC130] =	vst v35;
	v56 =	vld [tilespmem:s30+$0xC170];
	v49 =	vsub.f32 v37, v57;
	v37 =	vmul.f32 v48, v42;
	v38 =	vsub.f32 $1.500000000e+00, v62  }
0x15d: {  	[tilespmem:s2+$0xC120] =	vst v34;
	v63 =	vsub.f32 v58, v44;
	v50 =	vld [tilespmem:s30+$0xC160];
	v39 =	vmul.f32 v48, v30;
	v34 =	vmul.f32 v48, v59  }
0x15e: {  	v45 =	vadd.f32 v45, v16;
	[tilespmem:s2+$0xC100] =	vst v31;
	v62 =	vld [tilespmem:s30+$0xC520];
	v31 =	vmul.f32 v36, v25;
	v43 =	vmul.f32 v38, v40  }
0x15f: {  	[tilespmem:s2+$0xC140] =	vst v51;
	v38 =	vmul.f32 v48, v63;
	v63 =	vsub.f32 v53, v44;
	v60 =	vsub.f32 v60, v44  }
0x160: {  	[tilespmem:s2+$0xC150] =	vst v52;
	v40 =	vmul.f32 v48, v61;
	v53 =	vadd.f32 v31, v26;
	v31 =	vsub.f32 v55, v44  }
0x161: {  	[tilespmem:s2+$0xC500] =	vst v45;
	s4 =	simm.s32 $0x19300;
	v58 =	vsub.f32 v56, v44;
	v30 =	vmul.f32 v48, v63;
	v33 =	vmul.f32 v43, v33  }
0x162: {  	[tilespmem:s2+$0xC110] =	vst v32;
	v45 =	vld [tilespmem:s4+$0x0];
	v55 =	vsub.f32 v50, v44;
	v32 =	vmul.f32 v48, v60;
	v36 =	vmul.f32 v48, v31  }
0x163: {  	[tilespmem:s2+$0xC170] =	vst v41;
	v61 =	vsub.f32 v62, v44;
	v62 =	vadd.f32 $9.999999960e-13, v49;
	v63 =	vmul.f32 v33, v43  }
0x164: {  	s12 =	simm.s32 $0x3;
	s20 =	simm.s32 $0x18300;
	[tilespmem:s2+$0xC160] =	vst v54;
	v42 =	vadd.f32 v46, v17;
	v31 =	vmul.f32 v48, v55;
	v33 =	vmul.f32 v48, v58  }
0x165: {  	s23 =	simm.s32 $0x4;
	s16 =	simm.s32 $0x5;
	s0 =	simm.s32 $0x0;
	[tilespmem:s30+$0xC530] =	vst v53;
	v44 =	vld [tilespmem:s20+$0x0];
	v47 =	vbroadcast v62, $0xF;
	v35 =	vmul.f32 v61, v48;
	v46 =	vsub.f32 $1.500000000e+00, v63  }
.LBB2_9:
0x166: {  	p2 =	sne.s32 s16, $0x1F;
	v48 =	vbroadcast v27, $0xF;
	s0 =	smul.u32 $0x6000, s0;
	v38 =	vmul.f32 v38, v13;
	[tilespmem:s2+$0xC510] =	vst v42;
	v42 =	vadd.f32 v28, v19;
	v27 =	vmovc v29;
	s10 =	smov.u32 s23  }
0x167: {  	s11 =	sadd.s32 $0x80, s11;
	s23 =	smov.u32 s16;
	(xrf2) =	vadd.scan.msk.f32 $0xffff, v45;
	v28 =	vshrl.u32 v47, $0x1;
	v45 =	vmul.f32 $5.000000000e-01, v47;
	v41 =	vmul.f32 v46, v43  }
0x168: {  	s1 =	sand.u32 $0x380, s11;
	v29 =	vsub.s32 $0x5F3759DF, v28;
	[tilespmem:s22+$0x0] =	vst v48;
	s0 =	sshra.s32 s0, $0x2;
	v28 =	vmul.f32 v37, v11;
	v37 =	vmul.f32 v39, v12;
	s22 =	smov.u32 s3  }
0x169: {  	v40 =	vmul.f32 v40, v10;
	v38 =	vadd.f32 v38, v24;
	v39 =	vmul.f32 v29, v45;
	[tilespmem:s5+$0x0] =	vst v41;
	s0 =	sor.u32 s1, s0;
	s5 =	smov.u32 s31;
	s31 =	smov.u32 s4  }
0x16a: {  	v30 =	vmul.f32 v30, v9;
	v36 =	vmul.f32 v36, v8;
	s3 =	smov.u32 s20;
	(xrf2) =	vadd.scan.msk.f32 $0xffff, v44;
	v43 =	vld [tilespmem:s0+$0xC530];
	v28 =	vadd.f32 v28, v23  }
0x16b: {  	v31 =	vmul.f32 v31, v7;
	v37 =	vadd.f32 v37, v22;
	v39 =	vmul.f32 v29, v39;
	v44 =	vld [tilespmem:s0+$0xC100];
	[tilespmem:s30+$0xC100] =	vst v38  }
0x16c: {  	v33 =	vmul.f32 v33, v6;
	v34 =	vmul.f32 v34, v5;
	v40 =	vadd.f32 v40, v21;
	v38 =	vld [tilespmem:s0+$0xC110];
	[tilespmem:s30+$0xC110] =	vst v28  }
0x16d: {  	v47 =	vmul.f32 v32, v4;
	v28 =	vmul.f32 v35, v3;
	v39 =	vsub.f32 $1.500000000e+00, v39;
	v46 =	vld [tilespmem:s0+$0xC120];
	[tilespmem:s30+$0xC120] =	vst v37  }
0x16e: {  	v30 =	vadd.f32 v30, v14;
	v35 =	vadd.f32 v36, v15;
	v32 =	vld [tilespmem:s0+$0xC130];
	[tilespmem:s30+$0xC130] =	vst v40  }
0x16f: {  	v31 =	vadd.f32 v31, v20;
	v36 =	vmul.f32 v29, v39;
	v29 =	vld [tilespmem:s0+$0xC140];
	v37 =	vsub.f32 v43, v48;
	[tilespmem:s2+$0xC520] =	vst v42;
	s2 =	smov.u32 s30;
	s30 =	smov.u32 s0  }
0x170: {  	v39 =	vsub.f32 v44, v48;
	v40 =	vld [tilespmem:s30+$0xC150];
	[tilespmem:s2+$0xC140] =	vst v30;
	v30 =	vadd.f32 v33, v18  }
0x171: {  	v33, _, _ =	vpop (xrf2);
	v42 =	vmul.f32 v36, v45;
	v43 =	vsub.f32 v38, v48;
	v44 =	vld [tilespmem:s30+$0xC160];
	v37 =	vmul.f32 v37, v41;
	[tilespmem:s2+$0xC150] =	vst v35  }
0x172: {  	v38 =	vmul.f32 v41, v39;
	v35 =	vsub.f32 v46, v48;
	v46 =	vld [tilespmem:s30+$0xC170];
	[tilespmem:s2+$0xC160] =	vst v31;
	v31 =	vadd.f32 v34, v16  }
0x173: {  	v34 =	vmul.f32 v42, v36;
	v32 =	vsub.f32 v32, v48;
	v42 =	vld [tilespmem:s30+$0xC500];
	v49 =	vmul.f32 v37, v25;
	[tilespmem:s2+$0xC170] =	vst v30  }
0x174: {  	v37 =	vmul.f32 v41, v43;
	v30, _, _ =	vpop (xrf2);
	v39 =	vmul.f32 v41, v35;
	v35 =	vsub.f32 v29, v48;
	v50 =	vld [tilespmem:s30+$0xC510];
	[tilespmem:s2+$0xC500] =	vst v31  }
0x175: {  	v29 =	vmul.f32 $1.302083370e-03, v30;
	v30 =	vsub.f32 $1.500000000e+00, v34;
	v34 =	vld [tilespmem:s30+$0xC520];
	v31 =	vadd.f32 v49, v26  }
0x176: {  	v33 =	vmul.f32 $1.302083370e-03, v33;
	v49 =	vsub.f32 v40, v48;
	v44 =	vsub.f32 v44, v48  }
0x177: {  	v51 =	vmul.f32 v29, v29;
	v43 =	vmul.f32 v30, v36;
	v46 =	vsub.f32 v46, v48;
	[tilespmem:s30+$0xC530] =	vst v31  }
0x178: {  	v40 =	vmul.f32 v41, v32;
	v30 =	vmul.f32 v41, v35;
	v32 =	vsub.f32 v42, v48  }
.Ltmp3:
0x179: {  	s4 =	sadd.s32 $0x80, s4;
	v33 =	vsub.f32 v33, v51;
	v35 =	vmul.f32 v43, v45;
	v42 =	vsub.f32 v50, v48;
	(pc) =	sbr.rel @p2 .LBB2_9-.Ltmp3, $4  }
0x17a: {  	v36 =	vmul.f32 v41, v49;
	v31 =	vmul.f32 v41, v44;
	v45 =	vld [tilespmem:s4+$0x0];
	v48 =	vsub.f32 v34, v48  }
0x17b: {  	v49 =	vadd.f32 $9.999999960e-13, v33;
	v35 =	vmul.f32 v35, v43;
	v33 =	vmul.f32 v41, v46  }
0x17c: {  	s20 =	sadd.s32 $0x80, s20;
	v34 =	vmul.f32 v41, v32;
	v32 =	vmul.f32 v41, v42;
	v42 =	vadd.f32 v47, v17  }
0x17d: {  	s16 =	sadd.s32 $0x1, s16;
	s0 =	sshrl.u32 s12, $0x3;
	s12 =	smov.u32 s10;
	v44 =	vld [tilespmem:s20+$0x0];
	v47 =	vbroadcast v49, $0xF;
	v46 =	vsub.f32 $1.500000000e+00, v35;
	v35 =	vmul.f32 v48, v41  }
0x17e: {  	_ = 	snop  }
0x17f: {  	v41 =	vshrl.u32 v47, $0x1;
	v47 =	vmul.f32 $5.000000000e-01, v47  }
0x180: {  	s1 =	smul.u32 $0x6000, s0;
	(xrf2) =	vadd.scan.msk.f32 $0xffff, v45;
	v45 =	vbroadcast v27, $0xF;
	v41 =	vsub.s32 $0x5F3759DF, v41  }
0x181: {  	s16 =	sadd.s32 $0x80, s11;
	v43 =	vmul.f32 v46, v43;
	v27 =	vmul.f32 v41, v47  }
0x182: {  	s6 =	sand.u32 $0x380, s16;
	s1 =	sshra.s32 s1, $0x2;
	[tilespmem:s22+$0x0] =	vst v45  }
0x183: {  	s17 =	sor.u32 s6, s1;
	(xrf2) =	vadd.scan.msk.f32 $0xffff, v44;
	[tilespmem:s5+$0x0] =	vst v43;
	v27 =	vmul.f32 v41, v27  }
0x184: {  	v60 =	vld [tilespmem:s17+$0xC530]  }
0x185: {  	v61 =	vld [tilespmem:s17+$0xC100];
	v27 =	vsub.f32 $1.500000000e+00, v27  }
0x186: {  	v48 =	vld [tilespmem:s17+$0xC110]  }
0x187: {  	v49 =	vld [tilespmem:s17+$0xC120];
	v41 =	vmul.f32 v41, v27  }
0x188: {  	v38 =	vmul.f32 v38, v13;
	v37 =	vmul.f32 v37, v11;
	v50 =	vld [tilespmem:s17+$0xC130]  }
0x189: {  	v39 =	vmul.f32 v39, v12;
	v51 =	vld [tilespmem:s17+$0xC140];
	v27 =	vmul.f32 v41, v47  }
0x18a: {  	v40 =	vmul.f32 v40, v10;
	v30 =	vmul.f32 v30, v9;
	v53 =	vld [tilespmem:s17+$0xC150]  }
0x18b: {  	v36 =	vmul.f32 v36, v8;
	v31 =	vmul.f32 v31, v7;
	v55 =	vld [tilespmem:s17+$0xC160]  }
0x18c: {  	v33 =	vmul.f32 v33, v6;
	v38 =	vadd.f32 v38, v24;
	v56 =	vld [tilespmem:s17+$0xC170];
	v44 =	vsub.f32 v60, v45;
	v52, _, _ =	vpop (xrf2)  }
0x18d: {  	v46 =	vsub.f32 v61, v45;
	v48 =	vsub.f32 v48, v45;
	v54 =	vmul.f32 v27, v41;
	v27, _, _ =	vpop (xrf2)  }
0x18e: {  	v57 =	vld [tilespmem:s17+$0xC500];
	v49 =	vsub.f32 v49, v45;
	v50 =	vsub.f32 v50, v45;
	v27 =	vmul.f32 $1.302083370e-03, v27  }
0x18f: {  	v29 =	vbroadcast v29, $0xF;
	v51 =	vsub.f32 v51, v45;
	v53 =	vsub.f32 v53, v45  }
0x190: {  	v62 =	vld [tilespmem:s17+$0xC510];
	v55 =	vsub.f32 v55, v45;
	v52 =	vmul.f32 $1.302083370e-03, v52;
	v58 =	vmul.f32 v27, v27  }
0x191: {  	v63 =	vld [tilespmem:s17+$0xC520];
	v56 =	vsub.f32 v56, v45;
	v44 =	vmul.f32 v44, v43;
	v54 =	vsub.f32 $1.500000000e+00, v54  }
0x192: {  	v46 =	vmul.f32 v43, v46;
	v48 =	vmul.f32 v43, v48;
	v52 =	vsub.f32 v52, v58  }
0x193: {  	v57 =	vsub.f32 v57, v45;
	v49 =	vmul.f32 v43, v49;
	v41 =	vmul.f32 v54, v41  }
0x194: {  	v50 =	vmul.f32 v43, v50;
	v51 =	vmul.f32 v43, v51;
	v52 =	vadd.f32 $9.999999960e-13, v52  }
0x195: {  	v53 =	vmul.f32 v43, v53;
	v54 =	vsub.f32 v62, v45;
	v47 =	vmul.f32 v41, v47  }
0x196: {  	v55 =	vmul.f32 v43, v55;
	v45 =	vsub.f32 v63, v45;
	v52 =	vbroadcast v52, $0xF  }
0x197: {  	v54 =	vmul.f32 v43, v54;
	v58 =	vadd.f32 v28, v19;
	v28 =	vmul.f32 v47, v41  }
0x198: {  	v47 =	vmul.f32 v43, v56;
	v60 =	vshrl.u32 v52, $0x1;
	v52 =	vmul.f32 $5.000000000e-01, v52  }
0x199: {  	[tilespmem:s2+$0xC510] =	vst v42;
	v56 =	vmul.f32 v43, v57;
	v43 =	vmul.f32 v45, v43;
	v45 =	vsub.s32 $0x5F3759DF, v60  }
0x19a: {  	v34 =	vmul.f32 v34, v5;
	v37 =	vadd.f32 v37, v23;
	[tilespmem:s3+$0x0] =	vst v29;
	v61 =	vmul.f32 v45, v52  }
0x19b: {  	v32 =	vmul.f32 v32, v4;
	s18 =	sshrl.u32 s12, $0x3;
	v39 =	vadd.f32 v39, v22;
	[tilespmem:s30+$0xC100] =	vst v38;
	v28 =	vsub.f32 $1.500000000e+00, v28  }
0x19c: {  	v35 =	vmul.f32 v35, v3;
	s1 =	smul.u32 $0x6000, s18;
	[tilespmem:s30+$0xC110] =	vst v37;
	v62 =	vadd.f32 v40, v21;
	v63 =	vmul.f32 v45, v61  }
0x19d: {  	s0 =	sadd.s32 $0x80, s16;
	v30 =	vadd.f32 v30, v14;
	v36 =	vadd.f32 v36, v15;
	[tilespmem:s30+$0xC120] =	vst v39;
	v28 =	vmul.f32 v28, v41  }
0x19e: {  	v31 =	vadd.f32 v31, v20;
	s19 =	sand.u32 $0x380, s0;
	s1 =	sshra.s32 s1, $0x2;
	[tilespmem:s30+$0xC130] =	vst v62;
	v62 =	vmul.f32 v49, v12;
	v59 =	vsub.f32 $1.500000000e+00, v63  }
0x19f: {  	v33 =	vadd.f32 v33, v18;
	v34 =	vadd.f32 v34, v16;
	s3 =	sor.u32 s19, s1;
	v57 =	vmul.f32 v44, v25;
	[tilespmem:s31+$0x0] =	vst v28  }
0x1a0: {  	[tilespmem:s30+$0xC160] =	vst v31;
	v27 =	vbroadcast v27, $0xF;
	v31 =	vadd.f32 v62, v22;
	v42 =	vld [tilespmem:s3+$0xC530];
	v38 =	vmul.f32 v45, v59  }
0x1a1: {  	[tilespmem:s30+$0xC140] =	vst v30;
	v62 =	vmul.f32 v55, v7;
	v37 =	vadd.f32 v57, v26;
	v57 =	vmul.f32 v50, v10;
	v55 =	vld [tilespmem:s3+$0xC130]  }
0x1a2: {  	v32 =	vadd.f32 v32, v17;
	[tilespmem:s30+$0xC150] =	vst v36;
	v60 =	vmul.f32 v46, v13;
	v63 =	vmul.f32 v38, v52  }
0x1a3: {  	v35 =	vadd.f32 v35, v19;
	[tilespmem:s30+$0xC500] =	vst v34;
	v34 =	vmul.f32 v54, v4;
	v61 =	vmul.f32 v48, v11  }
0x1a4: {  	[tilespmem:s30+$0xC510] =	vst v32;
	v39 =	vadd.f32 v57, v21;
	v49 =	vld [tilespmem:s3+$0xC120];
	v30 =	vadd.f32 v60, v24;
	v44 =	vmul.f32 v63, v38  }
0x1a5: {  	[tilespmem:s2+$0xC520] =	vst v58;
	v58 =	vmul.f32 v51, v9;
	v36 =	vadd.f32 v61, v23;
	v61 =	vld [tilespmem:s3+$0xC110];
	v57 =	vsub.f32 v42, v29  }
0x1a6: {  	[tilespmem:s17+$0xC120] =	vst v31;
	v60 =	vmul.f32 v53, v8;
	v31 =	vsub.f32 v55, v29;
	v59 =	vld [tilespmem:s3+$0xC100];
	v44 =	vsub.f32 $1.500000000e+00, v44  }
0x1a7: {  	v32 =	vmul.f32 v43, v3;
	[tilespmem:s17+$0xC530] =	vst v37;
	v45 =	vadd.f32 v58, v14;
	v58 =	vld [tilespmem:s3+$0xC150];
	v37 =	vmul.f32 v57, v28  }
0x1a8: {  	v40 =	vadd.f32 v60, v15;
	v60 =	vld [tilespmem:s3+$0xC160];
	v31 =	vmul.f32 v28, v31;
	v38 =	vmul.f32 v44, v38  }
0x1a9: {  	v50 =	vadd.f32 v34, v17;
	v41 =	vadd.f32 v62, v20;
	v55 =	vld [tilespmem:s3+$0xC510];
	v37 =	vmul.f32 v37, v25  }
0x1aa: {  	[tilespmem:s17+$0xC100] =	vst v30;
	v30 =	vsub.f32 v61, v29;
	v61 =	vld [tilespmem:s3+$0xC170];
	v31 =	vmul.f32 v31, v10;
	v62 =	vmul.f32 v38, v52  }
0x1ab: {  	[tilespmem:s30+$0xC170] =	vst v33;
	v32 =	vadd.f32 v32, v19;
	v63 =	vmul.f32 v47, v6;
	v47 =	vmul.f32 v56, v5;
	v56 =	vld [tilespmem:s3+$0xC140]  }
0x1ac: {  	[tilespmem:s30+$0xC520] =	vst v35;
	v54 =	vld [tilespmem:s3+$0xC500];
	v59 =	vsub.f32 v59, v29;
	v42 =	vsub.f32 v58, v29;
	v48 =	vmul.f32 v62, v38  }
0x1ad: {  	[tilespmem:s20+$0x0] =	vst v27;
	v57 =	vld [tilespmem:s3+$0xC520];
	v30 =	vmul.f32 v28, v30;
	v33 =	vadd.f32 v63, v18;
	v63 =	vsub.f32 v49, v29  }
0x1ae: {  	s21 =	sshrl.u32 s23, $0x3;
	[tilespmem:s17+$0xC110] =	vst v36;
	v36 =	vmul.f32 v28, v59;
	v59 =	vsub.f32 v60, v29;
	v60 =	vsub.f32 $1.500000000e+00, v48  }
0x1af: {  	s1 =	smul.u32 $0x6000, s21;
	[tilespmem:s17+$0xC510] =	vst v50;
	v42 =	vmul.f32 v28, v42;
	v58 =	vmul.f32 v28, v63;
	v61 =	vsub.f32 v61, v29  }
0x1b0: {  	s0 =	sadd.s32 $0x80, s0;
	[tilespmem:s17+$0xC130] =	vst v39;
	v63 =	vsub.f32 v55, v29;
	v56 =	vsub.f32 v56, v29;
	v38 =	vmul.f32 v60, v38  }
0x1b1: {  	s0 =	sand.u32 $0x380, s0;
	s1 =	sshra.s32 s1, $0x2;
	[tilespmem:s17+$0xC140] =	vst v45;
	v43 =	vmul.f32 v28, v59;
	v36 =	vmul.f32 v36, v13;
	v62 =	vsub.f32 v54, v29  }
0x1b2: {  	s22 =	sor.u32 s0, s1;
	v45 =	vmul.f32 v28, v61;
	v39 =	vmul.f32 v28, v56;
	v29 =	vsub.f32 v57, v29;
	[tilespmem:s4+$0x0] =	vst v38  }
0x1b3: {  	[tilespmem:s17+$0xC150] =	vst v40;
	v37 =	vadd.f32 v37, v26;
	v40 =	vmul.f32 v28, v62;
	v48 =	vmul.f32 v28, v63;
	v49 =	vld [tilespmem:s22+$0xC530]  }
0x1b4: {  	[tilespmem:s17+$0xC160] =	vst v41;
	v31 =	vadd.f32 v31, v21;
	v28 =	vmul.f32 v29, v28;
	v29 =	vmul.f32 v30, v11;
	v30 =	vld [tilespmem:s22+$0xC100]  }
0x1b5: {  	[tilespmem:s17+$0xC520] =	vst v32;
	v47 =	vadd.f32 v47, v16;
	v51 =	vmul.f32 v58, v12;
	v52 =	vadd.f32 v36, v24;
	v53 =	vld [tilespmem:s22+$0xC110]  }
0x1b6: {  	[tilespmem:s3+$0xC530] =	vst v37;
	v56 =	vmul.f32 v42, v8;
	v57 =	vmul.f32 v43, v7;
	v29 =	vadd.f32 v29, v23;
	v55 =	vld [tilespmem:s22+$0xC120]  }
0x1b7: {  	[tilespmem:s17+$0xC170] =	vst v33;
	v34 =	vadd.f32 v51, v22;
	v59 =	vmul.f32 v45, v6;
	v54 =	vmul.f32 v39, v9;
	v58 =	vld [tilespmem:s22+$0xC130]  }
0x1b8: {  	v33 =	vadd.f32 v56, v15;
	v63 =	vadd.f32 v57, v20;
	[tilespmem:s3+$0xC110] =	vst v29;
	v29 =	vmul.f32 v40, v5;
	v60 =	vld [tilespmem:s22+$0xC140]  }
0x1b9: {  	[tilespmem:s3+$0xC130] =	vst v31;
	v31 =	vadd.f32 v59, v18;
	v37 =	vadd.f32 v54, v14;
	v62 =	vld [tilespmem:s22+$0xC150]  }
0x1ba: {  	[tilespmem:s17+$0xC500] =	vst v47;
	v61 =	vmul.f32 v48, v4;
	v48 =	vld [tilespmem:s22+$0xC160];
	v29 =	vadd.f32 v29, v16;
	v44 =	vsub.f32 v49, v27  }
0x1bb: {  	[tilespmem:s3+$0xC100] =	vst v52;
	v30 =	vsub.f32 v30, v27;
	v50 =	vsub.f32 v53, v27  }
0x1bc: {  	[tilespmem:s3+$0xC120] =	vst v34;
	v28 =	vmul.f32 v28, v3;
	v49 =	vld [tilespmem:s22+$0xC170];
	v51 =	vsub.f32 v55, v27;
	v52 =	vsub.f32 v58, v27  }
0x1bd: {  	[tilespmem:s3+$0xC150] =	vst v33;
	v54 =	vsub.f32 v60, v27;
	v55 =	vld [tilespmem:s22+$0xC510];
	v44 =	vmul.f32 v44, v38;
	v30 =	vmul.f32 v38, v30  }
0x1be: {  	[tilespmem:s3+$0xC140] =	vst v37;
	v56 =	vsub.f32 v62, v27;
	v32 =	vmul.f32 v38, v50;
	v37 =	vmul.f32 v38, v52  }
0x1bf: {  	[tilespmem:s3+$0xC500] =	vst v29;
	v57 =	vsub.f32 v48, v27;
	v29 =	vmul.f32 v38, v54;
	v25 =	vmul.f32 v44, v25  }
0x1c0: {  	[tilespmem:s3+$0xC160] =	vst v63;
	v53 =	vld [tilespmem:s22+$0xC500];
	v13 =	vmul.f32 v30, v13;
	v30 =	vadd.f32 v61, v17;
	v11 =	vmul.f32 v32, v11  }
0x1c1: {  	[tilespmem:s3+$0xC170] =	vst v31;
	v31 =	vld [tilespmem:s22+$0xC520];
	v10 =	vmul.f32 v37, v10;
	v35 =	vsub.f32 v49, v27;
	v25 =	vadd.f32 v25, v26  }
0x1c2: {  	v9 =	vmul.f32 v29, v9;
	v13 =	vadd.f32 v13, v24;
	v24 =	vsub.f32 v55, v27;
	[tilespmem:s3+$0xC510] =	vst v30  }
0x1c3: {  	v26 =	vmul.f32 v38, v51;
	v11 =	vadd.f32 v11, v23;
	v10 =	vadd.f32 v10, v21;
	[tilespmem:s22+$0xC530] =	vst v25  }
0x1c4: {  	v23 =	vmul.f32 v38, v56;
	v21 =	vadd.f32 v28, v19;
	v9 =	vadd.f32 v9, v14;
	[tilespmem:s22+$0xC100] =	vst v13  }
0x1c5: {  	v25 =	vsub.f32 v53, v27;
	v12 =	vmul.f32 v26, v12;
	v26 =	vmul.f32 v38, v57;
	[tilespmem:s22+$0xC110] =	vst v11  }
0x1c6: {  	v13 =	vsub.f32 v31, v27;
	v11 =	vmul.f32 v38, v35;
	v8 =	vmul.f32 v23, v8;
	[tilespmem:s22+$0xC130] =	vst v10  }
0x1c7: {  	v10 =	vmul.f32 v38, v24;
	[tilespmem:s3+$0xC520] =	vst v21;
	v12 =	vadd.f32 v12, v22;
	v7 =	vmul.f32 v26, v7  }
0x1c8: {  	[tilespmem:s22+$0xC140] =	vst v9;
	v6 =	vmul.f32 v11, v6;
	v8 =	vadd.f32 v8, v15;
	v11 =	vmul.f32 v13, v38  }
0x1c9: {  	v4 =	vmul.f32 v10, v4;
	[tilespmem:s22+$0xC120] =	vst v12;
	v12 =	vmul.f32 v38, v25;
	v7 =	vadd.f32 v7, v20  }
0x1ca: {  	v6 =	vadd.f32 v6, v18;
	[tilespmem:s22+$0xC150] =	vst v8;
	v3 =	vmul.f32 v11, v3  }
0x1cb: {  	v4 =	vadd.f32 v4, v17;
	v5 =	vmul.f32 v12, v5;
	[tilespmem:s22+$0xC160] =	vst v7  }
0x1cc: {  	[tilespmem:s22+$0xC170] =	vst v6;
	v3 =	vadd.f32 v3, v19  }
0x1cd: {  	[tilespmem:s22+$0xC510] =	vst v4;
	v5 =	vadd.f32 v5, v16  }
0x1ce: {  	[tilespmem:s22+$0xC520] =	vst v3  }
0x1cf: {  	[tilespmem:s22+$0xC500] =	vst v5  }
0x1d0: {  	v13 =	vld [tilespmem:$0x1D1C0]  }
0x1d1: {  	v20 =	vld [tilespmem:$0x1D1D0]  }
0x1d2: {  	v23 =	vld [tilespmem:$0x1D1E0]  }
0x1d3: {  	v3 =	vld [tilespmem:$0x1D1F0]  }
0x1d4: {  	v14 =	vld [tilespmem:$0x1D200]  }
0x1d5: {  	v10 =	vld [tilespmem:$0x1D210]  }
0x1d6: {  	v6 =	vld [tilespmem:$0x1D220]  }
0x1d7: {  	v4 =	vld [tilespmem:$0x1D230]  }
0x1d8: {  	v7 =	vld [tilespmem:$0x1D240]  }
0x1d9: {  	v25 =	vld [tilespmem:$0x1D250]  }
0x1da: {  	v17 =	vld [tilespmem:$0x1D260]  }
0x1db: {  	v24 =	vld [tilespmem:$0x1D270]  }
0x1dc: {  	v16 =	vld [tilespmem:$0x1D4C0]  }
0x1dd: {  	v21 =	vld [tilespmem:$0x1D4D0]  }
0x1de: {  	v19 =	vld [tilespmem:$0x1D4E0]  }
0x1df: {  	v5 =	vld [tilespmem:$0x1D4F0]  }
0x1e0: {  	v15 =	vld [tilespmem:$0x1D500]  }
0x1e1: {  	v12 =	vld [tilespmem:$0x1D510]  }
0x1e2: {  	v11 =	vld [tilespmem:$0x1D520]  }
0x1e3: {  	v8 =	vld [tilespmem:$0x1D530]  }
0x1e4: {  	v9 =	vld [tilespmem:$0x1D540]  }
0x1e5: {  	s23 =	simm.s32 $0x0;
	v26 =	vld [tilespmem:$0x1D550]  }
0x1e6: {  	s0 =	smul.u32 $0x6000, s23;
	v18 =	vld [tilespmem:$0x1D560]  }
0x1e7: {  	s24 =	simm.s32 $0x0;
	s25 =	simm.s32 $0x19100;
	v22 =	vld [tilespmem:$0x1D570]  }
0x1e8: {  	s28 =	simm.s32 $0x18100;
	s1 =	sand.u32 $0x380, s24;
	s0 =	sshra.s32 s0, $0x2;
	v29 =	vld [tilespmem:s25+$0x0]  }
0x1e9: {  	s3 =	sor.u32 s1, s0;
	v39 =	vld [tilespmem:s28+$0x0]  }
0x1ea: {  	v27 =	vld [tilespmem:s3+$0xC940]  }
0x1eb: {  	v28 =	vld [tilespmem:s3+$0xC970]  }
0x1ec: {  	v30 =	vld [tilespmem:s3+$0xC960]  }
0x1ed: {  	v31 =	vld [tilespmem:s3+$0xC950]  }
0x1ee: {  	v58 =	vld [tilespmem:s3+$0xC910]  }
0x1ef: {  	v60 =	vld [tilespmem:s3+$0xC560]  }
0x1f0: {  	v61 =	vld [tilespmem:s3+$0xC550]  }
0x1f1: {  	s30 =	simm.s32 $0x0;
	v62 =	vld [tilespmem:s3+$0xC540]  }
0x1f2: {  	s0 =	smul.u32 $0x6000, s30;
	v59 =	vld [tilespmem:s3+$0xC900]  }
0x1f3: {  	s4 =	simm.s32 $0x80;
	v44 =	vld [tilespmem:s3+$0xC930]  }
0x1f4: {  	s31 =	sand.u32 $0x380, s4;
	s0 =	sshra.s32 s0, $0x2;
	v40 =	vld [tilespmem:s3+$0xC570];
	v31 =	vsub.f32 v31, v39;
	v28 =	vsub.f32 v28, v39  }
0x1f5: {  	s2 =	sor.u32 s31, s0;
	v63 =	vld [tilespmem:s3+$0xC920];
	v34 =	vsub.f32 v60, v39;
	v35 =	vsub.f32 v61, v39  }
0x1f6: {  	v54 =	vld [tilespmem:s2+$0xC970];
	v53 =	vsub.f32 v27, v39;
	v36 =	vsub.f32 v62, v39  }
0x1f7: {  	v45 =	vld [tilespmem:s2+$0xC940];
	v30 =	vsub.f32 v30, v39;
	v31 =	vmul.f32 v31, v29;
	v52 =	vmul.f32 v28, v29  }
0x1f8: {  	v56 =	vld [tilespmem:s2+$0xC950];
	v55 =	vsub.f32 v58, v39;
	v34 =	vmul.f32 v34, v29;
	v35 =	vmul.f32 v35, v29  }
0x1f9: {  	s11 =	simm.s32 $0x18180;
	v32 =	vld [tilespmem:s2+$0xC960];
	v33 =	vsub.f32 v59, v39;
	v57 =	vmul.f32 v36, v29;
	v59 =	vmul.f32 v30, v29  }
0x1fa: {  	v27 =	vld [tilespmem:s11+$0x0];
	v40 =	vsub.f32 v40, v39;
	v38 =	vmul.f32 v55, v29;
	v41 =	vmul.f32 v53, v29  }
0x1fb: {  	s5 =	simm.s32 $0x19180;
	v37 =	vld [tilespmem:s2+$0xC900];
	v44 =	vsub.f32 v44, v39;
	v31 =	vmul.f32 v31, v25;
	v34 =	vmul.f32 v34, v23  }
0x1fc: {  	v28 =	vld [tilespmem:s5+$0x0];
	v36 =	vsub.f32 v63, v39;
	v62 =	vmul.f32 v33, v29;
	v35 =	vmul.f32 v35, v20  }
0x1fd: {  	v58 =	vmul.f32 v52, v24;
	v31 =	vadd.f32 v31, v26;
	v61 =	vadd.f32 v34, v19;
	v34 =	vld [tilespmem:s2+$0xC930]  }
0x1fe: {  	v42 =	vld [tilespmem:s2+$0xC560];
	v63 =	vmul.f32 v57, v13;
	v33 =	vmul.f32 v41, v7;
	v35 =	vadd.f32 v35, v21  }
0x1ff: {  	v43 =	vld [tilespmem:s2+$0xC550];
	v41 =	vmul.f32 v62, v14;
	v60 =	vsub.f32 v54, v27;
	v46 =	vsub.f32 v56, v27;
	[tilespmem:s3+$0xC950] =	vst v31  }
0x200: {  	v30 =	vld [tilespmem:s2+$0xC910];
	v47 =	vmul.f32 v59, v17;
	v48 =	vadd.f32 v58, v22;
	[tilespmem:s3+$0xC550] =	vst v35;
	v31 =	vsub.f32 v45, v27  }
0x201: {  	s10 =	simm.s32 $0x2;
	v39 =	vld [tilespmem:s2+$0xC540];
	v35 =	vmul.f32 v60, v28;
	[tilespmem:s3+$0xC560] =	vst v61;
	v45 =	vmul.f32 v46, v28;
	v46 =	vadd.f32 v63, v16  }
.LBB2_11:
0x202: {  	s0 =	sshrl.u32 s10, $0x3;
	p2 =	sne.s32 s10, $0x1F;
	s10 =	sadd.s32 $0x1, s10;
	v38 =	vmul.f32 v38, v10;
	v36 =	vmul.f32 v36, v29;
	v47 =	vadd.f32 v47, v18;
	v49 =	vmovc v34  }
0x203: {  	s0 =	smul.u32 $0x6000, s0;
	v34 =	vsub.f32 v42, v27;
	v50 =	vld [tilespmem:s2+$0xC570];
	v42 =	vsub.f32 v37, v27;
	v37 =	vmul.f32 v40, v29;
	[tilespmem:s3+$0xC970] =	vst v48  }
0x204: {  	s4 =	sadd.s32 $0x80, s4;
	s5 =	sadd.s32 $0x80, s5;
	v41 =	vadd.f32 v41, v15;
	v29 =	vmul.f32 v44, v29;
	v40 =	vsub.f32 v43, v27;
	v43 =	vld [tilespmem:s2+$0xC920];
	[tilespmem:s3+$0xC540] =	vst v46  }
0x205: {  	s11 =	sadd.s32 $0x80, s11;
	s1 =	sand.u32 $0x380, s4;
	v44 =	vmul.f32 v45, v25;
	v45 =	vsub.f32 v32, v27;
	v32 =	vadd.f32 v38, v12;
	v46 =	vld [tilespmem:s5+$0x0];
	s0 =	sshra.s32 s0, $0x2;
	[tilespmem:s3+$0xC960] =	vst v47  }
0x206: {  	v36 =	vmul.f32 v36, v6;
	v34 =	vmul.f32 v34, v28;
	v51 =	vld [tilespmem:s11+$0x0];
	s0 =	sor.u32 s1, s0;
	v38 =	vsub.f32 v39, v27;
	[tilespmem:s3+$0xC900] =	vst v41  }
0x207: {  	v37 =	vmul.f32 v37, v3;
	v40 =	vmul.f32 v40, v28;
	v41 =	vadd.f32 v44, v26;
	v39 =	vld [tilespmem:s0+$0xC940];
	[tilespmem:s3+$0xC910] =	vst v32  }
0x208: {  	v47 =	vmul.f32 v34, v23;
	v34 =	vadd.f32 v36, v11;
	v36 =	vmul.f32 v29, v4;
	v29 =	vmovc v28;
	v44 =	vld [tilespmem:s0+$0xC970]  }
0x209: {  	v33 =	vadd.f32 v33, v9;
	v28 =	vmul.f32 v40, v20;
	v40 =	vsub.f32 v30, v27;
	v32 =	vld [tilespmem:s0+$0xC960];
	[tilespmem:s2+$0xC950] =	vst v41  }
0x20a: {  	v52 =	vmul.f32 v35, v24;
	v48 =	vmul.f32 v38, v29;
	v41 =	vld [tilespmem:s0+$0xC950];
	[tilespmem:s3+$0xC920] =	vst v34;
	v34 =	vadd.f32 v36, v8  }
0x20b: {  	v35 =	vmul.f32 v45, v29;
	v36 =	vsub.f32 v43, v27;
	v43 =	vadd.f32 v37, v5;
	v30 =	vld [tilespmem:s0+$0xC910];
	[tilespmem:s3+$0xC940] =	vst v33  }
0x20c: {  	v31 =	vmul.f32 v31, v29;
	v28 =	vadd.f32 v28, v21;
	v38 =	vmul.f32 v40, v29;
	v37 =	vld [tilespmem:s0+$0xC900];
	[tilespmem:s3+$0xC930] =	vst v34  }
.Ltmp4:
0x20d: {  	v45 =	vadd.f32 v47, v19;
	v47 =	vmul.f32 v42, v29;
	v34 =	vld [tilespmem:s0+$0xC930];
	v44 =	vsub.f32 v44, v51;
	[tilespmem:s3+$0xC570] =	vst v43;
	s3 =	smov.u32 s2;
	s2 =	smov.u32 s0;
	(pc) =	sbr.rel @p2 .LBB2_11-.Ltmp4, $4  }
0x20e: {  	v48 =	vmul.f32 v48, v13;
	v40 =	vsub.f32 v50, v27;
	v33 =	vmul.f32 v31, v7;
	v42 =	vld [tilespmem:s2+$0xC560];
	[tilespmem:s3+$0xC550] =	vst v28  }
0x20f: {  	v43 =	vld [tilespmem:s2+$0xC550];
	v50 =	vsub.f32 v41, v51;
	[tilespmem:s3+$0xC560] =	vst v45;
	v41 =	vmul.f32 v47, v14;
	v47 =	vmul.f32 v35, v17  }
0x210: {  	v31 =	vsub.f32 v39, v51;
	v28 =	vmovc v46;
	v35 =	vmul.f32 v44, v46;
	v44 =	vsub.f32 v49, v27  }
0x211: {  	v46 =	vadd.f32 v48, v16;
	v48 =	vadd.f32 v52, v22;
	v27 =	vmovc v51;
	v39 =	vld [tilespmem:s2+$0xC540];
	v45 =	vmul.f32 v50, v28  }
0x212: {  	v38 =	vmul.f32 v38, v10  }
0x213: {  	v36 =	vmul.f32 v36, v29;
	v47 =	vadd.f32 v47, v18;
	v37 =	vsub.f32 v37, v27  }
0x214: {  	v40 =	vmul.f32 v40, v29;
	v41 =	vadd.f32 v41, v15;
	v29 =	vmul.f32 v44, v29  }
0x215: {  	v32 =	vsub.f32 v32, v27;
	v30 =	vsub.f32 v30, v27;
	v24 =	vmul.f32 v35, v24;
	[tilespmem:s3+$0xC970] =	vst v48  }
0x216: {  	v63 =	vld [tilespmem:s2+$0xC920];
	v42 =	vsub.f32 v42, v27;
	[tilespmem:s3+$0xC540] =	vst v46;
	v25 =	vmul.f32 v45, v25;
	v43 =	vsub.f32 v43, v27  }
0x217: {  	v38 =	vadd.f32 v38, v12;
	[tilespmem:s3+$0xC960] =	vst v47;
	v36 =	vmul.f32 v36, v6;
	v29 =	vmul.f32 v29, v4  }
0x218: {  	[tilespmem:s3+$0xC900] =	vst v41;
	v32 =	vmul.f32 v32, v28;
	v42 =	vmul.f32 v42, v28;
	v25 =	vadd.f32 v25, v26  }
0x219: {  	v26 =	vmul.f32 v40, v3;
	v39 =	vsub.f32 v39, v27;
	[tilespmem:s3+$0xC910] =	vst v38;
	v36 =	vadd.f32 v36, v11  }
0x21a: {  	v47 =	vmul.f32 v43, v28;
	v29 =	vadd.f32 v29, v8;
	v17 =	vmul.f32 v32, v17;
	[tilespmem:s2+$0xC950] =	vst v25  }
0x21b: {  	v23 =	vmul.f32 v42, v23;
	v25 =	vadd.f32 v33, v9;
	v50 =	vsub.f32 v63, v27;
	[tilespmem:s3+$0xC920] =	vst v36  }
0x21c: {  	v48 =	vld [tilespmem:s2+$0xC570];
	v26 =	vadd.f32 v26, v5;
	v20 =	vmul.f32 v47, v20;
	v49 =	vmul.f32 v39, v28;
	[tilespmem:s3+$0xC930] =	vst v29  }
0x21d: {  	v29 =	vmul.f32 v31, v28;
	v17 =	vadd.f32 v17, v18;
	[tilespmem:s3+$0xC940] =	vst v25;
	v19 =	vadd.f32 v23, v19  }
0x21e: {  	v25 =	vmul.f32 v37, v28;
	[tilespmem:s3+$0xC570] =	vst v26;
	v20 =	vadd.f32 v20, v21;
	v13 =	vmul.f32 v49, v13  }
0x21f: {  	v21 =	vmul.f32 v30, v28;
	v7 =	vmul.f32 v29, v7;
	[tilespmem:s2+$0xC560] =	vst v19;
	v19 =	vsub.f32 v34, v27  }
0x220: {  	v14 =	vmul.f32 v25, v14;
	[tilespmem:s2+$0xC550] =	vst v20;
	v20 =	vadd.f32 v24, v22;
	v13 =	vadd.f32 v13, v16  }
0x221: {  	[tilespmem:s2+$0xC960] =	vst v17;
	v16 =	vmul.f32 v50, v28;
	v22 =	vsub.f32 v48, v27;
	v10 =	vmul.f32 v21, v10  }
0x222: {  	v7 =	vadd.f32 v7, v9;
	[tilespmem:s2+$0xC540] =	vst v13;
	v13 =	vadd.f32 v14, v15;
	v14 =	vmul.f32 v19, v28  }
0x223: {  	[tilespmem:s2+$0xC970] =	vst v20;
	v6 =	vmul.f32 v16, v6;
	v15 =	vmul.f32 v22, v28  }
0x224: {  	v10 =	vadd.f32 v10, v12;
	[tilespmem:s2+$0xC940] =	vst v7;
	v4 =	vmul.f32 v14, v4  }
0x225: {  	[tilespmem:s2+$0xC900] =	vst v13;
	v6 =	vadd.f32 v6, v11;
	v3 =	vmul.f32 v15, v3  }
0x226: {  	[tilespmem:s2+$0xC910] =	vst v10;
	v4 =	vadd.f32 v4, v8  }
0x227: {  	[tilespmem:s2+$0xC920] =	vst v6;
	v3 =	vadd.f32 v3, v5  }
0x228: {  	[tilespmem:s2+$0xC930] =	vst v4  }
0x229: {  	[tilespmem:s2+$0xC570] =	vst v3  }
0x22a: {  	v13 =	vld [tilespmem:$0x1D280]  }
0x22b: {  	v20 =	vld [tilespmem:$0x1D290]  }
0x22c: {  	v23 =	vld [tilespmem:$0x1D2A0]  }
0x22d: {  	v3 =	vld [tilespmem:$0x1D2B0]  }
0x22e: {  	v14 =	vld [tilespmem:$0x1D2C0]  }
0x22f: {  	v10 =	vld [tilespmem:$0x1D2D0]  }
0x230: {  	v6 =	vld [tilespmem:$0x1D2E0]  }
0x231: {  	v4 =	vld [tilespmem:$0x1D2F0]  }
0x232: {  	v7 =	vld [tilespmem:$0x1D300]  }
0x233: {  	v25 =	vld [tilespmem:$0x1D310]  }
0x234: {  	v17 =	vld [tilespmem:$0x1D320]  }
0x235: {  	v24 =	vld [tilespmem:$0x1D330]  }
0x236: {  	v16 =	vld [tilespmem:$0x1D580]  }
0x237: {  	v21 =	vld [tilespmem:$0x1D590]  }
0x238: {  	v19 =	vld [tilespmem:$0x1D5A0]  }
0x239: {  	v5 =	vld [tilespmem:$0x1D5B0]  }
0x23a: {  	v15 =	vld [tilespmem:$0x1D5C0]  }
0x23b: {  	v12 =	vld [tilespmem:$0x1D5D0]  }
0x23c: {  	v11 =	vld [tilespmem:$0x1D5E0]  }
0x23d: {  	v8 =	vld [tilespmem:$0x1D5F0]  }
0x23e: {  	v9 =	vld [tilespmem:$0x1D600]  }
0x23f: {  	s0 =	simm.s32 $0x0;
	v26 =	vld [tilespmem:$0x1D610]  }
0x240: {  	s0 =	smul.u32 $0x6000, s0;
	v18 =	vld [tilespmem:$0x1D620]  }
0x241: {  	s1 =	simm.s32 $0x0;
	s25 =	simm.s32 $0x19100;
	v22 =	vld [tilespmem:$0x1D630]  }
0x242: {  	s28 =	simm.s32 $0x18100;
	s1 =	sand.u32 $0x380, s1;
	s0 =	sshra.s32 s0, $0x2;
	v29 =	vld [tilespmem:s25+$0x0]  }
0x243: {  	s3 =	sor.u32 s1, s0;
	v39 =	vld [tilespmem:s28+$0x0]  }
0x244: {  	v27 =	vld [tilespmem:s3+$0xD100]  }
0x245: {  	v28 =	vld [tilespmem:s3+$0xD130]  }
0x246: {  	v30 =	vld [tilespmem:s3+$0xD120]  }
0x247: {  	v31 =	vld [tilespmem:s3+$0xD110]  }
0x248: {  	v51 =	vld [tilespmem:s3+$0xCD50]  }
0x249: {  	v53 =	vld [tilespmem:s3+$0xCD20]  }
0x24a: {  	v54 =	vld [tilespmem:s3+$0xCD10]  }
0x24b: {  	s30 =	simm.s32 $0x0;
	v36 =	vld [tilespmem:s3+$0xCD00]  }
0x24c: {  	s0 =	smul.u32 $0x6000, s30;
	v52 =	vld [tilespmem:s3+$0xCD40]  }
0x24d: {  	s4 =	simm.s32 $0x80;
	v44 =	vld [tilespmem:s3+$0xCD70]  }
0x24e: {  	s31 =	sand.u32 $0x380, s4;
	s0 =	sshra.s32 s0, $0x2;
	v40 =	vld [tilespmem:s3+$0xCD30];
	v31 =	vsub.f32 v31, v39;
	v28 =	vsub.f32 v28, v39  }
0x24f: {  	s2 =	sor.u32 s31, s0;
	v55 =	vld [tilespmem:s3+$0xCD60];
	v34 =	vsub.f32 v53, v39;
	v35 =	vsub.f32 v54, v39  }
0x250: {  	v58 =	vld [tilespmem:s2+$0xD130];
	v57 =	vsub.f32 v27, v39;
	v36 =	vsub.f32 v36, v39  }
0x251: {  	v59 =	vld [tilespmem:s2+$0xD100];
	v30 =	vsub.f32 v30, v39;
	v31 =	vmul.f32 v31, v29;
	v56 =	vmul.f32 v28, v29  }
0x252: {  	s11 =	simm.s32 $0x18180;
	v46 =	vld [tilespmem:s2+$0xD110];
	v60 =	vsub.f32 v51, v39;
	v34 =	vmul.f32 v34, v29;
	v35 =	vmul.f32 v35, v29  }
0x253: {  	v27 =	vld [tilespmem:s11+$0x0];
	v33 =	vsub.f32 v52, v39;
	v61 =	vmul.f32 v36, v29;
	v49 =	vmul.f32 v30, v29  }
0x254: {  	s5 =	simm.s32 $0x19180;
	v32 =	vld [tilespmem:s2+$0xD120];
	v40 =	vsub.f32 v40, v39;
	v38 =	vmul.f32 v60, v29;
	v41 =	vmul.f32 v57, v29  }
0x255: {  	v44 =	vsub.f32 v44, v39;
	v28 =	vld [tilespmem:s5+$0x0];
	v31 =	vmul.f32 v31, v25;
	v34 =	vmul.f32 v34, v23  }
0x256: {  	v37 =	vld [tilespmem:s2+$0xCD40];
	v36 =	vsub.f32 v55, v39;
	v63 =	vmul.f32 v33, v29;
	v35 =	vmul.f32 v35, v20  }
0x257: {  	v62 =	vmul.f32 v56, v24;
	v31 =	vadd.f32 v31, v26;
	v51 =	vadd.f32 v34, v19;
	v34 =	vld [tilespmem:s2+$0xCD70]  }
0x258: {  	v42 =	vld [tilespmem:s2+$0xCD20];
	v52 =	vmul.f32 v61, v13;
	v46 =	vsub.f32 v46, v27;
	v35 =	vadd.f32 v35, v21  }
0x259: {  	v43 =	vld [tilespmem:s2+$0xCD10];
	v33 =	vmul.f32 v41, v7;
	v41 =	vmul.f32 v63, v14;
	v50 =	vsub.f32 v58, v27;
	[tilespmem:s3+$0xD110] =	vst v31  }
0x25a: {  	v30 =	vld [tilespmem:s2+$0xCD50];
	v47 =	vmul.f32 v49, v17;
	v48 =	vadd.f32 v62, v22;
	v45 =	vmul.f32 v46, v28;
	[tilespmem:s3+$0xCD10] =	vst v35  }
0x25b: {  	s10 =	simm.s32 $0x2;
	s6 =	simm.s32 $0x0;
	v39 =	vld [tilespmem:s2+$0xCD00];
	v46 =	vadd.f32 v52, v16;
	v31 =	vsub.f32 v59, v27;
	v35 =	vmul.f32 v50, v28;
	[tilespmem:s3+$0xCD20] =	vst v51  }
.LBB2_13:
0x25c: {  	s0 =	sshrl.u32 s10, $0x3;
	p2 =	sne.s32 s10, $0x1F;
	s10 =	sadd.s32 $0x1, s10;
	v38 =	vmul.f32 v38, v10;
	v36 =	vmul.f32 v36, v29;
	v47 =	vadd.f32 v47, v18;
	v49 =	vmovc v34  }
0x25d: {  	s0 =	smul.u32 $0x6000, s0;
	v34 =	vsub.f32 v42, v27;
	v50 =	vld [tilespmem:s2+$0xCD30];
	v42 =	vsub.f32 v37, v27;
	v37 =	vmul.f32 v40, v29;
	[tilespmem:s3+$0xD130] =	vst v48  }
0x25e: {  	s4 =	sadd.s32 $0x80, s4;
	s5 =	sadd.s32 $0x80, s5;
	v41 =	vadd.f32 v41, v15;
	v29 =	vmul.f32 v44, v29;
	v40 =	vsub.f32 v43, v27;
	v43 =	vld [tilespmem:s2+$0xCD60];
	[tilespmem:s3+$0xCD00] =	vst v46  }
0x25f: {  	s11 =	sadd.s32 $0x80, s11;
	s1 =	sand.u32 $0x380, s4;
	v44 =	vmul.f32 v45, v25;
	v45 =	vsub.f32 v32, v27;
	v32 =	vadd.f32 v38, v12;
	v46 =	vld [tilespmem:s5+$0x0];
	s0 =	sshra.s32 s0, $0x2;
	[tilespmem:s3+$0xD120] =	vst v47  }
0x260: {  	v36 =	vmul.f32 v36, v6;
	v34 =	vmul.f32 v34, v28;
	v51 =	vld [tilespmem:s11+$0x0];
	s0 =	sor.u32 s1, s0;
	v38 =	vsub.f32 v39, v27;
	[tilespmem:s3+$0xCD40] =	vst v41  }
0x261: {  	v37 =	vmul.f32 v37, v3;
	v40 =	vmul.f32 v40, v28;
	v41 =	vadd.f32 v44, v26;
	v39 =	vld [tilespmem:s0+$0xD100];
	[tilespmem:s3+$0xCD50] =	vst v32  }
0x262: {  	v47 =	vmul.f32 v34, v23;
	v34 =	vadd.f32 v36, v11;
	v36 =	vmul.f32 v29, v4;
	v29 =	vmovc v28;
	v44 =	vld [tilespmem:s0+$0xD130]  }
0x263: {  	v33 =	vadd.f32 v33, v9;
	v28 =	vmul.f32 v40, v20;
	v40 =	vsub.f32 v30, v27;
	v32 =	vld [tilespmem:s0+$0xD120];
	[tilespmem:s2+$0xD110] =	vst v41  }
0x264: {  	v52 =	vmul.f32 v35, v24;
	v48 =	vmul.f32 v38, v29;
	v41 =	vld [tilespmem:s0+$0xD110];
	[tilespmem:s3+$0xCD60] =	vst v34;
	v34 =	vadd.f32 v36, v8  }
0x265: {  	v35 =	vmul.f32 v45, v29;
	v36 =	vsub.f32 v43, v27;
	v43 =	vadd.f32 v37, v5;
	v30 =	vld [tilespmem:s0+$0xCD50];
	[tilespmem:s3+$0xD100] =	vst v33  }
0x266: {  	v31 =	vmul.f32 v31, v29;
	v28 =	vadd.f32 v28, v21;
	v38 =	vmul.f32 v40, v29;
	v37 =	vld [tilespmem:s0+$0xCD40];
	[tilespmem:s3+$0xCD70] =	vst v34  }
.Ltmp5:
0x267: {  	v45 =	vadd.f32 v47, v19;
	v47 =	vmul.f32 v42, v29;
	v34 =	vld [tilespmem:s0+$0xCD70];
	v44 =	vsub.f32 v44, v51;
	[tilespmem:s3+$0xCD30] =	vst v43;
	s3 =	smov.u32 s2;
	s2 =	smov.u32 s0;
	(pc) =	sbr.rel @p2 .LBB2_13-.Ltmp5, $4  }
0x268: {  	v48 =	vmul.f32 v48, v13;
	v40 =	vsub.f32 v50, v27;
	v33 =	vmul.f32 v31, v7;
	v42 =	vld [tilespmem:s2+$0xCD20];
	[tilespmem:s3+$0xCD10] =	vst v28  }
0x269: {  	v43 =	vld [tilespmem:s2+$0xCD10];
	v50 =	vsub.f32 v41, v51;
	[tilespmem:s3+$0xCD20] =	vst v45;
	v41 =	vmul.f32 v47, v14;
	v47 =	vmul.f32 v35, v17  }
0x26a: {  	v31 =	vsub.f32 v39, v51;
	v28 =	vmovc v46;
	v35 =	vmul.f32 v44, v46;
	v44 =	vsub.f32 v49, v27  }
0x26b: {  	v46 =	vadd.f32 v48, v16;
	v48 =	vadd.f32 v52, v22;
	v27 =	vmovc v51;
	v39 =	vld [tilespmem:s2+$0xCD00];
	v45 =	vmul.f32 v50, v28  }
0x26c: {  	v38 =	vmul.f32 v38, v10  }
0x26d: {  	v36 =	vmul.f32 v36, v29;
	v47 =	vadd.f32 v47, v18;
	v37 =	vsub.f32 v37, v27  }
0x26e: {  	v40 =	vmul.f32 v40, v29;
	v41 =	vadd.f32 v41, v15;
	v29 =	vmul.f32 v44, v29  }
0x26f: {  	v32 =	vsub.f32 v32, v27;
	v30 =	vsub.f32 v30, v27;
	v24 =	vmul.f32 v35, v24;
	[tilespmem:s3+$0xD130] =	vst v48  }
0x270: {  	v63 =	vld [tilespmem:s2+$0xCD60];
	v42 =	vsub.f32 v42, v27;
	[tilespmem:s3+$0xCD00] =	vst v46;
	v25 =	vmul.f32 v45, v25;
	v43 =	vsub.f32 v43, v27  }
0x271: {  	v38 =	vadd.f32 v38, v12;
	[tilespmem:s3+$0xD120] =	vst v47;
	v36 =	vmul.f32 v36, v6;
	v29 =	vmul.f32 v29, v4  }
0x272: {  	[tilespmem:s3+$0xCD40] =	vst v41;
	v32 =	vmul.f32 v32, v28;
	v42 =	vmul.f32 v42, v28;
	v25 =	vadd.f32 v25, v26  }
0x273: {  	v26 =	vmul.f32 v40, v3;
	v39 =	vsub.f32 v39, v27;
	[tilespmem:s3+$0xCD50] =	vst v38;
	v36 =	vadd.f32 v36, v11  }
0x274: {  	v47 =	vmul.f32 v43, v28;
	v29 =	vadd.f32 v29, v8;
	v17 =	vmul.f32 v32, v17;
	[tilespmem:s2+$0xD110] =	vst v25  }
0x275: {  	v23 =	vmul.f32 v42, v23;
	v25 =	vadd.f32 v33, v9;
	v50 =	vsub.f32 v63, v27;
	[tilespmem:s3+$0xCD60] =	vst v36  }
0x276: {  	v48 =	vld [tilespmem:s2+$0xCD30];
	v26 =	vadd.f32 v26, v5;
	v20 =	vmul.f32 v47, v20;
	v49 =	vmul.f32 v39, v28;
	[tilespmem:s3+$0xCD70] =	vst v29  }
0x277: {  	v29 =	vmul.f32 v31, v28;
	v17 =	vadd.f32 v17, v18;
	[tilespmem:s3+$0xD100] =	vst v25;
	v19 =	vadd.f32 v23, v19  }
0x278: {  	v25 =	vmul.f32 v37, v28;
	[tilespmem:s3+$0xCD30] =	vst v26;
	v20 =	vadd.f32 v20, v21;
	v13 =	vmul.f32 v49, v13  }
0x279: {  	v21 =	vmul.f32 v30, v28;
	v7 =	vmul.f32 v29, v7;
	[tilespmem:s2+$0xCD20] =	vst v19;
	v19 =	vsub.f32 v34, v27  }
0x27a: {  	v14 =	vmul.f32 v25, v14;
	[tilespmem:s2+$0xCD10] =	vst v20;
	v20 =	vadd.f32 v24, v22;
	v13 =	vadd.f32 v13, v16  }
0x27b: {  	[tilespmem:s2+$0xD120] =	vst v17;
	v16 =	vmul.f32 v50, v28;
	v22 =	vsub.f32 v48, v27;
	v10 =	vmul.f32 v21, v10  }
0x27c: {  	v7 =	vadd.f32 v7, v9;
	[tilespmem:s2+$0xCD00] =	vst v13;
	v13 =	vadd.f32 v14, v15;
	v14 =	vmul.f32 v19, v28  }
0x27d: {  	[tilespmem:s2+$0xD130] =	vst v20;
	v6 =	vmul.f32 v16, v6;
	v15 =	vmul.f32 v22, v28  }
0x27e: {  	v10 =	vadd.f32 v10, v12;
	[tilespmem:s2+$0xD100] =	vst v7;
	v4 =	vmul.f32 v14, v4  }
0x27f: {  	[tilespmem:s2+$0xCD40] =	vst v13;
	v6 =	vadd.f32 v6, v11;
	v3 =	vmul.f32 v15, v3  }
0x280: {  	[tilespmem:s2+$0xCD50] =	vst v10;
	v4 =	vadd.f32 v4, v8  }
0x281: {  	[tilespmem:s2+$0xCD60] =	vst v6;
	v3 =	vadd.f32 v3, v5  }
0x282: {  	[tilespmem:s2+$0xCD70] =	vst v4  }
0x283: {  	[tilespmem:s2+$0xCD30] =	vst v3  }
0x284: {  	v13 =	vld [tilespmem:$0x1D340]  }
0x285: {  	v20 =	vld [tilespmem:$0x1D350]  }
0x286: {  	v23 =	vld [tilespmem:$0x1D360]  }
0x287: {  	v3 =	vld [tilespmem:$0x1D370]  }
0x288: {  	v14 =	vld [tilespmem:$0x1D380]  }
0x289: {  	v10 =	vld [tilespmem:$0x1D390]  }
0x28a: {  	v6 =	vld [tilespmem:$0x1D3A0]  }
0x28b: {  	v4 =	vld [tilespmem:$0x1D3B0]  }
0x28c: {  	v8 =	vld [tilespmem:$0x1D3C0]  }
0x28d: {  	v25 =	vld [tilespmem:$0x1D3D0]  }
0x28e: {  	v17 =	vld [tilespmem:$0x1D3E0]  }
0x28f: {  	v24 =	vld [tilespmem:$0x1D3F0]  }
0x290: {  	v16 =	vld [tilespmem:$0x1D640]  }
0x291: {  	v21 =	vld [tilespmem:$0x1D650]  }
0x292: {  	v19 =	vld [tilespmem:$0x1D660]  }
0x293: {  	v5 =	vld [tilespmem:$0x1D670]  }
0x294: {  	v15 =	vld [tilespmem:$0x1D680]  }
0x295: {  	v12 =	vld [tilespmem:$0x1D690]  }
0x296: {  	v11 =	vld [tilespmem:$0x1D6A0]  }
0x297: {  	v7 =	vld [tilespmem:$0x1D6B0]  }
0x298: {  	v9 =	vld [tilespmem:$0x1D6C0]  }
0x299: {  	s0 =	simm.s32 $0x0;
	v26 =	vld [tilespmem:$0x1D6D0]  }
0x29a: {  	s0 =	smul.u32 $0x6000, s0;
	v18 =	vld [tilespmem:$0x1D6E0]  }
0x29b: {  	s1 =	simm.s32 $0x0;
	s25 =	simm.s32 $0x19100;
	v22 =	vld [tilespmem:$0x1D6F0]  }
0x29c: {  	s28 =	simm.s32 $0x18100;
	s1 =	sand.u32 $0x380, s1;
	s0 =	sshra.s32 s0, $0x2;
	v29 =	vld [tilespmem:s25+$0x0]  }
0x29d: {  	s3 =	sor.u32 s1, s0;
	v39 =	vld [tilespmem:s28+$0x0]  }
0x29e: {  	v27 =	vld [tilespmem:s3+$0xD540]  }
0x29f: {  	v28 =	vld [tilespmem:s3+$0xD570]  }
0x2a0: {  	v30 =	vld [tilespmem:s3+$0xD560]  }
0x2a1: {  	v31 =	vld [tilespmem:s3+$0xD550]  }
0x2a2: {  	v51 =	vld [tilespmem:s3+$0xD510]  }
0x2a3: {  	v53 =	vld [tilespmem:s3+$0xD160]  }
0x2a4: {  	v54 =	vld [tilespmem:s3+$0xD150]  }
0x2a5: {  	s30 =	simm.s32 $0x0;
	v36 =	vld [tilespmem:s3+$0xD140]  }
0x2a6: {  	s0 =	smul.u32 $0x6000, s30;
	v52 =	vld [tilespmem:s3+$0xD500]  }
0x2a7: {  	s4 =	simm.s32 $0x80;
	v44 =	vld [tilespmem:s3+$0xD530]  }
0x2a8: {  	s31 =	sand.u32 $0x380, s4;
	s0 =	sshra.s32 s0, $0x2;
	v40 =	vld [tilespmem:s3+$0xD170];
	v31 =	vsub.f32 v31, v39;
	v28 =	vsub.f32 v28, v39  }
0x2a9: {  	s2 =	sor.u32 s31, s0;
	v55 =	vld [tilespmem:s3+$0xD520];
	v34 =	vsub.f32 v53, v39;
	v35 =	vsub.f32 v54, v39  }
0x2aa: {  	v58 =	vld [tilespmem:s2+$0xD570];
	v57 =	vsub.f32 v27, v39;
	v36 =	vsub.f32 v36, v39  }
0x2ab: {  	v59 =	vld [tilespmem:s2+$0xD540];
	v30 =	vsub.f32 v30, v39;
	v31 =	vmul.f32 v31, v29;
	v56 =	vmul.f32 v28, v29  }
0x2ac: {  	s11 =	simm.s32 $0x18180;
	v46 =	vld [tilespmem:s2+$0xD550];
	v60 =	vsub.f32 v51, v39;
	v34 =	vmul.f32 v34, v29;
	v35 =	vmul.f32 v35, v29  }
0x2ad: {  	v27 =	vld [tilespmem:s11+$0x0];
	v33 =	vsub.f32 v52, v39;
	v61 =	vmul.f32 v36, v29;
	v49 =	vmul.f32 v30, v29  }
0x2ae: {  	s5 =	simm.s32 $0x19180;
	v32 =	vld [tilespmem:s2+$0xD560];
	v40 =	vsub.f32 v40, v39;
	v38 =	vmul.f32 v60, v29;
	v41 =	vmul.f32 v57, v29  }
0x2af: {  	v44 =	vsub.f32 v44, v39;
	v28 =	vld [tilespmem:s5+$0x0];
	v31 =	vmul.f32 v31, v25;
	v34 =	vmul.f32 v34, v23  }
0x2b0: {  	v37 =	vld [tilespmem:s2+$0xD500];
	v36 =	vsub.f32 v55, v39;
	v63 =	vmul.f32 v33, v29;
	v35 =	vmul.f32 v35, v20  }
0x2b1: {  	v62 =	vmul.f32 v56, v24;
	v31 =	vadd.f32 v31, v26;
	v51 =	vadd.f32 v34, v19;
	v34 =	vld [tilespmem:s2+$0xD530]  }
0x2b2: {  	v42 =	vld [tilespmem:s2+$0xD160];
	v52 =	vmul.f32 v61, v13;
	v46 =	vsub.f32 v46, v27;
	v35 =	vadd.f32 v35, v21  }
0x2b3: {  	v43 =	vld [tilespmem:s2+$0xD150];
	v33 =	vmul.f32 v41, v8;
	v41 =	vmul.f32 v63, v14;
	v50 =	vsub.f32 v58, v27;
	[tilespmem:s3+$0xD550] =	vst v31  }
0x2b4: {  	v30 =	vld [tilespmem:s2+$0xD510];
	v47 =	vmul.f32 v49, v17;
	v48 =	vadd.f32 v62, v22;
	v45 =	vmul.f32 v46, v28;
	[tilespmem:s3+$0xD150] =	vst v35  }
0x2b5: {  	s10 =	simm.s32 $0x2;
	v39 =	vld [tilespmem:s2+$0xD140];
	v46 =	vadd.f32 v52, v16;
	v31 =	vsub.f32 v59, v27;
	v35 =	vmul.f32 v50, v28;
	[tilespmem:s3+$0xD160] =	vst v51  }
.LBB2_15:
0x2b6: {  	s0 =	sshrl.u32 s10, $0x3;
	p2 =	sne.s32 s10, $0x1F;
	s10 =	sadd.s32 $0x1, s10;
	v38 =	vmul.f32 v38, v10;
	v36 =	vmul.f32 v36, v29;
	v47 =	vadd.f32 v47, v18;
	v49 =	vmovc v34  }
0x2b7: {  	s0 =	smul.u32 $0x6000, s0;
	v34 =	vsub.f32 v42, v27;
	v50 =	vld [tilespmem:s2+$0xD170];
	v42 =	vsub.f32 v37, v27;
	v37 =	vmul.f32 v40, v29;
	[tilespmem:s3+$0xD570] =	vst v48  }
0x2b8: {  	s4 =	sadd.s32 $0x80, s4;
	s5 =	sadd.s32 $0x80, s5;
	v41 =	vadd.f32 v41, v15;
	v29 =	vmul.f32 v44, v29;
	v40 =	vsub.f32 v43, v27;
	v43 =	vld [tilespmem:s2+$0xD520];
	[tilespmem:s3+$0xD140] =	vst v46  }
0x2b9: {  	s11 =	sadd.s32 $0x80, s11;
	s1 =	sand.u32 $0x380, s4;
	v44 =	vmul.f32 v45, v25;
	v45 =	vsub.f32 v32, v27;
	v32 =	vadd.f32 v38, v12;
	v46 =	vld [tilespmem:s5+$0x0];
	s0 =	sshra.s32 s0, $0x2;
	[tilespmem:s3+$0xD560] =	vst v47  }
0x2ba: {  	v36 =	vmul.f32 v36, v6;
	v34 =	vmul.f32 v34, v28;
	v51 =	vld [tilespmem:s11+$0x0];
	s0 =	sor.u32 s1, s0;
	v38 =	vsub.f32 v39, v27;
	[tilespmem:s3+$0xD500] =	vst v41  }
0x2bb: {  	v37 =	vmul.f32 v37, v3;
	v40 =	vmul.f32 v40, v28;
	v41 =	vadd.f32 v44, v26;
	v39 =	vld [tilespmem:s0+$0xD540];
	[tilespmem:s3+$0xD510] =	vst v32  }
0x2bc: {  	v47 =	vmul.f32 v34, v23;
	v34 =	vadd.f32 v36, v11;
	v36 =	vmul.f32 v29, v4;
	v29 =	vmovc v28;
	v44 =	vld [tilespmem:s0+$0xD570]  }
0x2bd: {  	v33 =	vadd.f32 v33, v9;
	v28 =	vmul.f32 v40, v20;
	v40 =	vsub.f32 v30, v27;
	v32 =	vld [tilespmem:s0+$0xD560];
	[tilespmem:s2+$0xD550] =	vst v41  }
0x2be: {  	v52 =	vmul.f32 v35, v24;
	v48 =	vmul.f32 v38, v29;
	v41 =	vld [tilespmem:s0+$0xD550];
	[tilespmem:s3+$0xD520] =	vst v34;
	v34 =	vadd.f32 v36, v7  }
0x2bf: {  	v35 =	vmul.f32 v45, v29;
	v36 =	vsub.f32 v43, v27;
	v43 =	vadd.f32 v37, v5;
	v30 =	vld [tilespmem:s0+$0xD510];
	[tilespmem:s3+$0xD540] =	vst v33  }
0x2c0: {  	v31 =	vmul.f32 v31, v29;
	v28 =	vadd.f32 v28, v21;
	v38 =	vmul.f32 v40, v29;
	v37 =	vld [tilespmem:s0+$0xD500];
	[tilespmem:s3+$0xD530] =	vst v34  }
.Ltmp6:
0x2c1: {  	v45 =	vadd.f32 v47, v19;
	v47 =	vmul.f32 v42, v29;
	v34 =	vld [tilespmem:s0+$0xD530];
	v44 =	vsub.f32 v44, v51;
	[tilespmem:s3+$0xD170] =	vst v43;
	s3 =	smov.u32 s2;
	s2 =	smov.u32 s0;
	(pc) =	sbr.rel @p2 .LBB2_15-.Ltmp6, $4  }
0x2c2: {  	v48 =	vmul.f32 v48, v13;
	v40 =	vsub.f32 v50, v27;
	v33 =	vmul.f32 v31, v8;
	v42 =	vld [tilespmem:s2+$0xD160];
	[tilespmem:s3+$0xD150] =	vst v28  }
0x2c3: {  	v43 =	vld [tilespmem:s2+$0xD150];
	v50 =	vsub.f32 v41, v51;
	[tilespmem:s3+$0xD160] =	vst v45;
	v41 =	vmul.f32 v47, v14;
	v47 =	vmul.f32 v35, v17  }
0x2c4: {  	v31 =	vsub.f32 v39, v51;
	v28 =	vmovc v46;
	v35 =	vmul.f32 v44, v46;
	v44 =	vsub.f32 v49, v27  }
0x2c5: {  	v46 =	vadd.f32 v48, v16;
	v48 =	vadd.f32 v52, v22;
	v27 =	vmovc v51;
	v39 =	vld [tilespmem:s2+$0xD140];
	v45 =	vmul.f32 v50, v28  }
0x2c6: {  	v38 =	vmul.f32 v38, v10;
	v36 =	vmul.f32 v36, v29;
	v47 =	vadd.f32 v47, v18  }
0x2c7: {  	v37 =	vsub.f32 v37, v27;
	v40 =	vmul.f32 v40, v29;
	v41 =	vadd.f32 v41, v15  }
0x2c8: {  	v62 =	vmul.f32 v44, v29;
	v32 =	vsub.f32 v32, v27;
	v30 =	vsub.f32 v30, v27;
	[tilespmem:s3+$0xD570] =	vst v48  }
0x2c9: {  	v24 =	vmul.f32 v35, v24;
	v53 =	vmul.f32 v31, v28;
	v55 =	vsub.f32 v34, v27;
	[tilespmem:s3+$0xD140] =	vst v46  }
0x2ca: {  	v42 =	vsub.f32 v42, v27;
	v25 =	vmul.f32 v45, v25;
	v48 =	vadd.f32 v33, v9;
	[tilespmem:s3+$0xD560] =	vst v47  }
0x2cb: {  	v43 =	vsub.f32 v43, v27;
	v38 =	vadd.f32 v38, v12;
	v36 =	vmul.f32 v36, v6;
	[tilespmem:s3+$0xD500] =	vst v41  }
0x2cc: {  	v46 =	vmul.f32 v40, v3;
	v29 =	vmul.f32 v62, v4;
	v54 =	vadd.f32 v24, v22;
	[tilespmem:s3+$0xD540] =	vst v48  }
0x2cd: {  	v63 =	vld [tilespmem:s2+$0xD520];
	v32 =	vmul.f32 v32, v28;
	v51 =	vmul.f32 v30, v28;
	v25 =	vadd.f32 v25, v26;
	[tilespmem:s3+$0xD510] =	vst v38  }
0x2ce: {  	v52 =	vmul.f32 v37, v28;
	v8 =	vmul.f32 v53, v8;
	v36 =	vadd.f32 v36, v11;
	[tilespmem:s2+$0xD570] =	vst v54  }
0x2cf: {  	v47 =	vld [tilespmem:s2+$0xD170];
	v42 =	vmul.f32 v42, v28;
	v39 =	vsub.f32 v39, v27;
	v29 =	vadd.f32 v29, v7;
	[tilespmem:s2+$0xD550] =	vst v25  }
0x2d0: {  	v45 =	vmul.f32 v43, v28;
	v26 =	vadd.f32 v46, v5;
	v17 =	vmul.f32 v32, v17;
	[tilespmem:s3+$0xD520] =	vst v36  }
0x2d1: {  	v14 =	vmul.f32 v52, v14;
	v58 =	vmul.f32 v51, v10;
	v8 =	vadd.f32 v8, v9;
	[tilespmem:s3+$0xD530] =	vst v29  }
0x2d2: {  	v23 =	vmul.f32 v42, v23;
	v50 =	vsub.f32 v63, v27;
	[tilespmem:s3+$0xD170] =	vst v26;
	v17 =	vadd.f32 v17, v18  }
0x2d3: {  	v20 =	vmul.f32 v45, v20;
	v49 =	vmul.f32 v39, v28;
	v59 =	vadd.f32 v14, v15;
	[tilespmem:s2+$0xD540] =	vst v8  }
0x2d4: {  	v10 =	vadd.f32 v58, v12;
	v56 =	vmul.f32 v50, v28;
	v57 =	vsub.f32 v47, v27;
	[tilespmem:s2+$0xD560] =	vst v17  }
0x2d5: {  	v60 =	vmul.f32 v55, v28;
	v19 =	vadd.f32 v23, v19;
	v13 =	vmul.f32 v49, v13;
	[tilespmem:s2+$0xD500] =	vst v59  }
0x2d6: {  	v20 =	vadd.f32 v20, v21;
	[tilespmem:s2+$0xD510] =	vst v10;
	v61 =	vmul.f32 v56, v6;
	v62 =	vmul.f32 v57, v28  }
0x2d7: {  	v63 =	vmul.f32 v60, v4;
	[tilespmem:s2+$0xD160] =	vst v19;
	v13 =	vadd.f32 v13, v16  }
0x2d8: {  	[tilespmem:s2+$0xD150] =	vst v20;
	v6 =	vadd.f32 v61, v11;
	v3 =	vmul.f32 v62, v3  }
0x2d9: {  	v4 =	vadd.f32 v63, v7;
	[tilespmem:s2+$0xD140] =	vst v13  }
0x2da: {  	s0 =	smul.u32 $0x180000, s26;
	[tilespmem:s2+$0xD520] =	vst v6;
	v3 =	vadd.f32 v3, v5  }
0x2db: {  	s1 =	rddreg [dreg:$0x7];
	[tilespmem:s2+$0xD530] =	vst v4  }
0x2dc: {  	s21 =	rddreg [dreg:$0x5];
	s1 =	sor.u32 s1, s0;
	[tilespmem:s2+$0xD170] =	vst v3  }
0x2dd: {  	s22 =	simm.s32 $0xC100;
	s1 =	sshrl.u32 s1, $0x3;
	s23 =	rddreg [dreg:$0x10]  }
0x2de: {  	s25 =	rddreg [dreg:$0x14];
	s1 =	sadd.s32 s21, s1;
	s0 =	sadd.s32 s0, s23  }
0x2df: {  	[hbm4b:s1+s6] =	stream.linear.scatter [tilespmem:s22], [sflag:$0x3], $0x3000, $0x38;
	[tilespmem:$0x1D700] =	vst v63  }
0x2e0: {  	s28 =	sor.u32 $0x1, s25;
	s0 =	sshrl.u32 s0, $0x3  }
0x2e1: {  	s24 =	simm.s32 $0xF100;
	p2 =	sgt.u32 s28, $0x3E;
	s0 =	sadd.s32 s21, s0  }
0x2e2: {  	[hbm4b:s0+s6] =	stream.linear.scatter [tilespmem:s24], [sflag:$0x3], $0x3000, $0x38;
	[tilespmem:$0x1D700] =	vst v63  }
0x2e3: {  	s0 =	simm.s32 @!p2 $0x5  }
0x2e4: {  	_ =	swait.ge @!p2 [sflag:s0], $0x10  }
0x2e5: {  	[sflag:s0] =	ssyncset.done @!p2 $0x0  }
0x2e6: {  	[sflag:s0] =	ssyncadd.s32 @!p2 $0xFFFFFFF0  }
0x2e7: {  	_ =	swait.ge @!p2 [sflag:s0], $0x10  }
0x2e8: {  	[sflag:s0] =	ssyncset.done @!p2 $0x0  }
0x2e9: {  	[sflag:s0] =	ssyncadd.s32 @!p2 $0xFFFFFFF0  }
0x2ea: {  	v3 =	vld @!p2 [tilespmem:$0x0];
	_ =	sdelay $0x4  }
0x2eb: {  	v4 =	vshrl.u32 @!p2 v3, $0x3  }
0x2ec: {  	v4 =	vmul.u32 @!p2 $0x30, v4  }
0x2ed: {  	v5 =	vlaneseq.u32 @!p2;
	v3 =	vand.u32 @!p2 $0x7, v3  }
0x2ee: {  	v6 =	vshrl.u32 @!p2 v5, $0x3;
	v3 =	vor.u32 @!p2 v3, v4;
	v4 =	vand.u32 @!p2 $0x7, v5  }
0x2ef: {  	v6 =	vmul.u32 @!p2 $0x8, v6;
	v7 =	vperm.xlane @!p2 v3, v4;
	_ =	sdelay $0x1  }
0x2f0: {  	v7 =	vadd.s32 @!p2 v6, v7;
	_ =	sdelay $0x2  }
0x2f1: {  	v5 =	vor.u32 @!p2 $0x8, v5  }
0x2f2: {  	vm1 =	vmmov @!p2 $0xffff;
	s1 =	simm.s32 @!p2 $0x100;
	s0 =	simm.s32 @!p2 $0x0;
	s2 =	rddreg [dreg:$0x1];
	v3 =	vperm.xlane @!p2 v3, v5  }
0x2f3: {  	[tilespmem:s1], [sflag:$0x1] =	stream.indirect_vreg.gather @!p2 [hbm4b:s2+s0], $0x80, v7, vm1, $0xb8;
	[tilespmem:$0x1D700] =	vst v63  }
0x2f4: {  	s3 =	rddreg [dreg:$0xc];
	v3 =	vadd.s32 @!p2 v6, v3;
	s1 =	simm.s32 @!p2 $0x900  }
0x2f5: {  	[tilespmem:s1], [sflag:$0x1] =	stream.indirect_vreg.gather @!p2 [hbm4b:s3+s0], $0x80, v7, vm1, $0xb8;
	[tilespmem:$0x1D700] =	vst v63  }
0x2f6: {  	s4 =	rddreg [dreg:$0xd];
	s1 =	simm.s32 @!p2 $0x1100  }
0x2f7: {  	[tilespmem:s1], [sflag:$0x1] =	stream.indirect_vreg.gather @!p2 [hbm4b:s4+s0], $0x80, v7, vm1, $0xb8;
	[tilespmem:$0x1D700] =	vst v63  }
0x2f8: {  	s1 =	simm.s32 @!p2 $0x1900  }
0x2f9: {  	[tilespmem:s1], [sflag:$0x1] =	stream.indirect_vreg.gather @!p2 [hbm4b:s2+s0], $0x80, v3, vm1, $0xb8;
	[tilespmem:$0x1D700] =	vst v63  }
0x2fa: {  	s1 =	simm.s32 @!p2 $0x2100  }
0x2fb: {  	[tilespmem:s1], [sflag:$0x1] =	stream.indirect_vreg.gather @!p2 [hbm4b:s3+s0], $0x80, v3, vm1, $0xb8;
	[tilespmem:$0x1D700] =	vst v63  }
0x2fc: {  	s1 =	simm.s32 @!p2 $0x2900  }
0x2fd: {  	[tilespmem:s1], [sflag:$0x1] =	stream.indirect_vreg.gather @!p2 [hbm4b:s4+s0], $0x80, v3, vm1, $0xb8;
	[tilespmem:$0x1D700] =	vst v63  }
0x2fe: {  	v3 =	vld @!p2 [tilespmem:$0x10];
	_ =	sdelay $0x4  }
0x2ff: {  	v7 =	vshrl.u32 @!p2 v3, $0x3  }
0x300: {  	v7 =	vmul.u32 @!p2 $0x30, v7  }
0x301: {  	v3 =	vand.u32 @!p2 $0x7, v3  }
0x302: {  	v3 =	vor.u32 @!p2 v3, v7  }
0x303: {  	v4 =	vperm.xlane @!p2 v3, v4;
	_ =	sdelay $0x1  }
0x304: {  	v4 =	vadd.s32 @!p2 v6, v4;
	_ =	sdelay $0x3  }
0x305: {  	s1 =	simm.s32 @!p2 $0x3100;
	v3 =	vperm.xlane @!p2 v3, v5  }
0x306: {  	[tilespmem:s1], [sflag:$0x1] =	stream.indirect_vreg.gather @!p2 [hbm4b:s2+s0], $0x80, v4, vm1, $0xb8;
	[tilespmem:$0x1D700] =	vst v63  }
0x307: {  	v3 =	vadd.s32 @!p2 v6, v3;
	s1 =	simm.s32 @!p2 $0x3900  }
0x308: {  	[tilespmem:s1], [sflag:$0x1] =	stream.indirect_vreg.gather @!p2 [hbm4b:s3+s0], $0x80, v4, vm1, $0xb8;
	[tilespmem:$0x1D700] =	vst v63  }
0x309: {  	s1 =	simm.s32 @!p2 $0x4100  }
0x30a: {  	[tilespmem:s1], [sflag:$0x1] =	stream.indirect_vreg.gather @!p2 [hbm4b:s4+s0], $0x80, v4, vm1, $0xb8;
	[tilespmem:$0x1D700] =	vst v63  }
0x30b: {  	s1 =	simm.s32 @!p2 $0x4900  }
0x30c: {  	[tilespmem:s1], [sflag:$0x1] =	stream.indirect_vreg.gather @!p2 [hbm4b:s2+s0], $0x80, v3, vm1, $0xb8;
	[tilespmem:$0x1D700] =	vst v63  }
0x30d: {  	s1 =	simm.s32 @!p2 $0x5100  }
0x30e: {  	[tilespmem:s1], [sflag:$0x1] =	stream.indirect_vreg.gather @!p2 [hbm4b:s3+s0], $0x80, v3, vm1, $0xb8;
	[tilespmem:$0x1D700] =	vst v63  }
0x30f: {  	s1 =	simm.s32 @!p2 $0x5900  }
0x310: {  	[tilespmem:s1], [sflag:$0x1] =	stream.indirect_vreg.gather @!p2 [hbm4b:s4+s0], $0x80, v3, vm1, $0xb8;
	[tilespmem:$0x1D700] =	vst v63  }
0x311: {  	s0 =	sadd.s32 @!p0 $0x6, s29  }
0x312: {  	s31 =	simm.s32 $0x2;
	s1 =	sshll.u32 @!p0 s0, $0x9;
	s0 =	sshll.u32 @!p0 s0, $0x7  }
0x313: {  	_ =	swait.ge [sflag:s31], $0x6000;
	s1 =	sand.u32 @!p0 $0x1F000, s1;
	s0 =	sand.u32 @!p0 $0x300, s0  }
0x314: {  	[sflag:s31] =	ssyncset.done $0x0;
	s0 =	sor.u32 @!p0 s1, s0;
	s1 =	rddreg [dreg:$0x8]  }
0x315: {  	[sflag:s31] =	ssyncadd.s32 $0xFFFFA000;
	s0 =	sor.u32 @!p0 s1, s0  }
0x316: {  	s3 =	rddreg [dreg:$0x0];
	s0 =	sshrl.u32 @!p0 s0, $0x3  }
0x317: {  	s2 =	simm.s32 @!p0 $0x80;
	s1 =	simm.s32 @!p0 $0x0;
	s0 =	sadd.s32 @!p0 s3, s0  }
0x318: {  	[tilespmem:s2], [sflag:$0x6] =	stream.linear.gather @!p0 [hbm4b:s0+s1], $0x10, $0x38;
	[tilespmem:$0x1D700] =	vst v63  }
0x319: {  	s0 =	sadd.s32 @!p0 $0x7, s29  }
0x31a: {  	s2 =	sshll.u32 @!p0 s0, $0x9;
	s0 =	sshll.u32 @!p0 s0, $0x7  }
0x31b: {  	s2 =	sand.u32 @!p0 $0x1F000, s2;
	s0 =	sand.u32 @!p0 $0x380, s0  }
0x31c: {  	s0 =	sor.u32 @!p0 s2, s0;
	s2 =	rddreg [dreg:$0x12]  }
0x31d: {  	s0 =	sor.u32 @!p0 s2, s0  }
0x31e: {  	s0 =	sshrl.u32 @!p0 s0, $0x3  }
0x31f: {  	s2 =	simm.s32 @!p0 $0x90;
	s0 =	sadd.s32 @!p0 s3, s0  }
0x320: {  	[tilespmem:s2], [sflag:$0x6] =	stream.linear.gather @!p0 [hbm4b:s0+s1], $0x10, $0x38;
	[tilespmem:$0x1D700] =	vst v63  }
0x321: {  	s0 =	simm.s32 @p1 $0x4  }
0x322: {  	_ =	swait.ge @p1 [sflag:s0], $0x3000  }
0x323: {  	[sflag:s0] =	ssyncset.done @p1 $0x0  }
0x324: {  	[sflag:s0] =	ssyncadd.s32 @p1 $0xFFFFD000  }
0x325: {  	_ =	swait.ge @p1 [sflag:s0], $0x3000  }
0x326: {  	[sflag:s0] =	ssyncset.done @p1 $0x0  }
0x327: {  	s30 =	simm.s32 $0x0;
	s29 =	simm.s32 $0x0;
	[sflag:s0] =	ssyncadd.s32 @p1 $0xFFFFD000  }
.LBB2_17:
0x328: {  	s0 =	sshrl.u32 s30, $0x3  }
0x329: {  	s2 =	sshll.u32 s30, $0x7;
	s4 =	smul.u32 $0x1800, s0  }
0x32a: {  	s20 =	sand.u32 $0x300, s2  }
0x32b: {  	s21 =	sand.u32 $0x1C00, s29;
	s1 =	sand.u32 $0x40, s29;
	s3 =	sor.u32 s20, s4  }
0x32c: {  	s7 =	sor.u32 $0x10, s1;
	s6 =	sadd.s32 s3, s21  }
0x32d: {  	s8 =	sor.u32 s7, s6  }
0x32e: {  	v4 =	vld [tilespmem:s8+$0x1A100]  }
0x32f: {  	s10 =	sor.u32 s1, s6;
	v3 =	vld [tilespmem:s8+$0x6100]  }
0x330: {  	s12 =	sor.u32 $0x20, s1;
	v6 =	vld [tilespmem:s10+$0x1A100]  }
0x331: {  	s13 =	sor.u32 s12, s6;
	v5 =	vld [tilespmem:s10+$0x6100]  }
0x332: {  	s22 =	simm.s32 $0x200;
	s14 =	sor.u32 $0x30, s1;
	v7 =	vld [tilespmem:s13+$0x1A100]  }
0x333: {  	s23 =	simm.s32 $0x40;
	s17 =	sand.u32 $0x1C00, s22;
	s15 =	sor.u32 s14, s6;
	v8 =	vld [tilespmem:s13+$0x6100]  }
0x334: {  	s0 =	sand.u32 $0x40, s23;
	s19 =	sadd.s32 s3, s17;
	v11 =	vld [tilespmem:s15+$0x1A100]  }
0x335: {  	s24 =	sor.u32 $0x10, s0;
	s9 =	sor.u32 s0, s19;
	v10 =	vld [tilespmem:s15+$0x6100]  }
0x336: {  	s20 =	sor.u32 s24, s19;
	v14 =	vld [tilespmem:s9+$0x6100]  }
0x337: {  	v17 =	vld [tilespmem:s20+$0x1A100]  }
0x338: {  	s6 =	sor.u32 $0x20, s0;
	v18 =	vld [tilespmem:s20+$0x6100];
	v9 =	vadd.f32 v3, v4;
	v13 =	vadd.f32 v5, v6  }
0x339: {  	v16 =	vimm.f32 $0.0e+00;
	s5 =	sadd.s32 $0x3000, s3;
	s11 =	sor.u32 s6, s19;
	v3 =	vld [tilespmem:s9+$0x1A100]  }
0x33a: {  	s16 =	sadd.s32 s5, s21;
	v5 =	vld [tilespmem:s11+$0x1A100];
	[tilespmem:s8+$0x12100] =	vst v9;
	v15 =	vadd.f32 v13, v16  }
0x33b: {  	s18 =	sor.u32 s16, s7;
	v8 =	vadd.f32 v8, v7;
	v19 =	vmul.f32 v13, v13;
	[tilespmem:s10+$0x12100] =	vst v13;
	v13 =	vld [tilespmem:s11+$0x6100]  }
0x33c: {  	s1 =	sor.u32 s16, s1;
	v10 =	vadd.f32 v10, v11;
	v12 =	vld [tilespmem:s18+$0x6100];
	v15 =	vadd.f32 v9, v15  }
0x33d: {  	[tilespmem:s13+$0x12100] =	vst v8;
	s13 =	sor.u32 s16, s12;
	v20 =	vld [tilespmem:s1+$0x6100];
	v19 =	vadd.f32 v19, v16;
	v9 =	vmul.f32 v9, v9  }
0x33e: {  	s14 =	sor.u32 s16, s14;
	v18 =	vadd.f32 v18, v17;
	s8 =	sor.u32 $0x30, s0;
	[tilespmem:s15+$0x12100] =	vst v10;
	v21 =	vld [tilespmem:s13+$0x6100];
	v15 =	vadd.f32 v8, v15  }
0x33f: {  	s25 =	simm.s32 $0x400;
	s12 =	sadd.s32 s5, s17;
	s10 =	sor.u32 s8, s19;
	v14 =	vadd.f32 v14, v3;
	v9 =	vadd.f32 v9, v19;
	v8 =	vmul.f32 v8, v8;
	v19 =	vld [tilespmem:s14+$0x6100]  }
0x340: {  	s31 =	sand.u32 $0x1C00, s25;
	s16 =	simm.s32 $0x80;
	[tilespmem:s20+$0x12100] =	vst v18;
	s7 =	sor.u32 s12, s24;
	v22 =	vld [tilespmem:s10+$0x6100];
	v13 =	vadd.f32 v13, v5;
	v15 =	vadd.f32 v10, v15  }
0x341: {  	s25 =	sadd.s32 s3, s31;
	s23 =	sand.u32 $0x40, s16;
	v23 =	vld [tilespmem:s7+$0x6100];
	v12 =	vadd.f32 v12, v4;
	v8 =	vadd.f32 v8, v9;
	v9 =	vmul.f32 v10, v10  }
0x342: {  	s22 =	sor.u32 s23, s25;
	v4 =	vld [tilespmem:s10+$0x1A100];
	v10 =	vadd.f32 v14, v15;
	v15 =	vadd.f32 v20, v6  }
0x343: {  	s15 =	sor.u32 $0x10, s23;
	v24 =	vadd.f32 v21, v7;
	v20 =	vmul.f32 v14, v14;
	v6 =	vld [tilespmem:s22+$0x1A100];
	v7 =	vadd.f32 v9, v8  }
0x344: {  	s21 =	sor.u32 s15, s25;
	[tilespmem:s9+$0x12100] =	vst v14;
	v9 =	vld [tilespmem:s22+$0x6100];
	v11 =	vadd.f32 v19, v11;
	v8 =	vadd.f32 v18, v10;
	v25 =	vmul.f32 v15, v15  }
0x345: {  	[tilespmem:s18+$0x12100] =	vst v12;
	s18 =	sor.u32 $0x20, s23;
	v62 =	vmul.f32 v12, v12;
	v19 =	vld [tilespmem:s21+$0x6100];
	v21 =	vadd.f32 v15, v16;
	v20 =	vadd.f32 v20, v7  }
0x346: {  	s24 =	sor.u32 s18, s25;
	[tilespmem:s1+$0x12100] =	vst v15;
	v10 =	vld [tilespmem:s21+$0x1A100];
	v18 =	vmul.f32 v18, v18;
	v15 =	vadd.f32 v13, v8;
	v14 =	vadd.f32 v25, v16  }
0x347: {  	[tilespmem:s11+$0x12100] =	vst v13;
	v7 =	vld [tilespmem:s24+$0x1A100];
	v8 =	vadd.f32 v23, v17;
	v23 =	vadd.f32 v12, v21  }
0x348: {  	s20 =	sor.u32 s12, s0;
	[tilespmem:s13+$0x12100] =	vst v24;
	v63 =	vmul.f32 v24, v24;
	v16 =	vld [tilespmem:s24+$0x6100];
	v26 =	vadd.f32 v18, v20;
	v14 =	vadd.f32 v62, v14  }
0x349: {  	s19 =	sor.u32 $0x30, s23;
	v27 =	vmul.f32 v13, v13;
	s11 =	sor.u32 s12, s6;
	[tilespmem:s14+$0x12100] =	vst v11;
	v17 =	vld [tilespmem:s20+$0x6100];
	v21 =	vadd.f32 v22, v4;
	v12 =	vadd.f32 v9, v6  }
0x34a: {  	s0 =	sor.u32 s19, s25;
	s6 =	simm.s32 $0x8;
	v18 =	vld [tilespmem:s11+$0x6100];
	[tilespmem:s7+$0x12100] =	vst v8;
	v20 =	vadd.f32 v24, v23;
	v23 =	vmul.f32 v11, v11;
	v22 =	vadd.f32 v63, v14  }
0x34b: {  	s12 =	sor.u32 s12, s8;
	s8 =	simm.s32 $0x600;
	v9 =	vld [tilespmem:s0+$0x1A100];
	[tilespmem:s10+$0x12100] =	vst v21;
	s10 =	sadd.s32 s5, s31;
	v13 =	vadd.f32 v19, v10;
	v19 =	vadd.f32 v27, v26;
	v14 =	vmul.f32 v12, v12  }
.LBB2_18:
0x34c: {  	s1 =	sand.u32 $0x1C00, s8;
	s6 =	sadd.s32 $0x4, s6;
	s16 =	sadd.s32 $0x40, s16;
	v15 =	vadd.f32 v21, v15;
	v21 =	vmul.f32 v21, v21;
	v24 =	vld [tilespmem:s12+$0x6100];
	v22 =	vadd.f32 v23, v22;
	v23 =	vmovc v10  }
0x34d: {  	s25 =	sor.u32 s10, s15;
	v10 =	vadd.f32 v11, v20;
	s7 =	sand.u32 $0x40, s16;
	s17 =	sadd.s32 s3, s1;
	[tilespmem:s21+$0x12100] =	vst v13;
	v25 =	vadd.f32 v16, v7;
	v26 =	vld [tilespmem:s0+$0x6100]  }
0x34e: {  	s13 =	sor.u32 s7, s17;
	s15 =	sor.u32 $0x10, s7;
	s9 =	sor.u32 $0x30, s7;
	v11 =	vadd.f32 v12, v15;
	v16 =	vld [tilespmem:s25+$0x6100];
	v15 =	vadd.f32 v17, v3;
	v3 =	vmov v6  }
0x34f: {  	s14 =	smov.u32 s10;
	p0 =	slt.u32 s6, $0x2C;
	s10 =	sadd.s32 s5, s1;
	v17 =	vadd.f32 v21, v19;
	v6 =	vld [tilespmem:s13+$0x1A100];
	v20 =	vadd.f32 v18, v5;
	v5 =	vmov v7  }
0x350: {  	s1 =	smov.u32 s0;
	s21 =	sor.u32 s15, s17;
	v18 =	vld [tilespmem:s13+$0x6100];
	v7 =	vadd.f32 v13, v11;
	[tilespmem:s20+$0x12100] =	vst v15;
	v19 =	vadd.f32 v15, v10;
	v21 =	vmul.f32 v15, v15  }
0x351: {  	s0 =	sor.u32 $0x20, s7;
	v14 =	vadd.f32 v14, v17;
	v13 =	vmul.f32 v13, v13;
	v10 =	vld [tilespmem:s21+$0x1A100];
	v11 =	vadd.f32 v24, v4;
	v4 =	vmovc v9  }
0x352: {  	s31 =	sor.u32 s0, s17;
	v17 =	vmul.f32 v8, v8;
	v9 =	vld [tilespmem:s21+$0x6100];
	[tilespmem:s22+$0x12100] =	vst v12;
	v15 =	vadd.f32 v25, v7;
	v12 =	vadd.f32 v21, v22;
	s22 =	smov.u32 s13  }
.Ltmp7:
0x353: {  	v19 =	vadd.f32 v8, v19;
	v7 =	vld [tilespmem:s31+$0x1A100];
	v8 =	vadd.f32 v16, v23;
	[tilespmem:s11+$0x12100] =	vst v20;
	(pc) =	sbr.rel @p0 .LBB2_18-.Ltmp7, $4  }
0x354: {  	s20 =	sor.u32 s14, s23;
	s23 =	smov.u32 s7;
	v24 =	vadd.f32 v13, v14;
	v14 =	vmul.f32 v20, v20;
	v16 =	vld [tilespmem:s31+$0x6100];
	[tilespmem:s24+$0x12100] =	vst v25;
	v13 =	vadd.f32 v17, v12;
	s24 =	smov.u32 s31  }
0x355: {  	v21 =	vadd.f32 v26, v4;
	s11 =	sor.u32 s14, s18;
	s18 =	smov.u32 s0;
	v25 =	vmul.f32 v25, v25;
	v12 =	vadd.f32 v18, v6;
	v17 =	vld [tilespmem:s20+$0x6100];
	[tilespmem:s12+$0x12100] =	vst v11  }
0x356: {  	s0 =	sor.u32 s9, s17;
	v23 =	vmul.f32 v11, v11;
	v20 =	vadd.f32 v20, v19;
	[tilespmem:s25+$0x12100] =	vst v8;
	v18 =	vld [tilespmem:s11+$0x6100];
	v22 =	vadd.f32 v14, v13  }
0x357: {  	s8 =	sadd.s32 $0x200, s8;
	s12 =	sor.u32 s14, s19;
	s19 =	smov.u32 s9;
	v19 =	vadd.f32 v25, v24;
	v14 =	vmul.f32 v12, v12;
	v13 =	vadd.f32 v9, v10;
	v9 =	vld [tilespmem:s0+$0x1A100];
	[tilespmem:s1+$0x12100] =	vst v21  }
0x358: {  	v15 =	vadd.f32 v21, v15;
	v22 =	vadd.f32 v23, v22;
	s8 =	sor.u32 s10, s15;
	s3 =	sor.u32 $0x80, s2;
	v23 =	vld [tilespmem:s12+$0x6100]  }
0x359: {  	v24 =	vld [tilespmem:s0+$0x6100];
	v21 =	vmul.f32 v21, v21;
	s15 =	sor.u32 s10, s23;
	s5 =	simm.s32 $0x0;
	v11 =	vadd.f32 v11, v20;
	v16 =	vadd.f32 v16, v7;
	[tilespmem:s21+$0x12100] =	vst v13;
	s1 =	sand.u32 $0x380, s3  }
0x35a: {  	[tilespmem:s22+$0x12100] =	vst v12;
	s31 =	sand.u32 $0x1C00, s5;
	s6 =	sand.u32 $0x40, s5;
	v15 =	vadd.f32 v12, v15;
	v3 =	vadd.f32 v17, v3;
	v17 =	vld [tilespmem:s8+$0x6100];
	s4 =	sor.u32 s1, s4  }
0x35b: {  	s16 =	sor.u32 s10, s18;
	v12 =	vadd.f32 v21, v19;
	v19 =	vld [tilespmem:s15+$0x6100];
	s13 =	sor.u32 $0x10, s6;
	v5 =	vadd.f32 v18, v5;
	[tilespmem:s24+$0x12100] =	vst v16;
	s7 =	sadd.s32 s4, s31  }
0x35c: {  	v15 =	vadd.f32 v13, v15;
	v18 =	vmul.f32 v3, v3;
	v11 =	vadd.f32 v3, v11;
	v21 =	vld [tilespmem:s16+$0x6100];
	s14 =	sor.u32 s13, s7  }
0x35d: {  	s21 =	sor.u32 s10, s19;
	s19 =	sor.u32 $0x11, s30;
	v12 =	vadd.f32 v14, v12;
	v13 =	vmul.f32 v13, v13;
	v4 =	vadd.f32 v23, v4;
	v23 =	vld [tilespmem:s14+$0x6100]  }
0x35e: {  	s23 =	sshrl.u32 s19, $0x3;
	s17 =	sor.u32 $0x20, s6;
	s22 =	sor.u32 s6, s7;
	v20 =	vadd.f32 v24, v9;
	v14 =	vadd.f32 v18, v22;
	v22 =	vld [tilespmem:s14+$0x1A100]  }
0x35f: {  	s5 =	smul.u32 $0x1800, s23;
	s23 =	sor.u32 s17, s7;
	v18 =	vmul.f32 v8, v8;
	v8 =	vadd.f32 v8, v11;
	v11 =	vadd.f32 v13, v12;
	v13 =	vld [tilespmem:s22+$0x1A100]  }
0x360: {  	v15 =	vadd.f32 v16, v15;
	v12 =	vmul.f32 v16, v16;
	[tilespmem:s0+$0x12100] =	vst v20;
	v6 =	vadd.f32 v19, v6;
	v19 =	vld [tilespmem:s23+$0x6100]  }
0x361: {  	s18 =	sor.u32 $0x30, s6;
	v10 =	vadd.f32 v17, v10;
	v17 =	vmul.f32 v5, v5;
	v14 =	vadd.f32 v18, v14;
	v18 =	vld [tilespmem:s21+$0x6100]  }
0x362: {  	s9 =	sor.u32 s18, s7;
	v16 =	vmul.f32 v4, v4;
	s0 =	sshll.u32 s19, $0x7;
	v8 =	vadd.f32 v5, v8;
	v11 =	vadd.f32 v12, v11;
	v12 =	vld [tilespmem:s23+$0x1A100]  }
0x363: {  	[tilespmem:s20+$0x12100] =	vst v3;
	v3 =	vmul.f32 v20, v20;
	s0 =	sand.u32 $0x380, s0;
	v15 =	vadd.f32 v20, v15;
	v20 =	vld [tilespmem:s9+$0x1A100];
	v14 =	vadd.f32 v17, v14  }
0x364: {  	s25 =	simm.s32 $0x40;
	s24 =	simm.s32 $0x200;
	[tilespmem:s11+$0x12100] =	vst v5;
	s5 =	sor.u32 s0, s5;
	v17 =	vld [tilespmem:s22+$0x6100];
	v8 =	vadd.f32 v4, v8;
	v23 =	vadd.f32 v23, v22  }
0x365: {  	s24 =	sand.u32 $0x1C00, s24;
	[tilespmem:s12+$0x12100] =	vst v4;
	v7 =	vadd.f32 v21, v7;
	s0 =	sand.u32 $0x40, s25;
	v21 =	vld [tilespmem:s9+$0x6100];
	s20 =	sadd.s32 s5, s31;
	v14 =	vadd.f32 v16, v14;
	v16 =	vmul.f32 v6, v6  }
0x366: {  	s31 =	sadd.s32 s4, s24;
	v11 =	vadd.f32 v3, v11;
	s7 =	sor.u32 $0x10, s0;
	s19 =	sor.u32 s13, s20;
	v5 =	vadd.f32 v6, v8;
	[tilespmem:s14+$0x12100] =	vst v23  }
0x367: {  	[tilespmem:s8+$0x12100] =	vst v10;
	v9 =	vadd.f32 v18, v9;
	s14 =	sor.u32 s7, s31;
	v14 =	vadd.f32 v16, v14;
	v16 =	vmul.f32 v10, v10;
	v8 =	vld [tilespmem:s19+$0x6100]  }
0x368: {  	[tilespmem:s15+$0x12100] =	vst v6;
	v19 =	vadd.f32 v19, v12;
	v5 =	vadd.f32 v10, v5;
	v18 =	vld [tilespmem:s14+$0x6100]  }
0x369: {  	s10 =	sor.u32 s0, s31;
	[tilespmem:s16+$0x12100] =	vst v7;
	v10 =	vadd.f32 v17, v13;
	v17 =	vld [tilespmem:s14+$0x1A100];
	v4 =	vadd.f32 v16, v14;
	v14 =	vmul.f32 v7, v7  }
0x36a: {  	v3 =	vld [tilespmem:s10+$0x1A100];
	v21 =	vadd.f32 v21, v20;
	[tilespmem:s21+$0x12100] =	vst v9;
	v5 =	vadd.f32 v7, v5  }
0x36b: {  	s6 =	sor.u32 s6, s20;
	v6 =	vmul.f32 v9, v9;
	v16 =	vld [tilespmem:s10+$0x6100];
	[tilespmem:s22+$0x12100] =	vst v10;
	v4 =	vadd.f32 v14, v4;
	v14 =	vimm.f32 $0.0e+00  }
0x36c: {  	s8 =	sor.u32 $0x20, s0;
	[tilespmem:s23+$0x12100] =	vst v19;
	s23 =	sor.u32 s17, s20;
	v9 =	vadd.f32 v9, v5;
	v61 =	vld [tilespmem:s6+$0x6100];
	v7 =	vadd.f32 v10, v14  }
0x36d: {  	s25 =	simm.s32 $0x400;
	s15 =	sor.u32 s8, s31;
	[tilespmem:s2+$0x18100] =	vst v15;
	v60 =	vmul.f32 v10, v10;
	v22 =	vadd.f32 v8, v22;
	v8 =	vld [tilespmem:s23+$0x6100];
	v6 =	vadd.f32 v6, v4  }
0x36e: {  	s12 =	simm.s32 $0x80;
	s25 =	sand.u32 $0x1C00, s25;
	[tilespmem:s9+$0x12100] =	vst v21;
	v4 =	vld [tilespmem:s15+$0x1A100];
	v18 =	vadd.f32 v18, v17;
	v5 =	vadd.f32 v23, v7  }
0x36f: {  	s11 =	sand.u32 $0x40, s12;
	s1 =	sadd.s32 s4, s25;
	[tilespmem:s2+$0x19100] =	vst v11;
	v10 =	vadd.f32 v60, v14;
	v7 =	vld [tilespmem:s15+$0x6100];
	v23 =	vmul.f32 v23, v23  }
0x370: {  	s16 =	sor.u32 s11, s1;
	s9 =	sadd.s32 s5, s24;
	[tilespmem:s14+$0x12100] =	vst v18;
	v15 =	vadd.f32 v19, v5  }
0x371: {  	s21 =	sor.u32 $0x30, s0;
	s7 =	sor.u32 s7, s9;
	v16 =	vadd.f32 v16, v3;
	[tilespmem:s2+$0x19900] =	vst v6;
	v6 =	vld [tilespmem:s16+$0x1A100];
	v10 =	vadd.f32 v23, v10;
	v19 =	vmul.f32 v19, v19  }
0x372: {  	s17 =	sor.u32 s21, s31;
	s31 =	sor.u32 s18, s20;
	[tilespmem:s2+$0x18900] =	vst v9;
	v25 =	vld [tilespmem:s7+$0x6100];
	v9 =	vadd.f32 v61, v13;
	v11 =	vadd.f32 v21, v15  }
0x373: {  	v13 =	vadd.f32 v8, v12;
	v15 =	vld [tilespmem:s31+$0x6100];
	v10 =	vadd.f32 v19, v10;
	v19 =	vmul.f32 v21, v21  }
0x374: {  	v5 =	vld [tilespmem:s17+$0x1A100];
	v21 =	vadd.f32 v7, v4;
	v7 =	vadd.f32 v16, v11  }
0x375: {  	s18 =	sor.u32 $0x10, s11;
	v23 =	vld [tilespmem:s17+$0x6100];
	v11 =	vmul.f32 v16, v16;
	v8 =	vadd.f32 v19, v10;
	v19 =	vmul.f32 v9, v9  }
0x376: {  	s24 =	sor.u32 s18, s1;
	[tilespmem:s19+$0x12100] =	vst v22;
	v12 =	vadd.f32 v9, v14;
	v10 =	vld [tilespmem:s16+$0x6100];
	v7 =	vadd.f32 v18, v7  }
0x377: {  	s20 =	sor.u32 $0x20, s11;
	v26 =	vld [tilespmem:s24+$0x6100];
	[tilespmem:s10+$0x12100] =	vst v16;
	v62 =	vadd.f32 v11, v8;
	v18 =	vmul.f32 v18, v18;
	v14 =	vadd.f32 v19, v14  }
0x378: {  	s19 =	sor.u32 s20, s1;
	[tilespmem:s6+$0x12100] =	vst v9;
	v9 =	vld [tilespmem:s24+$0x1A100];
	v19 =	vmul.f32 v22, v22;
	v8 =	vadd.f32 v25, v17;
	v11 =	vadd.f32 v15, v20  }
0x379: {  	[tilespmem:s23+$0x12100] =	vst v13;
	v16 =	vld [tilespmem:s19+$0x6100];
	v20 =	vadd.f32 v22, v12;
	v15 =	vadd.f32 v21, v7  }
0x37a: {  	s23 =	sor.u32 s0, s9;
	[tilespmem:s15+$0x12100] =	vst v21;
	v7 =	vld [tilespmem:s19+$0x1A100];
	v24 =	vadd.f32 v18, v62;
	v14 =	vadd.f32 v19, v14;
	v19 =	vmul.f32 v13, v13  }
0x37b: {  	s22 =	sor.u32 $0x30, s11;
	v63 =	vmul.f32 v21, v21;
	s15 =	sor.u32 s8, s9;
	v17 =	vld [tilespmem:s23+$0x6100];
	v21 =	vadd.f32 v23, v5;
	[tilespmem:s7+$0x12100] =	vst v8;
	v12 =	vadd.f32 v10, v6  }
0x37c: {  	s21 =	sor.u32 s21, s9;
	s6 =	sor.u32 s22, s1;
	v18 =	vld [tilespmem:s15+$0x6100];
	[tilespmem:s31+$0x12100] =	vst v11;
	v20 =	vadd.f32 v13, v20;
	v23 =	vmul.f32 v11, v11;
	v22 =	vadd.f32 v19, v14  }
0x37d: {  	s10 =	sadd.s32 s5, s25;
	s0 =	simm.s32 $0x8;
	s8 =	simm.s32 $0x600;
	v13 =	vadd.f32 v26, v9;
	v10 =	vld [tilespmem:s6+$0x1A100];
	v19 =	vadd.f32 v63, v24;
	[tilespmem:s17+$0x12100] =	vst v21;
	v14 =	vmul.f32 v12, v12  }
.LBB2_20:
0x37e: {  	s1 =	sand.u32 $0x1C00, s8;
	s0 =	sadd.s32 $0x4, s0;
	s12 =	sadd.s32 $0x40, s12;
	v15 =	vadd.f32 v21, v15;
	v21 =	vmul.f32 v21, v21;
	v24 =	vld [tilespmem:s21+$0x6100];
	v22 =	vadd.f32 v23, v22;
	v23 =	vmovc v9  }
0x37f: {  	s25 =	sor.u32 s18, s10;
	v9 =	vadd.f32 v11, v20;
	s7 =	sand.u32 $0x40, s12;
	s17 =	sadd.s32 s4, s1;
	[tilespmem:s24+$0x12100] =	vst v13;
	v25 =	vadd.f32 v16, v7;
	v26 =	vld [tilespmem:s6+$0x6100]  }
0x380: {  	s13 =	sor.u32 s7, s17;
	s18 =	sor.u32 $0x10, s7;
	s9 =	sor.u32 $0x30, s7;
	v11 =	vadd.f32 v12, v15;
	v16 =	vld [tilespmem:s25+$0x6100];
	v15 =	vadd.f32 v17, v3;
	v3 =	vmov v6  }
0x381: {  	s14 =	smov.u32 s10;
	p0 =	slt.u32 s0, $0x2C;
	s10 =	sadd.s32 s5, s1;
	v17 =	vadd.f32 v21, v19;
	v6 =	vld [tilespmem:s13+$0x1A100];
	v20 =	vadd.f32 v18, v4;
	v4 =	vmov v7  }
0x382: {  	s1 =	smov.u32 s6;
	s24 =	sor.u32 s18, s17;
	v18 =	vld [tilespmem:s13+$0x6100];
	v7 =	vadd.f32 v13, v11;
	[tilespmem:s23+$0x12100] =	vst v15;
	v19 =	vadd.f32 v15, v9;
	v21 =	vmul.f32 v15, v15  }
0x383: {  	s6 =	sor.u32 $0x20, s7;
	v14 =	vadd.f32 v14, v17;
	v13 =	vmul.f32 v13, v13;
	v9 =	vld [tilespmem:s24+$0x1A100];
	v11 =	vadd.f32 v24, v5;
	v5 =	vmovc v10  }
0x384: {  	s31 =	sor.u32 s6, s17;
	v17 =	vmul.f32 v8, v8;
	v10 =	vld [tilespmem:s24+$0x6100];
	[tilespmem:s16+$0x12100] =	vst v12;
	v15 =	vadd.f32 v25, v7;
	v12 =	vadd.f32 v21, v22;
	s16 =	smov.u32 s13  }
.Ltmp8:
0x385: {  	v19 =	vadd.f32 v8, v19;
	v7 =	vld [tilespmem:s31+$0x1A100];
	v8 =	vadd.f32 v16, v23;
	[tilespmem:s15+$0x12100] =	vst v20;
	(pc) =	sbr.rel @p0 .LBB2_20-.Ltmp8, $4  }
0x386: {  	s23 =	sor.u32 s11, s14;
	s11 =	smov.u32 s7;
	v24 =	vadd.f32 v13, v14;
	v14 =	vmul.f32 v20, v20;
	v16 =	vld [tilespmem:s31+$0x6100];
	[tilespmem:s19+$0x12100] =	vst v25;
	v13 =	vadd.f32 v17, v12;
	s19 =	smov.u32 s31  }
0x387: {  	v21 =	vadd.f32 v26, v5;
	s15 =	sor.u32 s20, s14;
	s20 =	smov.u32 s6;
	v25 =	vmul.f32 v25, v25;
	v12 =	vadd.f32 v18, v6;
	v17 =	vld [tilespmem:s23+$0x6100];
	[tilespmem:s21+$0x12100] =	vst v11  }
0x388: {  	s6 =	sor.u32 s9, s17;
	v23 =	vmul.f32 v11, v11;
	v20 =	vadd.f32 v20, v19;
	[tilespmem:s25+$0x12100] =	vst v8;
	v18 =	vld [tilespmem:s15+$0x6100];
	v22 =	vadd.f32 v14, v13  }
0x389: {  	s8 =	sadd.s32 $0x200, s8;
	s21 =	sor.u32 s22, s14;
	s22 =	smov.u32 s9;
	v19 =	vadd.f32 v25, v24;
	v14 =	vmul.f32 v12, v12;
	v13 =	vadd.f32 v10, v9;
	v10 =	vld [tilespmem:s6+$0x1A100];
	[tilespmem:s1+$0x12100] =	vst v21  }
0x38a: {  	_ = 	snop  }
0x38b: {  	v15 =	vadd.f32 v21, v15  }
0x38c: {  	v24 =	vld [tilespmem:s21+$0x6100];
	v22 =	vadd.f32 v23, v22;
	v36 =	vmul.f32 v21, v21;
	v3 =	vadd.f32 v17, v3  }
0x38d: {  	v37 =	vld [tilespmem:s6+$0x6100];
	v11 =	vadd.f32 v11, v20;
	v16 =	vadd.f32 v16, v7  }
0x38e: {  	[tilespmem:s16+$0x12100] =	vst v12;
	s0 =	sor.u32 s11, s10;
	v15 =	vadd.f32 v12, v15;
	v39 =	vadd.f32 v36, v19;
	v38 =	vmul.f32 v3, v3  }
0x38f: {  	v40 =	vld [tilespmem:s0+$0x6100];
	v4 =	vadd.f32 v18, v4;
	v11 =	vadd.f32 v3, v11  }
0x390: {  	s1 =	sor.u32 s18, s10;
	v41 =	vmul.f32 v8, v8;
	[tilespmem:s24+$0x12100] =	vst v13;
	v15 =	vadd.f32 v13, v15;
	v18 =	vadd.f32 v38, v22  }
0x391: {  	v42 =	vld [tilespmem:s1+$0x6100];
	v5 =	vadd.f32 v24, v5;
	v43 =	vadd.f32 v8, v11  }
0x392: {  	s4 =	sor.u32 s20, s10;
	[tilespmem:s19+$0x12100] =	vst v16;
	v45 =	vmul.f32 v4, v4;
	v46 =	vadd.f32 v37, v10;
	v44 =	vadd.f32 v41, v18  }
0x393: {  	v12 =	vadd.f32 v14, v39;
	v47 =	vld [tilespmem:s4+$0x6100];
	v8 =	vadd.f32 v4, v43  }
0x394: {  	s5 =	sor.u32 s22, s10;
	v6 =	vadd.f32 v40, v6;
	v48 =	vmul.f32 v5, v5;
	[tilespmem:s6+$0x12100] =	vst v46;
	v11 =	vadd.f32 v45, v44  }
0x395: {  	v49 =	vmul.f32 v13, v13;
	v15 =	vadd.f32 v16, v15;
	v50 =	vld [tilespmem:s5+$0x6100];
	v8 =	vadd.f32 v5, v8  }
0x396: {  	[tilespmem:s23+$0x12100] =	vst v3;
	v3 =	vadd.f32 v42, v9;
	v52 =	vmul.f32 v6, v6;
	v51 =	vadd.f32 v48, v11  }
0x397: {  	v54 =	vmul.f32 v16, v16;
	[tilespmem:s15+$0x12100] =	vst v4;
	v53 =	vadd.f32 v49, v12;
	v8 =	vadd.f32 v6, v8  }
0x398: {  	[tilespmem:s21+$0x12100] =	vst v5;
	v55 =	vadd.f32 v47, v7;
	v57 =	vmul.f32 v3, v3;
	v56 =	vadd.f32 v52, v51  }
0x399: {  	v58 =	vmul.f32 v46, v46;
	v4 =	vadd.f32 v54, v53;
	[tilespmem:s1+$0x12100] =	vst v3;
	v3 =	vadd.f32 v3, v8  }
0x39a: {  	[tilespmem:s0+$0x12100] =	vst v6;
	v60 =	vmul.f32 v55, v55;
	v59 =	vadd.f32 v50, v10;
	v7 =	vadd.f32 v57, v56  }
0x39b: {  	p0 =	slt.u32 s30, $0xE;
	v61 =	vadd.f32 v46, v15;
	[tilespmem:s4+$0x12100] =	vst v55;
	v3 =	vadd.f32 v55, v3  }
.Ltmp9:
0x39c: {  	v4 =	vadd.f32 v58, v4;
	[tilespmem:s5+$0x12100] =	vst v59;
	v63 =	vmul.f32 v59, v59;
	v62 =	vadd.f32 v60, v7;
	(pc) =	sbr.rel @p0 .LBB2_17-.Ltmp9, $4  }
0x39d: {  	[tilespmem:s3+$0x18100] =	vst v61;
	v3 =	vadd.f32 v59, v3  }
0x39e: {  	[tilespmem:s3+$0x19100] =	vst v4;
	v5 =	vadd.f32 v63, v62  }
0x39f: {  	s31 =	sadd.s32 $0x2, s30;
	[tilespmem:s2+$0x18980] =	vst v3  }
0x3a0: {  	s30 =	smov.u32 s31;
	[tilespmem:s2+$0x19980] =	vst v5  }
0x3a1: {  	s0 =	simm.s32 $0x19100  }
0x3a2: {  	s2 =	simm.s32 $0x18100;
	v3 =	vld [tilespmem:s0+$0x0]  }
0x3a3: {  	v4 =	vld [tilespmem:s2+$0x0];
	_ =	sdelay $0x3  }
0x3a4: {  	(xrf2) =	vadd.scan.msk.f32 $0xffff, v3  }
0x3a5: {  	(xrf2) =	vadd.scan.msk.f32 $0xffff, v4;
	_ =	sdelay $0x8  }
0x3a6: {  	v3, _, _ =	vpop (xrf2)  }
0x3a7: {  	v4, _, _ =	vpop (xrf2)  }
0x3a8: {  	v22 =	vmul.f32 $1.302083370e-03, v4;
	_ =	sdelay $0x1  }
0x3a9: {  	v3 =	vmul.f32 $1.302083370e-03, v3;
	v4 =	vmul.f32 v22, v22;
	_ =	sdelay $0x1  }
0x3aa: {  	v3 =	vsub.f32 v3, v4;
	_ =	sdelay $0x1  }
0x3ab: {  	s4 =	simm.s32 $0x19180;
	v3 =	vadd.f32 $9.999999960e-13, v3  }
0x3ac: {  	s10 =	simm.s32 $0x18180;
	v4 =	vld [tilespmem:s4+$0x0]  }
0x3ad: {  	v5 =	vld [tilespmem:s10+$0x0];
	v3 =	vbroadcast v3, $0xF;
	_ =	sdelay $0x1  }
0x3ae: {  	v25 =	vld [tilespmem:$0x1D100];
	v13 =	vmul.f32 $5.000000000e-01, v3;
	v3 =	vshrl.u32 v3, $0x1  }
0x3af: {  	v14 =	vld [tilespmem:$0x1D110];
	v3 =	vsub.s32 $0x5F3759DF, v3  }
0x3b0: {  	v11 =	vld [tilespmem:$0x1D120];
	(xrf2) =	vadd.scan.msk.f32 $0xffff, v4;
	v4 =	vmul.f32 v3, v13  }
0x3b1: {  	v23 =	vld [tilespmem:$0x1D130];
	(xrf2) =	vadd.scan.msk.f32 $0xffff, v5  }
0x3b2: {  	v10 =	vld [tilespmem:$0x1D140];
	v4 =	vmul.f32 v3, v4  }
0x3b3: {  	v9 =	vld [tilespmem:$0x1D150]  }
0x3b4: {  	v8 =	vld [tilespmem:$0x1D160];
	v5 =	vsub.f32 $1.500000000e+00, v4  }
0x3b5: {  	v7 =	vld [tilespmem:$0x1D170]  }
0x3b6: {  	v6 =	vld [tilespmem:$0x1D180];
	v12 =	vmul.f32 v3, v5  }
0x3b7: {  	v26 =	vld [tilespmem:$0x1D400]  }
0x3b8: {  	v19 =	vld [tilespmem:$0x1D410];
	v15 =	vmul.f32 v12, v13  }
0x3b9: {  	v16 =	vld [tilespmem:$0x1D420]  }
0x3ba: {  	v24 =	vld [tilespmem:$0x1D430];
	v17, _, _ =	vpop (xrf2);
	v15 =	vmul.f32 v15, v12  }
0x3bb: {  	v20 =	vld [tilespmem:$0x1D440];
	s20 =	simm.s32 $0x19200;
	v18, _, _ =	vpop (xrf2)  }
0x3bc: {  	s30 =	simm.s32 $0x18200;
	v29 =	vld [tilespmem:s20+$0x0];
	v27 =	vmul.f32 $1.302083370e-03, v18;
	v15 =	vsub.f32 $1.500000000e+00, v15  }
0x3bd: {  	v31 =	vld [tilespmem:s30+$0x0];
	v33 =	vbroadcast v22, $0xF;
	v18 =	vmul.f32 $1.302083370e-03, v17  }
0x3be: {  	v22 =	vld [tilespmem:$0x1D4B0];
	v21 =	vmul.f32 v27, v27;
	v28 =	vmul.f32 v15, v12  }
0x3bf: {  	v4 =	vld [tilespmem:$0x1D190]  }
0x3c0: {  	v5 =	vld [tilespmem:$0x1D1A0];
	v18 =	vsub.f32 v18, v21;
	v21 =	vmul.f32 v28, v13  }
0x3c1: {  	v3 =	vld [tilespmem:$0x1D1B0]  }
0x3c2: {  	v17 =	vld [tilespmem:$0x1D450];
	v30 =	vadd.f32 $9.999999960e-13, v18;
	v21 =	vmul.f32 v21, v28  }
0x3c3: {  	v15 =	vld [tilespmem:$0x1D460]  }
0x3c4: {  	s1 =	simm.s32 $0x0;
	v12 =	vld [tilespmem:$0x1D470];
	v30 =	vbroadcast v30, $0xF;
	v32 =	vsub.f32 $1.500000000e+00, v21  }
0x3c5: {  	s1 =	smul.u32 $0x6000, s1;
	v18 =	vld [tilespmem:$0x1D490]  }
0x3c6: {  	s3 =	simm.s32 $0x0;
	v13 =	vld [tilespmem:$0x1D480];
	v34 =	vmul.f32 $5.000000000e-01, v30;
	v30 =	vshrl.u32 v30, $0x1;
	v32 =	vmul.f32 v32, v28  }
0x3c7: {  	s22 =	sand.u32 $0x380, s3;
	s1 =	sshra.s32 s1, $0x2;
	(xrf2) =	vadd.scan.msk.f32 $0xffff, v29;
	v21 =	vld [tilespmem:$0x1D4A0];
	[tilespmem:s2+$0x0] =	vst v33;
	v28 =	vsub.s32 $0x5F3759DF, v30  }
0x3c8: {  	s23 =	sor.u32 s22, s1;
	(xrf2) =	vadd.scan.msk.f32 $0xffff, v31;
	v29 =	vmul.f32 v28, v34;
	[tilespmem:s0+$0x0] =	vst v32  }
0x3c9: {  	v30 =	vld [tilespmem:s23+$0x12100]  }
0x3ca: {  	v29 =	vmul.f32 v28, v29;
	_ =	sdelay $0x1  }
0x3cb: {  	v29 =	vsub.f32 $1.500000000e+00, v29;
	_ =	sdelay $0x1  }
0x3cc: {  	v28 =	vmul.f32 v28, v29;
	v29 =	vsub.f32 v30, v33;
	_ =	sdelay $0x1  }
0x3cd: {  	s3 =	simm.s32 $0x19280;
	v30 =	vmul.f32 v28, v34;
	v29 =	vmul.f32 v32, v29  }
0x3ce: {  	v52 =	vld [tilespmem:s3+$0x0];
	v31, _, _ =	vpop (xrf2)  }
0x3cf: {  	v35, _, _ =	vpop (xrf2);
	v30 =	vmul.f32 v30, v28;
	v36 =	vmul.f32 v29, v25  }
0x3d0: {  	v29 =	vmul.f32 $1.302083370e-03, v35  }
0x3d1: {  	v30 =	vsub.f32 $1.500000000e+00, v30;
	v50 =	vadd.f32 v36, v26  }
0x3d2: {  	v31 =	vmul.f32 $1.302083370e-03, v31;
	v51 =	vmul.f32 v29, v29  }
0x3d3: {  	(xrf2) =	vadd.scan.msk.f32 $0xffff, v52;
	s2 =	sadd.s32 $0x12100, s23;
	v30 =	vmul.f32 v30, v28;
	[tilespmem:s23+$0x12100] =	vst v50  }
0x3d4: {  	s5 =	simm.s32 $0x18280;
	v28 =	vsub.f32 v31, v51;
	v31 =	vld [tilespmem:s2+$0x30]  }
0x3d5: {  	v38 =	vld [tilespmem:s5+$0x0];
	v34 =	vmul.f32 v30, v34  }
0x3d6: {  	v53 =	vld [tilespmem:s2+$0x10];
	v28 =	vadd.f32 $9.999999960e-13, v28  }
0x3d7: {  	v37 =	vld [tilespmem:s2+$0x20];
	v34 =	vmul.f32 v34, v30  }
0x3d8: {  	v40 =	vld [tilespmem:s2+$0x40];
	v39 =	vbroadcast v28, $0xF  }
0x3d9: {  	v58 =	vld [tilespmem:s2+$0x70];
	v34 =	vsub.f32 $1.500000000e+00, v34;
	v31 =	vsub.f32 v31, v33  }
0x3da: {  	s24 =	simm.s32 $0x0;
	v45 =	vld [tilespmem:s2+$0x420];
	v28 =	vbroadcast v27, $0xF;
	v41 =	vmul.f32 $5.000000000e-01, v39  }
0x3db: {  	s0 =	smul.u32 $0x6000, s24;
	v54 =	vshrl.u32 v39, $0x1;
	v27 =	vmul.f32 v34, v30;
	v30 =	vmul.f32 v32, v31;
	v31 =	vld [tilespmem:s2+$0x60]  }
0x3dc: {  	s31 =	simm.s32 $0x80;
	(xrf2) =	vadd.scan.msk.f32 $0xffff, v38;
	v55 =	vsub.s32 $0x5F3759DF, v54  }
0x3dd: {  	s25 =	sand.u32 $0x380, s31;
	s0 =	sshra.s32 s0, $0x2;
	v60 =	vld [tilespmem:s2+$0x400];
	v50, _, _ =	vpop (xrf2);
	[tilespmem:s10+$0x0] =	vst v28;
	v56 =	vsub.f32 v53, v33;
	v57 =	vsub.f32 v37, v33;
	v59 =	vmul.f32 v55, v41  }
0x3de: {  	s0 =	sor.u32 s25, s0;
	v44 =	vld [tilespmem:s2+$0x410];
	v40 =	vsub.f32 v40, v33;
	v37 =	vsub.f32 v58, v33;
	v54 =	vmul.f32 $1.302083370e-03, v50;
	[tilespmem:s4+$0x0] =	vst v27  }
0x3df: {  	v45 =	vsub.f32 v45, v33;
	v35 =	vmul.f32 v32, v56;
	v43 =	vld [tilespmem:s0+$0x12100];
	v38 =	vmul.f32 v55, v59  }
0x3e0: {  	v36 =	vmul.f32 v32, v57;
	v40 =	vmul.f32 v32, v40;
	v31 =	vsub.f32 v31, v33  }
0x3e1: {  	v42 =	vld [tilespmem:s2+$0x50];
	v37 =	vmul.f32 v32, v37;
	v52 =	vmul.f32 v45, v32;
	v38 =	vsub.f32 $1.500000000e+00, v38  }
0x3e2: {  	v30 =	vmul.f32 v30, v23;
	v46 =	vmul.f32 v32, v31;
	v31 =	vsub.f32 v60, v33  }
0x3e3: {  	v35 =	vmul.f32 v35, v14;
	v34 =	vmul.f32 v55, v38  }
0x3e4: {  	v62 =	vsub.f32 v43, v28;
	v48 =	vmul.f32 v32, v31;
	v31 =	vsub.f32 v44, v33  }
0x3e5: {  	v36 =	vmul.f32 v36, v11;
	v49 =	vmul.f32 v34, v41  }
0x3e6: {  	v61 =	vld [tilespmem:s2+$0x430];
	v42 =	vsub.f32 v42, v33;
	v63 =	vmul.f32 v40, v10;
	v38 =	vmul.f32 v27, v62  }
0x3e7: {  	v37 =	vmul.f32 v37, v7;
	v30 =	vadd.f32 v30, v24;
	v51 =	vmul.f32 v49, v34  }
0x3e8: {  	v35 =	vadd.f32 v35, v19;
	v47 =	vmul.f32 v32, v31;
	v38 =	vmul.f32 v38, v25;
	v31, _, _ =	vpop (xrf2)  }
0x3e9: {  	v53 =	vadd.f32 v36, v16;
	[tilespmem:s2+$0x30] =	vst v30;
	v30 =	vmul.f32 v32, v42;
	v31 =	vmul.f32 $1.302083370e-03, v31  }
0x3ea: {  	v43 =	vmul.f32 v52, v5;
	v42 =	vsub.f32 $1.500000000e+00, v51;
	v38 =	vadd.f32 v38, v26  }
0x3eb: {  	v30 =	vmul.f32 v30, v9;
	v33 =	vsub.f32 v61, v33;
	v55 =	vmul.f32 v31, v31  }
0x3ec: {  	s22 =	sadd.s32 $0x12100, s0;
	v39 =	vadd.f32 v63, v20;
	v56 =	vmul.f32 v46, v8;
	v34 =	vmul.f32 v42, v34;
	[tilespmem:s0+$0x12100] =	vst v38  }
0x3ed: {  	s4 =	simm.s32 $0x19300;
	[tilespmem:s2+$0x10] =	vst v35;
	v30 =	vadd.f32 v30, v17;
	v32 =	vmul.f32 v33, v32;
	v57 =	vld [tilespmem:s22+$0x30];
	v36 =	vsub.f32 v54, v55  }
0x3ee: {  	v63 =	vadd.f32 v37, v12;
	v35 =	vld [tilespmem:s4+$0x0];
	[tilespmem:s2+$0x40] =	vst v39;
	v58 =	vmul.f32 v48, v6;
	v59 =	vmul.f32 v34, v41  }
0x3ef: {  	[tilespmem:s2+$0x50] =	vst v30;
	v30 =	vadd.f32 v43, v21;
	v60 =	vmul.f32 v47, v4;
	v39 =	vld [tilespmem:s22+$0x20];
	v61 =	vadd.f32 $9.999999960e-13, v36  }
0x3f0: {  	s29 =	simm.s32 $0x18300;
	[tilespmem:s2+$0x20] =	vst v53;
	v33 =	vadd.f32 v58, v13;
	v38 =	vadd.f32 v56, v15;
	v62 =	vmul.f32 v59, v34;
	v36 =	vld [tilespmem:s22+$0x10]  }
0x3f1: {  	s11 =	simm.s32 $0x3;
	v40 =	vld [tilespmem:s29+$0x0];
	[tilespmem:s2+$0x70] =	vst v63;
	v37 =	vmul.f32 v32, v3;
	v32 =	vadd.f32 v60, v18;
	v42 =	vbroadcast v61, $0xF  }
0x3f2: {  	s12 =	simm.s32 $0x5;
	s23 =	simm.s32 $0x4;
	s0 =	simm.s32 $0x0;
	[tilespmem:s2+$0x60] =	vst v38;
	v38 =	vld [tilespmem:s22+$0x40];
	v41 =	vsub.f32 $1.500000000e+00, v62;
	v43 =	vsub.f32 v57, v28  }
.LBB2_23:
0x3f3: {  	p0 =	sne.s32 s12, $0x1F;
	(xrf2) =	vadd.scan.msk.f32 $0xffff, v35;
	v44 =	vmul.f32 $5.000000000e-01, v42;
	v35 =	vbroadcast v29, $0xF;
	s0 =	smul.u32 $0x6000, s0;
	v45 =	vld [tilespmem:s22+$0x50];
	v37 =	vadd.f32 v37, v22;
	v29 =	vmovc v31;
	s10 =	smov.u32 s23  }
0x3f4: {  	v31 =	vshrl.u32 v42, $0x1;
	s31 =	sadd.s32 $0x80, s31;
	s23 =	smov.u32 s12;
	v34 =	vmul.f32 v41, v34;
	v41 =	vmul.f32 v27, v43;
	v42 =	vld [tilespmem:s22+$0x60];
	[tilespmem:s2+$0x400] =	vst v33  }
0x3f5: {  	v31 =	vsub.s32 $0x5F3759DF, v31;
	s1 =	sand.u32 $0x380, s31;
	v33 =	vsub.f32 v36, v28;
	[tilespmem:s30+$0x0] =	vst v35;
	s0 =	sshra.s32 s0, $0x2;
	v36 =	vsub.f32 v39, v28;
	v39 =	vld [tilespmem:s22+$0x70];
	s30 =	smov.u32 s5  }
0x3f6: {  	(xrf2) =	vadd.scan.msk.f32 $0xffff, v40;
	v40 =	vmul.f32 v31, v44;
	[tilespmem:s20+$0x0] =	vst v34;
	s0 =	sor.u32 s1, s0;
	v41 =	vmul.f32 v41, v23;
	v43 =	vld [tilespmem:s22+$0x400];
	s20 =	smov.u32 s3;
	s3 =	smov.u32 s4  }
0x3f7: {  	s5 =	smov.u32 s29;
	v33 =	vmul.f32 v27, v33;
	v46 =	vld [tilespmem:s0+$0x12100];
	v36 =	vmul.f32 v27, v36;
	v38 =	vsub.f32 v38, v28;
	[tilespmem:s2+$0x410] =	vst v32  }
0x3f8: {  	v32 =	vmul.f32 v31, v40;
	v40 =	vadd.f32 v41, v24;
	v41 =	vsub.f32 v45, v28;
	v45 =	vld [tilespmem:s22+$0x410];
	[tilespmem:s2+$0x420] =	vst v30  }
0x3f9: {  	v30 =	vmul.f32 v33, v14;
	v33 =	vmul.f32 v27, v38;
	v38 =	vsub.f32 v42, v28;
	v42 =	vld [tilespmem:s22+$0x420];
	[tilespmem:s2+$0x430] =	vst v37;
	s2 =	smov.u32 s22  }
0x3fa: {  	v32 =	vsub.f32 $1.500000000e+00, v32;
	[tilespmem:s2+$0x30] =	vst v40;
	v37 =	vmul.f32 v27, v41;
	v39 =	vsub.f32 v39, v28;
	v40 =	vld [tilespmem:s2+$0x430]  }
0x3fb: {  	v36 =	vmul.f32 v36, v11;
	v38 =	vmul.f32 v27, v38;
	v41 =	vsub.f32 v43, v28  }
0x3fc: {  	v32 =	vmul.f32 v31, v32;
	v31 =	vsub.f32 v46, v35;
	v39 =	vmul.f32 v27, v39  }
0x3fd: {  	v33 =	vmul.f32 v33, v10;
	v43, _, _ =	vpop (xrf2);
	v41 =	vmul.f32 v27, v41;
	v45 =	vsub.f32 v45, v28  }
0x3fe: {  	v46 =	vmul.f32 v32, v44;
	v31 =	vmul.f32 v34, v31;
	v42 =	vsub.f32 v42, v28  }
0x3ff: {  	v37 =	vmul.f32 v37, v9;
	v45 =	vmul.f32 v27, v45;
	v40 =	vsub.f32 v40, v28;
	v28 =	vmovc v35  }
0x400: {  	v30 =	vadd.f32 v30, v19;
	v35, _, _ =	vpop (xrf2);
	v46 =	vmul.f32 v46, v32;
	v47 =	vmul.f32 v31, v25  }
0x401: {  	v42 =	vmul.f32 v42, v27;
	v31 =	vmul.f32 $1.302083370e-03, v35;
	v35 =	vadd.f32 v36, v16  }
0x402: {  	v36 =	vsub.f32 $1.500000000e+00, v46;
	v46 =	vadd.f32 v47, v26;
	[tilespmem:s2+$0x10] =	vst v30;
	v30 =	vmul.f32 v40, v27;
	v27 =	vmovc v34  }
0x403: {  	v33 =	vadd.f32 v33, v20;
	v40 =	vmul.f32 $1.302083370e-03, v43;
	v43 =	vmul.f32 v31, v31;
	[tilespmem:s2+$0x20] =	vst v35  }
0x404: {  	s22 =	sadd.s32 $0x12100, s0;
	v34 =	vmul.f32 v36, v32;
	[tilespmem:s0+$0x12100] =	vst v46;
	v32 =	vadd.f32 v37, v17;
	v36 =	vmul.f32 v38, v8  }
0x405: {  	s4 =	sadd.s32 $0x80, s4;
	v37 =	vsub.f32 v40, v43;
	v38 =	vld [tilespmem:s22+$0x30];
	[tilespmem:s2+$0x40] =	vst v33;
	v33 =	vmul.f32 v39, v7;
	v40 =	vmul.f32 v41, v6  }
.Ltmp10:
0x406: {  	v41 =	vmul.f32 v45, v4;
	v35 =	vld [tilespmem:s4+$0x0];
	v39 =	vmul.f32 v34, v44;
	[tilespmem:s2+$0x50] =	vst v32;
	v32 =	vadd.f32 v36, v15;
	(pc) =	sbr.rel @p0 .LBB2_23-.Ltmp10, $4  }
0x407: {  	v44 =	vmul.f32 v42, v5;
	v43 =	vadd.f32 $9.999999960e-13, v37;
	v36 =	vld [tilespmem:s22+$0x10];
	v37 =	vmul.f32 v30, v3  }
0x408: {  	s29 =	sadd.s32 $0x80, s29;
	v46 =	vadd.f32 v33, v12;
	v33 =	vadd.f32 v40, v13;
	v45 =	vmul.f32 v39, v34;
	v39 =	vld [tilespmem:s22+$0x20];
	[tilespmem:s2+$0x60] =	vst v32  }
0x409: {  	v32 =	vadd.f32 v41, v18;
	v30 =	vadd.f32 v44, v21;
	v40 =	vld [tilespmem:s29+$0x0];
	v42 =	vbroadcast v43, $0xF  }
0x40a: {  	s12 =	sadd.s32 $0x1, s12;
	s0 =	sshrl.u32 s11, $0x3;
	s11 =	smov.u32 s10;
	v41 =	vsub.f32 $1.500000000e+00, v45;
	v43 =	vsub.f32 v38, v28;
	v38 =	vld [tilespmem:s22+$0x40];
	[tilespmem:s2+$0x70] =	vst v46  }
0x40b: {  	_ =	sdelay $0x1  }
0x40c: {  	(xrf2) =	vadd.scan.msk.f32 $0xffff, v35  }
0x40d: {  	(xrf2) =	vadd.scan.msk.f32 $0xffff, v40;
	_ =	sdelay $0x1  }
0x40e: {  	v63 =	vmul.f32 $5.000000000e-01, v42;
	v53 =	vshrl.u32 v42, $0x1  }
0x40f: {  	v42 =	vsub.s32 $0x5F3759DF, v53  }
0x410: {  	v35 =	vmul.f32 v42, v63;
	_ =	sdelay $0x1  }
0x411: {  	v44 =	vmul.f32 v42, v35  }
0x412: {  	s1 =	smul.u32 $0x6000, s0;
	v46 =	vld [tilespmem:s22+$0x50];
	v56 =	vsub.f32 v36, v28;
	v35 =	vbroadcast v29, $0xF  }
0x413: {  	s24 =	sadd.s32 $0x80, s31;
	v58 =	vld [tilespmem:s22+$0x70];
	v34 =	vmul.f32 v41, v34;
	v39 =	vsub.f32 v39, v28;
	v54 =	vsub.f32 $1.500000000e+00, v44  }
0x414: {  	v48 =	vld [tilespmem:s22+$0x400];
	s6 =	sand.u32 $0x380, s24;
	s1 =	sshra.s32 s1, $0x2;
	v41 =	vmul.f32 v27, v56;
	v29 =	vmul.f32 v27, v43;
	[tilespmem:s30+$0x0] =	vst v35;
	v45, _, _ =	vpop (xrf2)  }
0x415: {  	s1 =	sor.u32 s6, s1;
	v39 =	vmul.f32 v27, v39;
	[tilespmem:s20+$0x0] =	vst v34;
	v42 =	vmul.f32 v42, v54;
	v55, _, _ =	vpop (xrf2)  }
0x416: {  	v41 =	vmul.f32 v41, v14;
	v49 =	vld [tilespmem:s1+$0x12100];
	v36 =	vmul.f32 $1.302083370e-03, v55  }
0x417: {  	v38 =	vsub.f32 v38, v28;
	v29 =	vmul.f32 v29, v23;
	v50 =	vmul.f32 v42, v63  }
0x418: {  	v46 =	vsub.f32 v46, v28;
	v45 =	vmul.f32 $1.302083370e-03, v45;
	v47 =	vmul.f32 v36, v36  }
0x419: {  	v51 =	vld [tilespmem:s22+$0x420];
	v43 =	vsub.f32 v58, v28;
	v48 =	vsub.f32 v48, v28;
	v59 =	vmul.f32 v50, v42  }
0x41a: {  	v57 =	vld [tilespmem:s22+$0x60];
	v38 =	vmul.f32 v27, v38;
	v29 =	vadd.f32 v29, v24;
	v45 =	vsub.f32 v45, v47  }
0x41b: {  	v39 =	vmul.f32 v39, v11;
	v49 =	vsub.f32 v49, v35;
	v47 =	vsub.f32 $1.500000000e+00, v59  }
0x41c: {  	v46 =	vmul.f32 v27, v46;
	v43 =	vmul.f32 v27, v43;
	v45 =	vadd.f32 $9.999999960e-13, v45  }
0x41d: {  	[tilespmem:s22+$0x30] =	vst v29;
	v29 =	vmul.f32 v34, v49;
	v42 =	vmul.f32 v47, v42  }
0x41e: {  	v51 =	vsub.f32 v51, v28;
	v48 =	vmul.f32 v27, v48;
	v45 =	vbroadcast v45, $0xF  }
0x41f: {  	v60 =	vld [tilespmem:s22+$0x410];
	v44 =	vsub.f32 v57, v28;
	v29 =	vmul.f32 v29, v25;
	v40 =	vmul.f32 v42, v63  }
0x420: {  	v61 =	vld [tilespmem:s22+$0x430];
	v51 =	vmul.f32 v51, v27;
	v47 =	vmul.f32 $5.000000000e-01, v45;
	v45 =	vshrl.u32 v45, $0x1  }
0x421: {  	v29 =	vadd.f32 v29, v26;
	v40 =	vmul.f32 v40, v42;
	v45 =	vsub.s32 $0x5F3759DF, v45  }
0x422: {  	v37 =	vadd.f32 v37, v22;
	v44 =	vmul.f32 v27, v44;
	v52 =	vmul.f32 v45, v47  }
0x423: {  	s25 =	sshrl.u32 s11, $0x3;
	s30 =	sadd.s32 $0x12100, s1;
	v38 =	vmul.f32 v38, v10;
	v46 =	vmul.f32 v46, v9;
	[tilespmem:s1+$0x12100] =	vst v29;
	v40 =	vsub.f32 $1.500000000e+00, v40  }
0x424: {  	s31 =	smul.u32 $0x6000, s25;
	v39 =	vadd.f32 v39, v16;
	v29 =	vbroadcast v31, $0xF;
	v62 =	vld [tilespmem:s30+$0x30];
	v52 =	vmul.f32 v45, v52  }
0x425: {  	[tilespmem:s2+$0x410] =	vst v32;
	s0 =	sadd.s32 $0x80, s24;
	v50 =	vsub.f32 v60, v28;
	v49 =	vsub.f32 v61, v28;
	v58 =	vld [tilespmem:s30+$0x10];
	v28 =	vmul.f32 v40, v42  }
0x426: {  	s6 =	sand.u32 $0x380, s0;
	v43 =	vmul.f32 v43, v7;
	v48 =	vmul.f32 v48, v6;
	s1 =	sshra.s32 s31, $0x2;
	v54 =	vld [tilespmem:s30+$0x50];
	[tilespmem:s5+$0x0] =	vst v29;
	v52 =	vsub.f32 $1.500000000e+00, v52  }
0x427: {  	v51 =	vmul.f32 v51, v5;
	v57 =	vmul.f32 v44, v8;
	v38 =	vadd.f32 v38, v20;
	s1 =	sor.u32 s6, s1;
	v32 =	vld [tilespmem:s30+$0x400];
	[tilespmem:s3+$0x0] =	vst v28  }
0x428: {  	v46 =	vadd.f32 v46, v17;
	v50 =	vmul.f32 v27, v50;
	v61 =	vld [tilespmem:s1+$0x12100];
	v63 =	vmul.f32 v45, v52  }
0x429: {  	v43 =	vadd.f32 v43, v12;
	v48 =	vadd.f32 v48, v13;
	v27 =	vmul.f32 v49, v27  }
0x42a: {  	v51 =	vadd.f32 v51, v21;
	v50 =	vmul.f32 v50, v4;
	v60 =	vmul.f32 v63, v47  }
0x42b: {  	v27 =	vmul.f32 v27, v3;
	v31 =	vadd.f32 v41, v19;
	v41 =	vsub.f32 v62, v35  }
0x42c: {  	[tilespmem:s2+$0x420] =	vst v30;
	v53 =	vld [tilespmem:s30+$0x40];
	v44 =	vsub.f32 v58, v35;
	v30 =	vsub.f32 v54, v35;
	v49 =	vmul.f32 v60, v63  }
0x42d: {  	v59 =	vld [tilespmem:s30+$0x20];
	v32 =	vsub.f32 v32, v35;
	v41 =	vmul.f32 v34, v41;
	v52 =	vsub.f32 v61, v29  }
0x42e: {  	v55 =	vld [tilespmem:s30+$0x60];
	[tilespmem:s22+$0x10] =	vst v31;
	v62 =	vmul.f32 v34, v44;
	v31 =	vmul.f32 v34, v30;
	v49 =	vsub.f32 $1.500000000e+00, v49  }
0x42f: {  	[tilespmem:s2+$0x400] =	vst v33;
	v33 =	vadd.f32 v27, v22;
	v58 =	vld [tilespmem:s30+$0x410];
	v32 =	vmul.f32 v34, v32;
	v52 =	vmul.f32 v28, v52  }
0x430: {  	v42 =	vadd.f32 v57, v15;
	v27 =	vmul.f32 v41, v23;
	v40 =	vmul.f32 v49, v63;
	v49 =	vld [tilespmem:s30+$0x70]  }
0x431: {  	v57 =	vsub.f32 v53, v35;
	v41 =	vmul.f32 v62, v14;
	v52 =	vmul.f32 v52, v25  }
0x432: {  	v50 =	vadd.f32 v50, v18;
	v31 =	vmul.f32 v31, v9;
	v61 =	vld [tilespmem:s30+$0x420];
	v47 =	vmul.f32 v40, v47  }
0x433: {  	v45 =	vsub.f32 v59, v35;
	v59 =	vmul.f32 v34, v57;
	v56 =	vadd.f32 v52, v26  }
0x434: {  	[tilespmem:s2+$0x430] =	vst v37;
	v62 =	vld [tilespmem:s30+$0x430];
	v32 =	vmul.f32 v32, v6;
	v60 =	vsub.f32 v55, v35;
	v47 =	vmul.f32 v47, v40  }
0x435: {  	s8 =	sadd.s32 $0x12100, s1;
	v58 =	vsub.f32 v58, v35;
	v37 =	vmul.f32 v59, v10;
	[tilespmem:s1+$0x12100] =	vst v56;
	v30 =	vsub.f32 v49, v35  }
0x436: {  	s7 =	sshrl.u32 s23, $0x3;
	v55 =	vmul.f32 v34, v60;
	v63 =	vmul.f32 v34, v45;
	v59 =	vld [tilespmem:s8+$0x30];
	v47 =	vsub.f32 $1.500000000e+00, v47  }
0x437: {  	s9 =	smul.u32 $0x6000, s7;
	[tilespmem:s22+$0x20] =	vst v39;
	v60 =	vsub.f32 v61, v35;
	v61 =	vld [tilespmem:s8+$0x10];
	v57 =	vmul.f32 v34, v30;
	v30 =	vbroadcast v36, $0xF  }
0x438: {  	s0 =	sadd.s32 $0x80, s0;
	[tilespmem:s22+$0x40] =	vst v38;
	v41 =	vadd.f32 v41, v19;
	v45 =	vadd.f32 v27, v24;
	v52 =	vld [tilespmem:s8+$0x20];
	v27 =	vmul.f32 v47, v40  }
0x439: {  	s0 =	sand.u32 $0x380, s0;
	v63 =	vmul.f32 v63, v11;
	s1 =	sshra.s32 s9, $0x2;
	v35 =	vsub.f32 v62, v35;
	v62 =	vmul.f32 v60, v34;
	v53 =	vld [tilespmem:s8+$0x40];
	[tilespmem:s29+$0x0] =	vst v30  }
0x43a: {  	v31 =	vadd.f32 v31, v17;
	v32 =	vadd.f32 v32, v13;
	s10 =	sor.u32 s0, s1;
	v54 =	vld [tilespmem:s8+$0x50];
	[tilespmem:s4+$0x0] =	vst v27  }
0x43b: {  	[tilespmem:s22+$0x60] =	vst v42;
	v39 =	vadd.f32 v63, v16;
	v49 =	vmul.f32 v55, v8;
	v42 =	vmul.f32 v62, v5;
	v63 =	vld [tilespmem:s10+$0x12100]  }
0x43c: {  	[tilespmem:s22+$0x50] =	vst v46;
	v55 =	vld [tilespmem:s8+$0x60];
	v36 =	vmul.f32 v34, v58;
	v34 =	vmul.f32 v35, v34;
	v35 =	vadd.f32 v37, v20  }
0x43d: {  	[tilespmem:s22+$0x70] =	vst v43;
	v60 =	vld [tilespmem:s8+$0x410];
	v43 =	vadd.f32 v49, v15;
	v42 =	vadd.f32 v42, v21  }
0x43e: {  	[tilespmem:s22+$0x400] =	vst v48;
	v38 =	vmul.f32 v57, v7;
	v40 =	vsub.f32 v59, v29;
	v57 =	vsub.f32 v61, v29  }
0x43f: {  	[tilespmem:s22+$0x420] =	vst v51;
	v58 =	vld [tilespmem:s8+$0x70];
	v36 =	vmul.f32 v36, v4;
	v44 =	vsub.f32 v52, v29;
	v62 =	vsub.f32 v53, v29  }
0x440: {  	[tilespmem:s22+$0x410] =	vst v50;
	v56 =	vmul.f32 v34, v3;
	v50 =	vsub.f32 v54, v29;
	v37 =	vsub.f32 v63, v30  }
0x441: {  	[tilespmem:s30+$0x10] =	vst v41;
	v52 =	vsub.f32 v55, v29;
	v40 =	vmul.f32 v28, v40;
	v34 =	vmul.f32 v28, v57  }
0x442: {  	[tilespmem:s30+$0x50] =	vst v31;
	v59 =	vld [tilespmem:s8+$0x400];
	v41 =	vsub.f32 v60, v29;
	v61 =	vmul.f32 v28, v44;
	v37 =	vmul.f32 v27, v37  }
0x443: {  	[tilespmem:s30+$0x40] =	vst v35;
	v38 =	vadd.f32 v38, v12;
	v31 =	vmul.f32 v28, v62;
	v35 =	vmul.f32 v28, v50;
	v63 =	vld [tilespmem:s8+$0x420]  }
0x444: {  	[tilespmem:s22+$0x430] =	vst v33;
	v51 =	vld [tilespmem:s8+$0x430];
	v47 =	vsub.f32 v58, v29;
	v58 =	vmul.f32 v28, v41;
	v25 =	vmul.f32 v37, v25  }
0x445: {  	[tilespmem:s30+$0x400] =	vst v32;
	v36 =	vadd.f32 v36, v18;
	v40 =	vmul.f32 v40, v23;
	v34 =	vmul.f32 v34, v14  }
0x446: {  	[tilespmem:s30+$0x20] =	vst v39;
	v39 =	vmul.f32 v61, v11;
	v54 =	vmul.f32 v28, v47;
	v25 =	vadd.f32 v25, v26  }
0x447: {  	v33 =	vadd.f32 v56, v22;
	[tilespmem:s30+$0x410] =	vst v36;
	v31 =	vmul.f32 v31, v10;
	v56 =	vmul.f32 v35, v9  }
0x448: {  	s0 =	sadd.s32 $0x12100, s10;
	v36 =	vmul.f32 v58, v4;
	v53 =	vsub.f32 v59, v29;
	v55 =	vsub.f32 v63, v29;
	[tilespmem:s10+$0x12100] =	vst v25  }
0x449: {  	[tilespmem:s30+$0x30] =	vst v45;
	v40 =	vadd.f32 v40, v24;
	v61 =	vmul.f32 v54, v7;
	v29 =	vsub.f32 v51, v29;
	v57 =	vld [tilespmem:s0+$0x30]  }
0x44a: {  	[tilespmem:s30+$0x60] =	vst v43;
	v34 =	vadd.f32 v34, v19;
	v26 =	vmul.f32 v28, v52;
	v59 =	vmul.f32 v55, v28;
	v60 =	vld [tilespmem:s0+$0x10]  }
0x44b: {  	[tilespmem:s30+$0x420] =	vst v42;
	v39 =	vadd.f32 v39, v16;
	v25 =	vmul.f32 v28, v53;
	v28 =	vmul.f32 v29, v28;
	v29 =	vld [tilespmem:s0+$0x20]  }
0x44c: {  	[tilespmem:s30+$0x70] =	vst v38;
	v31 =	vadd.f32 v31, v20;
	v32 =	vadd.f32 v56, v17;
	v26 =	vmul.f32 v26, v8;
	v62 =	vld [tilespmem:s0+$0x40]  }
0x44d: {  	[tilespmem:s30+$0x430] =	vst v33;
	v33 =	vadd.f32 v61, v12;
	v63 =	vld [tilespmem:s0+$0x50];
	v42 =	vmul.f32 v59, v5;
	v25 =	vmul.f32 v25, v6  }
0x44e: {  	[tilespmem:s8+$0x40] =	vst v31;
	v31 =	vadd.f32 v36, v18;
	v43 =	vld [tilespmem:s0+$0x60];
	v26 =	vadd.f32 v26, v15;
	v28 =	vmul.f32 v28, v3  }
0x44f: {  	[tilespmem:s8+$0x10] =	vst v34;
	v44 =	vld [tilespmem:s0+$0x70];
	v34 =	vadd.f32 v42, v21;
	v25 =	vadd.f32 v25, v13  }
0x450: {  	[tilespmem:s8+$0x30] =	vst v40;
	v45 =	vld [tilespmem:s0+$0x400];
	v28 =	vadd.f32 v28, v22;
	v35 =	vsub.f32 v57, v30  }
0x451: {  	[tilespmem:s8+$0x20] =	vst v39;
	v48 =	vld [tilespmem:s0+$0x410];
	v38 =	vsub.f32 v60, v30;
	v29 =	vsub.f32 v29, v30  }
0x452: {  	[tilespmem:s8+$0x60] =	vst v26;
	v26 =	vsub.f32 v62, v30;
	v47 =	vsub.f32 v63, v30  }
0x453: {  	[tilespmem:s8+$0x50] =	vst v32;
	v49 =	vsub.f32 v43, v30;
	v35 =	vmul.f32 v27, v35;
	v46 =	vmul.f32 v27, v38  }
0x454: {  	v50 =	vld [tilespmem:s0+$0x420];
	[tilespmem:s8+$0x400] =	vst v25;
	v51 =	vsub.f32 v44, v30;
	v29 =	vmul.f32 v27, v29;
	v25 =	vmul.f32 v27, v26  }
0x455: {  	[tilespmem:s8+$0x410] =	vst v31;
	v52 =	vsub.f32 v45, v30;
	v26 =	vmul.f32 v27, v47;
	v23 =	vmul.f32 v35, v23  }
0x456: {  	v31 =	vld [tilespmem:s0+$0x430];
	[tilespmem:s8+$0x430] =	vst v28;
	v28 =	vsub.f32 v48, v30;
	v14 =	vmul.f32 v46, v14;
	v11 =	vmul.f32 v29, v11  }
0x457: {  	[tilespmem:s8+$0x70] =	vst v33;
	v29 =	vmul.f32 v27, v49;
	v10 =	vmul.f32 v25, v10;
	v23 =	vadd.f32 v23, v24  }
0x458: {  	[tilespmem:s8+$0x420] =	vst v34;
	v25 =	vmul.f32 v27, v52;
	v9 =	vmul.f32 v26, v9;
	v14 =	vadd.f32 v14, v19  }
0x459: {  	v24 =	vmul.f32 v27, v51;
	v19 =	vsub.f32 v50, v30;
	v11 =	vadd.f32 v11, v16;
	[tilespmem:s0+$0x30] =	vst v23  }
0x45a: {  	v16 =	vmul.f32 v27, v28;
	v10 =	vadd.f32 v10, v20;
	v8 =	vmul.f32 v29, v8;
	[tilespmem:s0+$0x10] =	vst v14  }
0x45b: {  	v9 =	vadd.f32 v9, v17;
	v6 =	vmul.f32 v25, v6;
	v14 =	vsub.f32 v31, v30;
	[tilespmem:s0+$0x20] =	vst v11  }
0x45c: {  	v7 =	vmul.f32 v24, v7;
	v11 =	vmul.f32 v19, v27;
	[tilespmem:s0+$0x40] =	vst v10;
	v8 =	vadd.f32 v8, v15  }
0x45d: {  	[tilespmem:s0+$0x50] =	vst v9;
	v4 =	vmul.f32 v16, v4;
	v6 =	vadd.f32 v6, v13;
	v10 =	vmul.f32 v14, v27  }
0x45e: {  	v7 =	vadd.f32 v7, v12;
	v5 =	vmul.f32 v11, v5;
	[tilespmem:s0+$0x60] =	vst v8  }
0x45f: {  	v4 =	vadd.f32 v4, v18;
	[tilespmem:s0+$0x400] =	vst v6;
	v3 =	vmul.f32 v10, v3  }
0x460: {  	[tilespmem:s0+$0x70] =	vst v7;
	v5 =	vadd.f32 v5, v21  }
0x461: {  	[tilespmem:s0+$0x410] =	vst v4;
	v3 =	vadd.f32 v3, v22  }
0x462: {  	[tilespmem:s0+$0x420] =	vst v5  }
0x463: {  	[tilespmem:s0+$0x430] =	vst v3  }
0x464: {  	v20 =	vld [tilespmem:$0x1D1C0]  }
0x465: {  	v19 =	vld [tilespmem:$0x1D1D0]  }
0x466: {  	v21 =	vld [tilespmem:$0x1D1E0]  }
0x467: {  	v22 =	vld [tilespmem:$0x1D1F0]  }
0x468: {  	v15 =	vld [tilespmem:$0x1D200]  }
0x469: {  	v4 =	vld [tilespmem:$0x1D210]  }
0x46a: {  	v5 =	vld [tilespmem:$0x1D220]  }
0x46b: {  	v3 =	vld [tilespmem:$0x1D230]  }
0x46c: {  	v12 =	vld [tilespmem:$0x1D240]  }
0x46d: {  	v10 =	vld [tilespmem:$0x1D250]  }
0x46e: {  	v7 =	vld [tilespmem:$0x1D260]  }
0x46f: {  	v17 =	vld [tilespmem:$0x1D270]  }
0x470: {  	v24 =	vld [tilespmem:$0x1D4C0]  }
0x471: {  	v23 =	vld [tilespmem:$0x1D4D0]  }
0x472: {  	v27 =	vld [tilespmem:$0x1D4E0]  }
0x473: {  	s11 =	simm.s32 $0x0;
	v28 =	vld [tilespmem:$0x1D4F0]  }
0x474: {  	s0 =	smul.u32 $0x6000, s11;
	v16 =	vld [tilespmem:$0x1D500]  }
0x475: {  	s12 =	simm.s32 $0x0;
	v6 =	vld [tilespmem:$0x1D510]  }
0x476: {  	s13 =	simm.s32 $0x19100;
	s1 =	sand.u32 $0x380, s12;
	v8 =	vld [tilespmem:$0x1D520];
	s0 =	sshra.s32 s0, $0x2  }
0x477: {  	s14 =	simm.s32 $0x18100;
	v33 =	vld [tilespmem:s13+$0x0];
	s15 =	sor.u32 s1, s0  }
0x478: {  	v34 =	vld [tilespmem:s14+$0x0];
	s0 =	sadd.s32 $0x12100, s15  }
0x479: {  	v13 =	vld [tilespmem:s0+$0x470]  }
0x47a: {  	s17 =	simm.s32 $0x0;
	v18 =	vld [tilespmem:s0+$0x460]  }
0x47b: {  	s1 =	smul.u32 $0x6000, s17;
	v25 =	vld [tilespmem:s0+$0x440]  }
0x47c: {  	s18 =	simm.s32 $0x80;
	v26 =	vld [tilespmem:s0+$0x450]  }
0x47d: {  	s2 =	sand.u32 $0x380, s18;
	v9 =	vld [tilespmem:$0x1D530];
	s1 =	sshra.s32 s1, $0x2  }
0x47e: {  	v11 =	vld [tilespmem:$0x1D540];
	s16 =	sor.u32 s2, s1;
	v29 =	vsub.f32 v13, v34  }
0x47f: {  	v14 =	vld [tilespmem:$0x1D550];
	s21 =	sadd.s32 $0x12100, s16;
	v30 =	vsub.f32 v18, v34  }
0x480: {  	v54 =	vld [tilespmem:s21+$0x470];
	v25 =	vsub.f32 v25, v34;
	v29 =	vmul.f32 v29, v33  }
0x481: {  	v55 =	vld [tilespmem:s21+$0x460];
	v31 =	vsub.f32 v26, v34;
	v30 =	vmul.f32 v30, v33  }
0x482: {  	v56 =	vld [tilespmem:s21+$0x440];
	v25 =	vmul.f32 v25, v33;
	v53 =	vmul.f32 v29, v22  }
0x483: {  	s20 =	simm.s32 $0x18180;
	v13 =	vld [tilespmem:$0x1D560];
	v31 =	vmul.f32 v31, v33;
	v30 =	vmul.f32 v30, v21  }
0x484: {  	v29 =	vld [tilespmem:s20+$0x0];
	v25 =	vmul.f32 v25, v20;
	v32 =	vadd.f32 v53, v28  }
0x485: {  	s19 =	simm.s32 $0x19180;
	v18 =	vld [tilespmem:$0x1D570];
	v31 =	vmul.f32 v31, v19;
	v30 =	vadd.f32 v30, v27  }
0x486: {  	v26 =	vld [tilespmem:s19+$0x0];
	v25 =	vadd.f32 v25, v24;
	[tilespmem:s0+$0x470] =	vst v32  }
0x487: {  	v31 =	vadd.f32 v31, v23;
	[tilespmem:s0+$0x460] =	vst v30;
	v30 =	vld [tilespmem:s21+$0x450]  }
0x488: {  	[tilespmem:s0+$0x440] =	vst v25  }
0x489: {  	s2 =	sadd.s32 $0x12900, s15;
	[tilespmem:s0+$0x450] =	vst v31;
	v25 =	vsub.f32 v54, v29  }
0x48a: {  	s22 =	simm.s32 $0x0;
	v31 =	vld [tilespmem:s2+$0x70];
	v57 =	vsub.f32 v55, v29  }
0x48b: {  	s0 =	smul.u32 $0x6000, s22;
	v32 =	vsub.f32 v56, v29;
	v58 =	vld [tilespmem:s15+$0x12900];
	v25 =	vmul.f32 v25, v26  }
0x48c: {  	s23 =	simm.s32 $0x100;
	v59 =	vld [tilespmem:s2+$0x50];
	v35 =	vmul.f32 v57, v26;
	v30 =	vsub.f32 v30, v29  }
0x48d: {  	s1 =	sand.u32 $0x380, s23;
	v60 =	vld [tilespmem:s2+$0x40];
	s0 =	sshra.s32 s0, $0x2;
	v32 =	vmul.f32 v32, v26;
	v61 =	vmul.f32 v25, v22  }
0x48e: {  	s24 =	simm.s32 $0x19200;
	v62 =	vld [tilespmem:s2+$0x60];
	s4 =	sor.u32 s1, s0;
	v35 =	vmul.f32 v35, v21;
	v30 =	vmul.f32 v30, v26  }
0x48f: {  	s29 =	sadd.s32 $0x12100, s4;
	v32 =	vmul.f32 v32, v20;
	v25 =	vld [tilespmem:s24+$0x0];
	v39 =	vadd.f32 v61, v28  }
0x490: {  	v42 =	vld [tilespmem:s29+$0x470];
	v31 =	vsub.f32 v31, v34;
	v35 =	vadd.f32 v35, v27;
	v63 =	vmul.f32 v30, v19  }
0x491: {  	s25 =	simm.s32 $0x18200;
	v46 =	vld [tilespmem:s29+$0x460];
	v36 =	vsub.f32 v58, v34;
	v32 =	vadd.f32 v32, v24;
	[tilespmem:s21+$0x470] =	vst v39  }
0x492: {  	v37 =	vsub.f32 v59, v34;
	v31 =	vmul.f32 v31, v33;
	v30 =	vld [tilespmem:s25+$0x0];
	[tilespmem:s21+$0x460] =	vst v35;
	v45 =	vadd.f32 v63, v23  }
0x493: {  	v48 =	vld [tilespmem:s29+$0x440];
	v40 =	vsub.f32 v62, v34;
	v36 =	vmul.f32 v36, v33;
	[tilespmem:s21+$0x440] =	vst v32  }
0x494: {  	s30 =	simm.s32 $0x0;
	s3 =	sadd.s32 $0x12900, s16;
	v50 =	vld [tilespmem:s29+$0x450];
	v47 =	vsub.f32 v60, v34;
	v49 =	vmul.f32 v37, v33;
	v31 =	vmul.f32 v31, v17;
	[tilespmem:s21+$0x450] =	vst v45  }
0x495: {  	s1 =	smul.u32 $0x6000, s30;
	v40 =	vmul.f32 v40, v33;
	v36 =	vmul.f32 v36, v15;
	v39 =	vld [tilespmem:s3+$0x70]  }
0x496: {  	s12 =	simm.s32 $0x180;
	v35 =	vmul.f32 v47, v33;
	v32 =	vmul.f32 v49, v10;
	v31 =	vadd.f32 v31, v18;
	v51 =	vld [tilespmem:s3+$0x50]  }
0x497: {  	s31 =	sand.u32 $0x380, s12;
	s1 =	sshra.s32 s1, $0x2;
	v56 =	vmul.f32 v40, v7;
	v36 =	vadd.f32 v36, v16;
	v41 =	vsub.f32 v46, v30;
	v52 =	vld [tilespmem:s3+$0x40]  }
0x498: {  	s5 =	sor.u32 s31, s1;
	v35 =	vmul.f32 v35, v12;
	v42 =	vsub.f32 v42, v30;
	[tilespmem:s2+$0x70] =	vst v31;
	v31 =	vsub.f32 v48, v30;
	v53 =	vld [tilespmem:s16+$0x12900]  }
0x499: {  	s20 =	sadd.s32 $0x12100, s5;
	v32 =	vadd.f32 v32, v14;
	v37 =	vsub.f32 v50, v30;
	v60 =	vld [tilespmem:s3+$0x60];
	v41 =	vmul.f32 v41, v25  }
0x49a: {  	v63 =	vld [tilespmem:s20+$0x470];
	v55 =	vadd.f32 v35, v11;
	[tilespmem:s15+$0x12900] =	vst v36;
	v54 =	vmul.f32 v42, v25;
	v31 =	vmul.f32 v31, v25  }
0x49b: {  	v35 =	vadd.f32 v56, v13;
	v57 =	vld [tilespmem:s2+$0x10];
	v37 =	vmul.f32 v37, v25;
	v41 =	vmul.f32 v41, v21  }
0x49c: {  	v59 =	vld [tilespmem:s2+$0x20];
	v31 =	vmul.f32 v31, v20;
	v58 =	vsub.f32 v51, v29;
	v39 =	vsub.f32 v39, v29  }
0x49d: {  	s23 =	simm.s32 $0x18280;
	v61 =	vld [tilespmem:s2+$0x30];
	v36 =	vmul.f32 v54, v22;
	v44 =	vsub.f32 v52, v29;
	v38 =	vsub.f32 v53, v29  }
0x49e: {  	[tilespmem:s2+$0x50] =	vst v32;
	v32 =	vld [tilespmem:s23+$0x0];
	v37 =	vmul.f32 v37, v19;
	v45 =	vsub.f32 v60, v29;
	v41 =	vadd.f32 v41, v27  }
0x49f: {  	v62 =	vadd.f32 v31, v24;
	v36 =	vadd.f32 v36, v28;
	v42 =	vmul.f32 v58, v26  }
0x4a0: {  	[tilespmem:s2+$0x40] =	vst v55;
	v37 =	vadd.f32 v37, v23;
	v39 =	vmul.f32 v39, v26;
	v44 =	vmul.f32 v44, v26  }
0x4a1: {  	v54 =	vld [tilespmem:s20+$0x440];
	v38 =	vmul.f32 v38, v26;
	v40 =	vsub.f32 v57, v34;
	v43 =	vsub.f32 v59, v34;
	[tilespmem:s29+$0x470] =	vst v36  }
0x4a2: {  	v53 =	vld [tilespmem:s20+$0x460];
	v34 =	vsub.f32 v61, v34;
	v59 =	vmul.f32 v45, v26;
	[tilespmem:s29+$0x460] =	vst v41;
	v39 =	vmul.f32 v39, v17  }
0x4a3: {  	s22 =	simm.s32 $0x19280;
	v55 =	vld [tilespmem:s20+$0x450];
	v57 =	vsub.f32 v63, v32;
	[tilespmem:s29+$0x440] =	vst v62;
	v38 =	vmul.f32 v38, v15;
	v43 =	vmul.f32 v43, v33  }
0x4a4: {  	s11 =	sadd.s32 $0x12900, s4;
	v31 =	vld [tilespmem:s22+$0x0];
	[tilespmem:s29+$0x450] =	vst v37;
	v40 =	vmul.f32 v40, v33;
	v42 =	vmul.f32 v42, v10;
	v39 =	vadd.f32 v39, v18  }
0x4a5: {  	[tilespmem:s2+$0x60] =	vst v35;
	v37 =	vld [tilespmem:s11+$0x70];
	v33 =	vmul.f32 v34, v33;
	v38 =	vadd.f32 v38, v16;
	v43 =	vmul.f32 v43, v5  }
0x4a6: {  	v63 =	vsub.f32 v54, v32;
	v56 =	vmul.f32 v40, v4;
	v40 =	vld [tilespmem:s11+$0x50];
	v58 =	vadd.f32 v42, v14;
	[tilespmem:s3+$0x70] =	vst v39  }
0x4a7: {  	v52 =	vmul.f32 v44, v12;
	v35 =	vld [tilespmem:s11+$0x40];
	v60 =	vsub.f32 v53, v32;
	v61 =	vadd.f32 v43, v8;
	[tilespmem:s16+$0x12900] =	vst v38  }
0x4a8: {  	v41 =	vld [tilespmem:s4+$0x12900];
	v34 =	vmul.f32 v59, v7;
	v62 =	vmul.f32 v33, v3;
	v47 =	vadd.f32 v56, v6;
	[tilespmem:s3+$0x50] =	vst v58  }
0x4a9: {  	v42 =	vmul.f32 v57, v31;
	v33 =	vld [tilespmem:s11+$0x60];
	v36 =	vadd.f32 v52, v11;
	v45 =	vmul.f32 v60, v31;
	[tilespmem:s2+$0x20] =	vst v61  }
0x4aa: {  	s10 =	simm.s32 $0x4;
	v44 =	vmul.f32 v63, v31;
	v43 =	vsub.f32 v55, v32;
	v39 =	vadd.f32 v62, v9;
	v38 =	vld [tilespmem:s3+$0x10];
	[tilespmem:s2+$0x10] =	vst v47  }
.LBB2_25:
0x4ab: {  	s0 =	sshrl.u32 s10, $0x3;
	p0 =	sne.s32 s10, $0x1F;
	v45 =	vmul.f32 v45, v21;
	v40 =	vsub.f32 v40, v30;
	v37 =	vsub.f32 v37, v30  }
0x4ac: {  	s10 =	sadd.s32 $0x1, s10;
	v46 =	vld [tilespmem:s3+$0x20];
	[tilespmem:s2+$0x30] =	vst v39;
	v39 =	vmovc v26;
	v26 =	vmovc v25;
	v25 =	vmov v31;
	v47 =	vmov v29;
	v29 =	vmov v30;
	s2 =	smov.u32 s3;
	s3 =	smov.u32 s11  }
0x4ad: {  	s0 =	smul.u32 $0x6000, s0;
	v31 =	vmul.f32 v44, v20;
	v43 =	vmul.f32 v43, v25;
	v35 =	vsub.f32 v35, v29;
	v44 =	vld [tilespmem:s2+$0x30];
	[tilespmem:s2+$0x40] =	vst v36  }
0x4ae: {  	v42 =	vmul.f32 v42, v22;
	s12 =	sadd.s32 $0x80, s12;
	v30 =	vmovc v32;
	v36 =	vadd.f32 v45, v27;
	v41 =	vsub.f32 v41, v29  }
0x4af: {  	s22 =	sadd.s32 $0x80, s22;
	s1 =	sand.u32 $0x380, s12;
	v40 =	vmul.f32 v40, v26;
	v37 =	vmul.f32 v37, v26;
	s0 =	sshra.s32 s0, $0x2;
	v45 =	vadd.f32 v31, v24  }
0x4b0: {  	s23 =	sadd.s32 $0x80, s23;
	v42 =	vadd.f32 v42, v28;
	v43 =	vmul.f32 v43, v19;
	v35 =	vmul.f32 v35, v26;
	v31 =	vld [tilespmem:s22+$0x0];
	s0 =	sor.u32 s1, s0  }
0x4b1: {  	v41 =	vmul.f32 v41, v26;
	v37 =	vmul.f32 v37, v17;
	v38 =	vsub.f32 v38, v47;
	v32 =	vld [tilespmem:s23+$0x0];
	s1 =	sadd.s32 $0x12100, s0  }
0x4b2: {  	v43 =	vadd.f32 v43, v23;
	v49 =	vmul.f32 v35, v12;
	v35 =	vsub.f32 v46, v47;
	v48 =	vld [tilespmem:s1+$0x470];
	[tilespmem:s20+$0x470] =	vst v42  }
0x4b3: {  	v42 =	vld [tilespmem:s1+$0x460];
	[tilespmem:s20+$0x460] =	vst v36;
	v36 =	vmul.f32 v41, v15;
	v41 =	vadd.f32 v37, v18;
	v37 =	vmul.f32 v38, v39  }
0x4b4: {  	v34 =	vadd.f32 v34, v13;
	v44 =	vsub.f32 v44, v47;
	v35 =	vmul.f32 v35, v39;
	v38 =	vld [tilespmem:s1+$0x440];
	[tilespmem:s20+$0x440] =	vst v45  }
0x4b5: {  	s11 =	sadd.s32 $0x12900, s5;
	v33 =	vsub.f32 v33, v29;
	v45 =	vld [tilespmem:s1+$0x450];
	[tilespmem:s20+$0x450] =	vst v43;
	v43 =	vmul.f32 v40, v10;
	v46 =	vmul.f32 v37, v4;
	s20 =	smov.u32 s1  }
0x4b6: {  	v39 =	vmul.f32 v44, v39;
	v36 =	vadd.f32 v36, v16;
	v47 =	vmul.f32 v35, v5;
	v37 =	vld [tilespmem:s11+$0x70];
	[tilespmem:s2+$0x60] =	vst v34  }
.Ltmp11:
0x4b7: {  	v34 =	vsub.f32 v48, v32;
	v40 =	vld [tilespmem:s11+$0x50];
	v43 =	vadd.f32 v43, v14;
	v48 =	vmul.f32 v33, v26;
	[tilespmem:s3+$0x70] =	vst v41;
	(pc) =	sbr.rel @p0 .LBB2_25-.Ltmp11, $4  }
0x4b8: {  	v39 =	vmul.f32 v39, v3;
	v33 =	vsub.f32 v42, v32;
	v35 =	vld [tilespmem:s11+$0x40];
	[tilespmem:s4+$0x12900] =	vst v36;
	v36 =	vadd.f32 v47, v8;
	s4 =	smov.u32 s5;
	s5 =	smov.u32 s0  }
0x4b9: {  	v46 =	vadd.f32 v46, v6;
	v38 =	vsub.f32 v38, v32;
	v42 =	vmul.f32 v34, v31;
	v41 =	vld [tilespmem:s4+$0x12900];
	[tilespmem:s3+$0x50] =	vst v43  }
0x4ba: {  	v39 =	vadd.f32 v39, v9;
	v43 =	vsub.f32 v45, v32;
	v45 =	vmul.f32 v33, v31;
	v33 =	vld [tilespmem:s11+$0x60];
	[tilespmem:s2+$0x20] =	vst v36  }
0x4bb: {  	v34 =	vmul.f32 v48, v7;
	v36 =	vadd.f32 v49, v11;
	v44 =	vmul.f32 v38, v31;
	v38 =	vld [tilespmem:s3+$0x10];
	[tilespmem:s2+$0x10] =	vst v46  }
0x4bc: {  	v22 =	vmul.f32 v42, v22  }
0x4bd: {  	v21 =	vmul.f32 v45, v21;
	v52 =	vmul.f32 v43, v31  }
0x4be: {  	v20 =	vmul.f32 v44, v20;
	v22 =	vadd.f32 v22, v28  }
0x4bf: {  	v21 =	vadd.f32 v21, v27;
	v19 =	vmul.f32 v52, v19  }
0x4c0: {  	v20 =	vadd.f32 v20, v24;
	[tilespmem:s20+$0x470] =	vst v22  }
0x4c1: {  	v19 =	vadd.f32 v19, v23;
	[tilespmem:s20+$0x460] =	vst v21  }
0x4c2: {  	v27 =	vld [tilespmem:s3+$0x30];
	v21 =	vsub.f32 v37, v30;
	[tilespmem:s20+$0x440] =	vst v20  }
0x4c3: {  	s0 =	sadd.s32 $0x12900, s5;
	v22 =	vsub.f32 v41, v30;
	v20 =	vld [tilespmem:s3+$0x20];
	[tilespmem:s20+$0x450] =	vst v19  }
0x4c4: {  	v19 =	vsub.f32 v40, v30;
	v21 =	vmul.f32 v21, v25;
	v23 =	vld [tilespmem:s0+$0x70]  }
0x4c5: {  	v22 =	vmul.f32 v22, v25;
	v24 =	vld [tilespmem:s5+$0x12900]  }
0x4c6: {  	v19 =	vmul.f32 v19, v25;
	v21 =	vmul.f32 v21, v17  }
0x4c7: {  	v28 =	vsub.f32 v38, v29;
	v27 =	vsub.f32 v27, v29;
	v22 =	vmul.f32 v22, v15  }
0x4c8: {  	v20 =	vsub.f32 v20, v29;
	v21 =	vadd.f32 v21, v18;
	v19 =	vmul.f32 v19, v10  }
0x4c9: {  	v22 =	vadd.f32 v22, v16;
	v23 =	vsub.f32 v23, v32  }
0x4ca: {  	v20 =	vmul.f32 v20, v26;
	v19 =	vadd.f32 v19, v14;
	[tilespmem:s11+$0x70] =	vst v21;
	v21 =	vsub.f32 v24, v32  }
0x4cb: {  	v29 =	vld [tilespmem:s0+$0x40];
	v24 =	vmul.f32 v28, v26;
	[tilespmem:s4+$0x12900] =	vst v22;
	v22 =	vmul.f32 v23, v31  }
0x4cc: {  	v28 =	vld [tilespmem:s0+$0x50];
	v26 =	vmul.f32 v27, v26;
	v23 =	vsub.f32 v35, v30;
	[tilespmem:s11+$0x50] =	vst v19;
	v19 =	vmul.f32 v21, v31  }
0x4cd: {  	v20 =	vmul.f32 v20, v5;
	v21 =	vadd.f32 v34, v13;
	v27 =	vld [tilespmem:s11+$0x10];
	v17 =	vmul.f32 v22, v17  }
0x4ce: {  	v24 =	vmul.f32 v24, v4;
	v53 =	vld [tilespmem:s11+$0x20];
	v22 =	vsub.f32 v33, v30;
	v15 =	vmul.f32 v19, v15  }
0x4cf: {  	v19 =	vadd.f32 v20, v8;
	v20 =	vmul.f32 v26, v3;
	v17 =	vadd.f32 v17, v18  }
0x4d0: {  	[tilespmem:s2+$0x30] =	vst v39;
	v18 =	vmul.f32 v23, v25;
	v23 =	vadd.f32 v24, v6;
	v24 =	vld [tilespmem:s11+$0x30];
	v15 =	vadd.f32 v15, v16  }
0x4d1: {  	v26 =	vsub.f32 v29, v32;
	v16 =	vmul.f32 v22, v25;
	v22 =	vld [tilespmem:s0+$0x60];
	v20 =	vadd.f32 v20, v9;
	[tilespmem:s0+$0x70] =	vst v17  }
0x4d2: {  	v27 =	vsub.f32 v27, v30;
	v17 =	vmul.f32 v18, v12;
	v18 =	vsub.f32 v28, v32;
	[tilespmem:s5+$0x12900] =	vst v15  }
0x4d3: {  	[tilespmem:s3+$0x40] =	vst v36;
	v15 =	vmul.f32 v16, v7;
	v16 =	vmul.f32 v26, v31;
	v26 =	vsub.f32 v53, v30;
	v28 =	vld [tilespmem:s0+$0x20]  }
0x4d4: {  	[tilespmem:s3+$0x60] =	vst v21;
	v21 =	vmul.f32 v27, v25;
	v17 =	vadd.f32 v17, v11;
	v18 =	vmul.f32 v18, v31;
	v27 =	vld [tilespmem:s0+$0x10]  }
0x4d5: {  	[tilespmem:s3+$0x20] =	vst v19;
	v12 =	vmul.f32 v16, v12;
	v16 =	vmul.f32 v26, v25;
	v19 =	vsub.f32 v24, v30;
	v24 =	vld [tilespmem:s0+$0x30]  }
0x4d6: {  	[tilespmem:s3+$0x10] =	vst v23;
	v21 =	vmul.f32 v21, v4;
	v10 =	vmul.f32 v18, v10;
	v18 =	vsub.f32 v22, v32  }
0x4d7: {  	[tilespmem:s3+$0x30] =	vst v20;
	v15 =	vadd.f32 v15, v13;
	v16 =	vmul.f32 v16, v5;
	v19 =	vmul.f32 v19, v25  }
0x4d8: {  	[tilespmem:s11+$0x40] =	vst v17;
	v10 =	vadd.f32 v10, v14;
	v14 =	vmul.f32 v18, v31;
	v17 =	vsub.f32 v28, v32  }
0x4d9: {  	[tilespmem:s11+$0x60] =	vst v15;
	v15 =	vadd.f32 v16, v8;
	v16 =	vmul.f32 v19, v3;
	v18 =	vsub.f32 v27, v32  }
0x4da: {  	[tilespmem:s0+$0x50] =	vst v10;
	v10 =	vadd.f32 v21, v6;
	v19 =	vsub.f32 v24, v32;
	v17 =	vmul.f32 v17, v31  }
0x4db: {  	v11 =	vadd.f32 v12, v11;
	v7 =	vmul.f32 v14, v7;
	[tilespmem:s11+$0x20] =	vst v15;
	v14 =	vmul.f32 v18, v31  }
0x4dc: {  	v15 =	vadd.f32 v16, v9;
	[tilespmem:s11+$0x10] =	vst v10;
	v10 =	vmul.f32 v19, v31;
	v5 =	vmul.f32 v17, v5  }
0x4dd: {  	[tilespmem:s0+$0x40] =	vst v11;
	v7 =	vadd.f32 v7, v13;
	v4 =	vmul.f32 v14, v4  }
0x4de: {  	[tilespmem:s11+$0x30] =	vst v15;
	v3 =	vmul.f32 v10, v3;
	v5 =	vadd.f32 v5, v8  }
0x4df: {  	[tilespmem:s0+$0x60] =	vst v7;
	v4 =	vadd.f32 v4, v6  }
0x4e0: {  	v3 =	vadd.f32 v3, v9;
	[tilespmem:s0+$0x20] =	vst v5  }
0x4e1: {  	[tilespmem:s0+$0x10] =	vst v4  }
0x4e2: {  	[tilespmem:s0+$0x30] =	vst v3  }
0x4e3: {  	v30 =	vld [tilespmem:$0x1D280]  }
0x4e4: {  	v13 =	vld [tilespmem:$0x1D290]  }
0x4e5: {  	v12 =	vld [tilespmem:$0x1D2A0]  }
0x4e6: {  	v11 =	vld [tilespmem:$0x1D2B0]  }
0x4e7: {  	v23 =	vld [tilespmem:$0x1D2C0]  }
0x4e8: {  	v21 =	vld [tilespmem:$0x1D2D0]  }
0x4e9: {  	v22 =	vld [tilespmem:$0x1D2E0]  }
0x4ea: {  	v19 =	vld [tilespmem:$0x1D2F0]  }
0x4eb: {  	v9 =	vld [tilespmem:$0x1D300]  }
0x4ec: {  	v4 =	vld [tilespmem:$0x1D310]  }
0x4ed: {  	v3 =	vld [tilespmem:$0x1D320]  }
0x4ee: {  	s24 =	simm.s32 $0x0;
	v5 =	vld [tilespmem:$0x1D330]  }
0x4ef: {  	s0 =	smul.u32 $0x6000, s24;
	v31 =	vld [tilespmem:$0x1D580]  }
0x4f0: {  	s1 =	simm.s32 $0x0;
	v16 =	vld [tilespmem:$0x1D590]  }
0x4f1: {  	s25 =	simm.s32 $0x18100;
	s1 =	sand.u32 $0x380, s1;
	v15 =	vld [tilespmem:$0x1D5A0];
	s0 =	sshra.s32 s0, $0x2  }
0x4f2: {  	v35 =	vld [tilespmem:s25+$0x0];
	s31 =	sor.u32 s1, s0  }
0x4f3: {  	v6 =	vld [tilespmem:s31+$0x12D00]  }
0x4f4: {  	v17 =	vld [tilespmem:$0x1D5B0];
	s1 =	simm.s32 $0x19100  }
0x4f5: {  	v37 =	vld [tilespmem:s1+$0x0]  }
0x4f6: {  	v28 =	vld [tilespmem:$0x1D5C0]  }
0x4f7: {  	v26 =	vld [tilespmem:$0x1D5D0]  }
0x4f8: {  	s2 =	simm.s32 $0x0;
	v25 =	vld [tilespmem:$0x1D5E0];
	v6 =	vsub.f32 v6, v35  }
0x4f9: {  	v24 =	vld [tilespmem:$0x1D5F0];
	s0 =	smul.u32 $0x6000, s2  }
0x4fa: {  	s4 =	simm.s32 $0x80;
	v10 =	vld [tilespmem:$0x1D600];
	v8 =	vmul.f32 v6, v37  }
0x4fb: {  	s5 =	simm.s32 $0x18180;
	v7 =	vld [tilespmem:$0x1D610];
	s1 =	sand.u32 $0x380, s4;
	s0 =	sshra.s32 s0, $0x2  }
0x4fc: {  	v20 =	vld [tilespmem:s5+$0x0];
	s6 =	sor.u32 s1, s0;
	v14 =	vmul.f32 v8, v30  }
0x4fd: {  	v27 =	vld [tilespmem:s6+$0x12D00]  }
0x4fe: {  	v6 =	vld [tilespmem:$0x1D620];
	v18 =	vadd.f32 v14, v31  }
0x4ff: {  	s7 =	simm.s32 $0x19180;
	v8 =	vld [tilespmem:$0x1D630]  }
0x500: {  	s8 =	sadd.s32 $0x12D00, s31;
	v14 =	vld [tilespmem:s7+$0x0];
	[tilespmem:s31+$0x12D00] =	vst v18  }
0x501: {  	v18 =	vld [tilespmem:s8+$0x40]  }
0x502: {  	v29 =	vld [tilespmem:s8+$0x50]  }
0x503: {  	v54 =	vld [tilespmem:s8+$0x60]  }
0x504: {  	v27 =	vsub.f32 v27, v20;
	v55 =	vld [tilespmem:s8+$0x70]  }
0x505: {  	s9 =	simm.s32 $0x0;
	v56 =	vld [tilespmem:s8+$0x10]  }
0x506: {  	s1 =	smul.u32 $0x6000, s9;
	v36 =	vld [tilespmem:s8+$0x20];
	v27 =	vmul.f32 v27, v14  }
0x507: {  	s10 =	simm.s32 $0x100;
	v57 =	vld [tilespmem:s8+$0x30];
	v18 =	vsub.f32 v18, v35  }
0x508: {  	s2 =	sand.u32 $0x380, s10;
	s1 =	sshra.s32 s1, $0x2;
	v27 =	vmul.f32 v27, v30;
	v29 =	vsub.f32 v29, v35  }
0x509: {  	s13 =	sor.u32 s2, s1;
	v32 =	vsub.f32 v54, v35;
	v33 =	vsub.f32 v55, v35;
	v58 =	vmul.f32 v18, v37  }
0x50a: {  	s12 =	simm.s32 $0x18200;
	v60 =	vld [tilespmem:s13+$0x12D00];
	v34 =	vsub.f32 v56, v35;
	v59 =	vadd.f32 v27, v31;
	v29 =	vmul.f32 v29, v37  }
0x50b: {  	s11 =	simm.s32 $0x19200;
	v36 =	vsub.f32 v36, v35;
	v27 =	vld [tilespmem:s12+$0x0];
	v32 =	vmul.f32 v32, v37;
	v39 =	vmul.f32 v58, v23  }
0x50c: {  	s14 =	sadd.s32 $0x12D00, s6;
	v38 =	vsub.f32 v57, v35;
	v18 =	vld [tilespmem:s11+$0x0];
	v33 =	vmul.f32 v33, v37;
	[tilespmem:s6+$0x12D00] =	vst v59;
	v29 =	vmul.f32 v29, v21  }
0x50d: {  	v34 =	vmul.f32 v34, v37;
	v32 =	vmul.f32 v32, v22;
	v40 =	vld [tilespmem:s14+$0x40];
	v39 =	vadd.f32 v39, v28  }
0x50e: {  	v36 =	vmul.f32 v36, v37;
	v33 =	vmul.f32 v33, v19;
	v61 =	vld [tilespmem:s14+$0x50];
	v29 =	vadd.f32 v29, v26  }
0x50f: {  	v38 =	vmul.f32 v38, v37;
	v34 =	vmul.f32 v34, v13;
	v62 =	vld [tilespmem:s14+$0x60];
	v32 =	vadd.f32 v32, v25;
	[tilespmem:s8+$0x40] =	vst v39  }
0x510: {  	v63 =	vld [tilespmem:s14+$0x70];
	v36 =	vmul.f32 v36, v12;
	v33 =	vadd.f32 v33, v24;
	[tilespmem:s8+$0x50] =	vst v29  }
0x511: {  	v38 =	vmul.f32 v38, v11;
	v46 =	vld [tilespmem:s14+$0x10];
	v34 =	vadd.f32 v34, v16;
	[tilespmem:s8+$0x60] =	vst v32  }
0x512: {  	v49 =	vld [tilespmem:s14+$0x20];
	v36 =	vadd.f32 v36, v15;
	v29 =	vsub.f32 v60, v27;
	[tilespmem:s8+$0x70] =	vst v33  }
0x513: {  	s15 =	simm.s32 $0x0;
	v38 =	vadd.f32 v38, v17;
	[tilespmem:s8+$0x10] =	vst v34  }
0x514: {  	s16 =	smul.u32 $0x6000, s15;
	v51 =	vld [tilespmem:s14+$0x30];
	[tilespmem:s8+$0x20] =	vst v36;
	v45 =	vsub.f32 v40, v20;
	v47 =	vsub.f32 v61, v20;
	v29 =	vmul.f32 v29, v18  }
0x515: {  	s17 =	simm.s32 $0x180;
	[tilespmem:s8+$0x30] =	vst v38;
	v48 =	vsub.f32 v62, v20;
	v50 =	vsub.f32 v63, v20  }
0x516: {  	s0 =	sshra.s32 s16, $0x2;
	s1 =	sand.u32 $0x380, s17;
	v38 =	vld [tilespmem:s31+$0x13100];
	v39 =	vsub.f32 v46, v20;
	v32 =	vmul.f32 v45, v14;
	v29 =	vmul.f32 v29, v30  }
0x517: {  	s2 =	sor.u32 s1, s0;
	v41 =	vsub.f32 v49, v20;
	v33 =	vmul.f32 v47, v14;
	v52 =	vmul.f32 v48, v14  }
0x518: {  	s18 =	simm.s32 $0x19280;
	v55 =	vld [tilespmem:s2+$0x12D00];
	v34 =	vmul.f32 v50, v14;
	v32 =	vmul.f32 v32, v23;
	v53 =	vadd.f32 v29, v31  }
0x519: {  	s19 =	simm.s32 $0x18280;
	v42 =	vsub.f32 v51, v20;
	v39 =	vmul.f32 v39, v14;
	v33 =	vmul.f32 v33, v21;
	v29 =	vld [tilespmem:s18+$0x0]  }
0x51a: {  	s20 =	sadd.s32 $0x12D00, s13;
	v56 =	vmul.f32 v41, v14;
	v36 =	vmul.f32 v52, v22;
	v54 =	vadd.f32 v32, v28;
	v32 =	vld [tilespmem:s19+$0x0];
	[tilespmem:s13+$0x12D00] =	vst v53  }
0x51b: {  	v34 =	vmul.f32 v34, v19;
	v38 =	vsub.f32 v38, v35;
	v33 =	vadd.f32 v33, v26;
	v57 =	vld [tilespmem:s20+$0x40]  }
0x51c: {  	v42 =	vmul.f32 v42, v14;
	v39 =	vmul.f32 v39, v13;
	v36 =	vadd.f32 v36, v25;
	[tilespmem:s14+$0x40] =	vst v54;
	v58 =	vld [tilespmem:s20+$0x50]  }
0x51d: {  	v60 =	vmul.f32 v56, v12;
	v59 =	vadd.f32 v34, v24;
	v38 =	vmul.f32 v38, v37;
	[tilespmem:s14+$0x50] =	vst v33;
	v61 =	vld [tilespmem:s20+$0x60]  }
0x51e: {  	v63 =	vmul.f32 v42, v11;
	v62 =	vadd.f32 v39, v16;
	[tilespmem:s14+$0x60] =	vst v36;
	v45 =	vld [tilespmem:s20+$0x70]  }
0x51f: {  	s21 =	simm.s32 $0x0;
	v46 =	vadd.f32 v60, v15;
	[tilespmem:s14+$0x70] =	vst v59;
	v52 =	vld [tilespmem:s20+$0x10];
	v48 =	vmul.f32 v38, v9  }
0x520: {  	s24 =	simm.s32 $0x18300;
	s1 =	smul.u32 $0x6000, s21;
	v47 =	vadd.f32 v63, v17;
	[tilespmem:s14+$0x10] =	vst v62;
	v56 =	vld [tilespmem:s20+$0x20];
	v49 =	vsub.f32 v55, v32  }
0x521: {  	s22 =	simm.s32 $0x200;
	v34 =	vld [tilespmem:s24+$0x0];
	[tilespmem:s14+$0x20] =	vst v46;
	v53 =	vadd.f32 v48, v10  }
0x522: {  	s3 =	sand.u32 $0x380, s22;
	s1 =	sshra.s32 s1, $0x2;
	[tilespmem:s14+$0x30] =	vst v47;
	v59 =	vld [tilespmem:s20+$0x30];
	v50 =	vsub.f32 v57, v27;
	v51 =	vsub.f32 v58, v27;
	v38 =	vmul.f32 v49, v29  }
0x523: {  	s4 =	sor.u32 s3, s1;
	v55 =	vld [tilespmem:s6+$0x13100];
	v54 =	vsub.f32 v61, v27;
	v42 =	vsub.f32 v45, v27  }
0x524: {  	v48 =	vld [tilespmem:s4+$0x12D00];
	v41 =	vsub.f32 v52, v27;
	v33 =	vmul.f32 v50, v18;
	v58 =	vmul.f32 v38, v30  }
0x525: {  	s29 =	sadd.s32 $0x13100, s31;
	[tilespmem:s31+$0x13100] =	vst v53;
	v43 =	vsub.f32 v56, v27;
	v39 =	vmul.f32 v51, v18;
	v57 =	vmul.f32 v54, v18  }
0x526: {  	v60 =	vld [tilespmem:s29+$0x30];
	v42 =	vmul.f32 v42, v18;
	v41 =	vmul.f32 v41, v18;
	v36 =	vadd.f32 v58, v31  }
0x527: {  	s23 =	simm.s32 $0x19300;
	v62 =	vsub.f32 v59, v27;
	v46 =	vld [tilespmem:s29+$0x10];
	v43 =	vmul.f32 v43, v18;
	v61 =	vmul.f32 v33, v23  }
0x528: {  	s10 =	sadd.s32 $0x12D00, s2;
	v40 =	vsub.f32 v55, v20;
	v39 =	vmul.f32 v39, v21;
	v47 =	vmul.f32 v57, v22;
	v33 =	vld [tilespmem:s23+$0x0];
	[tilespmem:s2+$0x12D00] =	vst v36  }
0x529: {  	v53 =	vsub.f32 v48, v34;
	v42 =	vmul.f32 v42, v19;
	v41 =	vmul.f32 v41, v13;
	v50 =	vld [tilespmem:s10+$0x40]  }
0x52a: {  	v59 =	vmul.f32 v43, v12;
	v63 =	vmul.f32 v40, v14;
	v45 =	vadd.f32 v61, v28;
	v51 =	vld [tilespmem:s10+$0x50]  }
0x52b: {  	v39 =	vadd.f32 v39, v26;
	v36 =	vmul.f32 v62, v18;
	v56 =	vsub.f32 v60, v35;
	v57 =	vld [tilespmem:s10+$0x60]  }
0x52c: {  	v49 =	vadd.f32 v47, v25;
	v61 =	vsub.f32 v46, v35;
	v38 =	vmul.f32 v63, v9;
	v60 =	vld [tilespmem:s10+$0x70];
	[tilespmem:s20+$0x40] =	vst v45  }
0x52d: {  	v55 =	vadd.f32 v42, v24;
	v63 =	vld [tilespmem:s29+$0x20];
	[tilespmem:s20+$0x50] =	vst v39;
	v36 =	vmul.f32 v36, v11;
	v42 =	vmul.f32 v56, v37  }
0x52e: {  	v58 =	vadd.f32 v41, v16;
	v62 =	vadd.f32 v59, v15;
	[tilespmem:s20+$0x60] =	vst v49;
	v39 =	vmul.f32 v61, v37;
	v56 =	vld [tilespmem:s10+$0x10]  }
0x52f: {  	[tilespmem:s20+$0x70] =	vst v55;
	v49 =	vld [tilespmem:s10+$0x30];
	v38 =	vadd.f32 v38, v10;
	v36 =	vadd.f32 v36, v17;
	v52 =	vmul.f32 v42, v5  }
0x530: {  	[tilespmem:s20+$0x10] =	vst v58;
	v39 =	vmul.f32 v39, v4;
	v54 =	vsub.f32 v50, v32;
	v45 =	vsub.f32 v51, v32  }
0x531: {  	s3 =	sadd.s32 $0x13100, s6;
	[tilespmem:s6+$0x13100] =	vst v38;
	v44 =	vsub.f32 v57, v32;
	v57 =	vmul.f32 v53, v33;
	v43 =	vsub.f32 v60, v32  }
0x532: {  	[tilespmem:s20+$0x20] =	vst v62;
	v55 =	vld [tilespmem:s3+$0x30];
	v38 =	vadd.f32 v52, v8;
	v41 =	vsub.f32 v63, v35;
	v58 =	vmul.f32 v54, v29  }
0x533: {  	s25 =	simm.s32 $0x0;
	[tilespmem:s20+$0x30] =	vst v36;
	v60 =	vld [tilespmem:s10+$0x20];
	v62 =	vsub.f32 v56, v32;
	v45 =	vmul.f32 v45, v29;
	v44 =	vmul.f32 v44, v29  }
0x534: {  	s0 =	smul.u32 $0x6000, s25;
	v59 =	vld [tilespmem:s13+$0x13100];
	v49 =	vsub.f32 v49, v32;
	v61 =	vmul.f32 v57, v30;
	v43 =	vmul.f32 v43, v29  }
0x535: {  	s22 =	simm.s32 $0x280;
	[tilespmem:s29+$0x30] =	vst v38;
	v37 =	vmul.f32 v41, v37;
	v38 =	vmul.f32 v62, v29  }
0x536: {  	s30 =	simm.s32 $0x18380;
	s0 =	sshra.s32 s0, $0x2;
	s31 =	sand.u32 $0x380, s22;
	v39 =	vadd.f32 v39, v7;
	v50 =	vld [tilespmem:s3+$0x10];
	v49 =	vmul.f32 v49, v29;
	v42 =	vmul.f32 v58, v23  }
0x537: {  	s5 =	sor.u32 s31, s0;
	v35 =	vld [tilespmem:s30+$0x0];
	v45 =	vmul.f32 v45, v21;
	v51 =	vadd.f32 v61, v31;
	v40 =	vsub.f32 v55, v20  }
0x538: {  	s23 =	simm.s32 $0x19380;
	v63 =	vld [tilespmem:s5+$0x12D00];
	[tilespmem:s29+$0x10] =	vst v39;
	v44 =	vmul.f32 v44, v22;
	v53 =	vsub.f32 v60, v32;
	v42 =	vadd.f32 v42, v28  }
0x539: {  	v36 =	vld [tilespmem:s23+$0x0];
	s20 =	sadd.s32 $0x12D00, s4;
	v43 =	vmul.f32 v43, v19;
	v45 =	vadd.f32 v45, v26;
	v46 =	vsub.f32 v59, v27;
	[tilespmem:s4+$0x12D00] =	vst v51  }
0x53a: {  	v38 =	vmul.f32 v38, v13;
	v44 =	vadd.f32 v44, v25;
	v40 =	vmul.f32 v40, v14;
	v54 =	vld [tilespmem:s20+$0x40];
	[tilespmem:s10+$0x40] =	vst v42  }
0x53b: {  	v49 =	vmul.f32 v49, v11;
	v43 =	vadd.f32 v43, v24;
	v56 =	vld [tilespmem:s20+$0x50];
	v55 =	vmul.f32 v46, v18;
	[tilespmem:s10+$0x50] =	vst v45  }
0x53c: {  	v39 =	vmul.f32 v53, v29;
	v57 =	vld [tilespmem:s20+$0x60];
	v58 =	vadd.f32 v38, v16;
	[tilespmem:s10+$0x60] =	vst v44;
	v40 =	vmul.f32 v40, v5  }
0x53d: {  	v60 =	vsub.f32 v63, v35;
	v51 =	vld [tilespmem:s20+$0x70];
	v63 =	vadd.f32 v49, v17;
	[tilespmem:s10+$0x70] =	vst v43;
	v42 =	vmul.f32 v55, v9  }
0x53e: {  	v59 =	vsub.f32 v50, v20;
	v38 =	vld [tilespmem:s3+$0x20];
	v39 =	vmul.f32 v39, v12;
	[tilespmem:s10+$0x10] =	vst v58;
	v40 =	vadd.f32 v40, v8  }
0x53f: {  	v37 =	vmul.f32 v37, v3;
	[tilespmem:s10+$0x30] =	vst v63;
	v42 =	vadd.f32 v42, v10  }
0x540: {  	v61 =	vmul.f32 v59, v14;
	v39 =	vadd.f32 v39, v15;
	v62 =	vsub.f32 v54, v34;
	[tilespmem:s3+$0x30] =	vst v40  }
0x541: {  	s12 =	sadd.s32 $0x13100, s13;
	v41 =	vld [tilespmem:s20+$0x10];
	v46 =	vmul.f32 v60, v36;
	v44 =	vsub.f32 v56, v34;
	v43 =	vsub.f32 v57, v34;
	[tilespmem:s13+$0x13100] =	vst v42  }
0x542: {  	s11 =	simm.s32 $0x6;
	s8 =	simm.s32 $0x0;
	v45 =	vsub.f32 v51, v34;
	[tilespmem:s10+$0x20] =	vst v39;
	v40 =	vmul.f32 v61, v4;
	v42 =	vmul.f32 v62, v33;
	v39 =	vld [tilespmem:s12+$0x30]  }
.LBB2_27:
0x543: {  	v44 =	vmul.f32 v44, v33;
	v43 =	vmul.f32 v43, v33;
	v48 =	vsub.f32 v38, v20;
	v49 =	vmovc v14  }
0x544: {  	p0 =	sne.s32 s11, $0x1F;
	v47 =	vld [tilespmem:s2+$0x13100];
	v14 =	vmovc v18;
	v18 =	vmovc v29;
	v29 =	vmov v33;
	v33 =	vmov v36;
	v20 =	vmov v27  }
0x545: {  	s0 =	sshrl.u32 s11, $0x3;
	v40 =	vadd.f32 v40, v7;
	v27 =	vmovc v32;
	v36 =	vmul.f32 v46, v30;
	v38 =	vld [tilespmem:s20+$0x20];
	v45 =	vmul.f32 v45, v29  }
0x546: {  	v37 =	vadd.f32 v37, v6;
	v32 =	vmovc v34;
	s0 =	smul.u32 $0x6000, s0;
	v42 =	vmul.f32 v42, v23;
	v46 =	vld [tilespmem:s20+$0x30];
	v44 =	vmul.f32 v44, v21  }
0x547: {  	s22 =	sadd.s32 $0x80, s22;
	s23 =	sadd.s32 $0x80, s23;
	v43 =	vmul.f32 v43, v22;
	v50 =	vadd.f32 v36, v31;
	v51 =	vld [tilespmem:s12+$0x10];
	v52 =	vsub.f32 v39, v20;
	[tilespmem:s3+$0x10] =	vst v40  }
0x548: {  	s30 =	sadd.s32 $0x80, s30;
	s1 =	sand.u32 $0x380, s22;
	s0 =	sshra.s32 s0, $0x2;
	v40 =	vadd.f32 v42, v28;
	v36 =	vld [tilespmem:s23+$0x0];
	v39 =	vsub.f32 v41, v32;
	v41 =	vmul.f32 v45, v19;
	[tilespmem:s29+$0x20] =	vst v37  }
0x549: {  	v34 =	vmovc v35;
	s0 =	sor.u32 s1, s0;
	v37 =	vadd.f32 v44, v26;
	s29 =	smov.u32 s3;
	s3 =	smov.u32 s12;
	v42 =	vsub.f32 v47, v27;
	v44 =	vmul.f32 v52, v14;
	v35 =	vld [tilespmem:s30+$0x0]  }
0x54a: {  	s1 =	sadd.s32 $0x12D00, s5;
	v43 =	vadd.f32 v43, v25;
	v45 =	vld [tilespmem:s0+$0x12D00];
	[tilespmem:s5+$0x12D00] =	vst v50;
	v39 =	vmul.f32 v39, v29;
	v38 =	vsub.f32 v38, v32  }
0x54b: {  	v47 =	vld [tilespmem:s1+$0x40];
	v46 =	vsub.f32 v46, v32;
	[tilespmem:s20+$0x40] =	vst v40;
	v40 =	vmul.f32 v42, v18;
	v42 =	vmul.f32 v44, v5  }
0x54c: {  	v44 =	vld [tilespmem:s1+$0x50];
	v39 =	vmul.f32 v39, v13;
	v38 =	vmul.f32 v38, v29;
	[tilespmem:s20+$0x50] =	vst v37;
	v37 =	vadd.f32 v41, v24  }
0x54d: {  	v41 =	vld [tilespmem:s1+$0x60];
	v46 =	vmul.f32 v46, v29;
	[tilespmem:s20+$0x60] =	vst v43;
	v40 =	vmul.f32 v40, v9;
	v42 =	vadd.f32 v42, v8  }
0x54e: {  	v50 =	vld [tilespmem:s1+$0x70];
	v39 =	vadd.f32 v39, v16;
	v43 =	vmul.f32 v38, v12;
	[tilespmem:s20+$0x70] =	vst v37;
	v37 =	vsub.f32 v51, v20  }
.Ltmp12:
0x54f: {  	v46 =	vmul.f32 v46, v11;
	v40 =	vadd.f32 v40, v10;
	v38 =	vld [tilespmem:s3+$0x20];
	[tilespmem:s3+$0x30] =	vst v42;
	v42 =	vmul.f32 v48, v49;
	(pc) =	sbr.rel @p0 .LBB2_27-.Ltmp12, $4  }
0x550: {  	v45 =	vsub.f32 v45, v35;
	[tilespmem:s20+$0x10] =	vst v39;
	v39 =	vadd.f32 v43, v15;
	v48 =	vmul.f32 v37, v14  }
0x551: {  	s12 =	sadd.s32 $0x13100, s2;
	v47 =	vsub.f32 v47, v34;
	v49 =	vadd.f32 v46, v17;
	[tilespmem:s2+$0x13100] =	vst v40;
	v37 =	vmul.f32 v42, v3;
	s2 =	smov.u32 s4;
	s4 =	smov.u32 s5  }
0x552: {  	v44 =	vsub.f32 v44, v34;
	s5 =	smov.u32 s0;
	v43 =	vsub.f32 v41, v34;
	[tilespmem:s20+$0x20] =	vst v39;
	v39 =	vld [tilespmem:s12+$0x30];
	v40 =	vmul.f32 v48, v4  }
0x553: {  	s11 =	sadd.s32 $0x1, s11;
	v46 =	vmul.f32 v45, v36;
	v42 =	vmul.f32 v47, v33;
	v41 =	vld [tilespmem:s1+$0x10];
	v45 =	vsub.f32 v50, v34;
	[tilespmem:s20+$0x30] =	vst v49;
	s20 =	smov.u32 s1  }
0x554: {  	_ = 	snop  }
0x555: {  	v30 =	vmul.f32 v46, v30;
	_ =	sdelay $0x1  }
0x556: {  	v30 =	vadd.f32 v30, v31  }
0x557: {  	v55 =	vld [tilespmem:s20+$0x20]  }
0x558: {  	v44 =	vmul.f32 v44, v33;
	s0 =	sadd.s32 $0x12D00, s5;
	v31 =	vld [tilespmem:s20+$0x30];
	[tilespmem:s5+$0x12D00] =	vst v30  }
0x559: {  	v56 =	vmul.f32 v45, v33;
	v41 =	vsub.f32 v41, v34;
	v57 =	vld [tilespmem:s0+$0x40]  }
0x55a: {  	v42 =	vmul.f32 v42, v23;
	v44 =	vmul.f32 v44, v21;
	v47 =	vld [tilespmem:s0+$0x50]  }
0x55b: {  	v30 =	vmul.f32 v43, v33;
	v41 =	vmul.f32 v41, v33;
	v48 =	vld [tilespmem:s0+$0x60]  }
0x55c: {  	v42 =	vadd.f32 v42, v28;
	v46 =	vsub.f32 v55, v34;
	v43 =	vmul.f32 v56, v19;
	v49 =	vld [tilespmem:s0+$0x70]  }
0x55d: {  	v30 =	vmul.f32 v30, v22;
	v31 =	vsub.f32 v31, v34;
	v41 =	vmul.f32 v41, v13  }
0x55e: {  	v44 =	vadd.f32 v44, v26;
	v46 =	vmul.f32 v46, v33;
	v43 =	vadd.f32 v43, v24  }
0x55f: {  	v50 =	vld [tilespmem:s0+$0x10];
	v30 =	vadd.f32 v30, v25;
	v31 =	vmul.f32 v31, v33;
	v41 =	vadd.f32 v41, v16  }
0x560: {  	v51 =	vld [tilespmem:s0+$0x20];
	v46 =	vmul.f32 v46, v12;
	v45 =	vsub.f32 v57, v35;
	v59 =	vsub.f32 v48, v35  }
0x561: {  	[tilespmem:s20+$0x40] =	vst v42;
	v60 =	vld [tilespmem:s0+$0x30];
	v58 =	vsub.f32 v47, v35;
	v62 =	vsub.f32 v49, v35;
	v31 =	vmul.f32 v31, v11  }
0x562: {  	[tilespmem:s20+$0x50] =	vst v44;
	v61 =	vadd.f32 v46, v15;
	v45 =	vmul.f32 v45, v36;
	v63 =	vmul.f32 v59, v36  }
0x563: {  	[tilespmem:s20+$0x60] =	vst v30;
	v49 =	vmul.f32 v62, v36;
	v30 =	vadd.f32 v31, v17;
	v31 =	vmul.f32 v58, v36  }
0x564: {  	[tilespmem:s20+$0x70] =	vst v43;
	v50 =	vsub.f32 v50, v35;
	v23 =	vmul.f32 v45, v23;
	v22 =	vmul.f32 v63, v22  }
0x565: {  	[tilespmem:s20+$0x10] =	vst v41;
	v19 =	vmul.f32 v49, v19;
	v21 =	vmul.f32 v31, v21;
	v31 =	vsub.f32 v51, v35  }
0x566: {  	[tilespmem:s20+$0x20] =	vst v61;
	v51 =	vsub.f32 v60, v35;
	v23 =	vadd.f32 v23, v28;
	v28 =	vmul.f32 v50, v36  }
0x567: {  	v52 =	vld [tilespmem:s2+$0x13100];
	[tilespmem:s20+$0x30] =	vst v30;
	v22 =	vadd.f32 v22, v25;
	v21 =	vadd.f32 v21, v26;
	v26 =	vmul.f32 v31, v36  }
0x568: {  	[tilespmem:s0+$0x40] =	vst v23;
	v13 =	vmul.f32 v28, v13;
	v23 =	vmul.f32 v51, v36  }
0x569: {  	v19 =	vadd.f32 v19, v24;
	[tilespmem:s0+$0x60] =	vst v22;
	v12 =	vmul.f32 v26, v12  }
0x56a: {  	[tilespmem:s0+$0x50] =	vst v21;
	v21 =	vld [tilespmem:s4+$0x13100];
	v13 =	vadd.f32 v13, v16;
	v11 =	vmul.f32 v23, v11  }
0x56b: {  	[tilespmem:s0+$0x70] =	vst v19;
	v12 =	vadd.f32 v12, v15  }
0x56c: {  	v15 =	vsub.f32 v52, v32;
	[tilespmem:s0+$0x10] =	vst v13;
	v11 =	vadd.f32 v11, v17  }
0x56d: {  	[tilespmem:s0+$0x20] =	vst v12  }
0x56e: {  	v12 =	vmul.f32 v15, v29;
	[tilespmem:s0+$0x30] =	vst v11  }
0x56f: {  	v11 =	vsub.f32 v21, v34;
	v13 =	vld [tilespmem:s5+$0x13100]  }
0x570: {  	v12 =	vmul.f32 v12, v9  }
0x571: {  	v11 =	vmul.f32 v11, v33  }
0x572: {  	v15 =	vld [tilespmem:s12+$0x10];
	v12 =	vadd.f32 v12, v10  }
0x573: {  	v11 =	vmul.f32 v11, v9  }
0x574: {  	s9 =	sadd.s32 $0x13100, s2;
	[tilespmem:s2+$0x13100] =	vst v12;
	v12 =	vsub.f32 v13, v35  }
0x575: {  	v13 =	vsub.f32 v39, v27;
	v16 =	vld [tilespmem:s9+$0x30];
	v11 =	vadd.f32 v11, v10  }
0x576: {  	v17 =	vld [tilespmem:s9+$0x10];
	v12 =	vmul.f32 v12, v36  }
0x577: {  	s10 =	sadd.s32 $0x13100, s4;
	v19 =	vld [tilespmem:s12+$0x20];
	v15 =	vsub.f32 v15, v27;
	v13 =	vmul.f32 v13, v18;
	[tilespmem:s4+$0x13100] =	vst v11  }
0x578: {  	v11 =	vsub.f32 v38, v20;
	v20 =	vld [tilespmem:s10+$0x30];
	v9 =	vmul.f32 v12, v9  }
0x579: {  	v21 =	vadd.f32 v37, v6;
	v15 =	vmul.f32 v15, v18;
	v13 =	vmul.f32 v13, v5  }
0x57a: {  	v11 =	vmul.f32 v11, v14;
	v14 =	vld [tilespmem:s10+$0x10];
	v16 =	vsub.f32 v16, v32;
	v9 =	vadd.f32 v9, v10  }
0x57b: {  	v15 =	vmul.f32 v15, v4;
	v10 =	vadd.f32 v13, v8;
	v13 =	vsub.f32 v17, v32  }
0x57c: {  	s1 =	sadd.s32 $0x13100, s5;
	v12 =	vadd.f32 v40, v7;
	v17 =	vsub.f32 v19, v27;
	v19 =	vld [tilespmem:s9+$0x20];
	v16 =	vmul.f32 v16, v29;
	[tilespmem:s5+$0x13100] =	vst v9  }
0x57d: {  	v9 =	vmul.f32 v11, v3;
	v11 =	vmul.f32 v13, v29;
	v13 =	vsub.f32 v20, v34;
	v20 =	vld [tilespmem:s1+$0x30]  }
0x57e: {  	v15 =	vadd.f32 v15, v7;
	v17 =	vmul.f32 v17, v18;
	v16 =	vmul.f32 v16, v5;
	v18 =	vld [tilespmem:s1+$0x10]  }
0x57f: {  	[tilespmem:s3+$0x10] =	vst v12;
	v14 =	vsub.f32 v14, v34;
	v11 =	vmul.f32 v11, v4;
	v12 =	vmul.f32 v13, v33;
	v13 =	vld [tilespmem:s10+$0x20]  }
0x580: {  	[tilespmem:s29+$0x20] =	vst v21;
	v21 =	vld [tilespmem:s1+$0x20];
	v9 =	vadd.f32 v9, v6;
	v17 =	vmul.f32 v17, v3;
	v16 =	vadd.f32 v16, v8  }
0x581: {  	[tilespmem:s12+$0x30] =	vst v10;
	v10 =	vsub.f32 v19, v32;
	v11 =	vadd.f32 v11, v7;
	v12 =	vmul.f32 v12, v5  }
0x582: {  	[tilespmem:s12+$0x10] =	vst v15;
	v14 =	vmul.f32 v14, v33;
	v15 =	vadd.f32 v17, v6;
	v17 =	vsub.f32 v20, v35  }
0x583: {  	[tilespmem:s3+$0x20] =	vst v9;
	v10 =	vmul.f32 v10, v29;
	v9 =	vadd.f32 v12, v8;
	v12 =	vsub.f32 v18, v35  }
0x584: {  	[tilespmem:s9+$0x30] =	vst v16;
	v14 =	vmul.f32 v14, v4;
	v13 =	vsub.f32 v13, v34;
	v16 =	vmul.f32 v17, v36  }
0x585: {  	[tilespmem:s9+$0x10] =	vst v11;
	v10 =	vmul.f32 v10, v3;
	v11 =	vmul.f32 v12, v36;
	v12 =	vsub.f32 v21, v35  }
0x586: {  	[tilespmem:s12+$0x20] =	vst v15;
	v14 =	vadd.f32 v14, v7;
	v13 =	vmul.f32 v13, v33;
	v5 =	vmul.f32 v16, v5  }
0x587: {  	[tilespmem:s10+$0x30] =	vst v9;
	v9 =	vadd.f32 v10, v6;
	v4 =	vmul.f32 v11, v4;
	v10 =	vmul.f32 v12, v36  }
0x588: {  	[tilespmem:s10+$0x10] =	vst v14;
	v5 =	vadd.f32 v5, v8;
	v8 =	vmul.f32 v13, v3  }
0x589: {  	[tilespmem:s9+$0x20] =	vst v9;
	v4 =	vadd.f32 v4, v7;
	v3 =	vmul.f32 v10, v3  }
0x58a: {  	[tilespmem:s1+$0x30] =	vst v5;
	v5 =	vadd.f32 v8, v6  }
0x58b: {  	[tilespmem:s1+$0x10] =	vst v4;
	v3 =	vadd.f32 v3, v6  }
0x58c: {  	[tilespmem:s10+$0x20] =	vst v5  }
0x58d: {  	[tilespmem:s1+$0x20] =	vst v3  }
0x58e: {  	v20 =	vld [tilespmem:$0x1D340]  }
0x58f: {  	v19 =	vld [tilespmem:$0x1D350]  }
0x590: {  	v21 =	vld [tilespmem:$0x1D360]  }
0x591: {  	v22 =	vld [tilespmem:$0x1D370]  }
0x592: {  	v15 =	vld [tilespmem:$0x1D380]  }
0x593: {  	v4 =	vld [tilespmem:$0x1D390]  }
0x594: {  	v5 =	vld [tilespmem:$0x1D3A0]  }
0x595: {  	v3 =	vld [tilespmem:$0x1D3B0]  }
0x596: {  	v12 =	vld [tilespmem:$0x1D3C0]  }
0x597: {  	v10 =	vld [tilespmem:$0x1D3D0]  }
0x598: {  	v7 =	vld [tilespmem:$0x1D3E0]  }
0x599: {  	v17 =	vld [tilespmem:$0x1D3F0]  }
0x59a: {  	v24 =	vld [tilespmem:$0x1D640]  }
0x59b: {  	v23 =	vld [tilespmem:$0x1D650]  }
0x59c: {  	v27 =	vld [tilespmem:$0x1D660]  }
0x59d: {  	s11 =	simm.s32 $0x0;
	v28 =	vld [tilespmem:$0x1D670]  }
0x59e: {  	s0 =	smul.u32 $0x6000, s11;
	v16 =	vld [tilespmem:$0x1D680]  }
0x59f: {  	s12 =	simm.s32 $0x0;
	v6 =	vld [tilespmem:$0x1D690]  }
0x5a0: {  	s13 =	simm.s32 $0x19100;
	s0 =	sshra.s32 s0, $0x2;
	s1 =	sand.u32 $0x380, s12;
	v8 =	vld [tilespmem:$0x1D6A0]  }
0x5a1: {  	s14 =	simm.s32 $0x18100;
	v33 =	vld [tilespmem:s13+$0x0];
	s15 =	sor.u32 s1, s0  }
0x5a2: {  	v34 =	vld [tilespmem:s14+$0x0];
	s0 =	sadd.s32 $0x13100, s15  }
0x5a3: {  	v13 =	vld [tilespmem:s0+$0x70]  }
0x5a4: {  	s17 =	simm.s32 $0x0;
	v18 =	vld [tilespmem:s0+$0x60]  }
0x5a5: {  	s1 =	smul.u32 $0x6000, s17;
	v25 =	vld [tilespmem:s0+$0x40]  }
0x5a6: {  	s18 =	simm.s32 $0x80;
	v26 =	vld [tilespmem:s0+$0x50]  }
0x5a7: {  	s2 =	sand.u32 $0x380, s18;
	v9 =	vld [tilespmem:$0x1D6B0];
	s1 =	sshra.s32 s1, $0x2  }
0x5a8: {  	v11 =	vld [tilespmem:$0x1D6C0];
	s16 =	sor.u32 s2, s1;
	v29 =	vsub.f32 v13, v34  }
0x5a9: {  	v14 =	vld [tilespmem:$0x1D6D0];
	s21 =	sadd.s32 $0x13100, s16;
	v30 =	vsub.f32 v18, v34  }
0x5aa: {  	v54 =	vld [tilespmem:s21+$0x70];
	v25 =	vsub.f32 v25, v34;
	v29 =	vmul.f32 v29, v33  }
0x5ab: {  	v55 =	vld [tilespmem:s21+$0x60];
	v31 =	vsub.f32 v26, v34;
	v30 =	vmul.f32 v30, v33  }
0x5ac: {  	v56 =	vld [tilespmem:s21+$0x40];
	v25 =	vmul.f32 v25, v33;
	v53 =	vmul.f32 v29, v22  }
0x5ad: {  	s20 =	simm.s32 $0x18180;
	v13 =	vld [tilespmem:$0x1D6E0];
	v31 =	vmul.f32 v31, v33;
	v30 =	vmul.f32 v30, v21  }
0x5ae: {  	v29 =	vld [tilespmem:s20+$0x0];
	v25 =	vmul.f32 v25, v20;
	v32 =	vadd.f32 v53, v28  }
0x5af: {  	s19 =	simm.s32 $0x19180;
	v18 =	vld [tilespmem:$0x1D6F0];
	v31 =	vmul.f32 v31, v19;
	v30 =	vadd.f32 v30, v27  }
0x5b0: {  	v26 =	vld [tilespmem:s19+$0x0];
	v25 =	vadd.f32 v25, v24;
	[tilespmem:s0+$0x70] =	vst v32  }
0x5b1: {  	v31 =	vadd.f32 v31, v23;
	[tilespmem:s0+$0x60] =	vst v30;
	v30 =	vld [tilespmem:s21+$0x50]  }
0x5b2: {  	[tilespmem:s0+$0x40] =	vst v25  }
0x5b3: {  	s2 =	sadd.s32 $0x13500, s15;
	[tilespmem:s0+$0x50] =	vst v31;
	v25 =	vsub.f32 v54, v29  }
0x5b4: {  	s22 =	simm.s32 $0x0;
	v31 =	vld [tilespmem:s2+$0x70];
	v57 =	vsub.f32 v55, v29  }
0x5b5: {  	s0 =	smul.u32 $0x6000, s22;
	v32 =	vsub.f32 v56, v29;
	v58 =	vld [tilespmem:s15+$0x13500];
	v25 =	vmul.f32 v25, v26  }
0x5b6: {  	s23 =	simm.s32 $0x100;
	v59 =	vld [tilespmem:s2+$0x50];
	v35 =	vmul.f32 v57, v26;
	v30 =	vsub.f32 v30, v29  }
0x5b7: {  	s1 =	sand.u32 $0x380, s23;
	v60 =	vld [tilespmem:s2+$0x40];
	s0 =	sshra.s32 s0, $0x2;
	v32 =	vmul.f32 v32, v26;
	v61 =	vmul.f32 v25, v22  }
0x5b8: {  	s24 =	simm.s32 $0x19200;
	v62 =	vld [tilespmem:s2+$0x60];
	s4 =	sor.u32 s1, s0;
	v35 =	vmul.f32 v35, v21;
	v30 =	vmul.f32 v30, v26  }
0x5b9: {  	s29 =	sadd.s32 $0x13100, s4;
	v32 =	vmul.f32 v32, v20;
	v25 =	vld [tilespmem:s24+$0x0];
	v39 =	vadd.f32 v61, v28  }
0x5ba: {  	v45 =	vld [tilespmem:s29+$0x70];
	v31 =	vsub.f32 v31, v34;
	v35 =	vadd.f32 v35, v27;
	v63 =	vmul.f32 v30, v19  }
0x5bb: {  	s25 =	simm.s32 $0x18200;
	v47 =	vld [tilespmem:s29+$0x60];
	v36 =	vsub.f32 v58, v34;
	v32 =	vadd.f32 v32, v24;
	[tilespmem:s21+$0x70] =	vst v39  }
0x5bc: {  	v37 =	vsub.f32 v59, v34;
	v31 =	vmul.f32 v31, v33;
	v30 =	vld [tilespmem:s25+$0x0];
	[tilespmem:s21+$0x60] =	vst v35;
	v46 =	vadd.f32 v63, v23  }
0x5bd: {  	v49 =	vld [tilespmem:s29+$0x40];
	v40 =	vsub.f32 v62, v34;
	v36 =	vmul.f32 v36, v33;
	[tilespmem:s21+$0x40] =	vst v32  }
0x5be: {  	s30 =	simm.s32 $0x0;
	s3 =	sadd.s32 $0x13500, s16;
	v51 =	vld [tilespmem:s29+$0x50];
	v48 =	vsub.f32 v60, v34;
	v50 =	vmul.f32 v37, v33;
	v31 =	vmul.f32 v31, v17;
	[tilespmem:s21+$0x50] =	vst v46  }
0x5bf: {  	s1 =	smul.u32 $0x6000, s30;
	v40 =	vmul.f32 v40, v33;
	v36 =	vmul.f32 v36, v15;
	v39 =	vld [tilespmem:s3+$0x70]  }
0x5c0: {  	s12 =	simm.s32 $0x180;
	v35 =	vmul.f32 v48, v33;
	v32 =	vmul.f32 v50, v10;
	v31 =	vadd.f32 v31, v18;
	v52 =	vld [tilespmem:s3+$0x50]  }
0x5c1: {  	s31 =	sand.u32 $0x380, s12;
	s1 =	sshra.s32 s1, $0x2;
	v56 =	vmul.f32 v40, v7;
	v36 =	vadd.f32 v36, v16;
	v41 =	vsub.f32 v47, v30;
	v44 =	vld [tilespmem:s3+$0x40]  }
0x5c2: {  	s5 =	sor.u32 s31, s1;
	v35 =	vmul.f32 v35, v12;
	v42 =	vsub.f32 v45, v30;
	[tilespmem:s2+$0x70] =	vst v31;
	v31 =	vsub.f32 v49, v30;
	v53 =	vld [tilespmem:s16+$0x13500]  }
0x5c3: {  	s20 =	sadd.s32 $0x13100, s5;
	v32 =	vadd.f32 v32, v14;
	v37 =	vsub.f32 v51, v30;
	v60 =	vld [tilespmem:s3+$0x60];
	v41 =	vmul.f32 v41, v25  }
0x5c4: {  	v63 =	vld [tilespmem:s20+$0x70];
	v55 =	vadd.f32 v35, v11;
	[tilespmem:s15+$0x13500] =	vst v36;
	v54 =	vmul.f32 v42, v25;
	v31 =	vmul.f32 v31, v25  }
0x5c5: {  	v35 =	vadd.f32 v56, v13;
	v57 =	vld [tilespmem:s2+$0x10];
	v37 =	vmul.f32 v37, v25;
	v41 =	vmul.f32 v41, v21  }
0x5c6: {  	v59 =	vld [tilespmem:s2+$0x20];
	v31 =	vmul.f32 v31, v20;
	v58 =	vsub.f32 v52, v29;
	v39 =	vsub.f32 v39, v29  }
0x5c7: {  	s23 =	simm.s32 $0x18280;
	v61 =	vld [tilespmem:s2+$0x30];
	v36 =	vmul.f32 v54, v22;
	v44 =	vsub.f32 v44, v29;
	v38 =	vsub.f32 v53, v29  }
0x5c8: {  	[tilespmem:s2+$0x50] =	vst v32;
	v32 =	vld [tilespmem:s23+$0x0];
	v37 =	vmul.f32 v37, v19;
	v45 =	vsub.f32 v60, v29;
	v41 =	vadd.f32 v41, v27  }
0x5c9: {  	v62 =	vadd.f32 v31, v24;
	v36 =	vadd.f32 v36, v28;
	v42 =	vmul.f32 v58, v26  }
0x5ca: {  	[tilespmem:s2+$0x40] =	vst v55;
	v37 =	vadd.f32 v37, v23;
	v39 =	vmul.f32 v39, v26;
	v44 =	vmul.f32 v44, v26  }
0x5cb: {  	v54 =	vld [tilespmem:s20+$0x40];
	v38 =	vmul.f32 v38, v26;
	v40 =	vsub.f32 v57, v34;
	v43 =	vsub.f32 v59, v34;
	[tilespmem:s29+$0x70] =	vst v36  }
0x5cc: {  	v53 =	vld [tilespmem:s20+$0x60];
	v34 =	vsub.f32 v61, v34;
	v59 =	vmul.f32 v45, v26;
	[tilespmem:s29+$0x60] =	vst v41;
	v39 =	vmul.f32 v39, v17  }
0x5cd: {  	s22 =	simm.s32 $0x19280;
	v55 =	vld [tilespmem:s20+$0x50];
	v57 =	vsub.f32 v63, v32;
	[tilespmem:s29+$0x40] =	vst v62;
	v38 =	vmul.f32 v38, v15;
	v43 =	vmul.f32 v43, v33  }
0x5ce: {  	s11 =	sadd.s32 $0x13500, s4;
	v31 =	vld [tilespmem:s22+$0x0];
	[tilespmem:s29+$0x50] =	vst v37;
	v40 =	vmul.f32 v40, v33;
	v42 =	vmul.f32 v42, v10;
	v39 =	vadd.f32 v39, v18  }
0x5cf: {  	[tilespmem:s2+$0x60] =	vst v35;
	v37 =	vld [tilespmem:s11+$0x70];
	v33 =	vmul.f32 v34, v33;
	v38 =	vadd.f32 v38, v16;
	v43 =	vmul.f32 v43, v5  }
0x5d0: {  	v63 =	vsub.f32 v54, v32;
	v56 =	vmul.f32 v40, v4;
	v40 =	vld [tilespmem:s11+$0x50];
	v58 =	vadd.f32 v42, v14;
	[tilespmem:s3+$0x70] =	vst v39  }
0x5d1: {  	v52 =	vmul.f32 v44, v12;
	v35 =	vld [tilespmem:s11+$0x40];
	v60 =	vsub.f32 v53, v32;
	v61 =	vadd.f32 v43, v8;
	[tilespmem:s16+$0x13500] =	vst v38  }
0x5d2: {  	v41 =	vld [tilespmem:s4+$0x13500];
	v34 =	vmul.f32 v59, v7;
	v62 =	vmul.f32 v33, v3;
	v47 =	vadd.f32 v56, v6;
	[tilespmem:s3+$0x50] =	vst v58  }
0x5d3: {  	v42 =	vmul.f32 v57, v31;
	v33 =	vld [tilespmem:s11+$0x60];
	v36 =	vadd.f32 v52, v11;
	v45 =	vmul.f32 v60, v31;
	[tilespmem:s2+$0x20] =	vst v61  }
0x5d4: {  	s10 =	simm.s32 $0x4;
	v44 =	vmul.f32 v63, v31;
	v43 =	vsub.f32 v55, v32;
	v39 =	vadd.f32 v62, v9;
	v38 =	vld [tilespmem:s3+$0x10];
	[tilespmem:s2+$0x10] =	vst v47  }
.LBB2_29:
0x5d5: {  	s0 =	sshrl.u32 s10, $0x3;
	p0 =	sne.s32 s10, $0x1F;
	v45 =	vmul.f32 v45, v21;
	v40 =	vsub.f32 v40, v30;
	v37 =	vsub.f32 v37, v30  }
0x5d6: {  	s10 =	sadd.s32 $0x1, s10;
	v46 =	vld [tilespmem:s3+$0x20];
	[tilespmem:s2+$0x30] =	vst v39;
	v39 =	vmovc v26;
	v26 =	vmovc v25;
	v25 =	vmov v31;
	v47 =	vmov v29;
	v29 =	vmov v30;
	s2 =	smov.u32 s3;
	s3 =	smov.u32 s11  }
0x5d7: {  	s0 =	smul.u32 $0x6000, s0;
	v31 =	vmul.f32 v44, v20;
	v43 =	vmul.f32 v43, v25;
	v35 =	vsub.f32 v35, v29;
	v44 =	vld [tilespmem:s2+$0x30];
	[tilespmem:s2+$0x40] =	vst v36  }
0x5d8: {  	v42 =	vmul.f32 v42, v22;
	s12 =	sadd.s32 $0x80, s12;
	v30 =	vmovc v32;
	v36 =	vadd.f32 v45, v27;
	v41 =	vsub.f32 v41, v29  }
0x5d9: {  	s22 =	sadd.s32 $0x80, s22;
	s1 =	sand.u32 $0x380, s12;
	v40 =	vmul.f32 v40, v26;
	v37 =	vmul.f32 v37, v26;
	s0 =	sshra.s32 s0, $0x2;
	v45 =	vadd.f32 v31, v24  }
0x5da: {  	s23 =	sadd.s32 $0x80, s23;
	v42 =	vadd.f32 v42, v28;
	v43 =	vmul.f32 v43, v19;
	v35 =	vmul.f32 v35, v26;
	v31 =	vld [tilespmem:s22+$0x0];
	s0 =	sor.u32 s1, s0  }
0x5db: {  	v41 =	vmul.f32 v41, v26;
	v37 =	vmul.f32 v37, v17;
	v38 =	vsub.f32 v38, v47;
	v32 =	vld [tilespmem:s23+$0x0];
	s1 =	sadd.s32 $0x13100, s0  }
0x5dc: {  	v43 =	vadd.f32 v43, v23;
	v49 =	vmul.f32 v35, v12;
	v35 =	vsub.f32 v46, v47;
	v48 =	vld [tilespmem:s1+$0x70];
	[tilespmem:s20+$0x70] =	vst v42  }
0x5dd: {  	v42 =	vld [tilespmem:s1+$0x60];
	[tilespmem:s20+$0x60] =	vst v36;
	v36 =	vmul.f32 v41, v15;
	v41 =	vadd.f32 v37, v18;
	v37 =	vmul.f32 v38, v39  }
0x5de: {  	v34 =	vadd.f32 v34, v13;
	v44 =	vsub.f32 v44, v47;
	v35 =	vmul.f32 v35, v39;
	v38 =	vld [tilespmem:s1+$0x40];
	[tilespmem:s20+$0x40] =	vst v45  }
0x5df: {  	s11 =	sadd.s32 $0x13500, s5;
	v33 =	vsub.f32 v33, v29;
	v45 =	vld [tilespmem:s1+$0x50];
	[tilespmem:s20+$0x50] =	vst v43;
	v43 =	vmul.f32 v40, v10;
	v46 =	vmul.f32 v37, v4;
	s20 =	smov.u32 s1  }
0x5e0: {  	v39 =	vmul.f32 v44, v39;
	v36 =	vadd.f32 v36, v16;
	v47 =	vmul.f32 v35, v5;
	v37 =	vld [tilespmem:s11+$0x70];
	[tilespmem:s2+$0x60] =	vst v34  }
.Ltmp13:
0x5e1: {  	v34 =	vsub.f32 v48, v32;
	v40 =	vld [tilespmem:s11+$0x50];
	v43 =	vadd.f32 v43, v14;
	v48 =	vmul.f32 v33, v26;
	[tilespmem:s3+$0x70] =	vst v41;
	(pc) =	sbr.rel @p0 .LBB2_29-.Ltmp13, $4  }
0x5e2: {  	v39 =	vmul.f32 v39, v3;
	v33 =	vsub.f32 v42, v32;
	v35 =	vld [tilespmem:s11+$0x40];
	[tilespmem:s4+$0x13500] =	vst v36;
	v36 =	vadd.f32 v47, v8;
	s4 =	smov.u32 s5;
	s5 =	smov.u32 s0  }
0x5e3: {  	v46 =	vadd.f32 v46, v6;
	v38 =	vsub.f32 v38, v32;
	v42 =	vmul.f32 v34, v31;
	v41 =	vld [tilespmem:s4+$0x13500];
	[tilespmem:s3+$0x50] =	vst v43  }
0x5e4: {  	v39 =	vadd.f32 v39, v9;
	v43 =	vsub.f32 v45, v32;
	v45 =	vmul.f32 v33, v31;
	v33 =	vld [tilespmem:s11+$0x60];
	[tilespmem:s2+$0x20] =	vst v36  }
0x5e5: {  	v34 =	vmul.f32 v48, v7;
	v36 =	vadd.f32 v49, v11;
	v44 =	vmul.f32 v38, v31;
	v38 =	vld [tilespmem:s3+$0x10];
	[tilespmem:s2+$0x10] =	vst v46  }
0x5e6: {  	v22 =	vmul.f32 v42, v22  }
0x5e7: {  	v21 =	vmul.f32 v45, v21;
	v59 =	vmul.f32 v43, v31  }
0x5e8: {  	v20 =	vmul.f32 v44, v20;
	v22 =	vadd.f32 v22, v28  }
0x5e9: {  	v21 =	vadd.f32 v21, v27;
	v19 =	vmul.f32 v59, v19  }
0x5ea: {  	v20 =	vadd.f32 v20, v24;
	[tilespmem:s20+$0x70] =	vst v22  }
0x5eb: {  	v19 =	vadd.f32 v19, v23;
	[tilespmem:s20+$0x60] =	vst v21  }
0x5ec: {  	[tilespmem:s20+$0x40] =	vst v20  }
0x5ed: {  	v60 =	vsub.f32 v37, v30;
	v61 =	vld [tilespmem:s3+$0x20];
	s10 =	sadd.s32 $0x13500, s5;
	[tilespmem:s20+$0x50] =	vst v19  }
0x5ee: {  	v62 =	vsub.f32 v41, v30;
	v37 =	vld [tilespmem:s10+$0x70]  }
0x5ef: {  	v63 =	vsub.f32 v40, v30;
	v47 =	vsub.f32 v35, v30;
	v21 =	vmul.f32 v60, v25;
	v40 =	vld [tilespmem:s5+$0x13500]  }
0x5f0: {  	v54 =	vsub.f32 v33, v30;
	v22 =	vmul.f32 v62, v25  }
0x5f1: {  	v59 =	vmul.f32 v47, v25;
	v42 =	vsub.f32 v38, v29;
	v21 =	vmul.f32 v21, v17  }
0x5f2: {  	v20 =	vsub.f32 v61, v29;
	v62 =	vmul.f32 v54, v25;
	v22 =	vmul.f32 v22, v15  }
0x5f3: {  	v41 =	vld [tilespmem:s3+$0x30];
	v35 =	vmul.f32 v59, v12;
	v21 =	vadd.f32 v21, v18;
	v23 =	vsub.f32 v37, v32  }
0x5f4: {  	v19 =	vmul.f32 v63, v25;
	v48 =	vld [tilespmem:s10+$0x40];
	v22 =	vadd.f32 v22, v16;
	v43 =	vsub.f32 v40, v32  }
0x5f5: {  	v44 =	vmul.f32 v42, v26;
	v45 =	vld [tilespmem:s10+$0x50];
	[tilespmem:s11+$0x70] =	vst v21;
	v46 =	vmul.f32 v23, v31  }
0x5f6: {  	v20 =	vmul.f32 v20, v26;
	v63 =	vld [tilespmem:s10+$0x60];
	[tilespmem:s4+$0x13500] =	vst v22;
	v49 =	vmul.f32 v43, v31  }
0x5f7: {  	v50 =	vadd.f32 v34, v13;
	v38 =	vmul.f32 v62, v7;
	v52 =	vld [tilespmem:s11+$0x10];
	v53 =	vmul.f32 v46, v17  }
0x5f8: {  	v27 =	vsub.f32 v41, v29;
	v19 =	vmul.f32 v19, v10;
	v55 =	vld [tilespmem:s11+$0x20];
	v56 =	vmul.f32 v49, v15  }
0x5f9: {  	[tilespmem:s2+$0x30] =	vst v39;
	v24 =	vmul.f32 v44, v4;
	v61 =	vld [tilespmem:s11+$0x30];
	v34 =	vsub.f32 v48, v32;
	v17 =	vadd.f32 v53, v18  }
0x5fa: {  	[tilespmem:s3+$0x40] =	vst v36;
	v20 =	vmul.f32 v20, v5;
	v51 =	vmul.f32 v27, v26;
	v15 =	vadd.f32 v56, v16  }
0x5fb: {  	v19 =	vadd.f32 v19, v14;
	v60 =	vadd.f32 v24, v6;
	v39 =	vmul.f32 v34, v31;
	[tilespmem:s10+$0x70] =	vst v17  }
0x5fc: {  	v57 =	vadd.f32 v20, v8;
	v58 =	vmul.f32 v51, v3;
	v37 =	vsub.f32 v45, v32;
	[tilespmem:s5+$0x13500] =	vst v15  }
0x5fd: {  	[tilespmem:s3+$0x60] =	vst v50;
	v44 =	vmul.f32 v39, v12;
	v49 =	vsub.f32 v63, v32;
	v27 =	vsub.f32 v52, v30;
	v41 =	vld [tilespmem:s10+$0x20]  }
0x5fe: {  	[tilespmem:s11+$0x50] =	vst v19;
	v40 =	vsub.f32 v55, v30;
	v46 =	vsub.f32 v61, v30;
	v18 =	vmul.f32 v37, v31;
	v43 =	vld [tilespmem:s10+$0x10]  }
0x5ff: {  	[tilespmem:s3+$0x10] =	vst v60;
	v20 =	vadd.f32 v58, v9;
	v50 =	vmul.f32 v49, v31;
	v42 =	vmul.f32 v27, v25;
	v47 =	vld [tilespmem:s10+$0x30]  }
0x600: {  	[tilespmem:s3+$0x20] =	vst v57;
	v45 =	vmul.f32 v40, v25;
	v19 =	vmul.f32 v46, v25;
	v17 =	vadd.f32 v35, v11  }
0x601: {  	[tilespmem:s3+$0x30] =	vst v20;
	v60 =	vadd.f32 v44, v11;
	v48 =	vmul.f32 v18, v10;
	v58 =	vmul.f32 v50, v7  }
0x602: {  	v21 =	vmul.f32 v42, v4;
	v15 =	vadd.f32 v38, v13;
	[tilespmem:s11+$0x40] =	vst v17;
	v51 =	vsub.f32 v41, v32  }
0x603: {  	v16 =	vmul.f32 v45, v5;
	v10 =	vadd.f32 v48, v14;
	[tilespmem:s10+$0x40] =	vst v60;
	v54 =	vsub.f32 v43, v32  }
0x604: {  	v7 =	vadd.f32 v58, v13;
	[tilespmem:s11+$0x60] =	vst v15;
	v56 =	vsub.f32 v47, v32;
	v17 =	vmul.f32 v51, v31  }
0x605: {  	v53 =	vmul.f32 v19, v3;
	v52 =	vadd.f32 v16, v8;
	[tilespmem:s10+$0x50] =	vst v10;
	v59 =	vmul.f32 v54, v31  }
0x606: {  	v55 =	vadd.f32 v21, v6;
	[tilespmem:s10+$0x60] =	vst v7;
	v62 =	vmul.f32 v56, v31;
	v61 =	vmul.f32 v17, v5  }
0x607: {  	v57 =	vadd.f32 v53, v9;
	[tilespmem:s11+$0x20] =	vst v52;
	v63 =	vmul.f32 v59, v4  }
0x608: {  	[tilespmem:s11+$0x10] =	vst v55;
	v3 =	vmul.f32 v62, v3;
	v5 =	vadd.f32 v61, v8  }
0x609: {  	[tilespmem:s11+$0x30] =	vst v57;
	v4 =	vadd.f32 v63, v6  }
0x60a: {  	v3 =	vadd.f32 v3, v9;
	[tilespmem:s10+$0x20] =	vst v5  }
0x60b: {  	s0 =	smul.u32 $0xC0000, s28;
	s1 =	rddreg [dreg:$0x7];
	[tilespmem:s10+$0x10] =	vst v4  }
0x60c: {  	s28 =	rddreg [dreg:$0x5];
	s26 =	sadd.s32 $0x1, s26;
	[tilespmem:s10+$0x30] =	vst v3  }
0x60d: {  	p0 =	sne.s32 s26, $0x20;
	s1 =	sadd.s32 s1, s0;
	s30 =	rddreg [dreg:$0x10]  }
.Ltmp14:
0x60e: {  	s1 =	sshrl.u32 s1, $0x3;
	s0 =	sadd.s32 s0, s30;
	(pc) =	sbr.rel @p0 .LBB2_2-.Ltmp14, $4  }
0x60f: {  	s29 =	simm.s32 $0x12100;
	s1 =	sadd.s32 s28, s1;
	s0 =	sshrl.u32 s0, $0x3  }
0x610: {  	[hbm4b:s1+s8] =	stream.linear.scatter [tilespmem:s29], [sflag:$0x4], $0x3000, $0x38;
	[tilespmem:$0x1D700] =	vst v63  }
0x611: {  	s31 =	simm.s32 $0x15100;
	s0 =	sadd.s32 s28, s0  }
0x612: {  	[hbm4b:s0+s8] =	stream.linear.scatter [tilespmem:s31], [sflag:$0x4], $0x3000, $0x38;
	[tilespmem:$0x1D700] =	vst v63  }
0x613: {  	s0 =	simm.s32 $0x3  }
0x614: {  	_ =	swait.ge [sflag:s0], $0x3000  }
0x615: {  	[sflag:s0] =	ssyncset.done $0x0  }
0x616: {  	[sflag:s0] =	ssyncadd.s32 $0xFFFFD000  }
0x617: {  	_ =	swait.ge [sflag:s0], $0x3000  }
0x618: {  	[sflag:s0] =	ssyncset.done $0x0  }
0x619: {  	s1 =	simm.s32 $0x4;
	[sflag:s0] =	ssyncadd.s32 $0xFFFFD000  }
0x61a: {  	_ =	swait.ge [sflag:s1], $0x3000  }
0x61b: {  	[sflag:s1] =	ssyncset.done $0x0  }
0x61c: {  	[sflag:s1] =	ssyncadd.s32 $0xFFFFD000  }
0x61d: {  	_ =	swait.ge [sflag:s1], $0x3000  }
0x61e: {  	s2 =	rddreg [dreg:$0x13]  }
0x61f: {  	s31 =	rddreg [dreg:$0x11];
	s2 =	sadd.s32 $0x1, s2  }
0x620: {  	p0 =	sne.s32 s2, s31  }
.Ltmp15:
0x621: {  	_ = 	snop;
	(pc) =	sbr.rel @p0 .LBB2_1-.Ltmp15, $3  }
0x622: {  	_ =	sdelay $0x1  }
0x623: {  	[sflag:s1] =	ssyncset.done $0x0  }
0x624: {  	[sflag:s1] =	ssyncadd.s32 $0xFFFFD000  }
0x625: {  	_ =	sfence.sel $0x180000  }
0x626: {  	[bflag:$0x0] =	sbarrier.arrive $0xFFFF  }
0x627: {  	_ =	strace $0x90000047  }
0x628: {  	s0 =	stileid.u32;
	[bflag:$0x2] =	sbarrier.arrive $0xFFFF  }
0x629: {  	p0 =	sne.s32 s0, $0x0;
	s0 =	rddreg [dreg:$0x6]  }
0x62a: {  	s0 =	sadd.s32 @!p0 $0x100000, s0  }
0x62b: {  	[sflag:s0] =	ssyncadd.tile.s32 @!p0 $0x1;
	_ =	shalt  }
.Lfunc_end2:
_tile_overlayer_lowered:
.L_overlay_start_2:
0x62c: {  	(tag) =	ssettag $0x2  }
0x62d: {  	s0 =	rddreg [dreg:$0x0];
	s2 =	stileid.u32  }
0x62e: {  	s1 =	rddreg [dreg:$0x1];
	p0 =	sne.s32 s2, $0x0  }
0x62f: {  	s3 =	rddreg [dreg:$0x2];
	[bflag:$0x3] =	sbarrier.arrive $0xFFFF;
	s2 =	simm.s32 @!p0 $0x1C07  }
0x630: {  	[timem:s3], [sflag:s2] =	dma.local @!p0 [hbm:s0], s1  }
0x631: {  	s0 =	simm.s32 @!p0 $0x7  }
0x632: {  	_ =	swait.ge @!p0 [sflag:s0], s1  }
0x633: {  	s1 =	ssub.s32 @!p0 $0x0, s1;
	[sflag:s0] =	ssyncset.done @!p0 $0x0  }
0x634: {  	[sflag:s0] =	ssyncadd.s32 @!p0 s1  }
0x635: {  	[bflag:$0x3] =	sbarrier.arrive $0xFFFF  }
0x636: {  	_ =	shalt  }

</sc_bundles>
